<compile_context>
chip_gen: v7x
topology: tpu7x:2x2x1
jax: 0.10.2.dev20260603
libtpu: 0.0.44.dev20260713+nightly
codegen_flags: <defaults>
</compile_context>

<pallas_src>
import functools

import jax
import jax.numpy as jnp
from jax import lax
from jax.experimental import pallas as pl
from jax.experimental.pallas import tpu as pltpu
from jax.experimental.pallas import tpu_sc as plsc

_NC = 2
_NS = 16
_W = 80
_K = 5


@functools.lru_cache(maxsize=None)
def _edge_agg(n, e, d, with_cnt):
    nw = _NC * _NS
    per_w = e // nw
    gw = _K * _W
    assert e % nw == 0 and per_w % gw == 0
    ngrp = per_w // gw
    assert ngrp % 2 == 1
    per_t = (n // _NS) // 8 * 8
    last_t = n - (_NS - 1) * per_t
    assert per_t % 8 == 0 and last_t > 0

    mesh = plsc.VectorSubcoreMesh(core_axis_name="c", subcore_axis_name="s")

    out_type = [jax.ShapeDtypeStruct((_NC, n, d), jnp.float32)]
    if with_cnt:
        out_type += [jax.ShapeDtypeStruct((n,), jnp.float32)] * 2

    scratch = [
        pltpu.VMEM((_K, 2, _W), jnp.int32),
        pltpu.VMEM((_K, 2, _W), jnp.int32),
        pltpu.VMEM((_K * _W, d), jnp.float32),
        pltpu.VMEM((_K * _W, d), jnp.float32),
        pltpu.SemaphoreType.DMA,
        pltpu.SemaphoreType.DMA,
        pltpu.SemaphoreType.DMA,
        pltpu.SemaphoreType.DMA,
        pltpu.SemaphoreType.DMA,
        pltpu.SemaphoreType.DMA,
        pltpu.VMEM_SHARED((n, d), jnp.float32),
    ]
    if with_cnt:
        scratch.append(pltpu.VMEM_SHARED((n,), jnp.float32))
        scratch.append(pltpu.VMEM((_W,), jnp.float32))

    def body(y_hbm, eidx_hbm, zeros_nd, *rest):
        if with_cnt:
            (zeros_n, agg_out, cnt0_out, cnt1_out,
             ib0, ib1, rb0, rb1, is0, is1, gs0, gs1, ss0, ss1,
             agg_sh, cnt_sh, ones_v) = rest
        else:
            (agg_out, ib0, ib1, rb0, rb1, is0, is1, gs0, gs1, ss0, ss1,
             agg_sh) = rest
        ibuf = (ib0, ib1)
        rbuf = (rb0, rb1)
        isem = (is0, is1)
        gsem = (gs0, gs1)
        ssem = (ss0, ss1)
        cid = lax.axis_index("c")
        sid = lax.axis_index("s")
        ebase = (sid * _NC + cid) * per_w
        row0 = sid * per_t

        @pl.when(sid < _NS - 1)
        def _():
            pltpu.sync_copy(zeros_nd.at[pl.ds(row0, per_t)],
                            agg_sh.at[pl.ds(row0, per_t)])

        @pl.when(sid == _NS - 1)
        def _():
            pltpu.sync_copy(zeros_nd.at[pl.ds((_NS - 1) * per_t, last_t)],
                            agg_sh.at[pl.ds((_NS - 1) * per_t, last_t)])

        if with_cnt:
            @pl.when(sid == 0)
            def _():
                pltpu.sync_copy(zeros_n, cnt_sh)
            for t in range(_W // 16):
                ones_v[pl.ds(t * 16, 16)] = jnp.ones((16,), jnp.float32)
        plsc.subcore_barrier()

        def fire_idx(g, p):
            base = ebase + g * gw
            for k in range(_K):
                pltpu.async_copy(
                    eidx_hbm.at[:, pl.ds(base + k * _W, _W)],
                    ibuf[p].at[k], isem[p])

        def wait_idx(g, p):
            base = ebase + g * gw
            for k in range(_K):
                pltpu.make_async_copy(
                    eidx_hbm.at[:, pl.ds(base + k * _W, _W)],
                    ibuf[p].at[k], isem[p]).wait()

        def fire_gathers(p):
            for k in range(_K):
                pltpu.async_copy(y_hbm.at[ibuf[p].at[k, 0]],
                                 rbuf[p].at[pl.ds(k * _W, _W)], gsem[p])

        def wait_gathers(p):
            for k in range(_K):
                pltpu.make_async_copy(y_hbm.at[ibuf[p].at[k, 0]],
                                      rbuf[p].at[pl.ds(k * _W, _W)],
                                      gsem[p]).wait()

        def fire_scatters(p):
            for k in range(_K):
                pltpu.async_copy(rbuf[p].at[pl.ds(k * _W, _W)],
                                 agg_sh.at[ibuf[p].at[k, 1]], ssem[p],
                                 add=True)
            if with_cnt:
                for k in range(_K):
                    pltpu.async_copy(ones_v, cnt_sh.at[ibuf[p].at[k, 1]],
                                     ssem[p], add=True)

        def drain_scatters(p):
            for k in range(_K):
                pltpu.make_async_copy(rbuf[p].at[pl.ds(k * _W, _W)],
                                      agg_sh.at[ibuf[p].at[k, 1]],
                                      ssem[p]).wait()
            if with_cnt:
                for k in range(_K):
                    pltpu.make_async_copy(ones_v, cnt_sh.at[ibuf[p].at[k, 1]],
                                          ssem[p]).wait()

        def step(g, p, is_last):
            wait_gathers(p)
            fire_scatters(p)
            drain_scatters(p)
            if not is_last:
                wait_idx(g + 1, 1 - p)
                fire_gathers(1 - p)
            if not is_last:
                @pl.when(g + 2 < ngrp)
                def _():
                    fire_idx(g + 2, p)

        fire_idx(0, 0)
        wait_idx(0, 0)
        fire_gathers(0)
        fire_idx(1, 1)

        def loop_body(i, carry):
            step(2 * i, 0, False)
            step(2 * i + 1, 1, False)
            return carry

        lax.fori_loop(0, (ngrp - 1) // 2, loop_body, 0)
        step(ngrp - 1, 0, True)
        plsc.subcore_barrier()

        @pl.when(sid < _NS - 1)
        def _():
            pltpu.sync_copy(agg_sh.at[pl.ds(row0, per_t)],
                            agg_out.at[cid, pl.ds(row0, per_t)])

        @pl.when(sid == _NS - 1)
        def _():
            pltpu.sync_copy(agg_sh.at[pl.ds((_NS - 1) * per_t, last_t)],
                            agg_out.at[cid, pl.ds((_NS - 1) * per_t, last_t)])

        if with_cnt:
            @pl.when((sid == 0) & (cid == 0))
            def _():
                pltpu.sync_copy(cnt_sh, cnt0_out)

            @pl.when((sid == 0) & (cid == 1))
            def _():
                pltpu.sync_copy(cnt_sh, cnt1_out)

    return pl.kernel(
        body, mesh=mesh, out_type=out_type, scratch_types=scratch,
        compiler_params=pltpu.CompilerParams(use_tc_tiling_on_sc=False))


def _pre(x, w_l, b, w_r):
    n = x.shape[0]
    hid = w_l.shape[1]

    def body(x_ref, wl_ref, b_ref, wr_ref, y_ref, r_ref):
        xv = x_ref[...]
        y_ref[...] = jnp.dot(xv, wl_ref[...],
                             preferred_element_type=jnp.float32)
        r_ref[...] = jnp.dot(xv, wr_ref[...],
                             preferred_element_type=jnp.float32) + b_ref[...]

    return pl.pallas_call(
        body,
        out_shape=[jax.ShapeDtypeStruct((n, hid), jnp.float32)] * 2,
    )(x, w_l, b, w_r)


def _mid(agg, c0, c1, r1, gamma, beta, w2_l, b2, w2_r):
    n, hid = r1.shape
    out_d = w2_l.shape[1]

    def body(agg_ref, c0_ref, c1_ref, r1_ref, g_ref, be_ref, wl_ref, b2_ref,
             wr_ref, y2_ref, r2_ref):
        s = agg_ref[0] + agg_ref[1]
        c = c0_ref[...] + c1_ref[...]
        h = s / jnp.maximum(c, 1.0) + r1_ref[...]
        m = jnp.mean(h, axis=0)
        v = jnp.mean((h - m) ** 2, axis=0)
        hn = (h - m) * lax.rsqrt(v + 1e-5) * g_ref[...] + be_ref[...]
        ha = jnp.maximum(hn, 0.0)
        y2_ref[...] = jnp.dot(ha, wl_ref[...],
                              preferred_element_type=jnp.float32)
        r2_ref[...] = jnp.dot(ha, wr_ref[...],
                              preferred_element_type=jnp.float32) + b2_ref[...]

    return pl.pallas_call(
        body,
        out_shape=[jax.ShapeDtypeStruct((n, out_d), jnp.float32)] * 2,
    )(agg, c0, c1, r1, gamma, beta, w2_l, b2, w2_r)


def _post(agg, c0, c1, r2):
    def body(agg_ref, c0_ref, c1_ref, r2_ref, out_ref):
        s = agg_ref[0] + agg_ref[1]
        c = c0_ref[...] + c1_ref[...]
        out_ref[...] = s / jnp.maximum(c, 1.0) + r2_ref[...]

    return pl.pallas_call(
        body,
        out_shape=jax.ShapeDtypeStruct(r2.shape, jnp.float32),
    )(agg, c0, c1, r2)


def kernel(x, edge_index, W1_l, b1, W1_r, gamma, beta, W2_l, b2, W2_r):
    n = x.shape[0]
    e = edge_index.shape[1]
    hid = W1_l.shape[1]
    out_d = W2_l.shape[1]

    y1, r1 = _pre(x, W1_l, b1, W1_r)
    agg1, cnt0, cnt1 = _edge_agg(n, e, hid, True)(
        y1, edge_index,
        jnp.zeros((n, hid), jnp.float32), jnp.zeros((n,), jnp.float32))
    c0 = cnt0.reshape(n, 1)
    c1 = cnt1.reshape(n, 1)
    y2, r2 = _mid(agg1, c0, c1, r1, gamma, beta, W2_l, b2, W2_r)
    (agg2,) = _edge_agg(n, e, out_d, False)(
        y2, edge_index, jnp.zeros((n, out_d), jnp.float32))
    return _post(agg2, c0, c1, r2)

# --- scband reference (transcript-rebuilt; emitter-appended) ---
"""Pipeline reference for scband-gnnencoder-3092376453139 (READ-ONLY COPY).

The authoritative reference and input builder live on the scoring server;
editing this copy changes nothing except your own understanding.
"""

import jax, jax.numpy as jnp
import numpy as np

N = 10000
E = 320000
IN_DIM = 128
HID = 64
OUT = 16


def setup_inputs(seed: int = 0) -> dict:
    key = jax.random.key(seed)
    ks = jax.random.split(key, 12)
    x = jax.random.normal(ks[0], (N, IN_DIM), dtype=jnp.float32)
    edge_index = jax.random.randint(ks[1], (2, E), 0, N, dtype=jnp.int32)
    # SAGEConv-1 params (lin_l acts on aggregated neighbors, lin_r on root)
    W1_l = jax.random.normal(ks[2], (IN_DIM, HID), dtype=jnp.float32) * (1.0 / np.sqrt(IN_DIM))
    b1 = jnp.zeros((HID,), dtype=jnp.float32)
    W1_r = jax.random.normal(ks[3], (IN_DIM, HID), dtype=jnp.float32) * (1.0 / np.sqrt(IN_DIM))
    # BatchNorm1d params
    gamma = jnp.ones((HID,), dtype=jnp.float32)
    beta = jnp.zeros((HID,), dtype=jnp.float32)
    # SAGEConv-2 params
    W2_l = jax.random.normal(ks[4], (HID, OUT), dtype=jnp.float32) * (1.0 / np.sqrt(HID))
    b2 = jnp.zeros((OUT,), dtype=jnp.float32)
    W2_r = jax.random.normal(ks[5], (HID, OUT), dtype=jnp.float32) * (1.0 / np.sqrt(HID))
    return {
        "x": x,
        "edge_index": edge_index,
        "W1_l": W1_l, "b1": b1, "W1_r": W1_r,
        "gamma": gamma, "beta": beta,
        "W2_l": W2_l, "b2": b2, "W2_r": W2_r,
    }


def _sage_conv(x, edge_index, W_l, b, W_r):
    # PyG SAGEConv with mean aggregation:
    #   out = lin_l(mean_{j in N(i)} x_j) + lin_r(x_i)
    src = edge_index[0]
    dst = edge_index[1]
    n = x.shape[0]
    msgs = jnp.take(x, src, axis=0)                         # gather [E, d]
    agg = jax.ops.segment_sum(msgs, dst, num_segments=n)    # scatter-add [N, d]
    cnt = jax.ops.segment_sum(jnp.ones((src.shape[0],), dtype=x.dtype), dst, num_segments=n)
    agg = agg / jnp.clip(cnt, 1.0, None)[:, None]           # mean aggregation
    return agg @ W_l + b + x @ W_r


def _batch_norm(h, gamma, beta, eps=1e-5):
    mean = jnp.mean(h, axis=0)
    var = jnp.var(h, axis=0)
    return (h - mean) / jnp.sqrt(var + eps) * gamma + beta


def reference(x, edge_index, W1_l, b1, W1_r, gamma, beta, W2_l, b2, W2_r):
    h = _sage_conv(x, edge_index, W1_l, b1, W1_r)
    h = _batch_norm(h, gamma, beta)
    h = jax.nn.relu(h)
    out = _sage_conv(h, edge_index, W2_l, b2, W2_r)
    return out

if __name__ == "__main__":
    import jax
    _d = setup_inputs()
    print(jax.jit(kernel)(*tuple(_d.values())))

</pallas_src>

<mosaic_0001>
#map = affine_map<(d0, d1) -> (0, 0)>
#map1 = affine_map<(d0, d1) -> (0)>
#map2 = affine_map<(d0, d1) -> (0, 0, 0)>
module attributes {stable_mosaic.version = 14 : i64} {
  func.func @body(%arg0: i32, %arg1: i32, %arg2: memref<10000x64xf32, #tpu.memory_space<hbm>>, %arg3: memref<2x320000xi32, #tpu.memory_space<hbm>>, %arg4: memref<10000x64xf32, #tpu.memory_space<hbm>>, %arg5: memref<10000xf32, #tpu.memory_space<hbm>>, %arg6: memref<2x10000x64xf32, #tpu.memory_space<hbm>>, %arg7: memref<10000xf32, #tpu.memory_space<hbm>>, %arg8: memref<10000xf32, #tpu.memory_space<hbm>>, %arg9: memref<5x2x80xi32, #tpu.memory_space<vmem>>, %arg10: memref<5x2x80xi32, #tpu.memory_space<vmem>>, %arg11: memref<400x64xf32, #tpu.memory_space<vmem>>, %arg12: memref<400x64xf32, #tpu.memory_space<vmem>>, %arg13: memref<!tpu.dma_semaphore, #tpu.memory_space<semaphore_mem>>, %arg14: memref<!tpu.dma_semaphore, #tpu.memory_space<semaphore_mem>>, %arg15: memref<!tpu.dma_semaphore, #tpu.memory_space<semaphore_mem>>, %arg16: memref<!tpu.dma_semaphore, #tpu.memory_space<semaphore_mem>>, %arg17: memref<!tpu.dma_semaphore, #tpu.memory_space<semaphore_mem>>, %arg18: memref<!tpu.dma_semaphore, #tpu.memory_space<semaphore_mem>>, %arg19: memref<10000x64xf32, #tpu.memory_space<vmem_shared>>, %arg20: memref<10000xf32, #tpu.memory_space<vmem_shared>>, %arg21: memref<80xf32, #tpu.memory_space<vmem>>) attributes {dimension_semantics = [#tpu.dimension_semantics<core_parallel>, #tpu.dimension_semantics<subcore_parallel>], iteration_bounds = array<i64: 2, 16>, scalar_prefetch = 0 : i64, scratch_operands = 13 : i64, tpu.core_type = #tpu.core_type<sc_vector_subcore>, window_params = [{transform_indices = #map}, {transform_indices = #map}, {transform_indices = #map}, {transform_indices = #map1}, {transform_indices = #map2}, {transform_indices = #map1}, {transform_indices = #map1}]} {
    %mul3A = arith.constant 2 : i32
    %mul3A_0 = arith.muli %arg1, %mul3A : i32
    %add3A = arith.addi %mul3A_0, %arg0 : i32
    %mul3A_1 = arith.constant 10000 : i32
    %mul3A_2 = arith.muli %add3A, %mul3A_1 : i32
    %mul3A_3 = arith.constant 624 : i32
    %mul3A_4 = arith.muli %arg1, %mul3A_3 : i32
    %lt3A = arith.constant 15 : i32
    %lt3A_5 = arith.cmpi slt, %arg1, %lt3A : i32
    %convert_element_type3A = arith.extui %lt3A_5 : i1 to i32
    %cond3A = arith.constant 0 : i32
    %cond3A_6 = arith.cmpi ne, %convert_element_type3A, %cond3A : i32
    scf.if %cond3A_6 {
      "tpu.region"() ({
        %run_scoped3A = tpu.sem_alloc : memref<!tpu.dma_semaphore, #tpu.memory_space<semaphore_mem>>
        %dma_start3A_594 = arith.constant 0 : i32
        %dma_start3A_595 = tpu.memref_slice %arg19[%mul3A_4, %dma_start3A_594] : memref<10000x64xf32, #tpu.memory_space<vmem_shared>> -> memref<624x64xf32, #tpu.memory_space<vmem_shared>>
        %dma_start3A_596 = arith.constant 0 : i32
        %dma_start3A_597 = tpu.memref_slice %arg4[%mul3A_4, %dma_start3A_596] : memref<10000x64xf32, #tpu.memory_space<hbm>> -> memref<624x64xf32, #tpu.memory_space<hbm>>
        tpu.enqueue_dma source(%dma_start3A_597 : memref<624x64xf32, #tpu.memory_space<hbm>>) target(%dma_start3A_595 : memref<624x64xf32, #tpu.memory_space<vmem_shared>>) target_semaphore(%run_scoped3A : memref<!tpu.dma_semaphore, #tpu.memory_space<semaphore_mem>>)
        %dma_wait3A_598 = arith.constant 0 : i32
        %dma_wait3A_599 = tpu.memref_slice %arg19[%mul3A_4, %dma_wait3A_598] : memref<10000x64xf32, #tpu.memory_space<vmem_shared>> -> memref<624x64xf32, #tpu.memory_space<vmem_shared>>
        %dma_wait3A_600 = arith.constant 0 : i32
        %dma_wait3A_601 = tpu.memref_slice %arg4[%mul3A_4, %dma_wait3A_600] : memref<10000x64xf32, #tpu.memory_space<hbm>> -> memref<624x64xf32, #tpu.memory_space<hbm>>
        tpu.wait_dma2 semaphore(%run_scoped3A : memref<!tpu.dma_semaphore, #tpu.memory_space<semaphore_mem>>) src(%dma_wait3A_601 : memref<624x64xf32, #tpu.memory_space<hbm>>) dst(%dma_wait3A_599 : memref<624x64xf32, #tpu.memory_space<vmem_shared>>)
        tpu.yield
      }) : () -> ()
    } else {
    }
    %eq3A = arith.constant 15 : i32
    %eq3A_7 = arith.cmpi eq, %arg1, %eq3A : i32
    %convert_element_type3A_8 = arith.extui %eq3A_7 : i1 to i32
    %cond3A_9 = arith.constant 0 : i32
    %cond3A_10 = arith.cmpi ne, %convert_element_type3A_8, %cond3A_9 : i32
    scf.if %cond3A_10 {
      "tpu.region"() ({
        %run_scoped3A = tpu.sem_alloc : memref<!tpu.dma_semaphore, #tpu.memory_space<semaphore_mem>>
        %dma_start3A_594 = arith.constant 9360 : i32
        %dma_start3A_595 = arith.constant 0 : i32
        %dma_start3A_596 = tpu.memref_slice %arg19[%dma_start3A_594, %dma_start3A_595] : memref<10000x64xf32, #tpu.memory_space<vmem_shared>> -> memref<640x64xf32, #tpu.memory_space<vmem_shared>>
        %dma_start3A_597 = arith.constant 9360 : i32
        %dma_start3A_598 = arith.constant 0 : i32
        %dma_start3A_599 = tpu.memref_slice %arg4[%dma_start3A_597, %dma_start3A_598] : memref<10000x64xf32, #tpu.memory_space<hbm>> -> memref<640x64xf32, #tpu.memory_space<hbm>>
        tpu.enqueue_dma source(%dma_start3A_599 : memref<640x64xf32, #tpu.memory_space<hbm>>) target(%dma_start3A_596 : memref<640x64xf32, #tpu.memory_space<vmem_shared>>) target_semaphore(%run_scoped3A : memref<!tpu.dma_semaphore, #tpu.memory_space<semaphore_mem>>)
        %dma_wait3A_600 = arith.constant 9360 : i32
        %dma_wait3A_601 = arith.constant 0 : i32
        %dma_wait3A_602 = tpu.memref_slice %arg19[%dma_wait3A_600, %dma_wait3A_601] : memref<10000x64xf32, #tpu.memory_space<vmem_shared>> -> memref<640x64xf32, #tpu.memory_space<vmem_shared>>
        %dma_wait3A_603 = arith.constant 9360 : i32
        %dma_wait3A_604 = arith.constant 0 : i32
        %dma_wait3A_605 = tpu.memref_slice %arg4[%dma_wait3A_603, %dma_wait3A_604] : memref<10000x64xf32, #tpu.memory_space<hbm>> -> memref<640x64xf32, #tpu.memory_space<hbm>>
        tpu.wait_dma2 semaphore(%run_scoped3A : memref<!tpu.dma_semaphore, #tpu.memory_space<semaphore_mem>>) src(%dma_wait3A_605 : memref<640x64xf32, #tpu.memory_space<hbm>>) dst(%dma_wait3A_602 : memref<640x64xf32, #tpu.memory_space<vmem_shared>>)
        tpu.yield
      }) : () -> ()
    } else {
    }
    %eq3A_11 = arith.constant 0 : i32
    %eq3A_12 = arith.cmpi eq, %arg1, %eq3A_11 : i32
    %convert_element_type3A_13 = arith.extui %eq3A_12 : i1 to i32
    %cond3A_14 = arith.constant 0 : i32
    %cond3A_15 = arith.cmpi ne, %convert_element_type3A_13, %cond3A_14 : i32
    scf.if %cond3A_15 {
      "tpu.region"() ({
        %run_scoped3A = tpu.sem_alloc : memref<!tpu.dma_semaphore, #tpu.memory_space<semaphore_mem>>
        tpu.enqueue_dma source(%arg5 : memref<10000xf32, #tpu.memory_space<hbm>>) target(%arg20 : memref<10000xf32, #tpu.memory_space<vmem_shared>>) target_semaphore(%run_scoped3A : memref<!tpu.dma_semaphore, #tpu.memory_space<semaphore_mem>>)
        tpu.wait_dma2 semaphore(%run_scoped3A : memref<!tpu.dma_semaphore, #tpu.memory_space<semaphore_mem>>) src(%arg5 : memref<10000xf32, #tpu.memory_space<hbm>>) dst(%arg20 : memref<10000xf32, #tpu.memory_space<vmem_shared>>)
        tpu.yield
      }) : () -> ()
    } else {
    }
    %broadcast_in_dim3A = arith.constant 1.000000e+00 : f32
    %broadcast_in_dim3A_16 = vector.broadcast %broadcast_in_dim3A : f32 to vector<16xf32>
    %swap3A = arith.constant 0 : index
    %swap3A_17 = tpu.vector_load %arg21[%swap3A] {strides = array<i32>} : memref<80xf32, #tpu.memory_space<vmem>>, vector<16xf32>,
    %swap3A_18 = vector.shape_cast %swap3A_17 : vector<16xf32> to vector<16xf32>
    %swap3A_19 = vector.shape_cast %broadcast_in_dim3A_16 : vector<16xf32> to vector<16xf32>
    tpu.vector_store %arg21[%swap3A], %swap3A_19 {strides = array<i32>} : memref<80xf32, #tpu.memory_space<vmem>>, vector<16xf32>,
    %broadcast_in_dim3A_20 = arith.constant 1.000000e+00 : f32
    %broadcast_in_dim3A_21 = vector.broadcast %broadcast_in_dim3A_20 : f32 to vector<16xf32>
    %swap3A_22 = arith.constant 16 : index
    %swap3A_23 = tpu.vector_load %arg21[%swap3A_22] {strides = array<i32>} : memref<80xf32, #tpu.memory_space<vmem>>, vector<16xf32>,
    %swap3A_24 = vector.shape_cast %swap3A_23 : vector<16xf32> to vector<16xf32>
    %swap3A_25 = vector.shape_cast %broadcast_in_dim3A_21 : vector<16xf32> to vector<16xf32>
    tpu.vector_store %arg21[%swap3A_22], %swap3A_25 {strides = array<i32>} : memref<80xf32, #tpu.memory_space<vmem>>, vector<16xf32>,
    %broadcast_in_dim3A_26 = arith.constant 1.000000e+00 : f32
    %broadcast_in_dim3A_27 = vector.broadcast %broadcast_in_dim3A_26 : f32 to vector<16xf32>
    %swap3A_28 = arith.constant 32 : index
    %swap3A_29 = tpu.vector_load %arg21[%swap3A_28] {strides = array<i32>} : memref<80xf32, #tpu.memory_space<vmem>>, vector<16xf32>,
    %swap3A_30 = vector.shape_cast %swap3A_29 : vector<16xf32> to vector<16xf32>
    %swap3A_31 = vector.shape_cast %broadcast_in_dim3A_27 : vector<16xf32> to vector<16xf32>
    tpu.vector_store %arg21[%swap3A_28], %swap3A_31 {strides = array<i32>} : memref<80xf32, #tpu.memory_space<vmem>>, vector<16xf32>,
    %broadcast_in_dim3A_32 = arith.constant 1.000000e+00 : f32
    %broadcast_in_dim3A_33 = vector.broadcast %broadcast_in_dim3A_32 : f32 to vector<16xf32>
    %swap3A_34 = arith.constant 48 : index
    %swap3A_35 = tpu.vector_load %arg21[%swap3A_34] {strides = array<i32>} : memref<80xf32, #tpu.memory_space<vmem>>, vector<16xf32>,
    %swap3A_36 = vector.shape_cast %swap3A_35 : vector<16xf32> to vector<16xf32>
    %swap3A_37 = vector.shape_cast %broadcast_in_dim3A_33 : vector<16xf32> to vector<16xf32>
    tpu.vector_store %arg21[%swap3A_34], %swap3A_37 {strides = array<i32>} : memref<80xf32, #tpu.memory_space<vmem>>, vector<16xf32>,
    %broadcast_in_dim3A_38 = arith.constant 1.000000e+00 : f32
    %broadcast_in_dim3A_39 = vector.broadcast %broadcast_in_dim3A_38 : f32 to vector<16xf32>
    %swap3A_40 = arith.constant 64 : index
    %swap3A_41 = tpu.vector_load %arg21[%swap3A_40] {strides = array<i32>} : memref<80xf32, #tpu.memory_space<vmem>>, vector<16xf32>,
    %swap3A_42 = vector.shape_cast %swap3A_41 : vector<16xf32> to vector<16xf32>
    %swap3A_43 = vector.shape_cast %broadcast_in_dim3A_39 : vector<16xf32> to vector<16xf32>
    tpu.vector_store %arg21[%swap3A_40], %swap3A_43 {strides = array<i32>} : memref<80xf32, #tpu.memory_space<vmem>>, vector<16xf32>,
    %barrier3A = arith.constant 0 : index
    tpu.barrier barrier_id(%barrier3A)
    %add3A_44 = arith.constant 0 : i32
    %add3A_45 = arith.addi %mul3A_2, %add3A_44 : i32
    %add3A_46 = arith.constant 0 : i32
    %add3A_47 = arith.addi %add3A_45, %add3A_46 : i32
    %dma_start3A = arith.constant 0 : i32
    %dma_start3A_48 = arith.constant 0 : i32
    %dma_start3A_49 = arith.constant 0 : i32
    %dma_start3A_50 = tpu.memref_slice %arg9[%dma_start3A, %dma_start3A_48, %dma_start3A_49] : memref<5x2x80xi32, #tpu.memory_space<vmem>> -> memref<1x2x80xi32, #tpu.memory_space<vmem>>
    %dma_start3A_51 = tpu.memref_squeeze %dma_start3A_50 : memref<1x2x80xi32, #tpu.memory_space<vmem>> -> memref<2x80xi32, #tpu.memory_space<vmem>>
    %dma_start3A_52 = arith.constant 0 : i32
    %dma_start3A_53 = tpu.memref_slice %arg3[%dma_start3A_52, %add3A_47] : memref<2x320000xi32, #tpu.memory_space<hbm>> -> memref<2x80xi32, #tpu.memory_space<hbm>>
    %dma_start3A_54 = arith.constant 0 : i32
    %dma_start3A_55 = arith.constant 0 : i32
    %dma_start3A_56 = tpu.memref_slice %arg9[%dma_start3A, %dma_start3A_54, %dma_start3A_55] : memref<5x2x80xi32, #tpu.memory_space<vmem>> -> memref<1x2x80xi32, #tpu.memory_space<vmem>>
    %dma_start3A_57 = tpu.memref_squeeze %dma_start3A_56 : memref<1x2x80xi32, #tpu.memory_space<vmem>> -> memref<2x80xi32, #tpu.memory_space<vmem>>
    %dma_start3A_58 = arith.constant 0 : i32
    %dma_start3A_59 = tpu.memref_slice %arg3[%dma_start3A_58, %add3A_47] : memref<2x320000xi32, #tpu.memory_space<hbm>> -> memref<2x80xi32, #tpu.memory_space<hbm>>
    tpu.enqueue_dma source(%dma_start3A_59 : memref<2x80xi32, #tpu.memory_space<hbm>>) target(%dma_start3A_57 : memref<2x80xi32, #tpu.memory_space<vmem>>) target_semaphore(%arg13 : memref<!tpu.dma_semaphore, #tpu.memory_space<semaphore_mem>>)
    %add3A_60 = arith.constant 80 : i32
    %add3A_61 = arith.addi %add3A_45, %add3A_60 : i32
    %dma_start3A_62 = arith.constant 1 : i32
    %dma_start3A_63 = arith.constant 0 : i32
    %dma_start3A_64 = arith.constant 0 : i32
    %dma_start3A_65 = tpu.memref_slice %arg9[%dma_start3A_62, %dma_start3A_63, %dma_start3A_64] : memref<5x2x80xi32, #tpu.memory_space<vmem>> -> memref<1x2x80xi32, #tpu.memory_space<vmem>>
    %dma_start3A_66 = tpu.memref_squeeze %dma_start3A_65 : memref<1x2x80xi32, #tpu.memory_space<vmem>> -> memref<2x80xi32, #tpu.memory_space<vmem>>
    %dma_start3A_67 = arith.constant 0 : i32
    %dma_start3A_68 = tpu.memref_slice %arg3[%dma_start3A_67, %add3A_61] : memref<2x320000xi32, #tpu.memory_space<hbm>> -> memref<2x80xi32, #tpu.memory_space<hbm>>
    %dma_start3A_69 = arith.constant 0 : i32
    %dma_start3A_70 = arith.constant 0 : i32
    %dma_start3A_71 = tpu.memref_slice %arg9[%dma_start3A_62, %dma_start3A_69, %dma_start3A_70] : memref<5x2x80xi32, #tpu.memory_space<vmem>> -> memref<1x2x80xi32, #tpu.memory_space<vmem>>
    %dma_start3A_72 = tpu.memref_squeeze %dma_start3A_71 : memref<1x2x80xi32, #tpu.memory_space<vmem>> -> memref<2x80xi32, #tpu.memory_space<vmem>>
    %dma_start3A_73 = arith.constant 0 : i32
    %dma_start3A_74 = tpu.memref_slice %arg3[%dma_start3A_73, %add3A_61] : memref<2x320000xi32, #tpu.memory_space<hbm>> -> memref<2x80xi32, #tpu.memory_space<hbm>>
    tpu.enqueue_dma source(%dma_start3A_74 : memref<2x80xi32, #tpu.memory_space<hbm>>) target(%dma_start3A_72 : memref<2x80xi32, #tpu.memory_space<vmem>>) target_semaphore(%arg13 : memref<!tpu.dma_semaphore, #tpu.memory_space<semaphore_mem>>)
    %add3A_75 = arith.constant 160 : i32
    %add3A_76 = arith.addi %add3A_45, %add3A_75 : i32
    %dma_start3A_77 = arith.constant 2 : i32
    %dma_start3A_78 = arith.constant 0 : i32
    %dma_start3A_79 = arith.constant 0 : i32
    %dma_start3A_80 = tpu.memref_slice %arg9[%dma_start3A_77, %dma_start3A_78, %dma_start3A_79] : memref<5x2x80xi32, #tpu.memory_space<vmem>> -> memref<1x2x80xi32, #tpu.memory_space<vmem>>
    %dma_start3A_81 = tpu.memref_squeeze %dma_start3A_80 : memref<1x2x80xi32, #tpu.memory_space<vmem>> -> memref<2x80xi32, #tpu.memory_space<vmem>>
    %dma_start3A_82 = arith.constant 0 : i32
    %dma_start3A_83 = tpu.memref_slice %arg3[%dma_start3A_82, %add3A_76] : memref<2x320000xi32, #tpu.memory_space<hbm>> -> memref<2x80xi32, #tpu.memory_space<hbm>>
    %dma_start3A_84 = arith.constant 0 : i32
    %dma_start3A_85 = arith.constant 0 : i32
    %dma_start3A_86 = tpu.memref_slice %arg9[%dma_start3A_77, %dma_start3A_84, %dma_start3A_85] : memref<5x2x80xi32, #tpu.memory_space<vmem>> -> memref<1x2x80xi32, #tpu.memory_space<vmem>>
    %dma_start3A_87 = tpu.memref_squeeze %dma_start3A_86 : memref<1x2x80xi32, #tpu.memory_space<vmem>> -> memref<2x80xi32, #tpu.memory_space<vmem>>
    %dma_start3A_88 = arith.constant 0 : i32
    %dma_start3A_89 = tpu.memref_slice %arg3[%dma_start3A_88, %add3A_76] : memref<2x320000xi32, #tpu.memory_space<hbm>> -> memref<2x80xi32, #tpu.memory_space<hbm>>
    tpu.enqueue_dma source(%dma_start3A_89 : memref<2x80xi32, #tpu.memory_space<hbm>>) target(%dma_start3A_87 : memref<2x80xi32, #tpu.memory_space<vmem>>) target_semaphore(%arg13 : memref<!tpu.dma_semaphore, #tpu.memory_space<semaphore_mem>>)
    %add3A_90 = arith.constant 240 : i32
    %add3A_91 = arith.addi %add3A_45, %add3A_90 : i32
    %dma_start3A_92 = arith.constant 3 : i32
    %dma_start3A_93 = arith.constant 0 : i32
    %dma_start3A_94 = arith.constant 0 : i32
    %dma_start3A_95 = tpu.memref_slice %arg9[%dma_start3A_92, %dma_start3A_93, %dma_start3A_94] : memref<5x2x80xi32, #tpu.memory_space<vmem>> -> memref<1x2x80xi32, #tpu.memory_space<vmem>>
    %dma_start3A_96 = tpu.memref_squeeze %dma_start3A_95 : memref<1x2x80xi32, #tpu.memory_space<vmem>> -> memref<2x80xi32, #tpu.memory_space<vmem>>
    %dma_start3A_97 = arith.constant 0 : i32
    %dma_start3A_98 = tpu.memref_slice %arg3[%dma_start3A_97, %add3A_91] : memref<2x320000xi32, #tpu.memory_space<hbm>> -> memref<2x80xi32, #tpu.memory_space<hbm>>
    %dma_start3A_99 = arith.constant 0 : i32
    %dma_start3A_100 = arith.constant 0 : i32
    %dma_start3A_101 = tpu.memref_slice %arg9[%dma_start3A_92, %dma_start3A_99, %dma_start3A_100] : memref<5x2x80xi32, #tpu.memory_space<vmem>> -> memref<1x2x80xi32, #tpu.memory_space<vmem>>
    %dma_start3A_102 = tpu.memref_squeeze %dma_start3A_101 : memref<1x2x80xi32, #tpu.memory_space<vmem>> -> memref<2x80xi32, #tpu.memory_space<vmem>>
    %dma_start3A_103 = arith.constant 0 : i32
    %dma_start3A_104 = tpu.memref_slice %arg3[%dma_start3A_103, %add3A_91] : memref<2x320000xi32, #tpu.memory_space<hbm>> -> memref<2x80xi32, #tpu.memory_space<hbm>>
    tpu.enqueue_dma source(%dma_start3A_104 : memref<2x80xi32, #tpu.memory_space<hbm>>) target(%dma_start3A_102 : memref<2x80xi32, #tpu.memory_space<vmem>>) target_semaphore(%arg13 : memref<!tpu.dma_semaphore, #tpu.memory_space<semaphore_mem>>)
    %add3A_105 = arith.constant 320 : i32
    %add3A_106 = arith.addi %add3A_45, %add3A_105 : i32
    %dma_start3A_107 = arith.constant 4 : i32
    %dma_start3A_108 = arith.constant 0 : i32
    %dma_start3A_109 = arith.constant 0 : i32
    %dma_start3A_110 = tpu.memref_slice %arg9[%dma_start3A_107, %dma_start3A_108, %dma_start3A_109] : memref<5x2x80xi32, #tpu.memory_space<vmem>> -> memref<1x2x80xi32, #tpu.memory_space<vmem>>
    %dma_start3A_111 = tpu.memref_squeeze %dma_start3A_110 : memref<1x2x80xi32, #tpu.memory_space<vmem>> -> memref<2x80xi32, #tpu.memory_space<vmem>>
    %dma_start3A_112 = arith.constant 0 : i32
    %dma_start3A_113 = tpu.memref_slice %arg3[%dma_start3A_112, %add3A_106] : memref<2x320000xi32, #tpu.memory_space<hbm>> -> memref<2x80xi32, #tpu.memory_space<hbm>>
    %dma_start3A_114 = arith.constant 0 : i32
    %dma_start3A_115 = arith.constant 0 : i32
    %dma_start3A_116 = tpu.memref_slice %arg9[%dma_start3A_107, %dma_start3A_114, %dma_start3A_115] : memref<5x2x80xi32, #tpu.memory_space<vmem>> -> memref<1x2x80xi32, #tpu.memory_space<vmem>>
    %dma_start3A_117 = tpu.memref_squeeze %dma_start3A_116 : memref<1x2x80xi32, #tpu.memory_space<vmem>> -> memref<2x80xi32, #tpu.memory_space<vmem>>
    %dma_start3A_118 = arith.constant 0 : i32
    %dma_start3A_119 = tpu.memref_slice %arg3[%dma_start3A_118, %add3A_106] : memref<2x320000xi32, #tpu.memory_space<hbm>> -> memref<2x80xi32, #tpu.memory_space<hbm>>
    tpu.enqueue_dma source(%dma_start3A_119 : memref<2x80xi32, #tpu.memory_space<hbm>>) target(%dma_start3A_117 : memref<2x80xi32, #tpu.memory_space<vmem>>) target_semaphore(%arg13 : memref<!tpu.dma_semaphore, #tpu.memory_space<semaphore_mem>>)
    %add3A_120 = arith.constant 0 : i32
    %add3A_121 = arith.addi %mul3A_2, %add3A_120 : i32
    %add3A_122 = arith.constant 0 : i32
    %add3A_123 = arith.addi %add3A_121, %add3A_122 : i32
    %dma_wait3A = arith.constant 0 : i32
    %dma_wait3A_124 = arith.constant 0 : i32
    %dma_wait3A_125 = arith.constant 0 : i32
    %dma_wait3A_126 = tpu.memref_slice %arg9[%dma_wait3A, %dma_wait3A_124, %dma_wait3A_125] : memref<5x2x80xi32, #tpu.memory_space<vmem>> -> memref<1x2x80xi32, #tpu.memory_space<vmem>>
    %dma_wait3A_127 = tpu.memref_squeeze %dma_wait3A_126 : memref<1x2x80xi32, #tpu.memory_space<vmem>> -> memref<2x80xi32, #tpu.memory_space<vmem>>
    %dma_wait3A_128 = arith.constant 0 : i32
    %dma_wait3A_129 = tpu.memref_slice %arg3[%dma_wait3A_128, %add3A_123] : memref<2x320000xi32, #tpu.memory_space<hbm>> -> memref<2x80xi32, #tpu.memory_space<hbm>>
    %dma_wait3A_130 = arith.constant 0 : i32
    %dma_wait3A_131 = arith.constant 0 : i32
    %dma_wait3A_132 = tpu.memref_slice %arg9[%dma_wait3A, %dma_wait3A_130, %dma_wait3A_131] : memref<5x2x80xi32, #tpu.memory_space<vmem>> -> memref<1x2x80xi32, #tpu.memory_space<vmem>>
    %dma_wait3A_133 = tpu.memref_squeeze %dma_wait3A_132 : memref<1x2x80xi32, #tpu.memory_space<vmem>> -> memref<2x80xi32, #tpu.memory_space<vmem>>
    %dma_wait3A_134 = arith.constant 0 : i32
    %dma_wait3A_135 = tpu.memref_slice %arg3[%dma_wait3A_134, %add3A_123] : memref<2x320000xi32, #tpu.memory_space<hbm>> -> memref<2x80xi32, #tpu.memory_space<hbm>>
    tpu.wait_dma2 semaphore(%arg13 : memref<!tpu.dma_semaphore, #tpu.memory_space<semaphore_mem>>) src(%dma_wait3A_135 : memref<2x80xi32, #tpu.memory_space<hbm>>) dst(%dma_wait3A_133 : memref<2x80xi32, #tpu.memory_space<vmem>>)
    %add3A_136 = arith.constant 80 : i32
    %add3A_137 = arith.addi %add3A_121, %add3A_136 : i32
    %dma_wait3A_138 = arith.constant 1 : i32
    %dma_wait3A_139 = arith.constant 0 : i32
    %dma_wait3A_140 = arith.constant 0 : i32
    %dma_wait3A_141 = tpu.memref_slice %arg9[%dma_wait3A_138, %dma_wait3A_139, %dma_wait3A_140] : memref<5x2x80xi32, #tpu.memory_space<vmem>> -> memref<1x2x80xi32, #tpu.memory_space<vmem>>
    %dma_wait3A_142 = tpu.memref_squeeze %dma_wait3A_141 : memref<1x2x80xi32, #tpu.memory_space<vmem>> -> memref<2x80xi32, #tpu.memory_space<vmem>>
    %dma_wait3A_143 = arith.constant 0 : i32
    %dma_wait3A_144 = tpu.memref_slice %arg3[%dma_wait3A_143, %add3A_137] : memref<2x320000xi32, #tpu.memory_space<hbm>> -> memref<2x80xi32, #tpu.memory_space<hbm>>
    %dma_wait3A_145 = arith.constant 0 : i32
    %dma_wait3A_146 = arith.constant 0 : i32
    %dma_wait3A_147 = tpu.memref_slice %arg9[%dma_wait3A_138, %dma_wait3A_145, %dma_wait3A_146] : memref<5x2x80xi32, #tpu.memory_space<vmem>> -> memref<1x2x80xi32, #tpu.memory_space<vmem>>
    %dma_wait3A_148 = tpu.memref_squeeze %dma_wait3A_147 : memref<1x2x80xi32, #tpu.memory_space<vmem>> -> memref<2x80xi32, #tpu.memory_space<vmem>>
    %dma_wait3A_149 = arith.constant 0 : i32
    %dma_wait3A_150 = tpu.memref_slice %arg3[%dma_wait3A_149, %add3A_137] : memref<2x320000xi32, #tpu.memory_space<hbm>> -> memref<2x80xi32, #tpu.memory_space<hbm>>
    tpu.wait_dma2 semaphore(%arg13 : memref<!tpu.dma_semaphore, #tpu.memory_space<semaphore_mem>>) src(%dma_wait3A_150 : memref<2x80xi32, #tpu.memory_space<hbm>>) dst(%dma_wait3A_148 : memref<2x80xi32, #tpu.memory_space<vmem>>)
    %add3A_151 = arith.constant 160 : i32
    %add3A_152 = arith.addi %add3A_121, %add3A_151 : i32
    %dma_wait3A_153 = arith.constant 2 : i32
    %dma_wait3A_154 = arith.constant 0 : i32
    %dma_wait3A_155 = arith.constant 0 : i32
    %dma_wait3A_156 = tpu.memref_slice %arg9[%dma_wait3A_153, %dma_wait3A_154, %dma_wait3A_155] : memref<5x2x80xi32, #tpu.memory_space<vmem>> -> memref<1x2x80xi32, #tpu.memory_space<vmem>>
    %dma_wait3A_157 = tpu.memref_squeeze %dma_wait3A_156 : memref<1x2x80xi32, #tpu.memory_space<vmem>> -> memref<2x80xi32, #tpu.memory_space<vmem>>
    %dma_wait3A_158 = arith.constant 0 : i32
    %dma_wait3A_159 = tpu.memref_slice %arg3[%dma_wait3A_158, %add3A_152] : memref<2x320000xi32, #tpu.memory_space<hbm>> -> memref<2x80xi32, #tpu.memory_space<hbm>>
    %dma_wait3A_160 = arith.constant 0 : i32
    %dma_wait3A_161 = arith.constant 0 : i32
    %dma_wait3A_162 = tpu.memref_slice %arg9[%dma_wait3A_153, %dma_wait3A_160, %dma_wait3A_161] : memref<5x2x80xi32, #tpu.memory_space<vmem>> -> memref<1x2x80xi32, #tpu.memory_space<vmem>>
    %dma_wait3A_163 = tpu.memref_squeeze %dma_wait3A_162 : memref<1x2x80xi32, #tpu.memory_space<vmem>> -> memref<2x80xi32, #tpu.memory_space<vmem>>
    %dma_wait3A_164 = arith.constant 0 : i32
    %dma_wait3A_165 = tpu.memref_slice %arg3[%dma_wait3A_164, %add3A_152] : memref<2x320000xi32, #tpu.memory_space<hbm>> -> memref<2x80xi32, #tpu.memory_space<hbm>>
    tpu.wait_dma2 semaphore(%arg13 : memref<!tpu.dma_semaphore, #tpu.memory_space<semaphore_mem>>) src(%dma_wait3A_165 : memref<2x80xi32, #tpu.memory_space<hbm>>) dst(%dma_wait3A_163 : memref<2x80xi32, #tpu.memory_space<vmem>>)
    %add3A_166 = arith.constant 240 : i32
    %add3A_167 = arith.addi %add3A_121, %add3A_166 : i32
    %dma_wait3A_168 = arith.constant 3 : i32
    %dma_wait3A_169 = arith.constant 0 : i32
    %dma_wait3A_170 = arith.constant 0 : i32
    %dma_wait3A_171 = tpu.memref_slice %arg9[%dma_wait3A_168, %dma_wait3A_169, %dma_wait3A_170] : memref<5x2x80xi32, #tpu.memory_space<vmem>> -> memref<1x2x80xi32, #tpu.memory_space<vmem>>
    %dma_wait3A_172 = tpu.memref_squeeze %dma_wait3A_171 : memref<1x2x80xi32, #tpu.memory_space<vmem>> -> memref<2x80xi32, #tpu.memory_space<vmem>>
    %dma_wait3A_173 = arith.constant 0 : i32
    %dma_wait3A_174 = tpu.memref_slice %arg3[%dma_wait3A_173, %add3A_167] : memref<2x320000xi32, #tpu.memory_space<hbm>> -> memref<2x80xi32, #tpu.memory_space<hbm>>
    %dma_wait3A_175 = arith.constant 0 : i32
    %dma_wait3A_176 = arith.constant 0 : i32
    %dma_wait3A_177 = tpu.memref_slice %arg9[%dma_wait3A_168, %dma_wait3A_175, %dma_wait3A_176] : memref<5x2x80xi32, #tpu.memory_space<vmem>> -> memref<1x2x80xi32, #tpu.memory_space<vmem>>
    %dma_wait3A_178 = tpu.memref_squeeze %dma_wait3A_177 : memref<1x2x80xi32, #tpu.memory_space<vmem>> -> memref<2x80xi32, #tpu.memory_space<vmem>>
    %dma_wait3A_179 = arith.constant 0 : i32
    %dma_wait3A_180 = tpu.memref_slice %arg3[%dma_wait3A_179, %add3A_167] : memref<2x320000xi32, #tpu.memory_space<hbm>> -> memref<2x80xi32, #tpu.memory_space<hbm>>
    tpu.wait_dma2 semaphore(%arg13 : memref<!tpu.dma_semaphore, #tpu.memory_space<semaphore_mem>>) src(%dma_wait3A_180 : memref<2x80xi32, #tpu.memory_space<hbm>>) dst(%dma_wait3A_178 : memref<2x80xi32, #tpu.memory_space<vmem>>)
    %add3A_181 = arith.constant 320 : i32
    %add3A_182 = arith.addi %add3A_121, %add3A_181 : i32
    %dma_wait3A_183 = arith.constant 4 : i32
    %dma_wait3A_184 = arith.constant 0 : i32
    %dma_wait3A_185 = arith.constant 0 : i32
    %dma_wait3A_186 = tpu.memref_slice %arg9[%dma_wait3A_183, %dma_wait3A_184, %dma_wait3A_185] : memref<5x2x80xi32, #tpu.memory_space<vmem>> -> memref<1x2x80xi32, #tpu.memory_space<vmem>>
    %dma_wait3A_187 = tpu.memref_squeeze %dma_wait3A_186 : memref<1x2x80xi32, #tpu.memory_space<vmem>> -> memref<2x80xi32, #tpu.memory_space<vmem>>
    %dma_wait3A_188 = arith.constant 0 : i32
    %dma_wait3A_189 = tpu.memref_slice %arg3[%dma_wait3A_188, %add3A_182] : memref<2x320000xi32, #tpu.memory_space<hbm>> -> memref<2x80xi32, #tpu.memory_space<hbm>>
    %dma_wait3A_190 = arith.constant 0 : i32
    %dma_wait3A_191 = arith.constant 0 : i32
    %dma_wait3A_192 = tpu.memref_slice %arg9[%dma_wait3A_183, %dma_wait3A_190, %dma_wait3A_191] : memref<5x2x80xi32, #tpu.memory_space<vmem>> -> memref<1x2x80xi32, #tpu.memory_space<vmem>>
    %dma_wait3A_193 = tpu.memref_squeeze %dma_wait3A_192 : memref<1x2x80xi32, #tpu.memory_space<vmem>> -> memref<2x80xi32, #tpu.memory_space<vmem>>
    %dma_wait3A_194 = arith.constant 0 : i32
    %dma_wait3A_195 = tpu.memref_slice %arg3[%dma_wait3A_194, %add3A_182] : memref<2x320000xi32, #tpu.memory_space<hbm>> -> memref<2x80xi32, #tpu.memory_space<hbm>>
    tpu.wait_dma2 semaphore(%arg13 : memref<!tpu.dma_semaphore, #tpu.memory_space<semaphore_mem>>) src(%dma_wait3A_195 : memref<2x80xi32, #tpu.memory_space<hbm>>) dst(%dma_wait3A_193 : memref<2x80xi32, #tpu.memory_space<vmem>>)
    %dma_start3A_196 = arith.constant 0 : i32
    %dma_start3A_197 = arith.constant 0 : i32
    %dma_start3A_198 = arith.constant 0 : i32
    %dma_start3A_199 = arith.constant 0 : i32
    %dma_start3A_200 = tpu.memref_slice %arg11[%dma_start3A_198, %dma_start3A_199] : memref<400x64xf32, #tpu.memory_space<vmem>> -> memref<80x64xf32, #tpu.memory_space<vmem>>
    %dma_start3A_201 = arith.constant 0 : i32
    %dma_start3A_202 = tpu.memref_slice %arg9[%dma_start3A_196, %dma_start3A_197, %dma_start3A_201] : memref<5x2x80xi32, #tpu.memory_space<vmem>> -> memref<1x1x80xi32, #tpu.memory_space<vmem>>
    %dma_start3A_203 = tpu.memref_squeeze %dma_start3A_202 : memref<1x1x80xi32, #tpu.memory_space<vmem>> -> memref<80xi32, #tpu.memory_space<vmem>>
    %dma_start3A_204 = arith.constant 0 : i32
    %dma_start3A_205 = arith.constant 0 : i32
    %dma_start3A_206 = tpu.memref_slice %arg2[%dma_start3A_204, %dma_start3A_205] : memref<10000x64xf32, #tpu.memory_space<hbm>> -> memref<10000x64xf32, #tpu.memory_space<hbm>>
    tpu.enqueue_indirect_dma source(%dma_start3A_206 : memref<10000x64xf32, #tpu.memory_space<hbm>>) target(%dma_start3A_200 : memref<80x64xf32, #tpu.memory_space<vmem>>) offsets(%dma_start3A_203 : memref<80xi32, #tpu.memory_space<vmem>>) semaphore(%arg15 : memref<!tpu.dma_semaphore, #tpu.memory_space<semaphore_mem>>)
    %dma_start3A_207 = arith.constant 1 : i32
    %dma_start3A_208 = arith.constant 0 : i32
    %dma_start3A_209 = arith.constant 80 : i32
    %dma_start3A_210 = arith.constant 0 : i32
    %dma_start3A_211 = tpu.memref_slice %arg11[%dma_start3A_209, %dma_start3A_210] : memref<400x64xf32, #tpu.memory_space<vmem>> -> memref<80x64xf32, #tpu.memory_space<vmem>>
    %dma_start3A_212 = arith.constant 0 : i32
    %dma_start3A_213 = tpu.memref_slice %arg9[%dma_start3A_207, %dma_start3A_208, %dma_start3A_212] : memref<5x2x80xi32, #tpu.memory_space<vmem>> -> memref<1x1x80xi32, #tpu.memory_space<vmem>>
    %dma_start3A_214 = tpu.memref_squeeze %dma_start3A_213 : memref<1x1x80xi32, #tpu.memory_space<vmem>> -> memref<80xi32, #tpu.memory_space<vmem>>
    %dma_start3A_215 = arith.constant 0 : i32
    %dma_start3A_216 = arith.constant 0 : i32
    %dma_start3A_217 = tpu.memref_slice %arg2[%dma_start3A_215, %dma_start3A_216] : memref<10000x64xf32, #tpu.memory_space<hbm>> -> memref<10000x64xf32, #tpu.memory_space<hbm>>
    tpu.enqueue_indirect_dma source(%dma_start3A_217 : memref<10000x64xf32, #tpu.memory_space<hbm>>) target(%dma_start3A_211 : memref<80x64xf32, #tpu.memory_space<vmem>>) offsets(%dma_start3A_214 : memref<80xi32, #tpu.memory_space<vmem>>) semaphore(%arg15 : memref<!tpu.dma_semaphore, #tpu.memory_space<semaphore_mem>>)
    %dma_start3A_218 = arith.constant 2 : i32
    %dma_start3A_219 = arith.constant 0 : i32
    %dma_start3A_220 = arith.constant 160 : i32
    %dma_start3A_221 = arith.constant 0 : i32
    %dma_start3A_222 = tpu.memref_slice %arg11[%dma_start3A_220, %dma_start3A_221] : memref<400x64xf32, #tpu.memory_space<vmem>> -> memref<80x64xf32, #tpu.memory_space<vmem>>
    %dma_start3A_223 = arith.constant 0 : i32
    %dma_start3A_224 = tpu.memref_slice %arg9[%dma_start3A_218, %dma_start3A_219, %dma_start3A_223] : memref<5x2x80xi32, #tpu.memory_space<vmem>> -> memref<1x1x80xi32, #tpu.memory_space<vmem>>
    %dma_start3A_225 = tpu.memref_squeeze %dma_start3A_224 : memref<1x1x80xi32, #tpu.memory_space<vmem>> -> memref<80xi32, #tpu.memory_space<vmem>>
    %dma_start3A_226 = arith.constant 0 : i32
    %dma_start3A_227 = arith.constant 0 : i32
    %dma_start3A_228 = tpu.memref_slice %arg2[%dma_start3A_226, %dma_start3A_227] : memref<10000x64xf32, #tpu.memory_space<hbm>> -> memref<10000x64xf32, #tpu.memory_space<hbm>>
    tpu.enqueue_indirect_dma source(%dma_start3A_228 : memref<10000x64xf32, #tpu.memory_space<hbm>>) target(%dma_start3A_222 : memref<80x64xf32, #tpu.memory_space<vmem>>) offsets(%dma_start3A_225 : memref<80xi32, #tpu.memory_space<vmem>>) semaphore(%arg15 : memref<!tpu.dma_semaphore, #tpu.memory_space<semaphore_mem>>)
    %dma_start3A_229 = arith.constant 3 : i32
    %dma_start3A_230 = arith.constant 0 : i32
    %dma_start3A_231 = arith.constant 240 : i32
    %dma_start3A_232 = arith.constant 0 : i32
    %dma_start3A_233 = tpu.memref_slice %arg11[%dma_start3A_231, %dma_start3A_232] : memref<400x64xf32, #tpu.memory_space<vmem>> -> memref<80x64xf32, #tpu.memory_space<vmem>>
    %dma_start3A_234 = arith.constant 0 : i32
    %dma_start3A_235 = tpu.memref_slice %arg9[%dma_start3A_229, %dma_start3A_230, %dma_start3A_234] : memref<5x2x80xi32, #tpu.memory_space<vmem>> -> memref<1x1x80xi32, #tpu.memory_space<vmem>>
    %dma_start3A_236 = tpu.memref_squeeze %dma_start3A_235 : memref<1x1x80xi32, #tpu.memory_space<vmem>> -> memref<80xi32, #tpu.memory_space<vmem>>
    %dma_start3A_237 = arith.constant 0 : i32
    %dma_start3A_238 = arith.constant 0 : i32
    %dma_start3A_239 = tpu.memref_slice %arg2[%dma_start3A_237, %dma_start3A_238] : memref<10000x64xf32, #tpu.memory_space<hbm>> -> memref<10000x64xf32, #tpu.memory_space<hbm>>
    tpu.enqueue_indirect_dma source(%dma_start3A_239 : memref<10000x64xf32, #tpu.memory_space<hbm>>) target(%dma_start3A_233 : memref<80x64xf32, #tpu.memory_space<vmem>>) offsets(%dma_start3A_236 : memref<80xi32, #tpu.memory_space<vmem>>) semaphore(%arg15 : memref<!tpu.dma_semaphore, #tpu.memory_space<semaphore_mem>>)
    %dma_start3A_240 = arith.constant 4 : i32
    %dma_start3A_241 = arith.constant 0 : i32
    %dma_start3A_242 = arith.constant 320 : i32
    %dma_start3A_243 = arith.constant 0 : i32
    %dma_start3A_244 = tpu.memref_slice %arg11[%dma_start3A_242, %dma_start3A_243] : memref<400x64xf32, #tpu.memory_space<vmem>> -> memref<80x64xf32, #tpu.memory_space<vmem>>
    %dma_start3A_245 = arith.constant 0 : i32
    %dma_start3A_246 = tpu.memref_slice %arg9[%dma_start3A_240, %dma_start3A_241, %dma_start3A_245] : memref<5x2x80xi32, #tpu.memory_space<vmem>> -> memref<1x1x80xi32, #tpu.memory_space<vmem>>
    %dma_start3A_247 = tpu.memref_squeeze %dma_start3A_246 : memref<1x1x80xi32, #tpu.memory_space<vmem>> -> memref<80xi32, #tpu.memory_space<vmem>>
    %dma_start3A_248 = arith.constant 0 : i32
    %dma_start3A_249 = arith.constant 0 : i32
    %dma_start3A_250 = tpu.memref_slice %arg2[%dma_start3A_248, %dma_start3A_249] : memref<10000x64xf32, #tpu.memory_space<hbm>> -> memref<10000x64xf32, #tpu.memory_space<hbm>>
    tpu.enqueue_indirect_dma source(%dma_start3A_250 : memref<10000x64xf32, #tpu.memory_space<hbm>>) target(%dma_start3A_244 : memref<80x64xf32, #tpu.memory_space<vmem>>) offsets(%dma_start3A_247 : memref<80xi32, #tpu.memory_space<vmem>>) semaphore(%arg15 : memref<!tpu.dma_semaphore, #tpu.memory_space<semaphore_mem>>)
    %add3A_251 = arith.constant 400 : i32
    %add3A_252 = arith.addi %mul3A_2, %add3A_251 : i32
    %add3A_253 = arith.constant 0 : i32
    %add3A_254 = arith.addi %add3A_252, %add3A_253 : i32
    %dma_start3A_255 = arith.constant 0 : i32
    %dma_start3A_256 = arith.constant 0 : i32
    %dma_start3A_257 = arith.constant 0 : i32
    %dma_start3A_258 = tpu.memref_slice %arg10[%dma_start3A_255, %dma_start3A_256, %dma_start3A_257] : memref<5x2x80xi32, #tpu.memory_space<vmem>> -> memref<1x2x80xi32, #tpu.memory_space<vmem>>
    %dma_start3A_259 = tpu.memref_squeeze %dma_start3A_258 : memref<1x2x80xi32, #tpu.memory_space<vmem>> -> memref<2x80xi32, #tpu.memory_space<vmem>>
    %dma_start3A_260 = arith.constant 0 : i32
    %dma_start3A_261 = tpu.memref_slice %arg3[%dma_start3A_260, %add3A_254] : memref<2x320000xi32, #tpu.memory_space<hbm>> -> memref<2x80xi32, #tpu.memory_space<hbm>>
    %dma_start3A_262 = arith.constant 0 : i32
    %dma_start3A_263 = arith.constant 0 : i32
    %dma_start3A_264 = tpu.memref_slice %arg10[%dma_start3A_255, %dma_start3A_262, %dma_start3A_263] : memref<5x2x80xi32, #tpu.memory_space<vmem>> -> memref<1x2x80xi32, #tpu.memory_space<vmem>>
    %dma_start3A_265 = tpu.memref_squeeze %dma_start3A_264 : memref<1x2x80xi32, #tpu.memory_space<vmem>> -> memref<2x80xi32, #tpu.memory_space<vmem>>
    %dma_start3A_266 = arith.constant 0 : i32
    %dma_start3A_267 = tpu.memref_slice %arg3[%dma_start3A_266, %add3A_254] : memref<2x320000xi32, #tpu.memory_space<hbm>> -> memref<2x80xi32, #tpu.memory_space<hbm>>
    tpu.enqueue_dma source(%dma_start3A_267 : memref<2x80xi32, #tpu.memory_space<hbm>>) target(%dma_start3A_265 : memref<2x80xi32, #tpu.memory_space<vmem>>) target_semaphore(%arg14 : memref<!tpu.dma_semaphore, #tpu.memory_space<semaphore_mem>>)
    %add3A_268 = arith.constant 80 : i32
    %add3A_269 = arith.addi %add3A_252, %add3A_268 : i32
    %dma_start3A_270 = arith.constant 1 : i32
    %dma_start3A_271 = arith.constant 0 : i32
    %dma_start3A_272 = arith.constant 0 : i32
    %dma_start3A_273 = tpu.memref_slice %arg10[%dma_start3A_270, %dma_start3A_271, %dma_start3A_272] : memref<5x2x80xi32, #tpu.memory_space<vmem>> -> memref<1x2x80xi32, #tpu.memory_space<vmem>>
    %dma_start3A_274 = tpu.memref_squeeze %dma_start3A_273 : memref<1x2x80xi32, #tpu.memory_space<vmem>> -> memref<2x80xi32, #tpu.memory_space<vmem>>
    %dma_start3A_275 = arith.constant 0 : i32
    %dma_start3A_276 = tpu.memref_slice %arg3[%dma_start3A_275, %add3A_269] : memref<2x320000xi32, #tpu.memory_space<hbm>> -> memref<2x80xi32, #tpu.memory_space<hbm>>
    %dma_start3A_277 = arith.constant 0 : i32
    %dma_start3A_278 = arith.constant 0 : i32
    %dma_start3A_279 = tpu.memref_slice %arg10[%dma_start3A_270, %dma_start3A_277, %dma_start3A_278] : memref<5x2x80xi32, #tpu.memory_space<vmem>> -> memref<1x2x80xi32, #tpu.memory_space<vmem>>
    %dma_start3A_280 = tpu.memref_squeeze %dma_start3A_279 : memref<1x2x80xi32, #tpu.memory_space<vmem>> -> memref<2x80xi32, #tpu.memory_space<vmem>>
    %dma_start3A_281 = arith.constant 0 : i32
    %dma_start3A_282 = tpu.memref_slice %arg3[%dma_start3A_281, %add3A_269] : memref<2x320000xi32, #tpu.memory_space<hbm>> -> memref<2x80xi32, #tpu.memory_space<hbm>>
    tpu.enqueue_dma source(%dma_start3A_282 : memref<2x80xi32, #tpu.memory_space<hbm>>) target(%dma_start3A_280 : memref<2x80xi32, #tpu.memory_space<vmem>>) target_semaphore(%arg14 : memref<!tpu.dma_semaphore, #tpu.memory_space<semaphore_mem>>)
    %add3A_283 = arith.constant 160 : i32
    %add3A_284 = arith.addi %add3A_252, %add3A_283 : i32
    %dma_start3A_285 = arith.constant 2 : i32
    %dma_start3A_286 = arith.constant 0 : i32
    %dma_start3A_287 = arith.constant 0 : i32
    %dma_start3A_288 = tpu.memref_slice %arg10[%dma_start3A_285, %dma_start3A_286, %dma_start3A_287] : memref<5x2x80xi32, #tpu.memory_space<vmem>> -> memref<1x2x80xi32, #tpu.memory_space<vmem>>
    %dma_start3A_289 = tpu.memref_squeeze %dma_start3A_288 : memref<1x2x80xi32, #tpu.memory_space<vmem>> -> memref<2x80xi32, #tpu.memory_space<vmem>>
    %dma_start3A_290 = arith.constant 0 : i32
    %dma_start3A_291 = tpu.memref_slice %arg3[%dma_start3A_290, %add3A_284] : memref<2x320000xi32, #tpu.memory_space<hbm>> -> memref<2x80xi32, #tpu.memory_space<hbm>>
    %dma_start3A_292 = arith.constant 0 : i32
    %dma_start3A_293 = arith.constant 0 : i32
    %dma_start3A_294 = tpu.memref_slice %arg10[%dma_start3A_285, %dma_start3A_292, %dma_start3A_293] : memref<5x2x80xi32, #tpu.memory_space<vmem>> -> memref<1x2x80xi32, #tpu.memory_space<vmem>>
    %dma_start3A_295 = tpu.memref_squeeze %dma_start3A_294 : memref<1x2x80xi32, #tpu.memory_space<vmem>> -> memref<2x80xi32, #tpu.memory_space<vmem>>
    %dma_start3A_296 = arith.constant 0 : i32
    %dma_start3A_297 = tpu.memref_slice %arg3[%dma_start3A_296, %add3A_284] : memref<2x320000xi32, #tpu.memory_space<hbm>> -> memref<2x80xi32, #tpu.memory_space<hbm>>
    tpu.enqueue_dma source(%dma_start3A_297 : memref<2x80xi32, #tpu.memory_space<hbm>>) target(%dma_start3A_295 : memref<2x80xi32, #tpu.memory_space<vmem>>) target_semaphore(%arg14 : memref<!tpu.dma_semaphore, #tpu.memory_space<semaphore_mem>>)
    %add3A_298 = arith.constant 240 : i32
    %add3A_299 = arith.addi %add3A_252, %add3A_298 : i32
    %dma_start3A_300 = arith.constant 3 : i32
    %dma_start3A_301 = arith.constant 0 : i32
    %dma_start3A_302 = arith.constant 0 : i32
    %dma_start3A_303 = tpu.memref_slice %arg10[%dma_start3A_300, %dma_start3A_301, %dma_start3A_302] : memref<5x2x80xi32, #tpu.memory_space<vmem>> -> memref<1x2x80xi32, #tpu.memory_space<vmem>>
    %dma_start3A_304 = tpu.memref_squeeze %dma_start3A_303 : memref<1x2x80xi32, #tpu.memory_space<vmem>> -> memref<2x80xi32, #tpu.memory_space<vmem>>
    %dma_start3A_305 = arith.constant 0 : i32
    %dma_start3A_306 = tpu.memref_slice %arg3[%dma_start3A_305, %add3A_299] : memref<2x320000xi32, #tpu.memory_space<hbm>> -> memref<2x80xi32, #tpu.memory_space<hbm>>
    %dma_start3A_307 = arith.constant 0 : i32
    %dma_start3A_308 = arith.constant 0 : i32
    %dma_start3A_309 = tpu.memref_slice %arg10[%dma_start3A_300, %dma_start3A_307, %dma_start3A_308] : memref<5x2x80xi32, #tpu.memory_space<vmem>> -> memref<1x2x80xi32, #tpu.memory_space<vmem>>
    %dma_start3A_310 = tpu.memref_squeeze %dma_start3A_309 : memref<1x2x80xi32, #tpu.memory_space<vmem>> -> memref<2x80xi32, #tpu.memory_space<vmem>>
    %dma_start3A_311 = arith.constant 0 : i32
    %dma_start3A_312 = tpu.memref_slice %arg3[%dma_start3A_311, %add3A_299] : memref<2x320000xi32, #tpu.memory_space<hbm>> -> memref<2x80xi32, #tpu.memory_space<hbm>>
    tpu.enqueue_dma source(%dma_start3A_312 : memref<2x80xi32, #tpu.memory_space<hbm>>) target(%dma_start3A_310 : memref<2x80xi32, #tpu.memory_space<vmem>>) target_semaphore(%arg14 : memref<!tpu.dma_semaphore, #tpu.memory_space<semaphore_mem>>)
    %add3A_313 = arith.constant 320 : i32
    %add3A_314 = arith.addi %add3A_252, %add3A_313 : i32
    %dma_start3A_315 = arith.constant 4 : i32
    %dma_start3A_316 = arith.constant 0 : i32
    %dma_start3A_317 = arith.constant 0 : i32
    %dma_start3A_318 = tpu.memref_slice %arg10[%dma_start3A_315, %dma_start3A_316, %dma_start3A_317] : memref<5x2x80xi32, #tpu.memory_space<vmem>> -> memref<1x2x80xi32, #tpu.memory_space<vmem>>
    %dma_start3A_319 = tpu.memref_squeeze %dma_start3A_318 : memref<1x2x80xi32, #tpu.memory_space<vmem>> -> memref<2x80xi32, #tpu.memory_space<vmem>>
    %dma_start3A_320 = arith.constant 0 : i32
    %dma_start3A_321 = tpu.memref_slice %arg3[%dma_start3A_320, %add3A_314] : memref<2x320000xi32, #tpu.memory_space<hbm>> -> memref<2x80xi32, #tpu.memory_space<hbm>>
    %dma_start3A_322 = arith.constant 0 : i32
    %dma_start3A_323 = arith.constant 0 : i32
    %dma_start3A_324 = tpu.memref_slice %arg10[%dma_start3A_315, %dma_start3A_322, %dma_start3A_323] : memref<5x2x80xi32, #tpu.memory_space<vmem>> -> memref<1x2x80xi32, #tpu.memory_space<vmem>>
    %dma_start3A_325 = tpu.memref_squeeze %dma_start3A_324 : memref<1x2x80xi32, #tpu.memory_space<vmem>> -> memref<2x80xi32, #tpu.memory_space<vmem>>
    %dma_start3A_326 = arith.constant 0 : i32
    %dma_start3A_327 = tpu.memref_slice %arg3[%dma_start3A_326, %add3A_314] : memref<2x320000xi32, #tpu.memory_space<hbm>> -> memref<2x80xi32, #tpu.memory_space<hbm>>
    tpu.enqueue_dma source(%dma_start3A_327 : memref<2x80xi32, #tpu.memory_space<hbm>>) target(%dma_start3A_325 : memref<2x80xi32, #tpu.memory_space<vmem>>) target_semaphore(%arg14 : memref<!tpu.dma_semaphore, #tpu.memory_space<semaphore_mem>>)
    %scan3A = arith.constant 0 : i32
    %scan3A_328 = arith.constant 0 : i32
    %scan3A_329 = arith.constant 12 : i32
    %scan3A_330 = arith.addi %scan3A_328, %scan3A_329 : i32
    %scan3A_331 = arith.constant 1 : i32
    scf.for %scan3A_594 = %scan3A_328 to %scan3A_330 step %scan3A_331  : i32 {
      %mul3A_595 = arith.constant 2 : i32
      %mul3A_596 = arith.muli %mul3A_595, %scan3A_594 : i32
      %dma_wait3A_597 = arith.constant 0 : i32
      %dma_wait3A_598 = arith.constant 0 : i32
      %dma_wait3A_599 = arith.constant 0 : i32
      %dma_wait3A_600 = arith.constant 0 : i32
      %dma_wait3A_601 = tpu.memref_slice %arg11[%dma_wait3A_599, %dma_wait3A_600] : memref<400x64xf32, #tpu.memory_space<vmem>> -> memref<80x64xf32, #tpu.memory_space<vmem>>
      %dma_wait3A_602 = arith.constant 0 : i32
      %dma_wait3A_603 = tpu.memref_slice %arg9[%dma_wait3A_597, %dma_wait3A_598, %dma_wait3A_602] : memref<5x2x80xi32, #tpu.memory_space<vmem>> -> memref<1x1x80xi32, #tpu.memory_space<vmem>>
      %dma_wait3A_604 = tpu.memref_squeeze %dma_wait3A_603 : memref<1x1x80xi32, #tpu.memory_space<vmem>> -> memref<80xi32, #tpu.memory_space<vmem>>
      %dma_wait3A_605 = arith.constant 0 : i32
      %dma_wait3A_606 = arith.constant 0 : i32
      %dma_wait3A_607 = tpu.memref_slice %arg2[%dma_wait3A_605, %dma_wait3A_606] : memref<10000x64xf32, #tpu.memory_space<hbm>> -> memref<10000x64xf32, #tpu.memory_space<hbm>>
      tpu.wait_indirect_dma semaphore(%arg15 : memref<!tpu.dma_semaphore, #tpu.memory_space<semaphore_mem>>) src(%dma_wait3A_607 : memref<10000x64xf32, #tpu.memory_space<hbm>>) dst(%dma_wait3A_601 : memref<80x64xf32, #tpu.memory_space<vmem>>)
      %dma_wait3A_608 = arith.constant 1 : i32
      %dma_wait3A_609 = arith.constant 0 : i32
      %dma_wait3A_610 = arith.constant 80 : i32
      %dma_wait3A_611 = arith.constant 0 : i32
      %dma_wait3A_612 = tpu.memref_slice %arg11[%dma_wait3A_610, %dma_wait3A_611] : memref<400x64xf32, #tpu.memory_space<vmem>> -> memref<80x64xf32, #tpu.memory_space<vmem>>
      %dma_wait3A_613 = arith.constant 0 : i32
      %dma_wait3A_614 = tpu.memref_slice %arg9[%dma_wait3A_608, %dma_wait3A_609, %dma_wait3A_613] : memref<5x2x80xi32, #tpu.memory_space<vmem>> -> memref<1x1x80xi32, #tpu.memory_space<vmem>>
      %dma_wait3A_615 = tpu.memref_squeeze %dma_wait3A_614 : memref<1x1x80xi32, #tpu.memory_space<vmem>> -> memref<80xi32, #tpu.memory_space<vmem>>
      %dma_wait3A_616 = arith.constant 0 : i32
      %dma_wait3A_617 = arith.constant 0 : i32
      %dma_wait3A_618 = tpu.memref_slice %arg2[%dma_wait3A_616, %dma_wait3A_617] : memref<10000x64xf32, #tpu.memory_space<hbm>> -> memref<10000x64xf32, #tpu.memory_space<hbm>>
      tpu.wait_indirect_dma semaphore(%arg15 : memref<!tpu.dma_semaphore, #tpu.memory_space<semaphore_mem>>) src(%dma_wait3A_618 : memref<10000x64xf32, #tpu.memory_space<hbm>>) dst(%dma_wait3A_612 : memref<80x64xf32, #tpu.memory_space<vmem>>)
      %dma_wait3A_619 = arith.constant 2 : i32
      %dma_wait3A_620 = arith.constant 0 : i32
      %dma_wait3A_621 = arith.constant 160 : i32
      %dma_wait3A_622 = arith.constant 0 : i32
      %dma_wait3A_623 = tpu.memref_slice %arg11[%dma_wait3A_621, %dma_wait3A_622] : memref<400x64xf32, #tpu.memory_space<vmem>> -> memref<80x64xf32, #tpu.memory_space<vmem>>
      %dma_wait3A_624 = arith.constant 0 : i32
      %dma_wait3A_625 = tpu.memref_slice %arg9[%dma_wait3A_619, %dma_wait3A_620, %dma_wait3A_624] : memref<5x2x80xi32, #tpu.memory_space<vmem>> -> memref<1x1x80xi32, #tpu.memory_space<vmem>>
      %dma_wait3A_626 = tpu.memref_squeeze %dma_wait3A_625 : memref<1x1x80xi32, #tpu.memory_space<vmem>> -> memref<80xi32, #tpu.memory_space<vmem>>
      %dma_wait3A_627 = arith.constant 0 : i32
      %dma_wait3A_628 = arith.constant 0 : i32
      %dma_wait3A_629 = tpu.memref_slice %arg2[%dma_wait3A_627, %dma_wait3A_628] : memref<10000x64xf32, #tpu.memory_space<hbm>> -> memref<10000x64xf32, #tpu.memory_space<hbm>>
      tpu.wait_indirect_dma semaphore(%arg15 : memref<!tpu.dma_semaphore, #tpu.memory_space<semaphore_mem>>) src(%dma_wait3A_629 : memref<10000x64xf32, #tpu.memory_space<hbm>>) dst(%dma_wait3A_623 : memref<80x64xf32, #tpu.memory_space<vmem>>)
      %dma_wait3A_630 = arith.constant 3 : i32
      %dma_wait3A_631 = arith.constant 0 : i32
      %dma_wait3A_632 = arith.constant 240 : i32
      %dma_wait3A_633 = arith.constant 0 : i32
      %dma_wait3A_634 = tpu.memref_slice %arg11[%dma_wait3A_632, %dma_wait3A_633] : memref<400x64xf32, #tpu.memory_space<vmem>> -> memref<80x64xf32, #tpu.memory_space<vmem>>
      %dma_wait3A_635 = arith.constant 0 : i32
      %dma_wait3A_636 = tpu.memref_slice %arg9[%dma_wait3A_630, %dma_wait3A_631, %dma_wait3A_635] : memref<5x2x80xi32, #tpu.memory_space<vmem>> -> memref<1x1x80xi32, #tpu.memory_space<vmem>>
      %dma_wait3A_637 = tpu.memref_squeeze %dma_wait3A_636 : memref<1x1x80xi32, #tpu.memory_space<vmem>> -> memref<80xi32, #tpu.memory_space<vmem>>
      %dma_wait3A_638 = arith.constant 0 : i32
      %dma_wait3A_639 = arith.constant 0 : i32
      %dma_wait3A_640 = tpu.memref_slice %arg2[%dma_wait3A_638, %dma_wait3A_639] : memref<10000x64xf32, #tpu.memory_space<hbm>> -> memref<10000x64xf32, #tpu.memory_space<hbm>>
      tpu.wait_indirect_dma semaphore(%arg15 : memref<!tpu.dma_semaphore, #tpu.memory_space<semaphore_mem>>) src(%dma_wait3A_640 : memref<10000x64xf32, #tpu.memory_space<hbm>>) dst(%dma_wait3A_634 : memref<80x64xf32, #tpu.memory_space<vmem>>)
      %dma_wait3A_641 = arith.constant 4 : i32
      %dma_wait3A_642 = arith.constant 0 : i32
      %dma_wait3A_643 = arith.constant 320 : i32
      %dma_wait3A_644 = arith.constant 0 : i32
      %dma_wait3A_645 = tpu.memref_slice %arg11[%dma_wait3A_643, %dma_wait3A_644] : memref<400x64xf32, #tpu.memory_space<vmem>> -> memref<80x64xf32, #tpu.memory_space<vmem>>
      %dma_wait3A_646 = arith.constant 0 : i32
      %dma_wait3A_647 = tpu.memref_slice %arg9[%dma_wait3A_641, %dma_wait3A_642, %dma_wait3A_646] : memref<5x2x80xi32, #tpu.memory_space<vmem>> -> memref<1x1x80xi32, #tpu.memory_space<vmem>>
      %dma_wait3A_648 = tpu.memref_squeeze %dma_wait3A_647 : memref<1x1x80xi32, #tpu.memory_space<vmem>> -> memref<80xi32, #tpu.memory_space<vmem>>
      %dma_wait3A_649 = arith.constant 0 : i32
      %dma_wait3A_650 = arith.constant 0 : i32
      %dma_wait3A_651 = tpu.memref_slice %arg2[%dma_wait3A_649, %dma_wait3A_650] : memref<10000x64xf32, #tpu.memory_space<hbm>> -> memref<10000x64xf32, #tpu.memory_space<hbm>>
      tpu.wait_indirect_dma semaphore(%arg15 : memref<!tpu.dma_semaphore, #tpu.memory_space<semaphore_mem>>) src(%dma_wait3A_651 : memref<10000x64xf32, #tpu.memory_space<hbm>>) dst(%dma_wait3A_645 : memref<80x64xf32, #tpu.memory_space<vmem>>)
      %dma_start3A_652 = arith.constant 0 : i32
      %dma_start3A_653 = arith.constant 1 : i32
      %dma_start3A_654 = arith.constant 0 : i32
      %dma_start3A_655 = arith.constant 0 : i32
      %dma_start3A_656 = tpu.memref_slice %arg11[%dma_start3A_654, %dma_start3A_655] : memref<400x64xf32, #tpu.memory_space<vmem>> -> memref<80x64xf32, #tpu.memory_space<vmem>>
      %dma_start3A_657 = arith.constant 0 : i32
      %dma_start3A_658 = tpu.memref_slice %arg9[%dma_start3A_652, %dma_start3A_653, %dma_start3A_657] : memref<5x2x80xi32, #tpu.memory_space<vmem>> -> memref<1x1x80xi32, #tpu.memory_space<vmem>>
      %dma_start3A_659 = tpu.memref_squeeze %dma_start3A_658 : memref<1x1x80xi32, #tpu.memory_space<vmem>> -> memref<80xi32, #tpu.memory_space<vmem>>
      %dma_start3A_660 = arith.constant 0 : i32
      %dma_start3A_661 = arith.constant 0 : i32
      %dma_start3A_662 = tpu.memref_slice %arg19[%dma_start3A_660, %dma_start3A_661] : memref<10000x64xf32, #tpu.memory_space<vmem_shared>> -> memref<10000x64xf32, #tpu.memory_space<vmem_shared>>
      tpu.enqueue_indirect_dma source(%dma_start3A_656 : memref<80x64xf32, #tpu.memory_space<vmem>>) target(%dma_start3A_662 : memref<10000x64xf32, #tpu.memory_space<vmem_shared>>) offsets(%dma_start3A_659 : memref<80xi32, #tpu.memory_space<vmem>>) semaphore(%arg17 : memref<!tpu.dma_semaphore, #tpu.memory_space<semaphore_mem>>) {add = true}
      %dma_start3A_663 = arith.constant 1 : i32
      %dma_start3A_664 = arith.constant 1 : i32
      %dma_start3A_665 = arith.constant 80 : i32
      %dma_start3A_666 = arith.constant 0 : i32
      %dma_start3A_667 = tpu.memref_slice %arg11[%dma_start3A_665, %dma_start3A_666] : memref<400x64xf32, #tpu.memory_space<vmem>> -> memref<80x64xf32, #tpu.memory_space<vmem>>
      %dma_start3A_668 = arith.constant 0 : i32
      %dma_start3A_669 = tpu.memref_slice %arg9[%dma_start3A_663, %dma_start3A_664, %dma_start3A_668] : memref<5x2x80xi32, #tpu.memory_space<vmem>> -> memref<1x1x80xi32, #tpu.memory_space<vmem>>
      %dma_start3A_670 = tpu.memref_squeeze %dma_start3A_669 : memref<1x1x80xi32, #tpu.memory_space<vmem>> -> memref<80xi32, #tpu.memory_space<vmem>>
      %dma_start3A_671 = arith.constant 0 : i32
      %dma_start3A_672 = arith.constant 0 : i32
      %dma_start3A_673 = tpu.memref_slice %arg19[%dma_start3A_671, %dma_start3A_672] : memref<10000x64xf32, #tpu.memory_space<vmem_shared>> -> memref<10000x64xf32, #tpu.memory_space<vmem_shared>>
      tpu.enqueue_indirect_dma source(%dma_start3A_667 : memref<80x64xf32, #tpu.memory_space<vmem>>) target(%dma_start3A_673 : memref<10000x64xf32, #tpu.memory_space<vmem_shared>>) offsets(%dma_start3A_670 : memref<80xi32, #tpu.memory_space<vmem>>) semaphore(%arg17 : memref<!tpu.dma_semaphore, #tpu.memory_space<semaphore_mem>>) {add = true}
      %dma_start3A_674 = arith.constant 2 : i32
      %dma_start3A_675 = arith.constant 1 : i32
      %dma_start3A_676 = arith.constant 160 : i32
      %dma_start3A_677 = arith.constant 0 : i32
      %dma_start3A_678 = tpu.memref_slice %arg11[%dma_start3A_676, %dma_start3A_677] : memref<400x64xf32, #tpu.memory_space<vmem>> -> memref<80x64xf32, #tpu.memory_space<vmem>>
      %dma_start3A_679 = arith.constant 0 : i32
      %dma_start3A_680 = tpu.memref_slice %arg9[%dma_start3A_674, %dma_start3A_675, %dma_start3A_679] : memref<5x2x80xi32, #tpu.memory_space<vmem>> -> memref<1x1x80xi32, #tpu.memory_space<vmem>>
      %dma_start3A_681 = tpu.memref_squeeze %dma_start3A_680 : memref<1x1x80xi32, #tpu.memory_space<vmem>> -> memref<80xi32, #tpu.memory_space<vmem>>
      %dma_start3A_682 = arith.constant 0 : i32
      %dma_start3A_683 = arith.constant 0 : i32
      %dma_start3A_684 = tpu.memref_slice %arg19[%dma_start3A_682, %dma_start3A_683] : memref<10000x64xf32, #tpu.memory_space<vmem_shared>> -> memref<10000x64xf32, #tpu.memory_space<vmem_shared>>
      tpu.enqueue_indirect_dma source(%dma_start3A_678 : memref<80x64xf32, #tpu.memory_space<vmem>>) target(%dma_start3A_684 : memref<10000x64xf32, #tpu.memory_space<vmem_shared>>) offsets(%dma_start3A_681 : memref<80xi32, #tpu.memory_space<vmem>>) semaphore(%arg17 : memref<!tpu.dma_semaphore, #tpu.memory_space<semaphore_mem>>) {add = true}
      %dma_start3A_685 = arith.constant 3 : i32
      %dma_start3A_686 = arith.constant 1 : i32
      %dma_start3A_687 = arith.constant 240 : i32
      %dma_start3A_688 = arith.constant 0 : i32
      %dma_start3A_689 = tpu.memref_slice %arg11[%dma_start3A_687, %dma_start3A_688] : memref<400x64xf32, #tpu.memory_space<vmem>> -> memref<80x64xf32, #tpu.memory_space<vmem>>
      %dma_start3A_690 = arith.constant 0 : i32
      %dma_start3A_691 = tpu.memref_slice %arg9[%dma_start3A_685, %dma_start3A_686, %dma_start3A_690] : memref<5x2x80xi32, #tpu.memory_space<vmem>> -> memref<1x1x80xi32, #tpu.memory_space<vmem>>
      %dma_start3A_692 = tpu.memref_squeeze %dma_start3A_691 : memref<1x1x80xi32, #tpu.memory_space<vmem>> -> memref<80xi32, #tpu.memory_space<vmem>>
      %dma_start3A_693 = arith.constant 0 : i32
      %dma_start3A_694 = arith.constant 0 : i32
      %dma_start3A_695 = tpu.memref_slice %arg19[%dma_start3A_693, %dma_start3A_694] : memref<10000x64xf32, #tpu.memory_space<vmem_shared>> -> memref<10000x64xf32, #tpu.memory_space<vmem_shared>>
      tpu.enqueue_indirect_dma source(%dma_start3A_689 : memref<80x64xf32, #tpu.memory_space<vmem>>) target(%dma_start3A_695 : memref<10000x64xf32, #tpu.memory_space<vmem_shared>>) offsets(%dma_start3A_692 : memref<80xi32, #tpu.memory_space<vmem>>) semaphore(%arg17 : memref<!tpu.dma_semaphore, #tpu.memory_space<semaphore_mem>>) {add = true}
      %dma_start3A_696 = arith.constant 4 : i32
      %dma_start3A_697 = arith.constant 1 : i32
      %dma_start3A_698 = arith.constant 320 : i32
      %dma_start3A_699 = arith.constant 0 : i32
      %dma_start3A_700 = tpu.memref_slice %arg11[%dma_start3A_698, %dma_start3A_699] : memref<400x64xf32, #tpu.memory_space<vmem>> -> memref<80x64xf32, #tpu.memory_space<vmem>>
      %dma_start3A_701 = arith.constant 0 : i32
      %dma_start3A_702 = tpu.memref_slice %arg9[%dma_start3A_696, %dma_start3A_697, %dma_start3A_701] : memref<5x2x80xi32, #tpu.memory_space<vmem>> -> memref<1x1x80xi32, #tpu.memory_space<vmem>>
      %dma_start3A_703 = tpu.memref_squeeze %dma_start3A_702 : memref<1x1x80xi32, #tpu.memory_space<vmem>> -> memref<80xi32, #tpu.memory_space<vmem>>
      %dma_start3A_704 = arith.constant 0 : i32
      %dma_start3A_705 = arith.constant 0 : i32
      %dma_start3A_706 = tpu.memref_slice %arg19[%dma_start3A_704, %dma_start3A_705] : memref<10000x64xf32, #tpu.memory_space<vmem_shared>> -> memref<10000x64xf32, #tpu.memory_space<vmem_shared>>
      tpu.enqueue_indirect_dma source(%dma_start3A_700 : memref<80x64xf32, #tpu.memory_space<vmem>>) target(%dma_start3A_706 : memref<10000x64xf32, #tpu.memory_space<vmem_shared>>) offsets(%dma_start3A_703 : memref<80xi32, #tpu.memory_space<vmem>>) semaphore(%arg17 : memref<!tpu.dma_semaphore, #tpu.memory_space<semaphore_mem>>) {add = true}
      %dma_start3A_707 = arith.constant 0 : i32
      %dma_start3A_708 = arith.constant 1 : i32
      %dma_start3A_709 = arith.constant 0 : i32
      %dma_start3A_710 = tpu.memref_slice %arg9[%dma_start3A_707, %dma_start3A_708, %dma_start3A_709] : memref<5x2x80xi32, #tpu.memory_space<vmem>> -> memref<1x1x80xi32, #tpu.memory_space<vmem>>
      %dma_start3A_711 = tpu.memref_squeeze %dma_start3A_710 : memref<1x1x80xi32, #tpu.memory_space<vmem>> -> memref<80xi32, #tpu.memory_space<vmem>>
      %dma_start3A_712 = arith.constant 0 : i32
      %dma_start3A_713 = tpu.memref_slice %arg20[%dma_start3A_712] : memref<10000xf32, #tpu.memory_space<vmem_shared>> -> memref<10000xf32, #tpu.memory_space<vmem_shared>>
      tpu.enqueue_indirect_dma source(%arg21 : memref<80xf32, #tpu.memory_space<vmem>>) target(%dma_start3A_713 : memref<10000xf32, #tpu.memory_space<vmem_shared>>) offsets(%dma_start3A_711 : memref<80xi32, #tpu.memory_space<vmem>>) semaphore(%arg17 : memref<!tpu.dma_semaphore, #tpu.memory_space<semaphore_mem>>) {add = true}
      %dma_start3A_714 = arith.constant 1 : i32
      %dma_start3A_715 = arith.constant 1 : i32
      %dma_start3A_716 = arith.constant 0 : i32
      %dma_start3A_717 = tpu.memref_slice %arg9[%dma_start3A_714, %dma_start3A_715, %dma_start3A_716] : memref<5x2x80xi32, #tpu.memory_space<vmem>> -> memref<1x1x80xi32, #tpu.memory_space<vmem>>
      %dma_start3A_718 = tpu.memref_squeeze %dma_start3A_717 : memref<1x1x80xi32, #tpu.memory_space<vmem>> -> memref<80xi32, #tpu.memory_space<vmem>>
      %dma_start3A_719 = arith.constant 0 : i32
      %dma_start3A_720 = tpu.memref_slice %arg20[%dma_start3A_719] : memref<10000xf32, #tpu.memory_space<vmem_shared>> -> memref<10000xf32, #tpu.memory_space<vmem_shared>>
      tpu.enqueue_indirect_dma source(%arg21 : memref<80xf32, #tpu.memory_space<vmem>>) target(%dma_start3A_720 : memref<10000xf32, #tpu.memory_space<vmem_shared>>) offsets(%dma_start3A_718 : memref<80xi32, #tpu.memory_space<vmem>>) semaphore(%arg17 : memref<!tpu.dma_semaphore, #tpu.memory_space<semaphore_mem>>) {add = true}
      %dma_start3A_721 = arith.constant 2 : i32
      %dma_start3A_722 = arith.constant 1 : i32
      %dma_start3A_723 = arith.constant 0 : i32
      %dma_start3A_724 = tpu.memref_slice %arg9[%dma_start3A_721, %dma_start3A_722, %dma_start3A_723] : memref<5x2x80xi32, #tpu.memory_space<vmem>> -> memref<1x1x80xi32, #tpu.memory_space<vmem>>
      %dma_start3A_725 = tpu.memref_squeeze %dma_start3A_724 : memref<1x1x80xi32, #tpu.memory_space<vmem>> -> memref<80xi32, #tpu.memory_space<vmem>>
      %dma_start3A_726 = arith.constant 0 : i32
      %dma_start3A_727 = tpu.memref_slice %arg20[%dma_start3A_726] : memref<10000xf32, #tpu.memory_space<vmem_shared>> -> memref<10000xf32, #tpu.memory_space<vmem_shared>>
      tpu.enqueue_indirect_dma source(%arg21 : memref<80xf32, #tpu.memory_space<vmem>>) target(%dma_start3A_727 : memref<10000xf32, #tpu.memory_space<vmem_shared>>) offsets(%dma_start3A_725 : memref<80xi32, #tpu.memory_space<vmem>>) semaphore(%arg17 : memref<!tpu.dma_semaphore, #tpu.memory_space<semaphore_mem>>) {add = true}
      %dma_start3A_728 = arith.constant 3 : i32
      %dma_start3A_729 = arith.constant 1 : i32
      %dma_start3A_730 = arith.constant 0 : i32
      %dma_start3A_731 = tpu.memref_slice %arg9[%dma_start3A_728, %dma_start3A_729, %dma_start3A_730] : memref<5x2x80xi32, #tpu.memory_space<vmem>> -> memref<1x1x80xi32, #tpu.memory_space<vmem>>
      %dma_start3A_732 = tpu.memref_squeeze %dma_start3A_731 : memref<1x1x80xi32, #tpu.memory_space<vmem>> -> memref<80xi32, #tpu.memory_space<vmem>>
      %dma_start3A_733 = arith.constant 0 : i32
      %dma_start3A_734 = tpu.memref_slice %arg20[%dma_start3A_733] : memref<10000xf32, #tpu.memory_space<vmem_shared>> -> memref<10000xf32, #tpu.memory_space<vmem_shared>>
      tpu.enqueue_indirect_dma source(%arg21 : memref<80xf32, #tpu.memory_space<vmem>>) target(%dma_start3A_734 : memref<10000xf32, #tpu.memory_space<vmem_shared>>) offsets(%dma_start3A_732 : memref<80xi32, #tpu.memory_space<vmem>>) semaphore(%arg17 : memref<!tpu.dma_semaphore, #tpu.memory_space<semaphore_mem>>) {add = true}
      %dma_start3A_735 = arith.constant 4 : i32
      %dma_start3A_736 = arith.constant 1 : i32
      %dma_start3A_737 = arith.constant 0 : i32
      %dma_start3A_738 = tpu.memref_slice %arg9[%dma_start3A_735, %dma_start3A_736, %dma_start3A_737] : memref<5x2x80xi32, #tpu.memory_space<vmem>> -> memref<1x1x80xi32, #tpu.memory_space<vmem>>
      %dma_start3A_739 = tpu.memref_squeeze %dma_start3A_738 : memref<1x1x80xi32, #tpu.memory_space<vmem>> -> memref<80xi32, #tpu.memory_space<vmem>>
      %dma_start3A_740 = arith.constant 0 : i32
      %dma_start3A_741 = tpu.memref_slice %arg20[%dma_start3A_740] : memref<10000xf32, #tpu.memory_space<vmem_shared>> -> memref<10000xf32, #tpu.memory_space<vmem_shared>>
      tpu.enqueue_indirect_dma source(%arg21 : memref<80xf32, #tpu.memory_space<vmem>>) target(%dma_start3A_741 : memref<10000xf32, #tpu.memory_space<vmem_shared>>) offsets(%dma_start3A_739 : memref<80xi32, #tpu.memory_space<vmem>>) semaphore(%arg17 : memref<!tpu.dma_semaphore, #tpu.memory_space<semaphore_mem>>) {add = true}
      %dma_wait3A_742 = arith.constant 0 : i32
      %dma_wait3A_743 = arith.constant 1 : i32
      %dma_wait3A_744 = arith.constant 0 : i32
      %dma_wait3A_745 = arith.constant 0 : i32
      %dma_wait3A_746 = tpu.memref_slice %arg11[%dma_wait3A_744, %dma_wait3A_745] : memref<400x64xf32, #tpu.memory_space<vmem>> -> memref<80x64xf32, #tpu.memory_space<vmem>>
      %dma_wait3A_747 = arith.constant 0 : i32
      %dma_wait3A_748 = tpu.memref_slice %arg9[%dma_wait3A_742, %dma_wait3A_743, %dma_wait3A_747] : memref<5x2x80xi32, #tpu.memory_space<vmem>> -> memref<1x1x80xi32, #tpu.memory_space<vmem>>
      %dma_wait3A_749 = tpu.memref_squeeze %dma_wait3A_748 : memref<1x1x80xi32, #tpu.memory_space<vmem>> -> memref<80xi32, #tpu.memory_space<vmem>>
      %dma_wait3A_750 = arith.constant 0 : i32
      %dma_wait3A_751 = arith.constant 0 : i32
      %dma_wait3A_752 = tpu.memref_slice %arg19[%dma_wait3A_750, %dma_wait3A_751] : memref<10000x64xf32, #tpu.memory_space<vmem_shared>> -> memref<10000x64xf32, #tpu.memory_space<vmem_shared>>
      tpu.wait_indirect_dma semaphore(%arg17 : memref<!tpu.dma_semaphore, #tpu.memory_space<semaphore_mem>>) src(%dma_wait3A_746 : memref<80x64xf32, #tpu.memory_space<vmem>>) dst(%dma_wait3A_752 : memref<10000x64xf32, #tpu.memory_space<vmem_shared>>)
      %dma_wait3A_753 = arith.constant 1 : i32
      %dma_wait3A_754 = arith.constant 1 : i32
      %dma_wait3A_755 = arith.constant 80 : i32
      %dma_wait3A_756 = arith.constant 0 : i32
      %dma_wait3A_757 = tpu.memref_slice %arg11[%dma_wait3A_755, %dma_wait3A_756] : memref<400x64xf32, #tpu.memory_space<vmem>> -> memref<80x64xf32, #tpu.memory_space<vmem>>
      %dma_wait3A_758 = arith.constant 0 : i32
      %dma_wait3A_759 = tpu.memref_slice %arg9[%dma_wait3A_753, %dma_wait3A_754, %dma_wait3A_758] : memref<5x2x80xi32, #tpu.memory_space<vmem>> -> memref<1x1x80xi32, #tpu.memory_space<vmem>>
      %dma_wait3A_760 = tpu.memref_squeeze %dma_wait3A_759 : memref<1x1x80xi32, #tpu.memory_space<vmem>> -> memref<80xi32, #tpu.memory_space<vmem>>
      %dma_wait3A_761 = arith.constant 0 : i32
      %dma_wait3A_762 = arith.constant 0 : i32
      %dma_wait3A_763 = tpu.memref_slice %arg19[%dma_wait3A_761, %dma_wait3A_762] : memref<10000x64xf32, #tpu.memory_space<vmem_shared>> -> memref<10000x64xf32, #tpu.memory_space<vmem_shared>>
      tpu.wait_indirect_dma semaphore(%arg17 : memref<!tpu.dma_semaphore, #tpu.memory_space<semaphore_mem>>) src(%dma_wait3A_757 : memref<80x64xf32, #tpu.memory_space<vmem>>) dst(%dma_wait3A_763 : memref<10000x64xf32, #tpu.memory_space<vmem_shared>>)
      %dma_wait3A_764 = arith.constant 2 : i32
      %dma_wait3A_765 = arith.constant 1 : i32
      %dma_wait3A_766 = arith.constant 160 : i32
      %dma_wait3A_767 = arith.constant 0 : i32
      %dma_wait3A_768 = tpu.memref_slice %arg11[%dma_wait3A_766, %dma_wait3A_767] : memref<400x64xf32, #tpu.memory_space<vmem>> -> memref<80x64xf32, #tpu.memory_space<vmem>>
      %dma_wait3A_769 = arith.constant 0 : i32
      %dma_wait3A_770 = tpu.memref_slice %arg9[%dma_wait3A_764, %dma_wait3A_765, %dma_wait3A_769] : memref<5x2x80xi32, #tpu.memory_space<vmem>> -> memref<1x1x80xi32, #tpu.memory_space<vmem>>
      %dma_wait3A_771 = tpu.memref_squeeze %dma_wait3A_770 : memref<1x1x80xi32, #tpu.memory_space<vmem>> -> memref<80xi32, #tpu.memory_space<vmem>>
      %dma_wait3A_772 = arith.constant 0 : i32
      %dma_wait3A_773 = arith.constant 0 : i32
      %dma_wait3A_774 = tpu.memref_slice %arg19[%dma_wait3A_772, %dma_wait3A_773] : memref<10000x64xf32, #tpu.memory_space<vmem_shared>> -> memref<10000x64xf32, #tpu.memory_space<vmem_shared>>
      tpu.wait_indirect_dma semaphore(%arg17 : memref<!tpu.dma_semaphore, #tpu.memory_space<semaphore_mem>>) src(%dma_wait3A_768 : memref<80x64xf32, #tpu.memory_space<vmem>>) dst(%dma_wait3A_774 : memref<10000x64xf32, #tpu.memory_space<vmem_shared>>)
      %dma_wait3A_775 = arith.constant 3 : i32
      %dma_wait3A_776 = arith.constant 1 : i32
      %dma_wait3A_777 = arith.constant 240 : i32
      %dma_wait3A_778 = arith.constant 0 : i32
      %dma_wait3A_779 = tpu.memref_slice %arg11[%dma_wait3A_777, %dma_wait3A_778] : memref<400x64xf32, #tpu.memory_space<vmem>> -> memref<80x64xf32, #tpu.memory_space<vmem>>
      %dma_wait3A_780 = arith.constant 0 : i32
      %dma_wait3A_781 = tpu.memref_slice %arg9[%dma_wait3A_775, %dma_wait3A_776, %dma_wait3A_780] : memref<5x2x80xi32, #tpu.memory_space<vmem>> -> memref<1x1x80xi32, #tpu.memory_space<vmem>>
      %dma_wait3A_782 = tpu.memref_squeeze %dma_wait3A_781 : memref<1x1x80xi32, #tpu.memory_space<vmem>> -> memref<80xi32, #tpu.memory_space<vmem>>
      %dma_wait3A_783 = arith.constant 0 : i32
      %dma_wait3A_784 = arith.constant 0 : i32
      %dma_wait3A_785 = tpu.memref_slice %arg19[%dma_wait3A_783, %dma_wait3A_784] : memref<10000x64xf32, #tpu.memory_space<vmem_shared>> -> memref<10000x64xf32, #tpu.memory_space<vmem_shared>>
      tpu.wait_indirect_dma semaphore(%arg17 : memref<!tpu.dma_semaphore, #tpu.memory_space<semaphore_mem>>) src(%dma_wait3A_779 : memref<80x64xf32, #tpu.memory_space<vmem>>) dst(%dma_wait3A_785 : memref<10000x64xf32, #tpu.memory_space<vmem_shared>>)
      %dma_wait3A_786 = arith.constant 4 : i32
      %dma_wait3A_787 = arith.constant 1 : i32
      %dma_wait3A_788 = arith.constant 320 : i32
      %dma_wait3A_789 = arith.constant 0 : i32
      %dma_wait3A_790 = tpu.memref_slice %arg11[%dma_wait3A_788, %dma_wait3A_789] : memref<400x64xf32, #tpu.memory_space<vmem>> -> memref<80x64xf32, #tpu.memory_space<vmem>>
      %dma_wait3A_791 = arith.constant 0 : i32
      %dma_wait3A_792 = tpu.memref_slice %arg9[%dma_wait3A_786, %dma_wait3A_787, %dma_wait3A_791] : memref<5x2x80xi32, #tpu.memory_space<vmem>> -> memref<1x1x80xi32, #tpu.memory_space<vmem>>
      %dma_wait3A_793 = tpu.memref_squeeze %dma_wait3A_792 : memref<1x1x80xi32, #tpu.memory_space<vmem>> -> memref<80xi32, #tpu.memory_space<vmem>>
      %dma_wait3A_794 = arith.constant 0 : i32
      %dma_wait3A_795 = arith.constant 0 : i32
      %dma_wait3A_796 = tpu.memref_slice %arg19[%dma_wait3A_794, %dma_wait3A_795] : memref<10000x64xf32, #tpu.memory_space<vmem_shared>> -> memref<10000x64xf32, #tpu.memory_space<vmem_shared>>
      tpu.wait_indirect_dma semaphore(%arg17 : memref<!tpu.dma_semaphore, #tpu.memory_space<semaphore_mem>>) src(%dma_wait3A_790 : memref<80x64xf32, #tpu.memory_space<vmem>>) dst(%dma_wait3A_796 : memref<10000x64xf32, #tpu.memory_space<vmem_shared>>)
      %dma_wait3A_797 = arith.constant 0 : i32
      %dma_wait3A_798 = arith.constant 1 : i32
      %dma_wait3A_799 = arith.constant 0 : i32
      %dma_wait3A_800 = tpu.memref_slice %arg9[%dma_wait3A_797, %dma_wait3A_798, %dma_wait3A_799] : memref<5x2x80xi32, #tpu.memory_space<vmem>> -> memref<1x1x80xi32, #tpu.memory_space<vmem>>
      %dma_wait3A_801 = tpu.memref_squeeze %dma_wait3A_800 : memref<1x1x80xi32, #tpu.memory_space<vmem>> -> memref<80xi32, #tpu.memory_space<vmem>>
      %dma_wait3A_802 = arith.constant 0 : i32
      %dma_wait3A_803 = tpu.memref_slice %arg20[%dma_wait3A_802] : memref<10000xf32, #tpu.memory_space<vmem_shared>> -> memref<10000xf32, #tpu.memory_space<vmem_shared>>
      tpu.wait_indirect_dma semaphore(%arg17 : memref<!tpu.dma_semaphore, #tpu.memory_space<semaphore_mem>>) src(%arg21 : memref<80xf32, #tpu.memory_space<vmem>>) dst(%dma_wait3A_803 : memref<10000xf32, #tpu.memory_space<vmem_shared>>)
      %dma_wait3A_804 = arith.constant 1 : i32
      %dma_wait3A_805 = arith.constant 1 : i32
      %dma_wait3A_806 = arith.constant 0 : i32
      %dma_wait3A_807 = tpu.memref_slice %arg9[%dma_wait3A_804, %dma_wait3A_805, %dma_wait3A_806] : memref<5x2x80xi32, #tpu.memory_space<vmem>> -> memref<1x1x80xi32, #tpu.memory_space<vmem>>
      %dma_wait3A_808 = tpu.memref_squeeze %dma_wait3A_807 : memref<1x1x80xi32, #tpu.memory_space<vmem>> -> memref<80xi32, #tpu.memory_space<vmem>>
      %dma_wait3A_809 = arith.constant 0 : i32
      %dma_wait3A_810 = tpu.memref_slice %arg20[%dma_wait3A_809] : memref<10000xf32, #tpu.memory_space<vmem_shared>> -> memref<10000xf32, #tpu.memory_space<vmem_shared>>
      tpu.wait_indirect_dma semaphore(%arg17 : memref<!tpu.dma_semaphore, #tpu.memory_space<semaphore_mem>>) src(%arg21 : memref<80xf32, #tpu.memory_space<vmem>>) dst(%dma_wait3A_810 : memref<10000xf32, #tpu.memory_space<vmem_shared>>)
      %dma_wait3A_811 = arith.constant 2 : i32
      %dma_wait3A_812 = arith.constant 1 : i32
      %dma_wait3A_813 = arith.constant 0 : i32
      %dma_wait3A_814 = tpu.memref_slice %arg9[%dma_wait3A_811, %dma_wait3A_812, %dma_wait3A_813] : memref<5x2x80xi32, #tpu.memory_space<vmem>> -> memref<1x1x80xi32, #tpu.memory_space<vmem>>
      %dma_wait3A_815 = tpu.memref_squeeze %dma_wait3A_814 : memref<1x1x80xi32, #tpu.memory_space<vmem>> -> memref<80xi32, #tpu.memory_space<vmem>>
      %dma_wait3A_816 = arith.constant 0 : i32
      %dma_wait3A_817 = tpu.memref_slice %arg20[%dma_wait3A_816] : memref<10000xf32, #tpu.memory_space<vmem_shared>> -> memref<10000xf32, #tpu.memory_space<vmem_shared>>
      tpu.wait_indirect_dma semaphore(%arg17 : memref<!tpu.dma_semaphore, #tpu.memory_space<semaphore_mem>>) src(%arg21 : memref<80xf32, #tpu.memory_space<vmem>>) dst(%dma_wait3A_817 : memref<10000xf32, #tpu.memory_space<vmem_shared>>)
      %dma_wait3A_818 = arith.constant 3 : i32
      %dma_wait3A_819 = arith.constant 1 : i32
      %dma_wait3A_820 = arith.constant 0 : i32
      %dma_wait3A_821 = tpu.memref_slice %arg9[%dma_wait3A_818, %dma_wait3A_819, %dma_wait3A_820] : memref<5x2x80xi32, #tpu.memory_space<vmem>> -> memref<1x1x80xi32, #tpu.memory_space<vmem>>
      %dma_wait3A_822 = tpu.memref_squeeze %dma_wait3A_821 : memref<1x1x80xi32, #tpu.memory_space<vmem>> -> memref<80xi32, #tpu.memory_space<vmem>>
      %dma_wait3A_823 = arith.constant 0 : i32
      %dma_wait3A_824 = tpu.memref_slice %arg20[%dma_wait3A_823] : memref<10000xf32, #tpu.memory_space<vmem_shared>> -> memref<10000xf32, #tpu.memory_space<vmem_shared>>
      tpu.wait_indirect_dma semaphore(%arg17 : memref<!tpu.dma_semaphore, #tpu.memory_space<semaphore_mem>>) src(%arg21 : memref<80xf32, #tpu.memory_space<vmem>>) dst(%dma_wait3A_824 : memref<10000xf32, #tpu.memory_space<vmem_shared>>)
      %dma_wait3A_825 = arith.constant 4 : i32
      %dma_wait3A_826 = arith.constant 1 : i32
      %dma_wait3A_827 = arith.constant 0 : i32
      %dma_wait3A_828 = tpu.memref_slice %arg9[%dma_wait3A_825, %dma_wait3A_826, %dma_wait3A_827] : memref<5x2x80xi32, #tpu.memory_space<vmem>> -> memref<1x1x80xi32, #tpu.memory_space<vmem>>
      %dma_wait3A_829 = tpu.memref_squeeze %dma_wait3A_828 : memref<1x1x80xi32, #tpu.memory_space<vmem>> -> memref<80xi32, #tpu.memory_space<vmem>>
      %dma_wait3A_830 = arith.constant 0 : i32
      %dma_wait3A_831 = tpu.memref_slice %arg20[%dma_wait3A_830] : memref<10000xf32, #tpu.memory_space<vmem_shared>> -> memref<10000xf32, #tpu.memory_space<vmem_shared>>
      tpu.wait_indirect_dma semaphore(%arg17 : memref<!tpu.dma_semaphore, #tpu.memory_space<semaphore_mem>>) src(%arg21 : memref<80xf32, #tpu.memory_space<vmem>>) dst(%dma_wait3A_831 : memref<10000xf32, #tpu.memory_space<vmem_shared>>)
      %add3A_832 = arith.constant 1 : i32
      %add3A_833 = arith.addi %mul3A_596, %add3A_832 : i32
      %mul3A_834 = arith.constant 400 : i32
      %mul3A_835 = arith.muli %add3A_833, %mul3A_834 : i32
      %add3A_836 = arith.addi %mul3A_2, %mul3A_835 : i32
      %add3A_837 = arith.constant 0 : i32
      %add3A_838 = arith.addi %add3A_836, %add3A_837 : i32
      %dma_wait3A_839 = arith.constant 0 : i32
      %dma_wait3A_840 = arith.constant 0 : i32
      %dma_wait3A_841 = arith.constant 0 : i32
      %dma_wait3A_842 = tpu.memref_slice %arg10[%dma_wait3A_839, %dma_wait3A_840, %dma_wait3A_841] : memref<5x2x80xi32, #tpu.memory_space<vmem>> -> memref<1x2x80xi32, #tpu.memory_space<vmem>>
      %dma_wait3A_843 = tpu.memref_squeeze %dma_wait3A_842 : memref<1x2x80xi32, #tpu.memory_space<vmem>> -> memref<2x80xi32, #tpu.memory_space<vmem>>
      %dma_wait3A_844 = arith.constant 0 : i32
      %dma_wait3A_845 = tpu.memref_slice %arg3[%dma_wait3A_844, %add3A_838] : memref<2x320000xi32, #tpu.memory_space<hbm>> -> memref<2x80xi32, #tpu.memory_space<hbm>>
      %dma_wait3A_846 = arith.constant 0 : i32
      %dma_wait3A_847 = arith.constant 0 : i32
      %dma_wait3A_848 = tpu.memref_slice %arg10[%dma_wait3A_839, %dma_wait3A_846, %dma_wait3A_847] : memref<5x2x80xi32, #tpu.memory_space<vmem>> -> memref<1x2x80xi32, #tpu.memory_space<vmem>>
      %dma_wait3A_849 = tpu.memref_squeeze %dma_wait3A_848 : memref<1x2x80xi32, #tpu.memory_space<vmem>> -> memref<2x80xi32, #tpu.memory_space<vmem>>
      %dma_wait3A_850 = arith.constant 0 : i32
      %dma_wait3A_851 = tpu.memref_slice %arg3[%dma_wait3A_850, %add3A_838] : memref<2x320000xi32, #tpu.memory_space<hbm>> -> memref<2x80xi32, #tpu.memory_space<hbm>>
      tpu.wait_dma2 semaphore(%arg14 : memref<!tpu.dma_semaphore, #tpu.memory_space<semaphore_mem>>) src(%dma_wait3A_851 : memref<2x80xi32, #tpu.memory_space<hbm>>) dst(%dma_wait3A_849 : memref<2x80xi32, #tpu.memory_space<vmem>>)
      %add3A_852 = arith.constant 80 : i32
      %add3A_853 = arith.addi %add3A_836, %add3A_852 : i32
      %dma_wait3A_854 = arith.constant 1 : i32
      %dma_wait3A_855 = arith.constant 0 : i32
      %dma_wait3A_856 = arith.constant 0 : i32
      %dma_wait3A_857 = tpu.memref_slice %arg10[%dma_wait3A_854, %dma_wait3A_855, %dma_wait3A_856] : memref<5x2x80xi32, #tpu.memory_space<vmem>> -> memref<1x2x80xi32, #tpu.memory_space<vmem>>
      %dma_wait3A_858 = tpu.memref_squeeze %dma_wait3A_857 : memref<1x2x80xi32, #tpu.memory_space<vmem>> -> memref<2x80xi32, #tpu.memory_space<vmem>>
      %dma_wait3A_859 = arith.constant 0 : i32
      %dma_wait3A_860 = tpu.memref_slice %arg3[%dma_wait3A_859, %add3A_853] : memref<2x320000xi32, #tpu.memory_space<hbm>> -> memref<2x80xi32, #tpu.memory_space<hbm>>
      %dma_wait3A_861 = arith.constant 0 : i32
      %dma_wait3A_862 = arith.constant 0 : i32
      %dma_wait3A_863 = tpu.memref_slice %arg10[%dma_wait3A_854, %dma_wait3A_861, %dma_wait3A_862] : memref<5x2x80xi32, #tpu.memory_space<vmem>> -> memref<1x2x80xi32, #tpu.memory_space<vmem>>
      %dma_wait3A_864 = tpu.memref_squeeze %dma_wait3A_863 : memref<1x2x80xi32, #tpu.memory_space<vmem>> -> memref<2x80xi32, #tpu.memory_space<vmem>>
      %dma_wait3A_865 = arith.constant 0 : i32
      %dma_wait3A_866 = tpu.memref_slice %arg3[%dma_wait3A_865, %add3A_853] : memref<2x320000xi32, #tpu.memory_space<hbm>> -> memref<2x80xi32, #tpu.memory_space<hbm>>
      tpu.wait_dma2 semaphore(%arg14 : memref<!tpu.dma_semaphore, #tpu.memory_space<semaphore_mem>>) src(%dma_wait3A_866 : memref<2x80xi32, #tpu.memory_space<hbm>>) dst(%dma_wait3A_864 : memref<2x80xi32, #tpu.memory_space<vmem>>)
      %add3A_867 = arith.constant 160 : i32
      %add3A_868 = arith.addi %add3A_836, %add3A_867 : i32
      %dma_wait3A_869 = arith.constant 2 : i32
      %dma_wait3A_870 = arith.constant 0 : i32
      %dma_wait3A_871 = arith.constant 0 : i32
      %dma_wait3A_872 = tpu.memref_slice %arg10[%dma_wait3A_869, %dma_wait3A_870, %dma_wait3A_871] : memref<5x2x80xi32, #tpu.memory_space<vmem>> -> memref<1x2x80xi32, #tpu.memory_space<vmem>>
      %dma_wait3A_873 = tpu.memref_squeeze %dma_wait3A_872 : memref<1x2x80xi32, #tpu.memory_space<vmem>> -> memref<2x80xi32, #tpu.memory_space<vmem>>
      %dma_wait3A_874 = arith.constant 0 : i32
      %dma_wait3A_875 = tpu.memref_slice %arg3[%dma_wait3A_874, %add3A_868] : memref<2x320000xi32, #tpu.memory_space<hbm>> -> memref<2x80xi32, #tpu.memory_space<hbm>>
      %dma_wait3A_876 = arith.constant 0 : i32
      %dma_wait3A_877 = arith.constant 0 : i32
      %dma_wait3A_878 = tpu.memref_slice %arg10[%dma_wait3A_869, %dma_wait3A_876, %dma_wait3A_877] : memref<5x2x80xi32, #tpu.memory_space<vmem>> -> memref<1x2x80xi32, #tpu.memory_space<vmem>>
      %dma_wait3A_879 = tpu.memref_squeeze %dma_wait3A_878 : memref<1x2x80xi32, #tpu.memory_space<vmem>> -> memref<2x80xi32, #tpu.memory_space<vmem>>
      %dma_wait3A_880 = arith.constant 0 : i32
      %dma_wait3A_881 = tpu.memref_slice %arg3[%dma_wait3A_880, %add3A_868] : memref<2x320000xi32, #tpu.memory_space<hbm>> -> memref<2x80xi32, #tpu.memory_space<hbm>>
      tpu.wait_dma2 semaphore(%arg14 : memref<!tpu.dma_semaphore, #tpu.memory_space<semaphore_mem>>) src(%dma_wait3A_881 : memref<2x80xi32, #tpu.memory_space<hbm>>) dst(%dma_wait3A_879 : memref<2x80xi32, #tpu.memory_space<vmem>>)
      %add3A_882 = arith.constant 240 : i32
      %add3A_883 = arith.addi %add3A_836, %add3A_882 : i32
      %dma_wait3A_884 = arith.constant 3 : i32
      %dma_wait3A_885 = arith.constant 0 : i32
      %dma_wait3A_886 = arith.constant 0 : i32
      %dma_wait3A_887 = tpu.memref_slice %arg10[%dma_wait3A_884, %dma_wait3A_885, %dma_wait3A_886] : memref<5x2x80xi32, #tpu.memory_space<vmem>> -> memref<1x2x80xi32, #tpu.memory_space<vmem>>
      %dma_wait3A_888 = tpu.memref_squeeze %dma_wait3A_887 : memref<1x2x80xi32, #tpu.memory_space<vmem>> -> memref<2x80xi32, #tpu.memory_space<vmem>>
      %dma_wait3A_889 = arith.constant 0 : i32
      %dma_wait3A_890 = tpu.memref_slice %arg3[%dma_wait3A_889, %add3A_883] : memref<2x320000xi32, #tpu.memory_space<hbm>> -> memref<2x80xi32, #tpu.memory_space<hbm>>
      %dma_wait3A_891 = arith.constant 0 : i32
      %dma_wait3A_892 = arith.constant 0 : i32
      %dma_wait3A_893 = tpu.memref_slice %arg10[%dma_wait3A_884, %dma_wait3A_891, %dma_wait3A_892] : memref<5x2x80xi32, #tpu.memory_space<vmem>> -> memref<1x2x80xi32, #tpu.memory_space<vmem>>
      %dma_wait3A_894 = tpu.memref_squeeze %dma_wait3A_893 : memref<1x2x80xi32, #tpu.memory_space<vmem>> -> memref<2x80xi32, #tpu.memory_space<vmem>>
      %dma_wait3A_895 = arith.constant 0 : i32
      %dma_wait3A_896 = tpu.memref_slice %arg3[%dma_wait3A_895, %add3A_883] : memref<2x320000xi32, #tpu.memory_space<hbm>> -> memref<2x80xi32, #tpu.memory_space<hbm>>
      tpu.wait_dma2 semaphore(%arg14 : memref<!tpu.dma_semaphore, #tpu.memory_space<semaphore_mem>>) src(%dma_wait3A_896 : memref<2x80xi32, #tpu.memory_space<hbm>>) dst(%dma_wait3A_894 : memref<2x80xi32, #tpu.memory_space<vmem>>)
      %add3A_897 = arith.constant 320 : i32
      %add3A_898 = arith.addi %add3A_836, %add3A_897 : i32
      %dma_wait3A_899 = arith.constant 4 : i32
      %dma_wait3A_900 = arith.constant 0 : i32
      %dma_wait3A_901 = arith.constant 0 : i32
      %dma_wait3A_902 = tpu.memref_slice %arg10[%dma_wait3A_899, %dma_wait3A_900, %dma_wait3A_901] : memref<5x2x80xi32, #tpu.memory_space<vmem>> -> memref<1x2x80xi32, #tpu.memory_space<vmem>>
      %dma_wait3A_903 = tpu.memref_squeeze %dma_wait3A_902 : memref<1x2x80xi32, #tpu.memory_space<vmem>> -> memref<2x80xi32, #tpu.memory_space<vmem>>
      %dma_wait3A_904 = arith.constant 0 : i32
      %dma_wait3A_905 = tpu.memref_slice %arg3[%dma_wait3A_904, %add3A_898] : memref<2x320000xi32, #tpu.memory_space<hbm>> -> memref<2x80xi32, #tpu.memory_space<hbm>>
      %dma_wait3A_906 = arith.constant 0 : i32
      %dma_wait3A_907 = arith.constant 0 : i32
      %dma_wait3A_908 = tpu.memref_slice %arg10[%dma_wait3A_899, %dma_wait3A_906, %dma_wait3A_907] : memref<5x2x80xi32, #tpu.memory_space<vmem>> -> memref<1x2x80xi32, #tpu.memory_space<vmem>>
      %dma_wait3A_909 = tpu.memref_squeeze %dma_wait3A_908 : memref<1x2x80xi32, #tpu.memory_space<vmem>> -> memref<2x80xi32, #tpu.memory_space<vmem>>
      %dma_wait3A_910 = arith.constant 0 : i32
      %dma_wait3A_911 = tpu.memref_slice %arg3[%dma_wait3A_910, %add3A_898] : memref<2x320000xi32, #tpu.memory_space<hbm>> -> memref<2x80xi32, #tpu.memory_space<hbm>>
      tpu.wait_dma2 semaphore(%arg14 : memref<!tpu.dma_semaphore, #tpu.memory_space<semaphore_mem>>) src(%dma_wait3A_911 : memref<2x80xi32, #tpu.memory_space<hbm>>) dst(%dma_wait3A_909 : memref<2x80xi32, #tpu.memory_space<vmem>>)
      %dma_start3A_912 = arith.constant 0 : i32
      %dma_start3A_913 = arith.constant 0 : i32
      %dma_start3A_914 = arith.constant 0 : i32
      %dma_start3A_915 = arith.constant 0 : i32
      %dma_start3A_916 = tpu.memref_slice %arg12[%dma_start3A_914, %dma_start3A_915] : memref<400x64xf32, #tpu.memory_space<vmem>> -> memref<80x64xf32, #tpu.memory_space<vmem>>
      %dma_start3A_917 = arith.constant 0 : i32
      %dma_start3A_918 = tpu.memref_slice %arg10[%dma_start3A_912, %dma_start3A_913, %dma_start3A_917] : memref<5x2x80xi32, #tpu.memory_space<vmem>> -> memref<1x1x80xi32, #tpu.memory_space<vmem>>
      %dma_start3A_919 = tpu.memref_squeeze %dma_start3A_918 : memref<1x1x80xi32, #tpu.memory_space<vmem>> -> memref<80xi32, #tpu.memory_space<vmem>>
      %dma_start3A_920 = arith.constant 0 : i32
      %dma_start3A_921 = arith.constant 0 : i32
      %dma_start3A_922 = tpu.memref_slice %arg2[%dma_start3A_920, %dma_start3A_921] : memref<10000x64xf32, #tpu.memory_space<hbm>> -> memref<10000x64xf32, #tpu.memory_space<hbm>>
      tpu.enqueue_indirect_dma source(%dma_start3A_922 : memref<10000x64xf32, #tpu.memory_space<hbm>>) target(%dma_start3A_916 : memref<80x64xf32, #tpu.memory_space<vmem>>) offsets(%dma_start3A_919 : memref<80xi32, #tpu.memory_space<vmem>>) semaphore(%arg16 : memref<!tpu.dma_semaphore, #tpu.memory_space<semaphore_mem>>)
      %dma_start3A_923 = arith.constant 1 : i32
      %dma_start3A_924 = arith.constant 0 : i32
      %dma_start3A_925 = arith.constant 80 : i32
      %dma_start3A_926 = arith.constant 0 : i32
      %dma_start3A_927 = tpu.memref_slice %arg12[%dma_start3A_925, %dma_start3A_926] : memref<400x64xf32, #tpu.memory_space<vmem>> -> memref<80x64xf32, #tpu.memory_space<vmem>>
      %dma_start3A_928 = arith.constant 0 : i32
      %dma_start3A_929 = tpu.memref_slice %arg10[%dma_start3A_923, %dma_start3A_924, %dma_start3A_928] : memref<5x2x80xi32, #tpu.memory_space<vmem>> -> memref<1x1x80xi32, #tpu.memory_space<vmem>>
      %dma_start3A_930 = tpu.memref_squeeze %dma_start3A_929 : memref<1x1x80xi32, #tpu.memory_space<vmem>> -> memref<80xi32, #tpu.memory_space<vmem>>
      %dma_start3A_931 = arith.constant 0 : i32
      %dma_start3A_932 = arith.constant 0 : i32
      %dma_start3A_933 = tpu.memref_slice %arg2[%dma_start3A_931, %dma_start3A_932] : memref<10000x64xf32, #tpu.memory_space<hbm>> -> memref<10000x64xf32, #tpu.memory_space<hbm>>
      tpu.enqueue_indirect_dma source(%dma_start3A_933 : memref<10000x64xf32, #tpu.memory_space<hbm>>) target(%dma_start3A_927 : memref<80x64xf32, #tpu.memory_space<vmem>>) offsets(%dma_start3A_930 : memref<80xi32, #tpu.memory_space<vmem>>) semaphore(%arg16 : memref<!tpu.dma_semaphore, #tpu.memory_space<semaphore_mem>>)
      %dma_start3A_934 = arith.constant 2 : i32
      %dma_start3A_935 = arith.constant 0 : i32
      %dma_start3A_936 = arith.constant 160 : i32
      %dma_start3A_937 = arith.constant 0 : i32
      %dma_start3A_938 = tpu.memref_slice %arg12[%dma_start3A_936, %dma_start3A_937] : memref<400x64xf32, #tpu.memory_space<vmem>> -> memref<80x64xf32, #tpu.memory_space<vmem>>
      %dma_start3A_939 = arith.constant 0 : i32
      %dma_start3A_940 = tpu.memref_slice %arg10[%dma_start3A_934, %dma_start3A_935, %dma_start3A_939] : memref<5x2x80xi32, #tpu.memory_space<vmem>> -> memref<1x1x80xi32, #tpu.memory_space<vmem>>
      %dma_start3A_941 = tpu.memref_squeeze %dma_start3A_940 : memref<1x1x80xi32, #tpu.memory_space<vmem>> -> memref<80xi32, #tpu.memory_space<vmem>>
      %dma_start3A_942 = arith.constant 0 : i32
      %dma_start3A_943 = arith.constant 0 : i32
      %dma_start3A_944 = tpu.memref_slice %arg2[%dma_start3A_942, %dma_start3A_943] : memref<10000x64xf32, #tpu.memory_space<hbm>> -> memref<10000x64xf32, #tpu.memory_space<hbm>>
      tpu.enqueue_indirect_dma source(%dma_start3A_944 : memref<10000x64xf32, #tpu.memory_space<hbm>>) target(%dma_start3A_938 : memref<80x64xf32, #tpu.memory_space<vmem>>) offsets(%dma_start3A_941 : memref<80xi32, #tpu.memory_space<vmem>>) semaphore(%arg16 : memref<!tpu.dma_semaphore, #tpu.memory_space<semaphore_mem>>)
      %dma_start3A_945 = arith.constant 3 : i32
      %dma_start3A_946 = arith.constant 0 : i32
      %dma_start3A_947 = arith.constant 240 : i32
      %dma_start3A_948 = arith.constant 0 : i32
      %dma_start3A_949 = tpu.memref_slice %arg12[%dma_start3A_947, %dma_start3A_948] : memref<400x64xf32, #tpu.memory_space<vmem>> -> memref<80x64xf32, #tpu.memory_space<vmem>>
      %dma_start3A_950 = arith.constant 0 : i32
      %dma_start3A_951 = tpu.memref_slice %arg10[%dma_start3A_945, %dma_start3A_946, %dma_start3A_950] : memref<5x2x80xi32, #tpu.memory_space<vmem>> -> memref<1x1x80xi32, #tpu.memory_space<vmem>>
      %dma_start3A_952 = tpu.memref_squeeze %dma_start3A_951 : memref<1x1x80xi32, #tpu.memory_space<vmem>> -> memref<80xi32, #tpu.memory_space<vmem>>
      %dma_start3A_953 = arith.constant 0 : i32
      %dma_start3A_954 = arith.constant 0 : i32
      %dma_start3A_955 = tpu.memref_slice %arg2[%dma_start3A_953, %dma_start3A_954] : memref<10000x64xf32, #tpu.memory_space<hbm>> -> memref<10000x64xf32, #tpu.memory_space<hbm>>
      tpu.enqueue_indirect_dma source(%dma_start3A_955 : memref<10000x64xf32, #tpu.memory_space<hbm>>) target(%dma_start3A_949 : memref<80x64xf32, #tpu.memory_space<vmem>>) offsets(%dma_start3A_952 : memref<80xi32, #tpu.memory_space<vmem>>) semaphore(%arg16 : memref<!tpu.dma_semaphore, #tpu.memory_space<semaphore_mem>>)
      %dma_start3A_956 = arith.constant 4 : i32
      %dma_start3A_957 = arith.constant 0 : i32
      %dma_start3A_958 = arith.constant 320 : i32
      %dma_start3A_959 = arith.constant 0 : i32
      %dma_start3A_960 = tpu.memref_slice %arg12[%dma_start3A_958, %dma_start3A_959] : memref<400x64xf32, #tpu.memory_space<vmem>> -> memref<80x64xf32, #tpu.memory_space<vmem>>
      %dma_start3A_961 = arith.constant 0 : i32
      %dma_start3A_962 = tpu.memref_slice %arg10[%dma_start3A_956, %dma_start3A_957, %dma_start3A_961] : memref<5x2x80xi32, #tpu.memory_space<vmem>> -> memref<1x1x80xi32, #tpu.memory_space<vmem>>
      %dma_start3A_963 = tpu.memref_squeeze %dma_start3A_962 : memref<1x1x80xi32, #tpu.memory_space<vmem>> -> memref<80xi32, #tpu.memory_space<vmem>>
      %dma_start3A_964 = arith.constant 0 : i32
      %dma_start3A_965 = arith.constant 0 : i32
      %dma_start3A_966 = tpu.memref_slice %arg2[%dma_start3A_964, %dma_start3A_965] : memref<10000x64xf32, #tpu.memory_space<hbm>> -> memref<10000x64xf32, #tpu.memory_space<hbm>>
      tpu.enqueue_indirect_dma source(%dma_start3A_966 : memref<10000x64xf32, #tpu.memory_space<hbm>>) target(%dma_start3A_960 : memref<80x64xf32, #tpu.memory_space<vmem>>) offsets(%dma_start3A_963 : memref<80xi32, #tpu.memory_space<vmem>>) semaphore(%arg16 : memref<!tpu.dma_semaphore, #tpu.memory_space<semaphore_mem>>)
      %add3A_967 = arith.constant 2 : i32
      %add3A_968 = arith.addi %mul3A_596, %add3A_967 : i32
      %lt3A_969 = arith.constant 25 : i32
      %lt3A_970 = arith.cmpi slt, %add3A_968, %lt3A_969 : i32
      %convert_element_type3A_971 = arith.extui %lt3A_970 : i1 to i32
      %cond3A_972 = arith.constant 0 : i32
      %cond3A_973 = arith.cmpi ne, %convert_element_type3A_971, %cond3A_972 : i32
      scf.if %cond3A_973 {
        %add3A_1355 = arith.constant 2 : i32
        %add3A_1356 = arith.addi %mul3A_596, %add3A_1355 : i32
        %mul3A_1357 = arith.constant 400 : i32
        %mul3A_1358 = arith.muli %add3A_1356, %mul3A_1357 : i32
        %add3A_1359 = arith.addi %mul3A_2, %mul3A_1358 : i32
        %add3A_1360 = arith.constant 0 : i32
        %add3A_1361 = arith.addi %add3A_1359, %add3A_1360 : i32
        %dma_start3A_1362 = arith.constant 0 : i32
        %dma_start3A_1363 = arith.constant 0 : i32
        %dma_start3A_1364 = arith.constant 0 : i32
        %dma_start3A_1365 = tpu.memref_slice %arg9[%dma_start3A_1362, %dma_start3A_1363, %dma_start3A_1364] : memref<5x2x80xi32, #tpu.memory_space<vmem>> -> memref<1x2x80xi32, #tpu.memory_space<vmem>>
        %dma_start3A_1366 = tpu.memref_squeeze %dma_start3A_1365 : memref<1x2x80xi32, #tpu.memory_space<vmem>> -> memref<2x80xi32, #tpu.memory_space<vmem>>
        %dma_start3A_1367 = arith.constant 0 : i32
        %dma_start3A_1368 = tpu.memref_slice %arg3[%dma_start3A_1367, %add3A_1361] : memref<2x320000xi32, #tpu.memory_space<hbm>> -> memref<2x80xi32, #tpu.memory_space<hbm>>
        %dma_start3A_1369 = arith.constant 0 : i32
        %dma_start3A_1370 = arith.constant 0 : i32
        %dma_start3A_1371 = tpu.memref_slice %arg9[%dma_start3A_1362, %dma_start3A_1369, %dma_start3A_1370] : memref<5x2x80xi32, #tpu.memory_space<vmem>> -> memref<1x2x80xi32, #tpu.memory_space<vmem>>
        %dma_start3A_1372 = tpu.memref_squeeze %dma_start3A_1371 : memref<1x2x80xi32, #tpu.memory_space<vmem>> -> memref<2x80xi32, #tpu.memory_space<vmem>>
        %dma_start3A_1373 = arith.constant 0 : i32
        %dma_start3A_1374 = tpu.memref_slice %arg3[%dma_start3A_1373, %add3A_1361] : memref<2x320000xi32, #tpu.memory_space<hbm>> -> memref<2x80xi32, #tpu.memory_space<hbm>>
        tpu.enqueue_dma source(%dma_start3A_1374 : memref<2x80xi32, #tpu.memory_space<hbm>>) target(%dma_start3A_1372 : memref<2x80xi32, #tpu.memory_space<vmem>>) target_semaphore(%arg13 : memref<!tpu.dma_semaphore, #tpu.memory_space<semaphore_mem>>)
        %add3A_1375 = arith.constant 80 : i32
        %add3A_1376 = arith.addi %add3A_1359, %add3A_1375 : i32
        %dma_start3A_1377 = arith.constant 1 : i32
        %dma_start3A_1378 = arith.constant 0 : i32
        %dma_start3A_1379 = arith.constant 0 : i32
        %dma_start3A_1380 = tpu.memref_slice %arg9[%dma_start3A_1377, %dma_start3A_1378, %dma_start3A_1379] : memref<5x2x80xi32, #tpu.memory_space<vmem>> -> memref<1x2x80xi32, #tpu.memory_space<vmem>>
        %dma_start3A_1381 = tpu.memref_squeeze %dma_start3A_1380 : memref<1x2x80xi32, #tpu.memory_space<vmem>> -> memref<2x80xi32, #tpu.memory_space<vmem>>
        %dma_start3A_1382 = arith.constant 0 : i32
        %dma_start3A_1383 = tpu.memref_slice %arg3[%dma_start3A_1382, %add3A_1376] : memref<2x320000xi32, #tpu.memory_space<hbm>> -> memref<2x80xi32, #tpu.memory_space<hbm>>
        %dma_start3A_1384 = arith.constant 0 : i32
        %dma_start3A_1385 = arith.constant 0 : i32
        %dma_start3A_1386 = tpu.memref_slice %arg9[%dma_start3A_1377, %dma_start3A_1384, %dma_start3A_1385] : memref<5x2x80xi32, #tpu.memory_space<vmem>> -> memref<1x2x80xi32, #tpu.memory_space<vmem>>
        %dma_start3A_1387 = tpu.memref_squeeze %dma_start3A_1386 : memref<1x2x80xi32, #tpu.memory_space<vmem>> -> memref<2x80xi32, #tpu.memory_space<vmem>>
        %dma_start3A_1388 = arith.constant 0 : i32
        %dma_start3A_1389 = tpu.memref_slice %arg3[%dma_start3A_1388, %add3A_1376] : memref<2x320000xi32, #tpu.memory_space<hbm>> -> memref<2x80xi32, #tpu.memory_space<hbm>>
        tpu.enqueue_dma source(%dma_start3A_1389 : memref<2x80xi32, #tpu.memory_space<hbm>>) target(%dma_start3A_1387 : memref<2x80xi32, #tpu.memory_space<vmem>>) target_semaphore(%arg13 : memref<!tpu.dma_semaphore, #tpu.memory_space<semaphore_mem>>)
        %add3A_1390 = arith.constant 160 : i32
        %add3A_1391 = arith.addi %add3A_1359, %add3A_1390 : i32
        %dma_start3A_1392 = arith.constant 2 : i32
        %dma_start3A_1393 = arith.constant 0 : i32
        %dma_start3A_1394 = arith.constant 0 : i32
        %dma_start3A_1395 = tpu.memref_slice %arg9[%dma_start3A_1392, %dma_start3A_1393, %dma_start3A_1394] : memref<5x2x80xi32, #tpu.memory_space<vmem>> -> memref<1x2x80xi32, #tpu.memory_space<vmem>>
        %dma_start3A_1396 = tpu.memref_squeeze %dma_start3A_1395 : memref<1x2x80xi32, #tpu.memory_space<vmem>> -> memref<2x80xi32, #tpu.memory_space<vmem>>
        %dma_start3A_1397 = arith.constant 0 : i32
        %dma_start3A_1398 = tpu.memref_slice %arg3[%dma_start3A_1397, %add3A_1391] : memref<2x320000xi32, #tpu.memory_space<hbm>> -> memref<2x80xi32, #tpu.memory_space<hbm>>
        %dma_start3A_1399 = arith.constant 0 : i32
        %dma_start3A_1400 = arith.constant 0 : i32
        %dma_start3A_1401 = tpu.memref_slice %arg9[%dma_start3A_1392, %dma_start3A_1399, %dma_start3A_1400] : memref<5x2x80xi32, #tpu.memory_space<vmem>> -> memref<1x2x80xi32, #tpu.memory_space<vmem>>
        %dma_start3A_1402 = tpu.memref_squeeze %dma_start3A_1401 : memref<1x2x80xi32, #tpu.memory_space<vmem>> -> memref<2x80xi32, #tpu.memory_space<vmem>>
        %dma_start3A_1403 = arith.constant 0 : i32
        %dma_start3A_1404 = tpu.memref_slice %arg3[%dma_start3A_1403, %add3A_1391] : memref<2x320000xi32, #tpu.memory_space<hbm>> -> memref<2x80xi32, #tpu.memory_space<hbm>>
        tpu.enqueue_dma source(%dma_start3A_1404 : memref<2x80xi32, #tpu.memory_space<hbm>>) target(%dma_start3A_1402 : memref<2x80xi32, #tpu.memory_space<vmem>>) target_semaphore(%arg13 : memref<!tpu.dma_semaphore, #tpu.memory_space<semaphore_mem>>)
        %add3A_1405 = arith.constant 240 : i32
        %add3A_1406 = arith.addi %add3A_1359, %add3A_1405 : i32
        %dma_start3A_1407 = arith.constant 3 : i32
        %dma_start3A_1408 = arith.constant 0 : i32
        %dma_start3A_1409 = arith.constant 0 : i32
        %dma_start3A_1410 = tpu.memref_slice %arg9[%dma_start3A_1407, %dma_start3A_1408, %dma_start3A_1409] : memref<5x2x80xi32, #tpu.memory_space<vmem>> -> memref<1x2x80xi32, #tpu.memory_space<vmem>>
        %dma_start3A_1411 = tpu.memref_squeeze %dma_start3A_1410 : memref<1x2x80xi32, #tpu.memory_space<vmem>> -> memref<2x80xi32, #tpu.memory_space<vmem>>
        %dma_start3A_1412 = arith.constant 0 : i32
        %dma_start3A_1413 = tpu.memref_slice %arg3[%dma_start3A_1412, %add3A_1406] : memref<2x320000xi32, #tpu.memory_space<hbm>> -> memref<2x80xi32, #tpu.memory_space<hbm>>
        %dma_start3A_1414 = arith.constant 0 : i32
        %dma_start3A_1415 = arith.constant 0 : i32
        %dma_start3A_1416 = tpu.memref_slice %arg9[%dma_start3A_1407, %dma_start3A_1414, %dma_start3A_1415] : memref<5x2x80xi32, #tpu.memory_space<vmem>> -> memref<1x2x80xi32, #tpu.memory_space<vmem>>
        %dma_start3A_1417 = tpu.memref_squeeze %dma_start3A_1416 : memref<1x2x80xi32, #tpu.memory_space<vmem>> -> memref<2x80xi32, #tpu.memory_space<vmem>>
        %dma_start3A_1418 = arith.constant 0 : i32
        %dma_start3A_1419 = tpu.memref_slice %arg3[%dma_start3A_1418, %add3A_1406] : memref<2x320000xi32, #tpu.memory_space<hbm>> -> memref<2x80xi32, #tpu.memory_space<hbm>>
        tpu.enqueue_dma source(%dma_start3A_1419 : memref<2x80xi32, #tpu.memory_space<hbm>>) target(%dma_start3A_1417 : memref<2x80xi32, #tpu.memory_space<vmem>>) target_semaphore(%arg13 : memref<!tpu.dma_semaphore, #tpu.memory_space<semaphore_mem>>)
        %add3A_1420 = arith.constant 320 : i32
        %add3A_1421 = arith.addi %add3A_1359, %add3A_1420 : i32
        %dma_start3A_1422 = arith.constant 4 : i32
        %dma_start3A_1423 = arith.constant 0 : i32
        %dma_start3A_1424 = arith.constant 0 : i32
        %dma_start3A_1425 = tpu.memref_slice %arg9[%dma_start3A_1422, %dma_start3A_1423, %dma_start3A_1424] : memref<5x2x80xi32, #tpu.memory_space<vmem>> -> memref<1x2x80xi32, #tpu.memory_space<vmem>>
        %dma_start3A_1426 = tpu.memref_squeeze %dma_start3A_1425 : memref<1x2x80xi32, #tpu.memory_space<vmem>> -> memref<2x80xi32, #tpu.memory_space<vmem>>
        %dma_start3A_1427 = arith.constant 0 : i32
        %dma_start3A_1428 = tpu.memref_slice %arg3[%dma_start3A_1427, %add3A_1421] : memref<2x320000xi32, #tpu.memory_space<hbm>> -> memref<2x80xi32, #tpu.memory_space<hbm>>
        %dma_start3A_1429 = arith.constant 0 : i32
        %dma_start3A_1430 = arith.constant 0 : i32
        %dma_start3A_1431 = tpu.memref_slice %arg9[%dma_start3A_1422, %dma_start3A_1429, %dma_start3A_1430] : memref<5x2x80xi32, #tpu.memory_space<vmem>> -> memref<1x2x80xi32, #tpu.memory_space<vmem>>
        %dma_start3A_1432 = tpu.memref_squeeze %dma_start3A_1431 : memref<1x2x80xi32, #tpu.memory_space<vmem>> -> memref<2x80xi32, #tpu.memory_space<vmem>>
        %dma_start3A_1433 = arith.constant 0 : i32
        %dma_start3A_1434 = tpu.memref_slice %arg3[%dma_start3A_1433, %add3A_1421] : memref<2x320000xi32, #tpu.memory_space<hbm>> -> memref<2x80xi32, #tpu.memory_space<hbm>>
        tpu.enqueue_dma source(%dma_start3A_1434 : memref<2x80xi32, #tpu.memory_space<hbm>>) target(%dma_start3A_1432 : memref<2x80xi32, #tpu.memory_space<vmem>>) target_semaphore(%arg13 : memref<!tpu.dma_semaphore, #tpu.memory_space<semaphore_mem>>)
      } else {
      }
      %mul3A_974 = arith.constant 2 : i32
      %mul3A_975 = arith.muli %mul3A_974, %scan3A_594 : i32
      %add3A_976 = arith.constant 1 : i32
      %add3A_977 = arith.addi %mul3A_975, %add3A_976 : i32
      %dma_wait3A_978 = arith.constant 0 : i32
      %dma_wait3A_979 = arith.constant 0 : i32
      %dma_wait3A_980 = arith.constant 0 : i32
      %dma_wait3A_981 = arith.constant 0 : i32
      %dma_wait3A_982 = tpu.memref_slice %arg12[%dma_wait3A_980, %dma_wait3A_981] : memref<400x64xf32, #tpu.memory_space<vmem>> -> memref<80x64xf32, #tpu.memory_space<vmem>>
      %dma_wait3A_983 = arith.constant 0 : i32
      %dma_wait3A_984 = tpu.memref_slice %arg10[%dma_wait3A_978, %dma_wait3A_979, %dma_wait3A_983] : memref<5x2x80xi32, #tpu.memory_space<vmem>> -> memref<1x1x80xi32, #tpu.memory_space<vmem>>
      %dma_wait3A_985 = tpu.memref_squeeze %dma_wait3A_984 : memref<1x1x80xi32, #tpu.memory_space<vmem>> -> memref<80xi32, #tpu.memory_space<vmem>>
      %dma_wait3A_986 = arith.constant 0 : i32
      %dma_wait3A_987 = arith.constant 0 : i32
      %dma_wait3A_988 = tpu.memref_slice %arg2[%dma_wait3A_986, %dma_wait3A_987] : memref<10000x64xf32, #tpu.memory_space<hbm>> -> memref<10000x64xf32, #tpu.memory_space<hbm>>
      tpu.wait_indirect_dma semaphore(%arg16 : memref<!tpu.dma_semaphore, #tpu.memory_space<semaphore_mem>>) src(%dma_wait3A_988 : memref<10000x64xf32, #tpu.memory_space<hbm>>) dst(%dma_wait3A_982 : memref<80x64xf32, #tpu.memory_space<vmem>>)
      %dma_wait3A_989 = arith.constant 1 : i32
      %dma_wait3A_990 = arith.constant 0 : i32
      %dma_wait3A_991 = arith.constant 80 : i32
      %dma_wait3A_992 = arith.constant 0 : i32
      %dma_wait3A_993 = tpu.memref_slice %arg12[%dma_wait3A_991, %dma_wait3A_992] : memref<400x64xf32, #tpu.memory_space<vmem>> -> memref<80x64xf32, #tpu.memory_space<vmem>>
      %dma_wait3A_994 = arith.constant 0 : i32
      %dma_wait3A_995 = tpu.memref_slice %arg10[%dma_wait3A_989, %dma_wait3A_990, %dma_wait3A_994] : memref<5x2x80xi32, #tpu.memory_space<vmem>> -> memref<1x1x80xi32, #tpu.memory_space<vmem>>
      %dma_wait3A_996 = tpu.memref_squeeze %dma_wait3A_995 : memref<1x1x80xi32, #tpu.memory_space<vmem>> -> memref<80xi32, #tpu.memory_space<vmem>>
      %dma_wait3A_997 = arith.constant 0 : i32
      %dma_wait3A_998 = arith.constant 0 : i32
      %dma_wait3A_999 = tpu.memref_slice %arg2[%dma_wait3A_997, %dma_wait3A_998] : memref<10000x64xf32, #tpu.memory_space<hbm>> -> memref<10000x64xf32, #tpu.memory_space<hbm>>
      tpu.wait_indirect_dma semaphore(%arg16 : memref<!tpu.dma_semaphore, #tpu.memory_space<semaphore_mem>>) src(%dma_wait3A_999 : memref<10000x64xf32, #tpu.memory_space<hbm>>) dst(%dma_wait3A_993 : memref<80x64xf32, #tpu.memory_space<vmem>>)
      %dma_wait3A_1000 = arith.constant 2 : i32
      %dma_wait3A_1001 = arith.constant 0 : i32
      %dma_wait3A_1002 = arith.constant 160 : i32
      %dma_wait3A_1003 = arith.constant 0 : i32
      %dma_wait3A_1004 = tpu.memref_slice %arg12[%dma_wait3A_1002, %dma_wait3A_1003] : memref<400x64xf32, #tpu.memory_space<vmem>> -> memref<80x64xf32, #tpu.memory_space<vmem>>
      %dma_wait3A_1005 = arith.constant 0 : i32
      %dma_wait3A_1006 = tpu.memref_slice %arg10[%dma_wait3A_1000, %dma_wait3A_1001, %dma_wait3A_1005] : memref<5x2x80xi32, #tpu.memory_space<vmem>> -> memref<1x1x80xi32, #tpu.memory_space<vmem>>
      %dma_wait3A_1007 = tpu.memref_squeeze %dma_wait3A_1006 : memref<1x1x80xi32, #tpu.memory_space<vmem>> -> memref<80xi32, #tpu.memory_space<vmem>>
      %dma_wait3A_1008 = arith.constant 0 : i32
      %dma_wait3A_1009 = arith.constant 0 : i32
      %dma_wait3A_1010 = tpu.memref_slice %arg2[%dma_wait3A_1008, %dma_wait3A_1009] : memref<10000x64xf32, #tpu.memory_space<hbm>> -> memref<10000x64xf32, #tpu.memory_space<hbm>>
      tpu.wait_indirect_dma semaphore(%arg16 : memref<!tpu.dma_semaphore, #tpu.memory_space<semaphore_mem>>) src(%dma_wait3A_1010 : memref<10000x64xf32, #tpu.memory_space<hbm>>) dst(%dma_wait3A_1004 : memref<80x64xf32, #tpu.memory_space<vmem>>)
      %dma_wait3A_1011 = arith.constant 3 : i32
      %dma_wait3A_1012 = arith.constant 0 : i32
      %dma_wait3A_1013 = arith.constant 240 : i32
      %dma_wait3A_1014 = arith.constant 0 : i32
      %dma_wait3A_1015 = tpu.memref_slice %arg12[%dma_wait3A_1013, %dma_wait3A_1014] : memref<400x64xf32, #tpu.memory_space<vmem>> -> memref<80x64xf32, #tpu.memory_space<vmem>>
      %dma_wait3A_1016 = arith.constant 0 : i32
      %dma_wait3A_1017 = tpu.memref_slice %arg10[%dma_wait3A_1011, %dma_wait3A_1012, %dma_wait3A_1016] : memref<5x2x80xi32, #tpu.memory_space<vmem>> -> memref<1x1x80xi32, #tpu.memory_space<vmem>>
      %dma_wait3A_1018 = tpu.memref_squeeze %dma_wait3A_1017 : memref<1x1x80xi32, #tpu.memory_space<vmem>> -> memref<80xi32, #tpu.memory_space<vmem>>
      %dma_wait3A_1019 = arith.constant 0 : i32
      %dma_wait3A_1020 = arith.constant 0 : i32
      %dma_wait3A_1021 = tpu.memref_slice %arg2[%dma_wait3A_1019, %dma_wait3A_1020] : memref<10000x64xf32, #tpu.memory_space<hbm>> -> memref<10000x64xf32, #tpu.memory_space<hbm>>
      tpu.wait_indirect_dma semaphore(%arg16 : memref<!tpu.dma_semaphore, #tpu.memory_space<semaphore_mem>>) src(%dma_wait3A_1021 : memref<10000x64xf32, #tpu.memory_space<hbm>>) dst(%dma_wait3A_1015 : memref<80x64xf32, #tpu.memory_space<vmem>>)
      %dma_wait3A_1022 = arith.constant 4 : i32
      %dma_wait3A_1023 = arith.constant 0 : i32
      %dma_wait3A_1024 = arith.constant 320 : i32
      %dma_wait3A_1025 = arith.constant 0 : i32
      %dma_wait3A_1026 = tpu.memref_slice %arg12[%dma_wait3A_1024, %dma_wait3A_1025] : memref<400x64xf32, #tpu.memory_space<vmem>> -> memref<80x64xf32, #tpu.memory_space<vmem>>
      %dma_wait3A_1027 = arith.constant 0 : i32
      %dma_wait3A_1028 = tpu.memref_slice %arg10[%dma_wait3A_1022, %dma_wait3A_1023, %dma_wait3A_1027] : memref<5x2x80xi32, #tpu.memory_space<vmem>> -> memref<1x1x80xi32, #tpu.memory_space<vmem>>
      %dma_wait3A_1029 = tpu.memref_squeeze %dma_wait3A_1028 : memref<1x1x80xi32, #tpu.memory_space<vmem>> -> memref<80xi32, #tpu.memory_space<vmem>>
      %dma_wait3A_1030 = arith.constant 0 : i32
      %dma_wait3A_1031 = arith.constant 0 : i32
      %dma_wait3A_1032 = tpu.memref_slice %arg2[%dma_wait3A_1030, %dma_wait3A_1031] : memref<10000x64xf32, #tpu.memory_space<hbm>> -> memref<10000x64xf32, #tpu.memory_space<hbm>>
      tpu.wait_indirect_dma semaphore(%arg16 : memref<!tpu.dma_semaphore, #tpu.memory_space<semaphore_mem>>) src(%dma_wait3A_1032 : memref<10000x64xf32, #tpu.memory_space<hbm>>) dst(%dma_wait3A_1026 : memref<80x64xf32, #tpu.memory_space<vmem>>)
      %dma_start3A_1033 = arith.constant 0 : i32
      %dma_start3A_1034 = arith.constant 1 : i32
      %dma_start3A_1035 = arith.constant 0 : i32
      %dma_start3A_1036 = arith.constant 0 : i32
      %dma_start3A_1037 = tpu.memref_slice %arg12[%dma_start3A_1035, %dma_start3A_1036] : memref<400x64xf32, #tpu.memory_space<vmem>> -> memref<80x64xf32, #tpu.memory_space<vmem>>
      %dma_start3A_1038 = arith.constant 0 : i32
      %dma_start3A_1039 = tpu.memref_slice %arg10[%dma_start3A_1033, %dma_start3A_1034, %dma_start3A_1038] : memref<5x2x80xi32, #tpu.memory_space<vmem>> -> memref<1x1x80xi32, #tpu.memory_space<vmem>>
      %dma_start3A_1040 = tpu.memref_squeeze %dma_start3A_1039 : memref<1x1x80xi32, #tpu.memory_space<vmem>> -> memref<80xi32, #tpu.memory_space<vmem>>
      %dma_start3A_1041 = arith.constant 0 : i32
      %dma_start3A_1042 = arith.constant 0 : i32
      %dma_start3A_1043 = tpu.memref_slice %arg19[%dma_start3A_1041, %dma_start3A_1042] : memref<10000x64xf32, #tpu.memory_space<vmem_shared>> -> memref<10000x64xf32, #tpu.memory_space<vmem_shared>>
      tpu.enqueue_indirect_dma source(%dma_start3A_1037 : memref<80x64xf32, #tpu.memory_space<vmem>>) target(%dma_start3A_1043 : memref<10000x64xf32, #tpu.memory_space<vmem_shared>>) offsets(%dma_start3A_1040 : memref<80xi32, #tpu.memory_space<vmem>>) semaphore(%arg18 : memref<!tpu.dma_semaphore, #tpu.memory_space<semaphore_mem>>) {add = true}
      %dma_start3A_1044 = arith.constant 1 : i32
      %dma_start3A_1045 = arith.constant 1 : i32
      %dma_start3A_1046 = arith.constant 80 : i32
      %dma_start3A_1047 = arith.constant 0 : i32
      %dma_start3A_1048 = tpu.memref_slice %arg12[%dma_start3A_1046, %dma_start3A_1047] : memref<400x64xf32, #tpu.memory_space<vmem>> -> memref<80x64xf32, #tpu.memory_space<vmem>>
      %dma_start3A_1049 = arith.constant 0 : i32
      %dma_start3A_1050 = tpu.memref_slice %arg10[%dma_start3A_1044, %dma_start3A_1045, %dma_start3A_1049] : memref<5x2x80xi32, #tpu.memory_space<vmem>> -> memref<1x1x80xi32, #tpu.memory_space<vmem>>
      %dma_start3A_1051 = tpu.memref_squeeze %dma_start3A_1050 : memref<1x1x80xi32, #tpu.memory_space<vmem>> -> memref<80xi32, #tpu.memory_space<vmem>>
      %dma_start3A_1052 = arith.constant 0 : i32
      %dma_start3A_1053 = arith.constant 0 : i32
      %dma_start3A_1054 = tpu.memref_slice %arg19[%dma_start3A_1052, %dma_start3A_1053] : memref<10000x64xf32, #tpu.memory_space<vmem_shared>> -> memref<10000x64xf32, #tpu.memory_space<vmem_shared>>
      tpu.enqueue_indirect_dma source(%dma_start3A_1048 : memref<80x64xf32, #tpu.memory_space<vmem>>) target(%dma_start3A_1054 : memref<10000x64xf32, #tpu.memory_space<vmem_shared>>) offsets(%dma_start3A_1051 : memref<80xi32, #tpu.memory_space<vmem>>) semaphore(%arg18 : memref<!tpu.dma_semaphore, #tpu.memory_space<semaphore_mem>>) {add = true}
      %dma_start3A_1055 = arith.constant 2 : i32
      %dma_start3A_1056 = arith.constant 1 : i32
      %dma_start3A_1057 = arith.constant 160 : i32
      %dma_start3A_1058 = arith.constant 0 : i32
      %dma_start3A_1059 = tpu.memref_slice %arg12[%dma_start3A_1057, %dma_start3A_1058] : memref<400x64xf32, #tpu.memory_space<vmem>> -> memref<80x64xf32, #tpu.memory_space<vmem>>
      %dma_start3A_1060 = arith.constant 0 : i32
      %dma_start3A_1061 = tpu.memref_slice %arg10[%dma_start3A_1055, %dma_start3A_1056, %dma_start3A_1060] : memref<5x2x80xi32, #tpu.memory_space<vmem>> -> memref<1x1x80xi32, #tpu.memory_space<vmem>>
      %dma_start3A_1062 = tpu.memref_squeeze %dma_start3A_1061 : memref<1x1x80xi32, #tpu.memory_space<vmem>> -> memref<80xi32, #tpu.memory_space<vmem>>
      %dma_start3A_1063 = arith.constant 0 : i32
      %dma_start3A_1064 = arith.constant 0 : i32
      %dma_start3A_1065 = tpu.memref_slice %arg19[%dma_start3A_1063, %dma_start3A_1064] : memref<10000x64xf32, #tpu.memory_space<vmem_shared>> -> memref<10000x64xf32, #tpu.memory_space<vmem_shared>>
      tpu.enqueue_indirect_dma source(%dma_start3A_1059 : memref<80x64xf32, #tpu.memory_space<vmem>>) target(%dma_start3A_1065 : memref<10000x64xf32, #tpu.memory_space<vmem_shared>>) offsets(%dma_start3A_1062 : memref<80xi32, #tpu.memory_space<vmem>>) semaphore(%arg18 : memref<!tpu.dma_semaphore, #tpu.memory_space<semaphore_mem>>) {add = true}
      %dma_start3A_1066 = arith.constant 3 : i32
      %dma_start3A_1067 = arith.constant 1 : i32
      %dma_start3A_1068 = arith.constant 240 : i32
      %dma_start3A_1069 = arith.constant 0 : i32
      %dma_start3A_1070 = tpu.memref_slice %arg12[%dma_start3A_1068, %dma_start3A_1069] : memref<400x64xf32, #tpu.memory_space<vmem>> -> memref<80x64xf32, #tpu.memory_space<vmem>>
      %dma_start3A_1071 = arith.constant 0 : i32
      %dma_start3A_1072 = tpu.memref_slice %arg10[%dma_start3A_1066, %dma_start3A_1067, %dma_start3A_1071] : memref<5x2x80xi32, #tpu.memory_space<vmem>> -> memref<1x1x80xi32, #tpu.memory_space<vmem>>
      %dma_start3A_1073 = tpu.memref_squeeze %dma_start3A_1072 : memref<1x1x80xi32, #tpu.memory_space<vmem>> -> memref<80xi32, #tpu.memory_space<vmem>>
      %dma_start3A_1074 = arith.constant 0 : i32
      %dma_start3A_1075 = arith.constant 0 : i32
      %dma_start3A_1076 = tpu.memref_slice %arg19[%dma_start3A_1074, %dma_start3A_1075] : memref<10000x64xf32, #tpu.memory_space<vmem_shared>> -> memref<10000x64xf32, #tpu.memory_space<vmem_shared>>
      tpu.enqueue_indirect_dma source(%dma_start3A_1070 : memref<80x64xf32, #tpu.memory_space<vmem>>) target(%dma_start3A_1076 : memref<10000x64xf32, #tpu.memory_space<vmem_shared>>) offsets(%dma_start3A_1073 : memref<80xi32, #tpu.memory_space<vmem>>) semaphore(%arg18 : memref<!tpu.dma_semaphore, #tpu.memory_space<semaphore_mem>>) {add = true}
      %dma_start3A_1077 = arith.constant 4 : i32
      %dma_start3A_1078 = arith.constant 1 : i32
      %dma_start3A_1079 = arith.constant 320 : i32
      %dma_start3A_1080 = arith.constant 0 : i32
      %dma_start3A_1081 = tpu.memref_slice %arg12[%dma_start3A_1079, %dma_start3A_1080] : memref<400x64xf32, #tpu.memory_space<vmem>> -> memref<80x64xf32, #tpu.memory_space<vmem>>
      %dma_start3A_1082 = arith.constant 0 : i32
      %dma_start3A_1083 = tpu.memref_slice %arg10[%dma_start3A_1077, %dma_start3A_1078, %dma_start3A_1082] : memref<5x2x80xi32, #tpu.memory_space<vmem>> -> memref<1x1x80xi32, #tpu.memory_space<vmem>>
      %dma_start3A_1084 = tpu.memref_squeeze %dma_start3A_1083 : memref<1x1x80xi32, #tpu.memory_space<vmem>> -> memref<80xi32, #tpu.memory_space<vmem>>
      %dma_start3A_1085 = arith.constant 0 : i32
      %dma_start3A_1086 = arith.constant 0 : i32
      %dma_start3A_1087 = tpu.memref_slice %arg19[%dma_start3A_1085, %dma_start3A_1086] : memref<10000x64xf32, #tpu.memory_space<vmem_shared>> -> memref<10000x64xf32, #tpu.memory_space<vmem_shared>>
      tpu.enqueue_indirect_dma source(%dma_start3A_1081 : memref<80x64xf32, #tpu.memory_space<vmem>>) target(%dma_start3A_1087 : memref<10000x64xf32, #tpu.memory_space<vmem_shared>>) offsets(%dma_start3A_1084 : memref<80xi32, #tpu.memory_space<vmem>>) semaphore(%arg18 : memref<!tpu.dma_semaphore, #tpu.memory_space<semaphore_mem>>) {add = true}
      %dma_start3A_1088 = arith.constant 0 : i32
      %dma_start3A_1089 = arith.constant 1 : i32
      %dma_start3A_1090 = arith.constant 0 : i32
      %dma_start3A_1091 = tpu.memref_slice %arg10[%dma_start3A_1088, %dma_start3A_1089, %dma_start3A_1090] : memref<5x2x80xi32, #tpu.memory_space<vmem>> -> memref<1x1x80xi32, #tpu.memory_space<vmem>>
      %dma_start3A_1092 = tpu.memref_squeeze %dma_start3A_1091 : memref<1x1x80xi32, #tpu.memory_space<vmem>> -> memref<80xi32, #tpu.memory_space<vmem>>
      %dma_start3A_1093 = arith.constant 0 : i32
      %dma_start3A_1094 = tpu.memref_slice %arg20[%dma_start3A_1093] : memref<10000xf32, #tpu.memory_space<vmem_shared>> -> memref<10000xf32, #tpu.memory_space<vmem_shared>>
      tpu.enqueue_indirect_dma source(%arg21 : memref<80xf32, #tpu.memory_space<vmem>>) target(%dma_start3A_1094 : memref<10000xf32, #tpu.memory_space<vmem_shared>>) offsets(%dma_start3A_1092 : memref<80xi32, #tpu.memory_space<vmem>>) semaphore(%arg18 : memref<!tpu.dma_semaphore, #tpu.memory_space<semaphore_mem>>) {add = true}
      %dma_start3A_1095 = arith.constant 1 : i32
      %dma_start3A_1096 = arith.constant 1 : i32
      %dma_start3A_1097 = arith.constant 0 : i32
      %dma_start3A_1098 = tpu.memref_slice %arg10[%dma_start3A_1095, %dma_start3A_1096, %dma_start3A_1097] : memref<5x2x80xi32, #tpu.memory_space<vmem>> -> memref<1x1x80xi32, #tpu.memory_space<vmem>>
      %dma_start3A_1099 = tpu.memref_squeeze %dma_start3A_1098 : memref<1x1x80xi32, #tpu.memory_space<vmem>> -> memref<80xi32, #tpu.memory_space<vmem>>
      %dma_start3A_1100 = arith.constant 0 : i32
      %dma_start3A_1101 = tpu.memref_slice %arg20[%dma_start3A_1100] : memref<10000xf32, #tpu.memory_space<vmem_shared>> -> memref<10000xf32, #tpu.memory_space<vmem_shared>>
      tpu.enqueue_indirect_dma source(%arg21 : memref<80xf32, #tpu.memory_space<vmem>>) target(%dma_start3A_1101 : memref<10000xf32, #tpu.memory_space<vmem_shared>>) offsets(%dma_start3A_1099 : memref<80xi32, #tpu.memory_space<vmem>>) semaphore(%arg18 : memref<!tpu.dma_semaphore, #tpu.memory_space<semaphore_mem>>) {add = true}
      %dma_start3A_1102 = arith.constant 2 : i32
      %dma_start3A_1103 = arith.constant 1 : i32
      %dma_start3A_1104 = arith.constant 0 : i32
      %dma_start3A_1105 = tpu.memref_slice %arg10[%dma_start3A_1102, %dma_start3A_1103, %dma_start3A_1104] : memref<5x2x80xi32, #tpu.memory_space<vmem>> -> memref<1x1x80xi32, #tpu.memory_space<vmem>>
      %dma_start3A_1106 = tpu.memref_squeeze %dma_start3A_1105 : memref<1x1x80xi32, #tpu.memory_space<vmem>> -> memref<80xi32, #tpu.memory_space<vmem>>
      %dma_start3A_1107 = arith.constant 0 : i32
      %dma_start3A_1108 = tpu.memref_slice %arg20[%dma_start3A_1107] : memref<10000xf32, #tpu.memory_space<vmem_shared>> -> memref<10000xf32, #tpu.memory_space<vmem_shared>>
      tpu.enqueue_indirect_dma source(%arg21 : memref<80xf32, #tpu.memory_space<vmem>>) target(%dma_start3A_1108 : memref<10000xf32, #tpu.memory_space<vmem_shared>>) offsets(%dma_start3A_1106 : memref<80xi32, #tpu.memory_space<vmem>>) semaphore(%arg18 : memref<!tpu.dma_semaphore, #tpu.memory_space<semaphore_mem>>) {add = true}
      %dma_start3A_1109 = arith.constant 3 : i32
      %dma_start3A_1110 = arith.constant 1 : i32
      %dma_start3A_1111 = arith.constant 0 : i32
      %dma_start3A_1112 = tpu.memref_slice %arg10[%dma_start3A_1109, %dma_start3A_1110, %dma_start3A_1111] : memref<5x2x80xi32, #tpu.memory_space<vmem>> -> memref<1x1x80xi32, #tpu.memory_space<vmem>>
      %dma_start3A_1113 = tpu.memref_squeeze %dma_start3A_1112 : memref<1x1x80xi32, #tpu.memory_space<vmem>> -> memref<80xi32, #tpu.memory_space<vmem>>
      %dma_start3A_1114 = arith.constant 0 : i32
      %dma_start3A_1115 = tpu.memref_slice %arg20[%dma_start3A_1114] : memref<10000xf32, #tpu.memory_space<vmem_shared>> -> memref<10000xf32, #tpu.memory_space<vmem_shared>>
      tpu.enqueue_indirect_dma source(%arg21 : memref<80xf32, #tpu.memory_space<vmem>>) target(%dma_start3A_1115 : memref<10000xf32, #tpu.memory_space<vmem_shared>>) offsets(%dma_start3A_1113 : memref<80xi32, #tpu.memory_space<vmem>>) semaphore(%arg18 : memref<!tpu.dma_semaphore, #tpu.memory_space<semaphore_mem>>) {add = true}
      %dma_start3A_1116 = arith.constant 4 : i32
      %dma_start3A_1117 = arith.constant 1 : i32
      %dma_start3A_1118 = arith.constant 0 : i32
      %dma_start3A_1119 = tpu.memref_slice %arg10[%dma_start3A_1116, %dma_start3A_1117, %dma_start3A_1118] : memref<5x2x80xi32, #tpu.memory_space<vmem>> -> memref<1x1x80xi32, #tpu.memory_space<vmem>>
      %dma_start3A_1120 = tpu.memref_squeeze %dma_start3A_1119 : memref<1x1x80xi32, #tpu.memory_space<vmem>> -> memref<80xi32, #tpu.memory_space<vmem>>
      %dma_start3A_1121 = arith.constant 0 : i32
      %dma_start3A_1122 = tpu.memref_slice %arg20[%dma_start3A_1121] : memref<10000xf32, #tpu.memory_space<vmem_shared>> -> memref<10000xf32, #tpu.memory_space<vmem_shared>>
      tpu.enqueue_indirect_dma source(%arg21 : memref<80xf32, #tpu.memory_space<vmem>>) target(%dma_start3A_1122 : memref<10000xf32, #tpu.memory_space<vmem_shared>>) offsets(%dma_start3A_1120 : memref<80xi32, #tpu.memory_space<vmem>>) semaphore(%arg18 : memref<!tpu.dma_semaphore, #tpu.memory_space<semaphore_mem>>) {add = true}
      %dma_wait3A_1123 = arith.constant 0 : i32
      %dma_wait3A_1124 = arith.constant 1 : i32
      %dma_wait3A_1125 = arith.constant 0 : i32
      %dma_wait3A_1126 = arith.constant 0 : i32
      %dma_wait3A_1127 = tpu.memref_slice %arg12[%dma_wait3A_1125, %dma_wait3A_1126] : memref<400x64xf32, #tpu.memory_space<vmem>> -> memref<80x64xf32, #tpu.memory_space<vmem>>
      %dma_wait3A_1128 = arith.constant 0 : i32
      %dma_wait3A_1129 = tpu.memref_slice %arg10[%dma_wait3A_1123, %dma_wait3A_1124, %dma_wait3A_1128] : memref<5x2x80xi32, #tpu.memory_space<vmem>> -> memref<1x1x80xi32, #tpu.memory_space<vmem>>
      %dma_wait3A_1130 = tpu.memref_squeeze %dma_wait3A_1129 : memref<1x1x80xi32, #tpu.memory_space<vmem>> -> memref<80xi32, #tpu.memory_space<vmem>>
      %dma_wait3A_1131 = arith.constant 0 : i32
      %dma_wait3A_1132 = arith.constant 0 : i32
      %dma_wait3A_1133 = tpu.memref_slice %arg19[%dma_wait3A_1131, %dma_wait3A_1132] : memref<10000x64xf32, #tpu.memory_space<vmem_shared>> -> memref<10000x64xf32, #tpu.memory_space<vmem_shared>>
      tpu.wait_indirect_dma semaphore(%arg18 : memref<!tpu.dma_semaphore, #tpu.memory_space<semaphore_mem>>) src(%dma_wait3A_1127 : memref<80x64xf32, #tpu.memory_space<vmem>>) dst(%dma_wait3A_1133 : memref<10000x64xf32, #tpu.memory_space<vmem_shared>>)
      %dma_wait3A_1134 = arith.constant 1 : i32
      %dma_wait3A_1135 = arith.constant 1 : i32
      %dma_wait3A_1136 = arith.constant 80 : i32
      %dma_wait3A_1137 = arith.constant 0 : i32
      %dma_wait3A_1138 = tpu.memref_slice %arg12[%dma_wait3A_1136, %dma_wait3A_1137] : memref<400x64xf32, #tpu.memory_space<vmem>> -> memref<80x64xf32, #tpu.memory_space<vmem>>
      %dma_wait3A_1139 = arith.constant 0 : i32
      %dma_wait3A_1140 = tpu.memref_slice %arg10[%dma_wait3A_1134, %dma_wait3A_1135, %dma_wait3A_1139] : memref<5x2x80xi32, #tpu.memory_space<vmem>> -> memref<1x1x80xi32, #tpu.memory_space<vmem>>
      %dma_wait3A_1141 = tpu.memref_squeeze %dma_wait3A_1140 : memref<1x1x80xi32, #tpu.memory_space<vmem>> -> memref<80xi32, #tpu.memory_space<vmem>>
      %dma_wait3A_1142 = arith.constant 0 : i32
      %dma_wait3A_1143 = arith.constant 0 : i32
      %dma_wait3A_1144 = tpu.memref_slice %arg19[%dma_wait3A_1142, %dma_wait3A_1143] : memref<10000x64xf32, #tpu.memory_space<vmem_shared>> -> memref<10000x64xf32, #tpu.memory_space<vmem_shared>>
      tpu.wait_indirect_dma semaphore(%arg18 : memref<!tpu.dma_semaphore, #tpu.memory_space<semaphore_mem>>) src(%dma_wait3A_1138 : memref<80x64xf32, #tpu.memory_space<vmem>>) dst(%dma_wait3A_1144 : memref<10000x64xf32, #tpu.memory_space<vmem_shared>>)
      %dma_wait3A_1145 = arith.constant 2 : i32
      %dma_wait3A_1146 = arith.constant 1 : i32
      %dma_wait3A_1147 = arith.constant 160 : i32
      %dma_wait3A_1148 = arith.constant 0 : i32
      %dma_wait3A_1149 = tpu.memref_slice %arg12[%dma_wait3A_1147, %dma_wait3A_1148] : memref<400x64xf32, #tpu.memory_space<vmem>> -> memref<80x64xf32, #tpu.memory_space<vmem>>
      %dma_wait3A_1150 = arith.constant 0 : i32
      %dma_wait3A_1151 = tpu.memref_slice %arg10[%dma_wait3A_1145, %dma_wait3A_1146, %dma_wait3A_1150] : memref<5x2x80xi32, #tpu.memory_space<vmem>> -> memref<1x1x80xi32, #tpu.memory_space<vmem>>
      %dma_wait3A_1152 = tpu.memref_squeeze %dma_wait3A_1151 : memref<1x1x80xi32, #tpu.memory_space<vmem>> -> memref<80xi32, #tpu.memory_space<vmem>>
      %dma_wait3A_1153 = arith.constant 0 : i32
      %dma_wait3A_1154 = arith.constant 0 : i32
      %dma_wait3A_1155 = tpu.memref_slice %arg19[%dma_wait3A_1153, %dma_wait3A_1154] : memref<10000x64xf32, #tpu.memory_space<vmem_shared>> -> memref<10000x64xf32, #tpu.memory_space<vmem_shared>>
      tpu.wait_indirect_dma semaphore(%arg18 : memref<!tpu.dma_semaphore, #tpu.memory_space<semaphore_mem>>) src(%dma_wait3A_1149 : memref<80x64xf32, #tpu.memory_space<vmem>>) dst(%dma_wait3A_1155 : memref<10000x64xf32, #tpu.memory_space<vmem_shared>>)
      %dma_wait3A_1156 = arith.constant 3 : i32
      %dma_wait3A_1157 = arith.constant 1 : i32
      %dma_wait3A_1158 = arith.constant 240 : i32
      %dma_wait3A_1159 = arith.constant 0 : i32
      %dma_wait3A_1160 = tpu.memref_slice %arg12[%dma_wait3A_1158, %dma_wait3A_1159] : memref<400x64xf32, #tpu.memory_space<vmem>> -> memref<80x64xf32, #tpu.memory_space<vmem>>
      %dma_wait3A_1161 = arith.constant 0 : i32
      %dma_wait3A_1162 = tpu.memref_slice %arg10[%dma_wait3A_1156, %dma_wait3A_1157, %dma_wait3A_1161] : memref<5x2x80xi32, #tpu.memory_space<vmem>> -> memref<1x1x80xi32, #tpu.memory_space<vmem>>
      %dma_wait3A_1163 = tpu.memref_squeeze %dma_wait3A_1162 : memref<1x1x80xi32, #tpu.memory_space<vmem>> -> memref<80xi32, #tpu.memory_space<vmem>>
      %dma_wait3A_1164 = arith.constant 0 : i32
      %dma_wait3A_1165 = arith.constant 0 : i32
      %dma_wait3A_1166 = tpu.memref_slice %arg19[%dma_wait3A_1164, %dma_wait3A_1165] : memref<10000x64xf32, #tpu.memory_space<vmem_shared>> -> memref<10000x64xf32, #tpu.memory_space<vmem_shared>>
      tpu.wait_indirect_dma semaphore(%arg18 : memref<!tpu.dma_semaphore, #tpu.memory_space<semaphore_mem>>) src(%dma_wait3A_1160 : memref<80x64xf32, #tpu.memory_space<vmem>>) dst(%dma_wait3A_1166 : memref<10000x64xf32, #tpu.memory_space<vmem_shared>>)
      %dma_wait3A_1167 = arith.constant 4 : i32
      %dma_wait3A_1168 = arith.constant 1 : i32
      %dma_wait3A_1169 = arith.constant 320 : i32
      %dma_wait3A_1170 = arith.constant 0 : i32
      %dma_wait3A_1171 = tpu.memref_slice %arg12[%dma_wait3A_1169, %dma_wait3A_1170] : memref<400x64xf32, #tpu.memory_space<vmem>> -> memref<80x64xf32, #tpu.memory_space<vmem>>
      %dma_wait3A_1172 = arith.constant 0 : i32
      %dma_wait3A_1173 = tpu.memref_slice %arg10[%dma_wait3A_1167, %dma_wait3A_1168, %dma_wait3A_1172] : memref<5x2x80xi32, #tpu.memory_space<vmem>> -> memref<1x1x80xi32, #tpu.memory_space<vmem>>
      %dma_wait3A_1174 = tpu.memref_squeeze %dma_wait3A_1173 : memref<1x1x80xi32, #tpu.memory_space<vmem>> -> memref<80xi32, #tpu.memory_space<vmem>>
      %dma_wait3A_1175 = arith.constant 0 : i32
      %dma_wait3A_1176 = arith.constant 0 : i32
      %dma_wait3A_1177 = tpu.memref_slice %arg19[%dma_wait3A_1175, %dma_wait3A_1176] : memref<10000x64xf32, #tpu.memory_space<vmem_shared>> -> memref<10000x64xf32, #tpu.memory_space<vmem_shared>>
      tpu.wait_indirect_dma semaphore(%arg18 : memref<!tpu.dma_semaphore, #tpu.memory_space<semaphore_mem>>) src(%dma_wait3A_1171 : memref<80x64xf32, #tpu.memory_space<vmem>>) dst(%dma_wait3A_1177 : memref<10000x64xf32, #tpu.memory_space<vmem_shared>>)
      %dma_wait3A_1178 = arith.constant 0 : i32
      %dma_wait3A_1179 = arith.constant 1 : i32
      %dma_wait3A_1180 = arith.constant 0 : i32
      %dma_wait3A_1181 = tpu.memref_slice %arg10[%dma_wait3A_1178, %dma_wait3A_1179, %dma_wait3A_1180] : memref<5x2x80xi32, #tpu.memory_space<vmem>> -> memref<1x1x80xi32, #tpu.memory_space<vmem>>
      %dma_wait3A_1182 = tpu.memref_squeeze %dma_wait3A_1181 : memref<1x1x80xi32, #tpu.memory_space<vmem>> -> memref<80xi32, #tpu.memory_space<vmem>>
      %dma_wait3A_1183 = arith.constant 0 : i32
      %dma_wait3A_1184 = tpu.memref_slice %arg20[%dma_wait3A_1183] : memref<10000xf32, #tpu.memory_space<vmem_shared>> -> memref<10000xf32, #tpu.memory_space<vmem_shared>>
      tpu.wait_indirect_dma semaphore(%arg18 : memref<!tpu.dma_semaphore, #tpu.memory_space<semaphore_mem>>) src(%arg21 : memref<80xf32, #tpu.memory_space<vmem>>) dst(%dma_wait3A_1184 : memref<10000xf32, #tpu.memory_space<vmem_shared>>)
      %dma_wait3A_1185 = arith.constant 1 : i32
      %dma_wait3A_1186 = arith.constant 1 : i32
      %dma_wait3A_1187 = arith.constant 0 : i32
      %dma_wait3A_1188 = tpu.memref_slice %arg10[%dma_wait3A_1185, %dma_wait3A_1186, %dma_wait3A_1187] : memref<5x2x80xi32, #tpu.memory_space<vmem>> -> memref<1x1x80xi32, #tpu.memory_space<vmem>>
      %dma_wait3A_1189 = tpu.memref_squeeze %dma_wait3A_1188 : memref<1x1x80xi32, #tpu.memory_space<vmem>> -> memref<80xi32, #tpu.memory_space<vmem>>
      %dma_wait3A_1190 = arith.constant 0 : i32
      %dma_wait3A_1191 = tpu.memref_slice %arg20[%dma_wait3A_1190] : memref<10000xf32, #tpu.memory_space<vmem_shared>> -> memref<10000xf32, #tpu.memory_space<vmem_shared>>
      tpu.wait_indirect_dma semaphore(%arg18 : memref<!tpu.dma_semaphore, #tpu.memory_space<semaphore_mem>>) src(%arg21 : memref<80xf32, #tpu.memory_space<vmem>>) dst(%dma_wait3A_1191 : memref<10000xf32, #tpu.memory_space<vmem_shared>>)
      %dma_wait3A_1192 = arith.constant 2 : i32
      %dma_wait3A_1193 = arith.constant 1 : i32
      %dma_wait3A_1194 = arith.constant 0 : i32
      %dma_wait3A_1195 = tpu.memref_slice %arg10[%dma_wait3A_1192, %dma_wait3A_1193, %dma_wait3A_1194] : memref<5x2x80xi32, #tpu.memory_space<vmem>> -> memref<1x1x80xi32, #tpu.memory_space<vmem>>
      %dma_wait3A_1196 = tpu.memref_squeeze %dma_wait3A_1195 : memref<1x1x80xi32, #tpu.memory_space<vmem>> -> memref<80xi32, #tpu.memory_space<vmem>>
      %dma_wait3A_1197 = arith.constant 0 : i32
      %dma_wait3A_1198 = tpu.memref_slice %arg20[%dma_wait3A_1197] : memref<10000xf32, #tpu.memory_space<vmem_shared>> -> memref<10000xf32, #tpu.memory_space<vmem_shared>>
      tpu.wait_indirect_dma semaphore(%arg18 : memref<!tpu.dma_semaphore, #tpu.memory_space<semaphore_mem>>) src(%arg21 : memref<80xf32, #tpu.memory_space<vmem>>) dst(%dma_wait3A_1198 : memref<10000xf32, #tpu.memory_space<vmem_shared>>)
      %dma_wait3A_1199 = arith.constant 3 : i32
      %dma_wait3A_1200 = arith.constant 1 : i32
      %dma_wait3A_1201 = arith.constant 0 : i32
      %dma_wait3A_1202 = tpu.memref_slice %arg10[%dma_wait3A_1199, %dma_wait3A_1200, %dma_wait3A_1201] : memref<5x2x80xi32, #tpu.memory_space<vmem>> -> memref<1x1x80xi32, #tpu.memory_space<vmem>>
      %dma_wait3A_1203 = tpu.memref_squeeze %dma_wait3A_1202 : memref<1x1x80xi32, #tpu.memory_space<vmem>> -> memref<80xi32, #tpu.memory_space<vmem>>
      %dma_wait3A_1204 = arith.constant 0 : i32
      %dma_wait3A_1205 = tpu.memref_slice %arg20[%dma_wait3A_1204] : memref<10000xf32, #tpu.memory_space<vmem_shared>> -> memref<10000xf32, #tpu.memory_space<vmem_shared>>
      tpu.wait_indirect_dma semaphore(%arg18 : memref<!tpu.dma_semaphore, #tpu.memory_space<semaphore_mem>>) src(%arg21 : memref<80xf32, #tpu.memory_space<vmem>>) dst(%dma_wait3A_1205 : memref<10000xf32, #tpu.memory_space<vmem_shared>>)
      %dma_wait3A_1206 = arith.constant 4 : i32
      %dma_wait3A_1207 = arith.constant 1 : i32
      %dma_wait3A_1208 = arith.constant 0 : i32
      %dma_wait3A_1209 = tpu.memref_slice %arg10[%dma_wait3A_1206, %dma_wait3A_1207, %dma_wait3A_1208] : memref<5x2x80xi32, #tpu.memory_space<vmem>> -> memref<1x1x80xi32, #tpu.memory_space<vmem>>
      %dma_wait3A_1210 = tpu.memref_squeeze %dma_wait3A_1209 : memref<1x1x80xi32, #tpu.memory_space<vmem>> -> memref<80xi32, #tpu.memory_space<vmem>>
      %dma_wait3A_1211 = arith.constant 0 : i32
      %dma_wait3A_1212 = tpu.memref_slice %arg20[%dma_wait3A_1211] : memref<10000xf32, #tpu.memory_space<vmem_shared>> -> memref<10000xf32, #tpu.memory_space<vmem_shared>>
      tpu.wait_indirect_dma semaphore(%arg18 : memref<!tpu.dma_semaphore, #tpu.memory_space<semaphore_mem>>) src(%arg21 : memref<80xf32, #tpu.memory_space<vmem>>) dst(%dma_wait3A_1212 : memref<10000xf32, #tpu.memory_space<vmem_shared>>)
      %add3A_1213 = arith.constant 1 : i32
      %add3A_1214 = arith.addi %add3A_977, %add3A_1213 : i32
      %mul3A_1215 = arith.constant 400 : i32
      %mul3A_1216 = arith.muli %add3A_1214, %mul3A_1215 : i32
      %add3A_1217 = arith.addi %mul3A_2, %mul3A_1216 : i32
      %add3A_1218 = arith.constant 0 : i32
      %add3A_1219 = arith.addi %add3A_1217, %add3A_1218 : i32
      %dma_wait3A_1220 = arith.constant 0 : i32
      %dma_wait3A_1221 = arith.constant 0 : i32
      %dma_wait3A_1222 = arith.constant 0 : i32
      %dma_wait3A_1223 = tpu.memref_slice %arg9[%dma_wait3A_1220, %dma_wait3A_1221, %dma_wait3A_1222] : memref<5x2x80xi32, #tpu.memory_space<vmem>> -> memref<1x2x80xi32, #tpu.memory_space<vmem>>
      %dma_wait3A_1224 = tpu.memref_squeeze %dma_wait3A_1223 : memref<1x2x80xi32, #tpu.memory_space<vmem>> -> memref<2x80xi32, #tpu.memory_space<vmem>>
      %dma_wait3A_1225 = arith.constant 0 : i32
      %dma_wait3A_1226 = tpu.memref_slice %arg3[%dma_wait3A_1225, %add3A_1219] : memref<2x320000xi32, #tpu.memory_space<hbm>> -> memref<2x80xi32, #tpu.memory_space<hbm>>
      %dma_wait3A_1227 = arith.constant 0 : i32
      %dma_wait3A_1228 = arith.constant 0 : i32
      %dma_wait3A_1229 = tpu.memref_slice %arg9[%dma_wait3A_1220, %dma_wait3A_1227, %dma_wait3A_1228] : memref<5x2x80xi32, #tpu.memory_space<vmem>> -> memref<1x2x80xi32, #tpu.memory_space<vmem>>
      %dma_wait3A_1230 = tpu.memref_squeeze %dma_wait3A_1229 : memref<1x2x80xi32, #tpu.memory_space<vmem>> -> memref<2x80xi32, #tpu.memory_space<vmem>>
      %dma_wait3A_1231 = arith.constant 0 : i32
      %dma_wait3A_1232 = tpu.memref_slice %arg3[%dma_wait3A_1231, %add3A_1219] : memref<2x320000xi32, #tpu.memory_space<hbm>> -> memref<2x80xi32, #tpu.memory_space<hbm>>
      tpu.wait_dma2 semaphore(%arg13 : memref<!tpu.dma_semaphore, #tpu.memory_space<semaphore_mem>>) src(%dma_wait3A_1232 : memref<2x80xi32, #tpu.memory_space<hbm>>) dst(%dma_wait3A_1230 : memref<2x80xi32, #tpu.memory_space<vmem>>)
      %add3A_1233 = arith.constant 80 : i32
      %add3A_1234 = arith.addi %add3A_1217, %add3A_1233 : i32
      %dma_wait3A_1235 = arith.constant 1 : i32
      %dma_wait3A_1236 = arith.constant 0 : i32
      %dma_wait3A_1237 = arith.constant 0 : i32
      %dma_wait3A_1238 = tpu.memref_slice %arg9[%dma_wait3A_1235, %dma_wait3A_1236, %dma_wait3A_1237] : memref<5x2x80xi32, #tpu.memory_space<vmem>> -> memref<1x2x80xi32, #tpu.memory_space<vmem>>
      %dma_wait3A_1239 = tpu.memref_squeeze %dma_wait3A_1238 : memref<1x2x80xi32, #tpu.memory_space<vmem>> -> memref<2x80xi32, #tpu.memory_space<vmem>>
      %dma_wait3A_1240 = arith.constant 0 : i32
      %dma_wait3A_1241 = tpu.memref_slice %arg3[%dma_wait3A_1240, %add3A_1234] : memref<2x320000xi32, #tpu.memory_space<hbm>> -> memref<2x80xi32, #tpu.memory_space<hbm>>
      %dma_wait3A_1242 = arith.constant 0 : i32
      %dma_wait3A_1243 = arith.constant 0 : i32
      %dma_wait3A_1244 = tpu.memref_slice %arg9[%dma_wait3A_1235, %dma_wait3A_1242, %dma_wait3A_1243] : memref<5x2x80xi32, #tpu.memory_space<vmem>> -> memref<1x2x80xi32, #tpu.memory_space<vmem>>
      %dma_wait3A_1245 = tpu.memref_squeeze %dma_wait3A_1244 : memref<1x2x80xi32, #tpu.memory_space<vmem>> -> memref<2x80xi32, #tpu.memory_space<vmem>>
      %dma_wait3A_1246 = arith.constant 0 : i32
      %dma_wait3A_1247 = tpu.memref_slice %arg3[%dma_wait3A_1246, %add3A_1234] : memref<2x320000xi32, #tpu.memory_space<hbm>> -> memref<2x80xi32, #tpu.memory_space<hbm>>
      tpu.wait_dma2 semaphore(%arg13 : memref<!tpu.dma_semaphore, #tpu.memory_space<semaphore_mem>>) src(%dma_wait3A_1247 : memref<2x80xi32, #tpu.memory_space<hbm>>) dst(%dma_wait3A_1245 : memref<2x80xi32, #tpu.memory_space<vmem>>)
      %add3A_1248 = arith.constant 160 : i32
      %add3A_1249 = arith.addi %add3A_1217, %add3A_1248 : i32
      %dma_wait3A_1250 = arith.constant 2 : i32
      %dma_wait3A_1251 = arith.constant 0 : i32
      %dma_wait3A_1252 = arith.constant 0 : i32
      %dma_wait3A_1253 = tpu.memref_slice %arg9[%dma_wait3A_1250, %dma_wait3A_1251, %dma_wait3A_1252] : memref<5x2x80xi32, #tpu.memory_space<vmem>> -> memref<1x2x80xi32, #tpu.memory_space<vmem>>
      %dma_wait3A_1254 = tpu.memref_squeeze %dma_wait3A_1253 : memref<1x2x80xi32, #tpu.memory_space<vmem>> -> memref<2x80xi32, #tpu.memory_space<vmem>>
      %dma_wait3A_1255 = arith.constant 0 : i32
      %dma_wait3A_1256 = tpu.memref_slice %arg3[%dma_wait3A_1255, %add3A_1249] : memref<2x320000xi32, #tpu.memory_space<hbm>> -> memref<2x80xi32, #tpu.memory_space<hbm>>
      %dma_wait3A_1257 = arith.constant 0 : i32
      %dma_wait3A_1258 = arith.constant 0 : i32
      %dma_wait3A_1259 = tpu.memref_slice %arg9[%dma_wait3A_1250, %dma_wait3A_1257, %dma_wait3A_1258] : memref<5x2x80xi32, #tpu.memory_space<vmem>> -> memref<1x2x80xi32, #tpu.memory_space<vmem>>
      %dma_wait3A_1260 = tpu.memref_squeeze %dma_wait3A_1259 : memref<1x2x80xi32, #tpu.memory_space<vmem>> -> memref<2x80xi32, #tpu.memory_space<vmem>>
      %dma_wait3A_1261 = arith.constant 0 : i32
      %dma_wait3A_1262 = tpu.memref_slice %arg3[%dma_wait3A_1261, %add3A_1249] : memref<2x320000xi32, #tpu.memory_space<hbm>> -> memref<2x80xi32, #tpu.memory_space<hbm>>
      tpu.wait_dma2 semaphore(%arg13 : memref<!tpu.dma_semaphore, #tpu.memory_space<semaphore_mem>>) src(%dma_wait3A_1262 : memref<2x80xi32, #tpu.memory_space<hbm>>) dst(%dma_wait3A_1260 : memref<2x80xi32, #tpu.memory_space<vmem>>)
      %add3A_1263 = arith.constant 240 : i32
      %add3A_1264 = arith.addi %add3A_1217, %add3A_1263 : i32
      %dma_wait3A_1265 = arith.constant 3 : i32
      %dma_wait3A_1266 = arith.constant 0 : i32
      %dma_wait3A_1267 = arith.constant 0 : i32
      %dma_wait3A_1268 = tpu.memref_slice %arg9[%dma_wait3A_1265, %dma_wait3A_1266, %dma_wait3A_1267] : memref<5x2x80xi32, #tpu.memory_space<vmem>> -> memref<1x2x80xi32, #tpu.memory_space<vmem>>
      %dma_wait3A_1269 = tpu.memref_squeeze %dma_wait3A_1268 : memref<1x2x80xi32, #tpu.memory_space<vmem>> -> memref<2x80xi32, #tpu.memory_space<vmem>>
      %dma_wait3A_1270 = arith.constant 0 : i32
      %dma_wait3A_1271 = tpu.memref_slice %arg3[%dma_wait3A_1270, %add3A_1264] : memref<2x320000xi32, #tpu.memory_space<hbm>> -> memref<2x80xi32, #tpu.memory_space<hbm>>
      %dma_wait3A_1272 = arith.constant 0 : i32
      %dma_wait3A_1273 = arith.constant 0 : i32
      %dma_wait3A_1274 = tpu.memref_slice %arg9[%dma_wait3A_1265, %dma_wait3A_1272, %dma_wait3A_1273] : memref<5x2x80xi32, #tpu.memory_space<vmem>> -> memref<1x2x80xi32, #tpu.memory_space<vmem>>
      %dma_wait3A_1275 = tpu.memref_squeeze %dma_wait3A_1274 : memref<1x2x80xi32, #tpu.memory_space<vmem>> -> memref<2x80xi32, #tpu.memory_space<vmem>>
      %dma_wait3A_1276 = arith.constant 0 : i32
      %dma_wait3A_1277 = tpu.memref_slice %arg3[%dma_wait3A_1276, %add3A_1264] : memref<2x320000xi32, #tpu.memory_space<hbm>> -> memref<2x80xi32, #tpu.memory_space<hbm>>
      tpu.wait_dma2 semaphore(%arg13 : memref<!tpu.dma_semaphore, #tpu.memory_space<semaphore_mem>>) src(%dma_wait3A_1277 : memref<2x80xi32, #tpu.memory_space<hbm>>) dst(%dma_wait3A_1275 : memref<2x80xi32, #tpu.memory_space<vmem>>)
      %add3A_1278 = arith.constant 320 : i32
      %add3A_1279 = arith.addi %add3A_1217, %add3A_1278 : i32
      %dma_wait3A_1280 = arith.constant 4 : i32
      %dma_wait3A_1281 = arith.constant 0 : i32
      %dma_wait3A_1282 = arith.constant 0 : i32
      %dma_wait3A_1283 = tpu.memref_slice %arg9[%dma_wait3A_1280, %dma_wait3A_1281, %dma_wait3A_1282] : memref<5x2x80xi32, #tpu.memory_space<vmem>> -> memref<1x2x80xi32, #tpu.memory_space<vmem>>
      %dma_wait3A_1284 = tpu.memref_squeeze %dma_wait3A_1283 : memref<1x2x80xi32, #tpu.memory_space<vmem>> -> memref<2x80xi32, #tpu.memory_space<vmem>>
      %dma_wait3A_1285 = arith.constant 0 : i32
      %dma_wait3A_1286 = tpu.memref_slice %arg3[%dma_wait3A_1285, %add3A_1279] : memref<2x320000xi32, #tpu.memory_space<hbm>> -> memref<2x80xi32, #tpu.memory_space<hbm>>
      %dma_wait3A_1287 = arith.constant 0 : i32
      %dma_wait3A_1288 = arith.constant 0 : i32
      %dma_wait3A_1289 = tpu.memref_slice %arg9[%dma_wait3A_1280, %dma_wait3A_1287, %dma_wait3A_1288] : memref<5x2x80xi32, #tpu.memory_space<vmem>> -> memref<1x2x80xi32, #tpu.memory_space<vmem>>
      %dma_wait3A_1290 = tpu.memref_squeeze %dma_wait3A_1289 : memref<1x2x80xi32, #tpu.memory_space<vmem>> -> memref<2x80xi32, #tpu.memory_space<vmem>>
      %dma_wait3A_1291 = arith.constant 0 : i32
      %dma_wait3A_1292 = tpu.memref_slice %arg3[%dma_wait3A_1291, %add3A_1279] : memref<2x320000xi32, #tpu.memory_space<hbm>> -> memref<2x80xi32, #tpu.memory_space<hbm>>
      tpu.wait_dma2 semaphore(%arg13 : memref<!tpu.dma_semaphore, #tpu.memory_space<semaphore_mem>>) src(%dma_wait3A_1292 : memref<2x80xi32, #tpu.memory_space<hbm>>) dst(%dma_wait3A_1290 : memref<2x80xi32, #tpu.memory_space<vmem>>)
      %dma_start3A_1293 = arith.constant 0 : i32
      %dma_start3A_1294 = arith.constant 0 : i32
      %dma_start3A_1295 = arith.constant 0 : i32
      %dma_start3A_1296 = arith.constant 0 : i32
      %dma_start3A_1297 = tpu.memref_slice %arg11[%dma_start3A_1295, %dma_start3A_1296] : memref<400x64xf32, #tpu.memory_space<vmem>> -> memref<80x64xf32, #tpu.memory_space<vmem>>
      %dma_start3A_1298 = arith.constant 0 : i32
      %dma_start3A_1299 = tpu.memref_slice %arg9[%dma_start3A_1293, %dma_start3A_1294, %dma_start3A_1298] : memref<5x2x80xi32, #tpu.memory_space<vmem>> -> memref<1x1x80xi32, #tpu.memory_space<vmem>>
      %dma_start3A_1300 = tpu.memref_squeeze %dma_start3A_1299 : memref<1x1x80xi32, #tpu.memory_space<vmem>> -> memref<80xi32, #tpu.memory_space<vmem>>
      %dma_start3A_1301 = arith.constant 0 : i32
      %dma_start3A_1302 = arith.constant 0 : i32
      %dma_start3A_1303 = tpu.memref_slice %arg2[%dma_start3A_1301, %dma_start3A_1302] : memref<10000x64xf32, #tpu.memory_space<hbm>> -> memref<10000x64xf32, #tpu.memory_space<hbm>>
      tpu.enqueue_indirect_dma source(%dma_start3A_1303 : memref<10000x64xf32, #tpu.memory_space<hbm>>) target(%dma_start3A_1297 : memref<80x64xf32, #tpu.memory_space<vmem>>) offsets(%dma_start3A_1300 : memref<80xi32, #tpu.memory_space<vmem>>) semaphore(%arg15 : memref<!tpu.dma_semaphore, #tpu.memory_space<semaphore_mem>>)
      %dma_start3A_1304 = arith.constant 1 : i32
      %dma_start3A_1305 = arith.constant 0 : i32
      %dma_start3A_1306 = arith.constant 80 : i32
      %dma_start3A_1307 = arith.constant 0 : i32
      %dma_start3A_1308 = tpu.memref_slice %arg11[%dma_start3A_1306, %dma_start3A_1307] : memref<400x64xf32, #tpu.memory_space<vmem>> -> memref<80x64xf32, #tpu.memory_space<vmem>>
      %dma_start3A_1309 = arith.constant 0 : i32
      %dma_start3A_1310 = tpu.memref_slice %arg9[%dma_start3A_1304, %dma_start3A_1305, %dma_start3A_1309] : memref<5x2x80xi32, #tpu.memory_space<vmem>> -> memref<1x1x80xi32, #tpu.memory_space<vmem>>
      %dma_start3A_1311 = tpu.memref_squeeze %dma_start3A_1310 : memref<1x1x80xi32, #tpu.memory_space<vmem>> -> memref<80xi32, #tpu.memory_space<vmem>>
      %dma_start3A_1312 = arith.constant 0 : i32
      %dma_start3A_1313 = arith.constant 0 : i32
      %dma_start3A_1314 = tpu.memref_slice %arg2[%dma_start3A_1312, %dma_start3A_1313] : memref<10000x64xf32, #tpu.memory_space<hbm>> -> memref<10000x64xf32, #tpu.memory_space<hbm>>
      tpu.enqueue_indirect_dma source(%dma_start3A_1314 : memref<10000x64xf32, #tpu.memory_space<hbm>>) target(%dma_start3A_1308 : memref<80x64xf32, #tpu.memory_space<vmem>>) offsets(%dma_start3A_1311 : memref<80xi32, #tpu.memory_space<vmem>>) semaphore(%arg15 : memref<!tpu.dma_semaphore, #tpu.memory_space<semaphore_mem>>)
      %dma_start3A_1315 = arith.constant 2 : i32
      %dma_start3A_1316 = arith.constant 0 : i32
      %dma_start3A_1317 = arith.constant 160 : i32
      %dma_start3A_1318 = arith.constant 0 : i32
      %dma_start3A_1319 = tpu.memref_slice %arg11[%dma_start3A_1317, %dma_start3A_1318] : memref<400x64xf32, #tpu.memory_space<vmem>> -> memref<80x64xf32, #tpu.memory_space<vmem>>
      %dma_start3A_1320 = arith.constant 0 : i32
      %dma_start3A_1321 = tpu.memref_slice %arg9[%dma_start3A_1315, %dma_start3A_1316, %dma_start3A_1320] : memref<5x2x80xi32, #tpu.memory_space<vmem>> -> memref<1x1x80xi32, #tpu.memory_space<vmem>>
      %dma_start3A_1322 = tpu.memref_squeeze %dma_start3A_1321 : memref<1x1x80xi32, #tpu.memory_space<vmem>> -> memref<80xi32, #tpu.memory_space<vmem>>
      %dma_start3A_1323 = arith.constant 0 : i32
      %dma_start3A_1324 = arith.constant 0 : i32
      %dma_start3A_1325 = tpu.memref_slice %arg2[%dma_start3A_1323, %dma_start3A_1324] : memref<10000x64xf32, #tpu.memory_space<hbm>> -> memref<10000x64xf32, #tpu.memory_space<hbm>>
      tpu.enqueue_indirect_dma source(%dma_start3A_1325 : memref<10000x64xf32, #tpu.memory_space<hbm>>) target(%dma_start3A_1319 : memref<80x64xf32, #tpu.memory_space<vmem>>) offsets(%dma_start3A_1322 : memref<80xi32, #tpu.memory_space<vmem>>) semaphore(%arg15 : memref<!tpu.dma_semaphore, #tpu.memory_space<semaphore_mem>>)
      %dma_start3A_1326 = arith.constant 3 : i32
      %dma_start3A_1327 = arith.constant 0 : i32
      %dma_start3A_1328 = arith.constant 240 : i32
      %dma_start3A_1329 = arith.constant 0 : i32
      %dma_start3A_1330 = tpu.memref_slice %arg11[%dma_start3A_1328, %dma_start3A_1329] : memref<400x64xf32, #tpu.memory_space<vmem>> -> memref<80x64xf32, #tpu.memory_space<vmem>>
      %dma_start3A_1331 = arith.constant 0 : i32
      %dma_start3A_1332 = tpu.memref_slice %arg9[%dma_start3A_1326, %dma_start3A_1327, %dma_start3A_1331] : memref<5x2x80xi32, #tpu.memory_space<vmem>> -> memref<1x1x80xi32, #tpu.memory_space<vmem>>
      %dma_start3A_1333 = tpu.memref_squeeze %dma_start3A_1332 : memref<1x1x80xi32, #tpu.memory_space<vmem>> -> memref<80xi32, #tpu.memory_space<vmem>>
      %dma_start3A_1334 = arith.constant 0 : i32
      %dma_start3A_1335 = arith.constant 0 : i32
      %dma_start3A_1336 = tpu.memref_slice %arg2[%dma_start3A_1334, %dma_start3A_1335] : memref<10000x64xf32, #tpu.memory_space<hbm>> -> memref<10000x64xf32, #tpu.memory_space<hbm>>
      tpu.enqueue_indirect_dma source(%dma_start3A_1336 : memref<10000x64xf32, #tpu.memory_space<hbm>>) target(%dma_start3A_1330 : memref<80x64xf32, #tpu.memory_space<vmem>>) offsets(%dma_start3A_1333 : memref<80xi32, #tpu.memory_space<vmem>>) semaphore(%arg15 : memref<!tpu.dma_semaphore, #tpu.memory_space<semaphore_mem>>)
      %dma_start3A_1337 = arith.constant 4 : i32
      %dma_start3A_1338 = arith.constant 0 : i32
      %dma_start3A_1339 = arith.constant 320 : i32
      %dma_start3A_1340 = arith.constant 0 : i32
      %dma_start3A_1341 = tpu.memref_slice %arg11[%dma_start3A_1339, %dma_start3A_1340] : memref<400x64xf32, #tpu.memory_space<vmem>> -> memref<80x64xf32, #tpu.memory_space<vmem>>
      %dma_start3A_1342 = arith.constant 0 : i32
      %dma_start3A_1343 = tpu.memref_slice %arg9[%dma_start3A_1337, %dma_start3A_1338, %dma_start3A_1342] : memref<5x2x80xi32, #tpu.memory_space<vmem>> -> memref<1x1x80xi32, #tpu.memory_space<vmem>>
      %dma_start3A_1344 = tpu.memref_squeeze %dma_start3A_1343 : memref<1x1x80xi32, #tpu.memory_space<vmem>> -> memref<80xi32, #tpu.memory_space<vmem>>
      %dma_start3A_1345 = arith.constant 0 : i32
      %dma_start3A_1346 = arith.constant 0 : i32
      %dma_start3A_1347 = tpu.memref_slice %arg2[%dma_start3A_1345, %dma_start3A_1346] : memref<10000x64xf32, #tpu.memory_space<hbm>> -> memref<10000x64xf32, #tpu.memory_space<hbm>>
      tpu.enqueue_indirect_dma source(%dma_start3A_1347 : memref<10000x64xf32, #tpu.memory_space<hbm>>) target(%dma_start3A_1341 : memref<80x64xf32, #tpu.memory_space<vmem>>) offsets(%dma_start3A_1344 : memref<80xi32, #tpu.memory_space<vmem>>) semaphore(%arg15 : memref<!tpu.dma_semaphore, #tpu.memory_space<semaphore_mem>>)
      %add3A_1348 = arith.constant 2 : i32
      %add3A_1349 = arith.addi %add3A_977, %add3A_1348 : i32
      %lt3A_1350 = arith.constant 25 : i32
      %lt3A_1351 = arith.cmpi slt, %add3A_1349, %lt3A_1350 : i32
      %convert_element_type3A_1352 = arith.extui %lt3A_1351 : i1 to i32
      %cond3A_1353 = arith.constant 0 : i32
      %cond3A_1354 = arith.cmpi ne, %convert_element_type3A_1352, %cond3A_1353 : i32
      scf.if %cond3A_1354 {
        %add3A_1355 = arith.constant 2 : i32
        %add3A_1356 = arith.addi %add3A_977, %add3A_1355 : i32
        %mul3A_1357 = arith.constant 400 : i32
        %mul3A_1358 = arith.muli %add3A_1356, %mul3A_1357 : i32
        %add3A_1359 = arith.addi %mul3A_2, %mul3A_1358 : i32
        %add3A_1360 = arith.constant 0 : i32
        %add3A_1361 = arith.addi %add3A_1359, %add3A_1360 : i32
        %dma_start3A_1362 = arith.constant 0 : i32
        %dma_start3A_1363 = arith.constant 0 : i32
        %dma_start3A_1364 = arith.constant 0 : i32
        %dma_start3A_1365 = tpu.memref_slice %arg10[%dma_start3A_1362, %dma_start3A_1363, %dma_start3A_1364] : memref<5x2x80xi32, #tpu.memory_space<vmem>> -> memref<1x2x80xi32, #tpu.memory_space<vmem>>
        %dma_start3A_1366 = tpu.memref_squeeze %dma_start3A_1365 : memref<1x2x80xi32, #tpu.memory_space<vmem>> -> memref<2x80xi32, #tpu.memory_space<vmem>>
        %dma_start3A_1367 = arith.constant 0 : i32
        %dma_start3A_1368 = tpu.memref_slice %arg3[%dma_start3A_1367, %add3A_1361] : memref<2x320000xi32, #tpu.memory_space<hbm>> -> memref<2x80xi32, #tpu.memory_space<hbm>>
        %dma_start3A_1369 = arith.constant 0 : i32
        %dma_start3A_1370 = arith.constant 0 : i32
        %dma_start3A_1371 = tpu.memref_slice %arg10[%dma_start3A_1362, %dma_start3A_1369, %dma_start3A_1370] : memref<5x2x80xi32, #tpu.memory_space<vmem>> -> memref<1x2x80xi32, #tpu.memory_space<vmem>>
        %dma_start3A_1372 = tpu.memref_squeeze %dma_start3A_1371 : memref<1x2x80xi32, #tpu.memory_space<vmem>> -> memref<2x80xi32, #tpu.memory_space<vmem>>
        %dma_start3A_1373 = arith.constant 0 : i32
        %dma_start3A_1374 = tpu.memref_slice %arg3[%dma_start3A_1373, %add3A_1361] : memref<2x320000xi32, #tpu.memory_space<hbm>> -> memref<2x80xi32, #tpu.memory_space<hbm>>
        tpu.enqueue_dma source(%dma_start3A_1374 : memref<2x80xi32, #tpu.memory_space<hbm>>) target(%dma_start3A_1372 : memref<2x80xi32, #tpu.memory_space<vmem>>) target_semaphore(%arg14 : memref<!tpu.dma_semaphore, #tpu.memory_space<semaphore_mem>>)
        %add3A_1375 = arith.constant 80 : i32
        %add3A_1376 = arith.addi %add3A_1359, %add3A_1375 : i32
        %dma_start3A_1377 = arith.constant 1 : i32
        %dma_start3A_1378 = arith.constant 0 : i32
        %dma_start3A_1379 = arith.constant 0 : i32
        %dma_start3A_1380 = tpu.memref_slice %arg10[%dma_start3A_1377, %dma_start3A_1378, %dma_start3A_1379] : memref<5x2x80xi32, #tpu.memory_space<vmem>> -> memref<1x2x80xi32, #tpu.memory_space<vmem>>
        %dma_start3A_1381 = tpu.memref_squeeze %dma_start3A_1380 : memref<1x2x80xi32, #tpu.memory_space<vmem>> -> memref<2x80xi32, #tpu.memory_space<vmem>>
        %dma_start3A_1382 = arith.constant 0 : i32
        %dma_start3A_1383 = tpu.memref_slice %arg3[%dma_start3A_1382, %add3A_1376] : memref<2x320000xi32, #tpu.memory_space<hbm>> -> memref<2x80xi32, #tpu.memory_space<hbm>>
        %dma_start3A_1384 = arith.constant 0 : i32
        %dma_start3A_1385 = arith.constant 0 : i32
        %dma_start3A_1386 = tpu.memref_slice %arg10[%dma_start3A_1377, %dma_start3A_1384, %dma_start3A_1385] : memref<5x2x80xi32, #tpu.memory_space<vmem>> -> memref<1x2x80xi32, #tpu.memory_space<vmem>>
        %dma_start3A_1387 = tpu.memref_squeeze %dma_start3A_1386 : memref<1x2x80xi32, #tpu.memory_space<vmem>> -> memref<2x80xi32, #tpu.memory_space<vmem>>
        %dma_start3A_1388 = arith.constant 0 : i32
        %dma_start3A_1389 = tpu.memref_slice %arg3[%dma_start3A_1388, %add3A_1376] : memref<2x320000xi32, #tpu.memory_space<hbm>> -> memref<2x80xi32, #tpu.memory_space<hbm>>
        tpu.enqueue_dma source(%dma_start3A_1389 : memref<2x80xi32, #tpu.memory_space<hbm>>) target(%dma_start3A_1387 : memref<2x80xi32, #tpu.memory_space<vmem>>) target_semaphore(%arg14 : memref<!tpu.dma_semaphore, #tpu.memory_space<semaphore_mem>>)
        %add3A_1390 = arith.constant 160 : i32
        %add3A_1391 = arith.addi %add3A_1359, %add3A_1390 : i32
        %dma_start3A_1392 = arith.constant 2 : i32
        %dma_start3A_1393 = arith.constant 0 : i32
        %dma_start3A_1394 = arith.constant 0 : i32
        %dma_start3A_1395 = tpu.memref_slice %arg10[%dma_start3A_1392, %dma_start3A_1393, %dma_start3A_1394] : memref<5x2x80xi32, #tpu.memory_space<vmem>> -> memref<1x2x80xi32, #tpu.memory_space<vmem>>
        %dma_start3A_1396 = tpu.memref_squeeze %dma_start3A_1395 : memref<1x2x80xi32, #tpu.memory_space<vmem>> -> memref<2x80xi32, #tpu.memory_space<vmem>>
        %dma_start3A_1397 = arith.constant 0 : i32
        %dma_start3A_1398 = tpu.memref_slice %arg3[%dma_start3A_1397, %add3A_1391] : memref<2x320000xi32, #tpu.memory_space<hbm>> -> memref<2x80xi32, #tpu.memory_space<hbm>>
        %dma_start3A_1399 = arith.constant 0 : i32
        %dma_start3A_1400 = arith.constant 0 : i32
        %dma_start3A_1401 = tpu.memref_slice %arg10[%dma_start3A_1392, %dma_start3A_1399, %dma_start3A_1400] : memref<5x2x80xi32, #tpu.memory_space<vmem>> -> memref<1x2x80xi32, #tpu.memory_space<vmem>>
        %dma_start3A_1402 = tpu.memref_squeeze %dma_start3A_1401 : memref<1x2x80xi32, #tpu.memory_space<vmem>> -> memref<2x80xi32, #tpu.memory_space<vmem>>
        %dma_start3A_1403 = arith.constant 0 : i32
        %dma_start3A_1404 = tpu.memref_slice %arg3[%dma_start3A_1403, %add3A_1391] : memref<2x320000xi32, #tpu.memory_space<hbm>> -> memref<2x80xi32, #tpu.memory_space<hbm>>
        tpu.enqueue_dma source(%dma_start3A_1404 : memref<2x80xi32, #tpu.memory_space<hbm>>) target(%dma_start3A_1402 : memref<2x80xi32, #tpu.memory_space<vmem>>) target_semaphore(%arg14 : memref<!tpu.dma_semaphore, #tpu.memory_space<semaphore_mem>>)
        %add3A_1405 = arith.constant 240 : i32
        %add3A_1406 = arith.addi %add3A_1359, %add3A_1405 : i32
        %dma_start3A_1407 = arith.constant 3 : i32
        %dma_start3A_1408 = arith.constant 0 : i32
        %dma_start3A_1409 = arith.constant 0 : i32
        %dma_start3A_1410 = tpu.memref_slice %arg10[%dma_start3A_1407, %dma_start3A_1408, %dma_start3A_1409] : memref<5x2x80xi32, #tpu.memory_space<vmem>> -> memref<1x2x80xi32, #tpu.memory_space<vmem>>
        %dma_start3A_1411 = tpu.memref_squeeze %dma_start3A_1410 : memref<1x2x80xi32, #tpu.memory_space<vmem>> -> memref<2x80xi32, #tpu.memory_space<vmem>>
        %dma_start3A_1412 = arith.constant 0 : i32
        %dma_start3A_1413 = tpu.memref_slice %arg3[%dma_start3A_1412, %add3A_1406] : memref<2x320000xi32, #tpu.memory_space<hbm>> -> memref<2x80xi32, #tpu.memory_space<hbm>>
        %dma_start3A_1414 = arith.constant 0 : i32
        %dma_start3A_1415 = arith.constant 0 : i32
        %dma_start3A_1416 = tpu.memref_slice %arg10[%dma_start3A_1407, %dma_start3A_1414, %dma_start3A_1415] : memref<5x2x80xi32, #tpu.memory_space<vmem>> -> memref<1x2x80xi32, #tpu.memory_space<vmem>>
        %dma_start3A_1417 = tpu.memref_squeeze %dma_start3A_1416 : memref<1x2x80xi32, #tpu.memory_space<vmem>> -> memref<2x80xi32, #tpu.memory_space<vmem>>
        %dma_start3A_1418 = arith.constant 0 : i32
        %dma_start3A_1419 = tpu.memref_slice %arg3[%dma_start3A_1418, %add3A_1406] : memref<2x320000xi32, #tpu.memory_space<hbm>> -> memref<2x80xi32, #tpu.memory_space<hbm>>
        tpu.enqueue_dma source(%dma_start3A_1419 : memref<2x80xi32, #tpu.memory_space<hbm>>) target(%dma_start3A_1417 : memref<2x80xi32, #tpu.memory_space<vmem>>) target_semaphore(%arg14 : memref<!tpu.dma_semaphore, #tpu.memory_space<semaphore_mem>>)
        %add3A_1420 = arith.constant 320 : i32
        %add3A_1421 = arith.addi %add3A_1359, %add3A_1420 : i32
        %dma_start3A_1422 = arith.constant 4 : i32
        %dma_start3A_1423 = arith.constant 0 : i32
        %dma_start3A_1424 = arith.constant 0 : i32
        %dma_start3A_1425 = tpu.memref_slice %arg10[%dma_start3A_1422, %dma_start3A_1423, %dma_start3A_1424] : memref<5x2x80xi32, #tpu.memory_space<vmem>> -> memref<1x2x80xi32, #tpu.memory_space<vmem>>
        %dma_start3A_1426 = tpu.memref_squeeze %dma_start3A_1425 : memref<1x2x80xi32, #tpu.memory_space<vmem>> -> memref<2x80xi32, #tpu.memory_space<vmem>>
        %dma_start3A_1427 = arith.constant 0 : i32
        %dma_start3A_1428 = tpu.memref_slice %arg3[%dma_start3A_1427, %add3A_1421] : memref<2x320000xi32, #tpu.memory_space<hbm>> -> memref<2x80xi32, #tpu.memory_space<hbm>>
        %dma_start3A_1429 = arith.constant 0 : i32
        %dma_start3A_1430 = arith.constant 0 : i32
        %dma_start3A_1431 = tpu.memref_slice %arg10[%dma_start3A_1422, %dma_start3A_1429, %dma_start3A_1430] : memref<5x2x80xi32, #tpu.memory_space<vmem>> -> memref<1x2x80xi32, #tpu.memory_space<vmem>>
        %dma_start3A_1432 = tpu.memref_squeeze %dma_start3A_1431 : memref<1x2x80xi32, #tpu.memory_space<vmem>> -> memref<2x80xi32, #tpu.memory_space<vmem>>
        %dma_start3A_1433 = arith.constant 0 : i32
        %dma_start3A_1434 = tpu.memref_slice %arg3[%dma_start3A_1433, %add3A_1421] : memref<2x320000xi32, #tpu.memory_space<hbm>> -> memref<2x80xi32, #tpu.memory_space<hbm>>
        tpu.enqueue_dma source(%dma_start3A_1434 : memref<2x80xi32, #tpu.memory_space<hbm>>) target(%dma_start3A_1432 : memref<2x80xi32, #tpu.memory_space<vmem>>) target_semaphore(%arg14 : memref<!tpu.dma_semaphore, #tpu.memory_space<semaphore_mem>>)
      } else {
      }
    }
    %scan3A_332 = arith.constant 12 : i32
    %dma_wait3A_333 = arith.constant 0 : i32
    %dma_wait3A_334 = arith.constant 0 : i32
    %dma_wait3A_335 = arith.constant 0 : i32
    %dma_wait3A_336 = arith.constant 0 : i32
    %dma_wait3A_337 = tpu.memref_slice %arg11[%dma_wait3A_335, %dma_wait3A_336] : memref<400x64xf32, #tpu.memory_space<vmem>> -> memref<80x64xf32, #tpu.memory_space<vmem>>
    %dma_wait3A_338 = arith.constant 0 : i32
    %dma_wait3A_339 = tpu.memref_slice %arg9[%dma_wait3A_333, %dma_wait3A_334, %dma_wait3A_338] : memref<5x2x80xi32, #tpu.memory_space<vmem>> -> memref<1x1x80xi32, #tpu.memory_space<vmem>>
    %dma_wait3A_340 = tpu.memref_squeeze %dma_wait3A_339 : memref<1x1x80xi32, #tpu.memory_space<vmem>> -> memref<80xi32, #tpu.memory_space<vmem>>
    %dma_wait3A_341 = arith.constant 0 : i32
    %dma_wait3A_342 = arith.constant 0 : i32
    %dma_wait3A_343 = tpu.memref_slice %arg2[%dma_wait3A_341, %dma_wait3A_342] : memref<10000x64xf32, #tpu.memory_space<hbm>> -> memref<10000x64xf32, #tpu.memory_space<hbm>>
    tpu.wait_indirect_dma semaphore(%arg15 : memref<!tpu.dma_semaphore, #tpu.memory_space<semaphore_mem>>) src(%dma_wait3A_343 : memref<10000x64xf32, #tpu.memory_space<hbm>>) dst(%dma_wait3A_337 : memref<80x64xf32, #tpu.memory_space<vmem>>)
    %dma_wait3A_344 = arith.constant 1 : i32
    %dma_wait3A_345 = arith.constant 0 : i32
    %dma_wait3A_346 = arith.constant 80 : i32
    %dma_wait3A_347 = arith.constant 0 : i32
    %dma_wait3A_348 = tpu.memref_slice %arg11[%dma_wait3A_346, %dma_wait3A_347] : memref<400x64xf32, #tpu.memory_space<vmem>> -> memref<80x64xf32, #tpu.memory_space<vmem>>
    %dma_wait3A_349 = arith.constant 0 : i32
    %dma_wait3A_350 = tpu.memref_slice %arg9[%dma_wait3A_344, %dma_wait3A_345, %dma_wait3A_349] : memref<5x2x80xi32, #tpu.memory_space<vmem>> -> memref<1x1x80xi32, #tpu.memory_space<vmem>>
    %dma_wait3A_351 = tpu.memref_squeeze %dma_wait3A_350 : memref<1x1x80xi32, #tpu.memory_space<vmem>> -> memref<80xi32, #tpu.memory_space<vmem>>
    %dma_wait3A_352 = arith.constant 0 : i32
    %dma_wait3A_353 = arith.constant 0 : i32
    %dma_wait3A_354 = tpu.memref_slice %arg2[%dma_wait3A_352, %dma_wait3A_353] : memref<10000x64xf32, #tpu.memory_space<hbm>> -> memref<10000x64xf32, #tpu.memory_space<hbm>>
    tpu.wait_indirect_dma semaphore(%arg15 : memref<!tpu.dma_semaphore, #tpu.memory_space<semaphore_mem>>) src(%dma_wait3A_354 : memref<10000x64xf32, #tpu.memory_space<hbm>>) dst(%dma_wait3A_348 : memref<80x64xf32, #tpu.memory_space<vmem>>)
    %dma_wait3A_355 = arith.constant 2 : i32
    %dma_wait3A_356 = arith.constant 0 : i32
    %dma_wait3A_357 = arith.constant 160 : i32
    %dma_wait3A_358 = arith.constant 0 : i32
    %dma_wait3A_359 = tpu.memref_slice %arg11[%dma_wait3A_357, %dma_wait3A_358] : memref<400x64xf32, #tpu.memory_space<vmem>> -> memref<80x64xf32, #tpu.memory_space<vmem>>
    %dma_wait3A_360 = arith.constant 0 : i32
    %dma_wait3A_361 = tpu.memref_slice %arg9[%dma_wait3A_355, %dma_wait3A_356, %dma_wait3A_360] : memref<5x2x80xi32, #tpu.memory_space<vmem>> -> memref<1x1x80xi32, #tpu.memory_space<vmem>>
    %dma_wait3A_362 = tpu.memref_squeeze %dma_wait3A_361 : memref<1x1x80xi32, #tpu.memory_space<vmem>> -> memref<80xi32, #tpu.memory_space<vmem>>
    %dma_wait3A_363 = arith.constant 0 : i32
    %dma_wait3A_364 = arith.constant 0 : i32
    %dma_wait3A_365 = tpu.memref_slice %arg2[%dma_wait3A_363, %dma_wait3A_364] : memref<10000x64xf32, #tpu.memory_space<hbm>> -> memref<10000x64xf32, #tpu.memory_space<hbm>>
    tpu.wait_indirect_dma semaphore(%arg15 : memref<!tpu.dma_semaphore, #tpu.memory_space<semaphore_mem>>) src(%dma_wait3A_365 : memref<10000x64xf32, #tpu.memory_space<hbm>>) dst(%dma_wait3A_359 : memref<80x64xf32, #tpu.memory_space<vmem>>)
    %dma_wait3A_366 = arith.constant 3 : i32
    %dma_wait3A_367 = arith.constant 0 : i32
    %dma_wait3A_368 = arith.constant 240 : i32
    %dma_wait3A_369 = arith.constant 0 : i32
    %dma_wait3A_370 = tpu.memref_slice %arg11[%dma_wait3A_368, %dma_wait3A_369] : memref<400x64xf32, #tpu.memory_space<vmem>> -> memref<80x64xf32, #tpu.memory_space<vmem>>
    %dma_wait3A_371 = arith.constant 0 : i32
    %dma_wait3A_372 = tpu.memref_slice %arg9[%dma_wait3A_366, %dma_wait3A_367, %dma_wait3A_371] : memref<5x2x80xi32, #tpu.memory_space<vmem>> -> memref<1x1x80xi32, #tpu.memory_space<vmem>>
    %dma_wait3A_373 = tpu.memref_squeeze %dma_wait3A_372 : memref<1x1x80xi32, #tpu.memory_space<vmem>> -> memref<80xi32, #tpu.memory_space<vmem>>
    %dma_wait3A_374 = arith.constant 0 : i32
    %dma_wait3A_375 = arith.constant 0 : i32
    %dma_wait3A_376 = tpu.memref_slice %arg2[%dma_wait3A_374, %dma_wait3A_375] : memref<10000x64xf32, #tpu.memory_space<hbm>> -> memref<10000x64xf32, #tpu.memory_space<hbm>>
    tpu.wait_indirect_dma semaphore(%arg15 : memref<!tpu.dma_semaphore, #tpu.memory_space<semaphore_mem>>) src(%dma_wait3A_376 : memref<10000x64xf32, #tpu.memory_space<hbm>>) dst(%dma_wait3A_370 : memref<80x64xf32, #tpu.memory_space<vmem>>)
    %dma_wait3A_377 = arith.constant 4 : i32
    %dma_wait3A_378 = arith.constant 0 : i32
    %dma_wait3A_379 = arith.constant 320 : i32
    %dma_wait3A_380 = arith.constant 0 : i32
    %dma_wait3A_381 = tpu.memref_slice %arg11[%dma_wait3A_379, %dma_wait3A_380] : memref<400x64xf32, #tpu.memory_space<vmem>> -> memref<80x64xf32, #tpu.memory_space<vmem>>
    %dma_wait3A_382 = arith.constant 0 : i32
    %dma_wait3A_383 = tpu.memref_slice %arg9[%dma_wait3A_377, %dma_wait3A_378, %dma_wait3A_382] : memref<5x2x80xi32, #tpu.memory_space<vmem>> -> memref<1x1x80xi32, #tpu.memory_space<vmem>>
    %dma_wait3A_384 = tpu.memref_squeeze %dma_wait3A_383 : memref<1x1x80xi32, #tpu.memory_space<vmem>> -> memref<80xi32, #tpu.memory_space<vmem>>
    %dma_wait3A_385 = arith.constant 0 : i32
    %dma_wait3A_386 = arith.constant 0 : i32
    %dma_wait3A_387 = tpu.memref_slice %arg2[%dma_wait3A_385, %dma_wait3A_386] : memref<10000x64xf32, #tpu.memory_space<hbm>> -> memref<10000x64xf32, #tpu.memory_space<hbm>>
    tpu.wait_indirect_dma semaphore(%arg15 : memref<!tpu.dma_semaphore, #tpu.memory_space<semaphore_mem>>) src(%dma_wait3A_387 : memref<10000x64xf32, #tpu.memory_space<hbm>>) dst(%dma_wait3A_381 : memref<80x64xf32, #tpu.memory_space<vmem>>)
    %dma_start3A_388 = arith.constant 0 : i32
    %dma_start3A_389 = arith.constant 1 : i32
    %dma_start3A_390 = arith.constant 0 : i32
    %dma_start3A_391 = arith.constant 0 : i32
    %dma_start3A_392 = tpu.memref_slice %arg11[%dma_start3A_390, %dma_start3A_391] : memref<400x64xf32, #tpu.memory_space<vmem>> -> memref<80x64xf32, #tpu.memory_space<vmem>>
    %dma_start3A_393 = arith.constant 0 : i32
    %dma_start3A_394 = tpu.memref_slice %arg9[%dma_start3A_388, %dma_start3A_389, %dma_start3A_393] : memref<5x2x80xi32, #tpu.memory_space<vmem>> -> memref<1x1x80xi32, #tpu.memory_space<vmem>>
    %dma_start3A_395 = tpu.memref_squeeze %dma_start3A_394 : memref<1x1x80xi32, #tpu.memory_space<vmem>> -> memref<80xi32, #tpu.memory_space<vmem>>
    %dma_start3A_396 = arith.constant 0 : i32
    %dma_start3A_397 = arith.constant 0 : i32
    %dma_start3A_398 = tpu.memref_slice %arg19[%dma_start3A_396, %dma_start3A_397] : memref<10000x64xf32, #tpu.memory_space<vmem_shared>> -> memref<10000x64xf32, #tpu.memory_space<vmem_shared>>
    tpu.enqueue_indirect_dma source(%dma_start3A_392 : memref<80x64xf32, #tpu.memory_space<vmem>>) target(%dma_start3A_398 : memref<10000x64xf32, #tpu.memory_space<vmem_shared>>) offsets(%dma_start3A_395 : memref<80xi32, #tpu.memory_space<vmem>>) semaphore(%arg17 : memref<!tpu.dma_semaphore, #tpu.memory_space<semaphore_mem>>) {add = true}
    %dma_start3A_399 = arith.constant 1 : i32
    %dma_start3A_400 = arith.constant 1 : i32
    %dma_start3A_401 = arith.constant 80 : i32
    %dma_start3A_402 = arith.constant 0 : i32
    %dma_start3A_403 = tpu.memref_slice %arg11[%dma_start3A_401, %dma_start3A_402] : memref<400x64xf32, #tpu.memory_space<vmem>> -> memref<80x64xf32, #tpu.memory_space<vmem>>
    %dma_start3A_404 = arith.constant 0 : i32
    %dma_start3A_405 = tpu.memref_slice %arg9[%dma_start3A_399, %dma_start3A_400, %dma_start3A_404] : memref<5x2x80xi32, #tpu.memory_space<vmem>> -> memref<1x1x80xi32, #tpu.memory_space<vmem>>
    %dma_start3A_406 = tpu.memref_squeeze %dma_start3A_405 : memref<1x1x80xi32, #tpu.memory_space<vmem>> -> memref<80xi32, #tpu.memory_space<vmem>>
    %dma_start3A_407 = arith.constant 0 : i32
    %dma_start3A_408 = arith.constant 0 : i32
    %dma_start3A_409 = tpu.memref_slice %arg19[%dma_start3A_407, %dma_start3A_408] : memref<10000x64xf32, #tpu.memory_space<vmem_shared>> -> memref<10000x64xf32, #tpu.memory_space<vmem_shared>>
    tpu.enqueue_indirect_dma source(%dma_start3A_403 : memref<80x64xf32, #tpu.memory_space<vmem>>) target(%dma_start3A_409 : memref<10000x64xf32, #tpu.memory_space<vmem_shared>>) offsets(%dma_start3A_406 : memref<80xi32, #tpu.memory_space<vmem>>) semaphore(%arg17 : memref<!tpu.dma_semaphore, #tpu.memory_space<semaphore_mem>>) {add = true}
    %dma_start3A_410 = arith.constant 2 : i32
    %dma_start3A_411 = arith.constant 1 : i32
    %dma_start3A_412 = arith.constant 160 : i32
    %dma_start3A_413 = arith.constant 0 : i32
    %dma_start3A_414 = tpu.memref_slice %arg11[%dma_start3A_412, %dma_start3A_413] : memref<400x64xf32, #tpu.memory_space<vmem>> -> memref<80x64xf32, #tpu.memory_space<vmem>>
    %dma_start3A_415 = arith.constant 0 : i32
    %dma_start3A_416 = tpu.memref_slice %arg9[%dma_start3A_410, %dma_start3A_411, %dma_start3A_415] : memref<5x2x80xi32, #tpu.memory_space<vmem>> -> memref<1x1x80xi32, #tpu.memory_space<vmem>>
    %dma_start3A_417 = tpu.memref_squeeze %dma_start3A_416 : memref<1x1x80xi32, #tpu.memory_space<vmem>> -> memref<80xi32, #tpu.memory_space<vmem>>
    %dma_start3A_418 = arith.constant 0 : i32
    %dma_start3A_419 = arith.constant 0 : i32
    %dma_start3A_420 = tpu.memref_slice %arg19[%dma_start3A_418, %dma_start3A_419] : memref<10000x64xf32, #tpu.memory_space<vmem_shared>> -> memref<10000x64xf32, #tpu.memory_space<vmem_shared>>
    tpu.enqueue_indirect_dma source(%dma_start3A_414 : memref<80x64xf32, #tpu.memory_space<vmem>>) target(%dma_start3A_420 : memref<10000x64xf32, #tpu.memory_space<vmem_shared>>) offsets(%dma_start3A_417 : memref<80xi32, #tpu.memory_space<vmem>>) semaphore(%arg17 : memref<!tpu.dma_semaphore, #tpu.memory_space<semaphore_mem>>) {add = true}
    %dma_start3A_421 = arith.constant 3 : i32
    %dma_start3A_422 = arith.constant 1 : i32
    %dma_start3A_423 = arith.constant 240 : i32
    %dma_start3A_424 = arith.constant 0 : i32
    %dma_start3A_425 = tpu.memref_slice %arg11[%dma_start3A_423, %dma_start3A_424] : memref<400x64xf32, #tpu.memory_space<vmem>> -> memref<80x64xf32, #tpu.memory_space<vmem>>
    %dma_start3A_426 = arith.constant 0 : i32
    %dma_start3A_427 = tpu.memref_slice %arg9[%dma_start3A_421, %dma_start3A_422, %dma_start3A_426] : memref<5x2x80xi32, #tpu.memory_space<vmem>> -> memref<1x1x80xi32, #tpu.memory_space<vmem>>
    %dma_start3A_428 = tpu.memref_squeeze %dma_start3A_427 : memref<1x1x80xi32, #tpu.memory_space<vmem>> -> memref<80xi32, #tpu.memory_space<vmem>>
    %dma_start3A_429 = arith.constant 0 : i32
    %dma_start3A_430 = arith.constant 0 : i32
    %dma_start3A_431 = tpu.memref_slice %arg19[%dma_start3A_429, %dma_start3A_430] : memref<10000x64xf32, #tpu.memory_space<vmem_shared>> -> memref<10000x64xf32, #tpu.memory_space<vmem_shared>>
    tpu.enqueue_indirect_dma source(%dma_start3A_425 : memref<80x64xf32, #tpu.memory_space<vmem>>) target(%dma_start3A_431 : memref<10000x64xf32, #tpu.memory_space<vmem_shared>>) offsets(%dma_start3A_428 : memref<80xi32, #tpu.memory_space<vmem>>) semaphore(%arg17 : memref<!tpu.dma_semaphore, #tpu.memory_space<semaphore_mem>>) {add = true}
    %dma_start3A_432 = arith.constant 4 : i32
    %dma_start3A_433 = arith.constant 1 : i32
    %dma_start3A_434 = arith.constant 320 : i32
    %dma_start3A_435 = arith.constant 0 : i32
    %dma_start3A_436 = tpu.memref_slice %arg11[%dma_start3A_434, %dma_start3A_435] : memref<400x64xf32, #tpu.memory_space<vmem>> -> memref<80x64xf32, #tpu.memory_space<vmem>>
    %dma_start3A_437 = arith.constant 0 : i32
    %dma_start3A_438 = tpu.memref_slice %arg9[%dma_start3A_432, %dma_start3A_433, %dma_start3A_437] : memref<5x2x80xi32, #tpu.memory_space<vmem>> -> memref<1x1x80xi32, #tpu.memory_space<vmem>>
    %dma_start3A_439 = tpu.memref_squeeze %dma_start3A_438 : memref<1x1x80xi32, #tpu.memory_space<vmem>> -> memref<80xi32, #tpu.memory_space<vmem>>
    %dma_start3A_440 = arith.constant 0 : i32
    %dma_start3A_441 = arith.constant 0 : i32
    %dma_start3A_442 = tpu.memref_slice %arg19[%dma_start3A_440, %dma_start3A_441] : memref<10000x64xf32, #tpu.memory_space<vmem_shared>> -> memref<10000x64xf32, #tpu.memory_space<vmem_shared>>
    tpu.enqueue_indirect_dma source(%dma_start3A_436 : memref<80x64xf32, #tpu.memory_space<vmem>>) target(%dma_start3A_442 : memref<10000x64xf32, #tpu.memory_space<vmem_shared>>) offsets(%dma_start3A_439 : memref<80xi32, #tpu.memory_space<vmem>>) semaphore(%arg17 : memref<!tpu.dma_semaphore, #tpu.memory_space<semaphore_mem>>) {add = true}
    %dma_start3A_443 = arith.constant 0 : i32
    %dma_start3A_444 = arith.constant 1 : i32
    %dma_start3A_445 = arith.constant 0 : i32
    %dma_start3A_446 = tpu.memref_slice %arg9[%dma_start3A_443, %dma_start3A_444, %dma_start3A_445] : memref<5x2x80xi32, #tpu.memory_space<vmem>> -> memref<1x1x80xi32, #tpu.memory_space<vmem>>
    %dma_start3A_447 = tpu.memref_squeeze %dma_start3A_446 : memref<1x1x80xi32, #tpu.memory_space<vmem>> -> memref<80xi32, #tpu.memory_space<vmem>>
    %dma_start3A_448 = arith.constant 0 : i32
    %dma_start3A_449 = tpu.memref_slice %arg20[%dma_start3A_448] : memref<10000xf32, #tpu.memory_space<vmem_shared>> -> memref<10000xf32, #tpu.memory_space<vmem_shared>>
    tpu.enqueue_indirect_dma source(%arg21 : memref<80xf32, #tpu.memory_space<vmem>>) target(%dma_start3A_449 : memref<10000xf32, #tpu.memory_space<vmem_shared>>) offsets(%dma_start3A_447 : memref<80xi32, #tpu.memory_space<vmem>>) semaphore(%arg17 : memref<!tpu.dma_semaphore, #tpu.memory_space<semaphore_mem>>) {add = true}
    %dma_start3A_450 = arith.constant 1 : i32
    %dma_start3A_451 = arith.constant 1 : i32
    %dma_start3A_452 = arith.constant 0 : i32
    %dma_start3A_453 = tpu.memref_slice %arg9[%dma_start3A_450, %dma_start3A_451, %dma_start3A_452] : memref<5x2x80xi32, #tpu.memory_space<vmem>> -> memref<1x1x80xi32, #tpu.memory_space<vmem>>
    %dma_start3A_454 = tpu.memref_squeeze %dma_start3A_453 : memref<1x1x80xi32, #tpu.memory_space<vmem>> -> memref<80xi32, #tpu.memory_space<vmem>>
    %dma_start3A_455 = arith.constant 0 : i32
    %dma_start3A_456 = tpu.memref_slice %arg20[%dma_start3A_455] : memref<10000xf32, #tpu.memory_space<vmem_shared>> -> memref<10000xf32, #tpu.memory_space<vmem_shared>>
    tpu.enqueue_indirect_dma source(%arg21 : memref<80xf32, #tpu.memory_space<vmem>>) target(%dma_start3A_456 : memref<10000xf32, #tpu.memory_space<vmem_shared>>) offsets(%dma_start3A_454 : memref<80xi32, #tpu.memory_space<vmem>>) semaphore(%arg17 : memref<!tpu.dma_semaphore, #tpu.memory_space<semaphore_mem>>) {add = true}
    %dma_start3A_457 = arith.constant 2 : i32
    %dma_start3A_458 = arith.constant 1 : i32
    %dma_start3A_459 = arith.constant 0 : i32
    %dma_start3A_460 = tpu.memref_slice %arg9[%dma_start3A_457, %dma_start3A_458, %dma_start3A_459] : memref<5x2x80xi32, #tpu.memory_space<vmem>> -> memref<1x1x80xi32, #tpu.memory_space<vmem>>
    %dma_start3A_461 = tpu.memref_squeeze %dma_start3A_460 : memref<1x1x80xi32, #tpu.memory_space<vmem>> -> memref<80xi32, #tpu.memory_space<vmem>>
    %dma_start3A_462 = arith.constant 0 : i32
    %dma_start3A_463 = tpu.memref_slice %arg20[%dma_start3A_462] : memref<10000xf32, #tpu.memory_space<vmem_shared>> -> memref<10000xf32, #tpu.memory_space<vmem_shared>>
    tpu.enqueue_indirect_dma source(%arg21 : memref<80xf32, #tpu.memory_space<vmem>>) target(%dma_start3A_463 : memref<10000xf32, #tpu.memory_space<vmem_shared>>) offsets(%dma_start3A_461 : memref<80xi32, #tpu.memory_space<vmem>>) semaphore(%arg17 : memref<!tpu.dma_semaphore, #tpu.memory_space<semaphore_mem>>) {add = true}
    %dma_start3A_464 = arith.constant 3 : i32
    %dma_start3A_465 = arith.constant 1 : i32
    %dma_start3A_466 = arith.constant 0 : i32
    %dma_start3A_467 = tpu.memref_slice %arg9[%dma_start3A_464, %dma_start3A_465, %dma_start3A_466] : memref<5x2x80xi32, #tpu.memory_space<vmem>> -> memref<1x1x80xi32, #tpu.memory_space<vmem>>
    %dma_start3A_468 = tpu.memref_squeeze %dma_start3A_467 : memref<1x1x80xi32, #tpu.memory_space<vmem>> -> memref<80xi32, #tpu.memory_space<vmem>>
    %dma_start3A_469 = arith.constant 0 : i32
    %dma_start3A_470 = tpu.memref_slice %arg20[%dma_start3A_469] : memref<10000xf32, #tpu.memory_space<vmem_shared>> -> memref<10000xf32, #tpu.memory_space<vmem_shared>>
    tpu.enqueue_indirect_dma source(%arg21 : memref<80xf32, #tpu.memory_space<vmem>>) target(%dma_start3A_470 : memref<10000xf32, #tpu.memory_space<vmem_shared>>) offsets(%dma_start3A_468 : memref<80xi32, #tpu.memory_space<vmem>>) semaphore(%arg17 : memref<!tpu.dma_semaphore, #tpu.memory_space<semaphore_mem>>) {add = true}
    %dma_start3A_471 = arith.constant 4 : i32
    %dma_start3A_472 = arith.constant 1 : i32
    %dma_start3A_473 = arith.constant 0 : i32
    %dma_start3A_474 = tpu.memref_slice %arg9[%dma_start3A_471, %dma_start3A_472, %dma_start3A_473] : memref<5x2x80xi32, #tpu.memory_space<vmem>> -> memref<1x1x80xi32, #tpu.memory_space<vmem>>
    %dma_start3A_475 = tpu.memref_squeeze %dma_start3A_474 : memref<1x1x80xi32, #tpu.memory_space<vmem>> -> memref<80xi32, #tpu.memory_space<vmem>>
    %dma_start3A_476 = arith.constant 0 : i32
    %dma_start3A_477 = tpu.memref_slice %arg20[%dma_start3A_476] : memref<10000xf32, #tpu.memory_space<vmem_shared>> -> memref<10000xf32, #tpu.memory_space<vmem_shared>>
    tpu.enqueue_indirect_dma source(%arg21 : memref<80xf32, #tpu.memory_space<vmem>>) target(%dma_start3A_477 : memref<10000xf32, #tpu.memory_space<vmem_shared>>) offsets(%dma_start3A_475 : memref<80xi32, #tpu.memory_space<vmem>>) semaphore(%arg17 : memref<!tpu.dma_semaphore, #tpu.memory_space<semaphore_mem>>) {add = true}
    %dma_wait3A_478 = arith.constant 0 : i32
    %dma_wait3A_479 = arith.constant 1 : i32
    %dma_wait3A_480 = arith.constant 0 : i32
    %dma_wait3A_481 = arith.constant 0 : i32
    %dma_wait3A_482 = tpu.memref_slice %arg11[%dma_wait3A_480, %dma_wait3A_481] : memref<400x64xf32, #tpu.memory_space<vmem>> -> memref<80x64xf32, #tpu.memory_space<vmem>>
    %dma_wait3A_483 = arith.constant 0 : i32
    %dma_wait3A_484 = tpu.memref_slice %arg9[%dma_wait3A_478, %dma_wait3A_479, %dma_wait3A_483] : memref<5x2x80xi32, #tpu.memory_space<vmem>> -> memref<1x1x80xi32, #tpu.memory_space<vmem>>
    %dma_wait3A_485 = tpu.memref_squeeze %dma_wait3A_484 : memref<1x1x80xi32, #tpu.memory_space<vmem>> -> memref<80xi32, #tpu.memory_space<vmem>>
    %dma_wait3A_486 = arith.constant 0 : i32
    %dma_wait3A_487 = arith.constant 0 : i32
    %dma_wait3A_488 = tpu.memref_slice %arg19[%dma_wait3A_486, %dma_wait3A_487] : memref<10000x64xf32, #tpu.memory_space<vmem_shared>> -> memref<10000x64xf32, #tpu.memory_space<vmem_shared>>
    tpu.wait_indirect_dma semaphore(%arg17 : memref<!tpu.dma_semaphore, #tpu.memory_space<semaphore_mem>>) src(%dma_wait3A_482 : memref<80x64xf32, #tpu.memory_space<vmem>>) dst(%dma_wait3A_488 : memref<10000x64xf32, #tpu.memory_space<vmem_shared>>)
    %dma_wait3A_489 = arith.constant 1 : i32
    %dma_wait3A_490 = arith.constant 1 : i32
    %dma_wait3A_491 = arith.constant 80 : i32
    %dma_wait3A_492 = arith.constant 0 : i32
    %dma_wait3A_493 = tpu.memref_slice %arg11[%dma_wait3A_491, %dma_wait3A_492] : memref<400x64xf32, #tpu.memory_space<vmem>> -> memref<80x64xf32, #tpu.memory_space<vmem>>
    %dma_wait3A_494 = arith.constant 0 : i32
    %dma_wait3A_495 = tpu.memref_slice %arg9[%dma_wait3A_489, %dma_wait3A_490, %dma_wait3A_494] : memref<5x2x80xi32, #tpu.memory_space<vmem>> -> memref<1x1x80xi32, #tpu.memory_space<vmem>>
    %dma_wait3A_496 = tpu.memref_squeeze %dma_wait3A_495 : memref<1x1x80xi32, #tpu.memory_space<vmem>> -> memref<80xi32, #tpu.memory_space<vmem>>
    %dma_wait3A_497 = arith.constant 0 : i32
    %dma_wait3A_498 = arith.constant 0 : i32
    %dma_wait3A_499 = tpu.memref_slice %arg19[%dma_wait3A_497, %dma_wait3A_498] : memref<10000x64xf32, #tpu.memory_space<vmem_shared>> -> memref<10000x64xf32, #tpu.memory_space<vmem_shared>>
    tpu.wait_indirect_dma semaphore(%arg17 : memref<!tpu.dma_semaphore, #tpu.memory_space<semaphore_mem>>) src(%dma_wait3A_493 : memref<80x64xf32, #tpu.memory_space<vmem>>) dst(%dma_wait3A_499 : memref<10000x64xf32, #tpu.memory_space<vmem_shared>>)
    %dma_wait3A_500 = arith.constant 2 : i32
    %dma_wait3A_501 = arith.constant 1 : i32
    %dma_wait3A_502 = arith.constant 160 : i32
    %dma_wait3A_503 = arith.constant 0 : i32
    %dma_wait3A_504 = tpu.memref_slice %arg11[%dma_wait3A_502, %dma_wait3A_503] : memref<400x64xf32, #tpu.memory_space<vmem>> -> memref<80x64xf32, #tpu.memory_space<vmem>>
    %dma_wait3A_505 = arith.constant 0 : i32
    %dma_wait3A_506 = tpu.memref_slice %arg9[%dma_wait3A_500, %dma_wait3A_501, %dma_wait3A_505] : memref<5x2x80xi32, #tpu.memory_space<vmem>> -> memref<1x1x80xi32, #tpu.memory_space<vmem>>
    %dma_wait3A_507 = tpu.memref_squeeze %dma_wait3A_506 : memref<1x1x80xi32, #tpu.memory_space<vmem>> -> memref<80xi32, #tpu.memory_space<vmem>>
    %dma_wait3A_508 = arith.constant 0 : i32
    %dma_wait3A_509 = arith.constant 0 : i32
    %dma_wait3A_510 = tpu.memref_slice %arg19[%dma_wait3A_508, %dma_wait3A_509] : memref<10000x64xf32, #tpu.memory_space<vmem_shared>> -> memref<10000x64xf32, #tpu.memory_space<vmem_shared>>
    tpu.wait_indirect_dma semaphore(%arg17 : memref<!tpu.dma_semaphore, #tpu.memory_space<semaphore_mem>>) src(%dma_wait3A_504 : memref<80x64xf32, #tpu.memory_space<vmem>>) dst(%dma_wait3A_510 : memref<10000x64xf32, #tpu.memory_space<vmem_shared>>)
    %dma_wait3A_511 = arith.constant 3 : i32
    %dma_wait3A_512 = arith.constant 1 : i32
    %dma_wait3A_513 = arith.constant 240 : i32
    %dma_wait3A_514 = arith.constant 0 : i32
    %dma_wait3A_515 = tpu.memref_slice %arg11[%dma_wait3A_513, %dma_wait3A_514] : memref<400x64xf32, #tpu.memory_space<vmem>> -> memref<80x64xf32, #tpu.memory_space<vmem>>
    %dma_wait3A_516 = arith.constant 0 : i32
    %dma_wait3A_517 = tpu.memref_slice %arg9[%dma_wait3A_511, %dma_wait3A_512, %dma_wait3A_516] : memref<5x2x80xi32, #tpu.memory_space<vmem>> -> memref<1x1x80xi32, #tpu.memory_space<vmem>>
    %dma_wait3A_518 = tpu.memref_squeeze %dma_wait3A_517 : memref<1x1x80xi32, #tpu.memory_space<vmem>> -> memref<80xi32, #tpu.memory_space<vmem>>
    %dma_wait3A_519 = arith.constant 0 : i32
    %dma_wait3A_520 = arith.constant 0 : i32
    %dma_wait3A_521 = tpu.memref_slice %arg19[%dma_wait3A_519, %dma_wait3A_520] : memref<10000x64xf32, #tpu.memory_space<vmem_shared>> -> memref<10000x64xf32, #tpu.memory_space<vmem_shared>>
    tpu.wait_indirect_dma semaphore(%arg17 : memref<!tpu.dma_semaphore, #tpu.memory_space<semaphore_mem>>) src(%dma_wait3A_515 : memref<80x64xf32, #tpu.memory_space<vmem>>) dst(%dma_wait3A_521 : memref<10000x64xf32, #tpu.memory_space<vmem_shared>>)
    %dma_wait3A_522 = arith.constant 4 : i32
    %dma_wait3A_523 = arith.constant 1 : i32
    %dma_wait3A_524 = arith.constant 320 : i32
    %dma_wait3A_525 = arith.constant 0 : i32
    %dma_wait3A_526 = tpu.memref_slice %arg11[%dma_wait3A_524, %dma_wait3A_525] : memref<400x64xf32, #tpu.memory_space<vmem>> -> memref<80x64xf32, #tpu.memory_space<vmem>>
    %dma_wait3A_527 = arith.constant 0 : i32
    %dma_wait3A_528 = tpu.memref_slice %arg9[%dma_wait3A_522, %dma_wait3A_523, %dma_wait3A_527] : memref<5x2x80xi32, #tpu.memory_space<vmem>> -> memref<1x1x80xi32, #tpu.memory_space<vmem>>
    %dma_wait3A_529 = tpu.memref_squeeze %dma_wait3A_528 : memref<1x1x80xi32, #tpu.memory_space<vmem>> -> memref<80xi32, #tpu.memory_space<vmem>>
    %dma_wait3A_530 = arith.constant 0 : i32
    %dma_wait3A_531 = arith.constant 0 : i32
    %dma_wait3A_532 = tpu.memref_slice %arg19[%dma_wait3A_530, %dma_wait3A_531] : memref<10000x64xf32, #tpu.memory_space<vmem_shared>> -> memref<10000x64xf32, #tpu.memory_space<vmem_shared>>
    tpu.wait_indirect_dma semaphore(%arg17 : memref<!tpu.dma_semaphore, #tpu.memory_space<semaphore_mem>>) src(%dma_wait3A_526 : memref<80x64xf32, #tpu.memory_space<vmem>>) dst(%dma_wait3A_532 : memref<10000x64xf32, #tpu.memory_space<vmem_shared>>)
    %dma_wait3A_533 = arith.constant 0 : i32
    %dma_wait3A_534 = arith.constant 1 : i32
    %dma_wait3A_535 = arith.constant 0 : i32
    %dma_wait3A_536 = tpu.memref_slice %arg9[%dma_wait3A_533, %dma_wait3A_534, %dma_wait3A_535] : memref<5x2x80xi32, #tpu.memory_space<vmem>> -> memref<1x1x80xi32, #tpu.memory_space<vmem>>
    %dma_wait3A_537 = tpu.memref_squeeze %dma_wait3A_536 : memref<1x1x80xi32, #tpu.memory_space<vmem>> -> memref<80xi32, #tpu.memory_space<vmem>>
    %dma_wait3A_538 = arith.constant 0 : i32
    %dma_wait3A_539 = tpu.memref_slice %arg20[%dma_wait3A_538] : memref<10000xf32, #tpu.memory_space<vmem_shared>> -> memref<10000xf32, #tpu.memory_space<vmem_shared>>
    tpu.wait_indirect_dma semaphore(%arg17 : memref<!tpu.dma_semaphore, #tpu.memory_space<semaphore_mem>>) src(%arg21 : memref<80xf32, #tpu.memory_space<vmem>>) dst(%dma_wait3A_539 : memref<10000xf32, #tpu.memory_space<vmem_shared>>)
    %dma_wait3A_540 = arith.constant 1 : i32
    %dma_wait3A_541 = arith.constant 1 : i32
    %dma_wait3A_542 = arith.constant 0 : i32
    %dma_wait3A_543 = tpu.memref_slice %arg9[%dma_wait3A_540, %dma_wait3A_541, %dma_wait3A_542] : memref<5x2x80xi32, #tpu.memory_space<vmem>> -> memref<1x1x80xi32, #tpu.memory_space<vmem>>
    %dma_wait3A_544 = tpu.memref_squeeze %dma_wait3A_543 : memref<1x1x80xi32, #tpu.memory_space<vmem>> -> memref<80xi32, #tpu.memory_space<vmem>>
    %dma_wait3A_545 = arith.constant 0 : i32
    %dma_wait3A_546 = tpu.memref_slice %arg20[%dma_wait3A_545] : memref<10000xf32, #tpu.memory_space<vmem_shared>> -> memref<10000xf32, #tpu.memory_space<vmem_shared>>
    tpu.wait_indirect_dma semaphore(%arg17 : memref<!tpu.dma_semaphore, #tpu.memory_space<semaphore_mem>>) src(%arg21 : memref<80xf32, #tpu.memory_space<vmem>>) dst(%dma_wait3A_546 : memref<10000xf32, #tpu.memory_space<vmem_shared>>)
    %dma_wait3A_547 = arith.constant 2 : i32
    %dma_wait3A_548 = arith.constant 1 : i32
    %dma_wait3A_549 = arith.constant 0 : i32
    %dma_wait3A_550 = tpu.memref_slice %arg9[%dma_wait3A_547, %dma_wait3A_548, %dma_wait3A_549] : memref<5x2x80xi32, #tpu.memory_space<vmem>> -> memref<1x1x80xi32, #tpu.memory_space<vmem>>
    %dma_wait3A_551 = tpu.memref_squeeze %dma_wait3A_550 : memref<1x1x80xi32, #tpu.memory_space<vmem>> -> memref<80xi32, #tpu.memory_space<vmem>>
    %dma_wait3A_552 = arith.constant 0 : i32
    %dma_wait3A_553 = tpu.memref_slice %arg20[%dma_wait3A_552] : memref<10000xf32, #tpu.memory_space<vmem_shared>> -> memref<10000xf32, #tpu.memory_space<vmem_shared>>
    tpu.wait_indirect_dma semaphore(%arg17 : memref<!tpu.dma_semaphore, #tpu.memory_space<semaphore_mem>>) src(%arg21 : memref<80xf32, #tpu.memory_space<vmem>>) dst(%dma_wait3A_553 : memref<10000xf32, #tpu.memory_space<vmem_shared>>)
    %dma_wait3A_554 = arith.constant 3 : i32
    %dma_wait3A_555 = arith.constant 1 : i32
    %dma_wait3A_556 = arith.constant 0 : i32
    %dma_wait3A_557 = tpu.memref_slice %arg9[%dma_wait3A_554, %dma_wait3A_555, %dma_wait3A_556] : memref<5x2x80xi32, #tpu.memory_space<vmem>> -> memref<1x1x80xi32, #tpu.memory_space<vmem>>
    %dma_wait3A_558 = tpu.memref_squeeze %dma_wait3A_557 : memref<1x1x80xi32, #tpu.memory_space<vmem>> -> memref<80xi32, #tpu.memory_space<vmem>>
    %dma_wait3A_559 = arith.constant 0 : i32
    %dma_wait3A_560 = tpu.memref_slice %arg20[%dma_wait3A_559] : memref<10000xf32, #tpu.memory_space<vmem_shared>> -> memref<10000xf32, #tpu.memory_space<vmem_shared>>
    tpu.wait_indirect_dma semaphore(%arg17 : memref<!tpu.dma_semaphore, #tpu.memory_space<semaphore_mem>>) src(%arg21 : memref<80xf32, #tpu.memory_space<vmem>>) dst(%dma_wait3A_560 : memref<10000xf32, #tpu.memory_space<vmem_shared>>)
    %dma_wait3A_561 = arith.constant 4 : i32
    %dma_wait3A_562 = arith.constant 1 : i32
    %dma_wait3A_563 = arith.constant 0 : i32
    %dma_wait3A_564 = tpu.memref_slice %arg9[%dma_wait3A_561, %dma_wait3A_562, %dma_wait3A_563] : memref<5x2x80xi32, #tpu.memory_space<vmem>> -> memref<1x1x80xi32, #tpu.memory_space<vmem>>
    %dma_wait3A_565 = tpu.memref_squeeze %dma_wait3A_564 : memref<1x1x80xi32, #tpu.memory_space<vmem>> -> memref<80xi32, #tpu.memory_space<vmem>>
    %dma_wait3A_566 = arith.constant 0 : i32
    %dma_wait3A_567 = tpu.memref_slice %arg20[%dma_wait3A_566] : memref<10000xf32, #tpu.memory_space<vmem_shared>> -> memref<10000xf32, #tpu.memory_space<vmem_shared>>
    tpu.wait_indirect_dma semaphore(%arg17 : memref<!tpu.dma_semaphore, #tpu.memory_space<semaphore_mem>>) src(%arg21 : memref<80xf32, #tpu.memory_space<vmem>>) dst(%dma_wait3A_567 : memref<10000xf32, #tpu.memory_space<vmem_shared>>)
    %barrier3A_568 = arith.constant 0 : index
    tpu.barrier barrier_id(%barrier3A_568)
    %lt3A_569 = arith.constant 15 : i32
    %lt3A_570 = arith.cmpi slt, %arg1, %lt3A_569 : i32
    %convert_element_type3A_571 = arith.extui %lt3A_570 : i1 to i32
    %cond3A_572 = arith.constant 0 : i32
    %cond3A_573 = arith.cmpi ne, %convert_element_type3A_571, %cond3A_572 : i32
    scf.if %cond3A_573 {
      "tpu.region"() ({
        %run_scoped3A = tpu.sem_alloc : memref<!tpu.dma_semaphore, #tpu.memory_space<semaphore_mem>>
        %dma_start3A_594 = arith.constant 0 : i32
        %dma_start3A_595 = tpu.memref_slice %arg6[%arg0, %mul3A_4, %dma_start3A_594] : memref<2x10000x64xf32, #tpu.memory_space<hbm>> -> memref<1x624x64xf32, #tpu.memory_space<hbm>>
        %dma_start3A_596 = tpu.memref_squeeze %dma_start3A_595 : memref<1x624x64xf32, #tpu.memory_space<hbm>> -> memref<624x64xf32, #tpu.memory_space<hbm>>
        %dma_start3A_597 = arith.constant 0 : i32
        %dma_start3A_598 = tpu.memref_slice %arg19[%mul3A_4, %dma_start3A_597] : memref<10000x64xf32, #tpu.memory_space<vmem_shared>> -> memref<624x64xf32, #tpu.memory_space<vmem_shared>>
        tpu.enqueue_dma source(%dma_start3A_598 : memref<624x64xf32, #tpu.memory_space<vmem_shared>>) target(%dma_start3A_596 : memref<624x64xf32, #tpu.memory_space<hbm>>) target_semaphore(%run_scoped3A : memref<!tpu.dma_semaphore, #tpu.memory_space<semaphore_mem>>)
        %dma_wait3A_599 = arith.constant 0 : i32
        %dma_wait3A_600 = tpu.memref_slice %arg6[%arg0, %mul3A_4, %dma_wait3A_599] : memref<2x10000x64xf32, #tpu.memory_space<hbm>> -> memref<1x624x64xf32, #tpu.memory_space<hbm>>
        %dma_wait3A_601 = tpu.memref_squeeze %dma_wait3A_600 : memref<1x624x64xf32, #tpu.memory_space<hbm>> -> memref<624x64xf32, #tpu.memory_space<hbm>>
        %dma_wait3A_602 = arith.constant 0 : i32
        %dma_wait3A_603 = tpu.memref_slice %arg19[%mul3A_4, %dma_wait3A_602] : memref<10000x64xf32, #tpu.memory_space<vmem_shared>> -> memref<624x64xf32, #tpu.memory_space<vmem_shared>>
        tpu.wait_dma2 semaphore(%run_scoped3A : memref<!tpu.dma_semaphore, #tpu.memory_space<semaphore_mem>>) src(%dma_wait3A_603 : memref<624x64xf32, #tpu.memory_space<vmem_shared>>) dst(%dma_wait3A_601 : memref<624x64xf32, #tpu.memory_space<hbm>>)
        tpu.yield
      }) : () -> ()
    } else {
    }
    %eq3A_574 = arith.constant 15 : i32
    %eq3A_575 = arith.cmpi eq, %arg1, %eq3A_574 : i32
    %convert_element_type3A_576 = arith.extui %eq3A_575 : i1 to i32
    %cond3A_577 = arith.constant 0 : i32
    %cond3A_578 = arith.cmpi ne, %convert_element_type3A_576, %cond3A_577 : i32
    scf.if %cond3A_578 {
      "tpu.region"() ({
        %run_scoped3A = tpu.sem_alloc : memref<!tpu.dma_semaphore, #tpu.memory_space<semaphore_mem>>
        %dma_start3A_594 = arith.constant 9360 : i32
        %dma_start3A_595 = arith.constant 0 : i32
        %dma_start3A_596 = tpu.memref_slice %arg6[%arg0, %dma_start3A_594, %dma_start3A_595] : memref<2x10000x64xf32, #tpu.memory_space<hbm>> -> memref<1x640x64xf32, #tpu.memory_space<hbm>>
        %dma_start3A_597 = tpu.memref_squeeze %dma_start3A_596 : memref<1x640x64xf32, #tpu.memory_space<hbm>> -> memref<640x64xf32, #tpu.memory_space<hbm>>
        %dma_start3A_598 = arith.constant 9360 : i32
        %dma_start3A_599 = arith.constant 0 : i32
        %dma_start3A_600 = tpu.memref_slice %arg19[%dma_start3A_598, %dma_start3A_599] : memref<10000x64xf32, #tpu.memory_space<vmem_shared>> -> memref<640x64xf32, #tpu.memory_space<vmem_shared>>
        tpu.enqueue_dma source(%dma_start3A_600 : memref<640x64xf32, #tpu.memory_space<vmem_shared>>) target(%dma_start3A_597 : memref<640x64xf32, #tpu.memory_space<hbm>>) target_semaphore(%run_scoped3A : memref<!tpu.dma_semaphore, #tpu.memory_space<semaphore_mem>>)
        %dma_wait3A_601 = arith.constant 9360 : i32
        %dma_wait3A_602 = arith.constant 0 : i32
        %dma_wait3A_603 = tpu.memref_slice %arg6[%arg0, %dma_wait3A_601, %dma_wait3A_602] : memref<2x10000x64xf32, #tpu.memory_space<hbm>> -> memref<1x640x64xf32, #tpu.memory_space<hbm>>
        %dma_wait3A_604 = tpu.memref_squeeze %dma_wait3A_603 : memref<1x640x64xf32, #tpu.memory_space<hbm>> -> memref<640x64xf32, #tpu.memory_space<hbm>>
        %dma_wait3A_605 = arith.constant 9360 : i32
        %dma_wait3A_606 = arith.constant 0 : i32
        %dma_wait3A_607 = tpu.memref_slice %arg19[%dma_wait3A_605, %dma_wait3A_606] : memref<10000x64xf32, #tpu.memory_space<vmem_shared>> -> memref<640x64xf32, #tpu.memory_space<vmem_shared>>
        tpu.wait_dma2 semaphore(%run_scoped3A : memref<!tpu.dma_semaphore, #tpu.memory_space<semaphore_mem>>) src(%dma_wait3A_607 : memref<640x64xf32, #tpu.memory_space<vmem_shared>>) dst(%dma_wait3A_604 : memref<640x64xf32, #tpu.memory_space<hbm>>)
        tpu.yield
      }) : () -> ()
    } else {
    }
    %eq3A_579 = arith.constant 0 : i32
    %eq3A_580 = arith.cmpi eq, %arg1, %eq3A_579 : i32
    %eq3A_581 = arith.constant 0 : i32
    %eq3A_582 = arith.cmpi eq, %arg0, %eq3A_581 : i32
    %and3A = arith.andi %eq3A_580, %eq3A_582 : i1
    %convert_element_type3A_583 = arith.extui %and3A : i1 to i32
    %cond3A_584 = arith.constant 0 : i32
    %cond3A_585 = arith.cmpi ne, %convert_element_type3A_583, %cond3A_584 : i32
    scf.if %cond3A_585 {
      "tpu.region"() ({
        %run_scoped3A = tpu.sem_alloc : memref<!tpu.dma_semaphore, #tpu.memory_space<semaphore_mem>>
        tpu.enqueue_dma source(%arg20 : memref<10000xf32, #tpu.memory_space<vmem_shared>>) target(%arg7 : memref<10000xf32, #tpu.memory_space<hbm>>) target_semaphore(%run_scoped3A : memref<!tpu.dma_semaphore, #tpu.memory_space<semaphore_mem>>)
        tpu.wait_dma2 semaphore(%run_scoped3A : memref<!tpu.dma_semaphore, #tpu.memory_space<semaphore_mem>>) src(%arg20 : memref<10000xf32, #tpu.memory_space<vmem_shared>>) dst(%arg7 : memref<10000xf32, #tpu.memory_space<hbm>>)
        tpu.yield
      }) : () -> ()
    } else {
    }
    %eq3A_586 = arith.constant 0 : i32
    %eq3A_587 = arith.cmpi eq, %arg1, %eq3A_586 : i32
    %eq3A_588 = arith.constant 1 : i32
    %eq3A_589 = arith.cmpi eq, %arg0, %eq3A_588 : i32
    %and3A_590 = arith.andi %eq3A_587, %eq3A_589 : i1
    %convert_element_type3A_591 = arith.extui %and3A_590 : i1 to i32
    %cond3A_592 = arith.constant 0 : i32
    %cond3A_593 = arith.cmpi ne, %convert_element_type3A_591, %cond3A_592 : i32
    scf.if %cond3A_593 {
      "tpu.region"() ({
        %run_scoped3A = tpu.sem_alloc : memref<!tpu.dma_semaphore, #tpu.memory_space<semaphore_mem>>
        tpu.enqueue_dma source(%arg20 : memref<10000xf32, #tpu.memory_space<vmem_shared>>) target(%arg8 : memref<10000xf32, #tpu.memory_space<hbm>>) target_semaphore(%run_scoped3A : memref<!tpu.dma_semaphore, #tpu.memory_space<semaphore_mem>>)
        tpu.wait_dma2 semaphore(%run_scoped3A : memref<!tpu.dma_semaphore, #tpu.memory_space<semaphore_mem>>) src(%arg20 : memref<10000xf32, #tpu.memory_space<vmem_shared>>) dst(%arg8 : memref<10000xf32, #tpu.memory_space<hbm>>)
        tpu.yield
      }) : () -> ()
    } else {
    }
    return
  }
}

#map = affine_map<(d0, d1) -> (0, 0)>
#map1 = affine_map<(d0, d1) -> (0, 0, 0)>
module attributes {stable_mosaic.version = 14 : i64} {
  func.func @body(%arg0: i32, %arg1: i32, %arg2: memref<10000x16xf32, #tpu.memory_space<hbm>>, %arg3: memref<2x320000xi32, #tpu.memory_space<hbm>>, %arg4: memref<10000x16xf32, #tpu.memory_space<hbm>>, %arg5: memref<2x10000x16xf32, #tpu.memory_space<hbm>>, %arg6: memref<5x2x80xi32, #tpu.memory_space<vmem>>, %arg7: memref<5x2x80xi32, #tpu.memory_space<vmem>>, %arg8: memref<400x16xf32, #tpu.memory_space<vmem>>, %arg9: memref<400x16xf32, #tpu.memory_space<vmem>>, %arg10: memref<!tpu.dma_semaphore, #tpu.memory_space<semaphore_mem>>, %arg11: memref<!tpu.dma_semaphore, #tpu.memory_space<semaphore_mem>>, %arg12: memref<!tpu.dma_semaphore, #tpu.memory_space<semaphore_mem>>, %arg13: memref<!tpu.dma_semaphore, #tpu.memory_space<semaphore_mem>>, %arg14: memref<!tpu.dma_semaphore, #tpu.memory_space<semaphore_mem>>, %arg15: memref<!tpu.dma_semaphore, #tpu.memory_space<semaphore_mem>>, %arg16: memref<10000x16xf32, #tpu.memory_space<vmem_shared>>) attributes {dimension_semantics = [#tpu.dimension_semantics<core_parallel>, #tpu.dimension_semantics<subcore_parallel>], iteration_bounds = array<i64: 2, 16>, scalar_prefetch = 0 : i64, scratch_operands = 11 : i64, tpu.core_type = #tpu.core_type<sc_vector_subcore>, window_params = [{transform_indices = #map}, {transform_indices = #map}, {transform_indices = #map}, {transform_indices = #map1}]} {
    %mul3A = arith.constant 2 : i32
    %mul3A_0 = arith.muli %arg1, %mul3A : i32
    %add3A = arith.addi %mul3A_0, %arg0 : i32
    %mul3A_1 = arith.constant 10000 : i32
    %mul3A_2 = arith.muli %add3A, %mul3A_1 : i32
    %mul3A_3 = arith.constant 624 : i32
    %mul3A_4 = arith.muli %arg1, %mul3A_3 : i32
    %lt3A = arith.constant 15 : i32
    %lt3A_5 = arith.cmpi slt, %arg1, %lt3A : i32
    %convert_element_type3A = arith.extui %lt3A_5 : i1 to i32
    %cond3A = arith.constant 0 : i32
    %cond3A_6 = arith.cmpi ne, %convert_element_type3A, %cond3A : i32
    scf.if %cond3A_6 {
      "tpu.region"() ({
        %run_scoped3A = tpu.sem_alloc : memref<!tpu.dma_semaphore, #tpu.memory_space<semaphore_mem>>
        %dma_start3A_476 = arith.constant 0 : i32
        %dma_start3A_477 = tpu.memref_slice %arg16[%mul3A_4, %dma_start3A_476] : memref<10000x16xf32, #tpu.memory_space<vmem_shared>> -> memref<624x16xf32, #tpu.memory_space<vmem_shared>>
        %dma_start3A_478 = arith.constant 0 : i32
        %dma_start3A_479 = tpu.memref_slice %arg4[%mul3A_4, %dma_start3A_478] : memref<10000x16xf32, #tpu.memory_space<hbm>> -> memref<624x16xf32, #tpu.memory_space<hbm>>
        tpu.enqueue_dma source(%dma_start3A_479 : memref<624x16xf32, #tpu.memory_space<hbm>>) target(%dma_start3A_477 : memref<624x16xf32, #tpu.memory_space<vmem_shared>>) target_semaphore(%run_scoped3A : memref<!tpu.dma_semaphore, #tpu.memory_space<semaphore_mem>>)
        %dma_wait3A_480 = arith.constant 0 : i32
        %dma_wait3A_481 = tpu.memref_slice %arg16[%mul3A_4, %dma_wait3A_480] : memref<10000x16xf32, #tpu.memory_space<vmem_shared>> -> memref<624x16xf32, #tpu.memory_space<vmem_shared>>
        %dma_wait3A_482 = arith.constant 0 : i32
        %dma_wait3A_483 = tpu.memref_slice %arg4[%mul3A_4, %dma_wait3A_482] : memref<10000x16xf32, #tpu.memory_space<hbm>> -> memref<624x16xf32, #tpu.memory_space<hbm>>
        tpu.wait_dma2 semaphore(%run_scoped3A : memref<!tpu.dma_semaphore, #tpu.memory_space<semaphore_mem>>) src(%dma_wait3A_483 : memref<624x16xf32, #tpu.memory_space<hbm>>) dst(%dma_wait3A_481 : memref<624x16xf32, #tpu.memory_space<vmem_shared>>)
        tpu.yield
      }) : () -> ()
    } else {
    }
    %eq3A = arith.constant 15 : i32
    %eq3A_7 = arith.cmpi eq, %arg1, %eq3A : i32
    %convert_element_type3A_8 = arith.extui %eq3A_7 : i1 to i32
    %cond3A_9 = arith.constant 0 : i32
    %cond3A_10 = arith.cmpi ne, %convert_element_type3A_8, %cond3A_9 : i32
    scf.if %cond3A_10 {
      "tpu.region"() ({
        %run_scoped3A = tpu.sem_alloc : memref<!tpu.dma_semaphore, #tpu.memory_space<semaphore_mem>>
        %dma_start3A_476 = arith.constant 9360 : i32
        %dma_start3A_477 = arith.constant 0 : i32
        %dma_start3A_478 = tpu.memref_slice %arg16[%dma_start3A_476, %dma_start3A_477] : memref<10000x16xf32, #tpu.memory_space<vmem_shared>> -> memref<640x16xf32, #tpu.memory_space<vmem_shared>>
        %dma_start3A_479 = arith.constant 9360 : i32
        %dma_start3A_480 = arith.constant 0 : i32
        %dma_start3A_481 = tpu.memref_slice %arg4[%dma_start3A_479, %dma_start3A_480] : memref<10000x16xf32, #tpu.memory_space<hbm>> -> memref<640x16xf32, #tpu.memory_space<hbm>>
        tpu.enqueue_dma source(%dma_start3A_481 : memref<640x16xf32, #tpu.memory_space<hbm>>) target(%dma_start3A_478 : memref<640x16xf32, #tpu.memory_space<vmem_shared>>) target_semaphore(%run_scoped3A : memref<!tpu.dma_semaphore, #tpu.memory_space<semaphore_mem>>)
        %dma_wait3A_482 = arith.constant 9360 : i32
        %dma_wait3A_483 = arith.constant 0 : i32
        %dma_wait3A_484 = tpu.memref_slice %arg16[%dma_wait3A_482, %dma_wait3A_483] : memref<10000x16xf32, #tpu.memory_space<vmem_shared>> -> memref<640x16xf32, #tpu.memory_space<vmem_shared>>
        %dma_wait3A_485 = arith.constant 9360 : i32
        %dma_wait3A_486 = arith.constant 0 : i32
        %dma_wait3A_487 = tpu.memref_slice %arg4[%dma_wait3A_485, %dma_wait3A_486] : memref<10000x16xf32, #tpu.memory_space<hbm>> -> memref<640x16xf32, #tpu.memory_space<hbm>>
        tpu.wait_dma2 semaphore(%run_scoped3A : memref<!tpu.dma_semaphore, #tpu.memory_space<semaphore_mem>>) src(%dma_wait3A_487 : memref<640x16xf32, #tpu.memory_space<hbm>>) dst(%dma_wait3A_484 : memref<640x16xf32, #tpu.memory_space<vmem_shared>>)
        tpu.yield
      }) : () -> ()
    } else {
    }
    %barrier3A = arith.constant 0 : index
    tpu.barrier barrier_id(%barrier3A)
    %add3A_11 = arith.constant 0 : i32
    %add3A_12 = arith.addi %mul3A_2, %add3A_11 : i32
    %add3A_13 = arith.constant 0 : i32
    %add3A_14 = arith.addi %add3A_12, %add3A_13 : i32
    %dma_start3A = arith.constant 0 : i32
    %dma_start3A_15 = arith.constant 0 : i32
    %dma_start3A_16 = arith.constant 0 : i32
    %dma_start3A_17 = tpu.memref_slice %arg6[%dma_start3A, %dma_start3A_15, %dma_start3A_16] : memref<5x2x80xi32, #tpu.memory_space<vmem>> -> memref<1x2x80xi32, #tpu.memory_space<vmem>>
    %dma_start3A_18 = tpu.memref_squeeze %dma_start3A_17 : memref<1x2x80xi32, #tpu.memory_space<vmem>> -> memref<2x80xi32, #tpu.memory_space<vmem>>
    %dma_start3A_19 = arith.constant 0 : i32
    %dma_start3A_20 = tpu.memref_slice %arg3[%dma_start3A_19, %add3A_14] : memref<2x320000xi32, #tpu.memory_space<hbm>> -> memref<2x80xi32, #tpu.memory_space<hbm>>
    %dma_start3A_21 = arith.constant 0 : i32
    %dma_start3A_22 = arith.constant 0 : i32
    %dma_start3A_23 = tpu.memref_slice %arg6[%dma_start3A, %dma_start3A_21, %dma_start3A_22] : memref<5x2x80xi32, #tpu.memory_space<vmem>> -> memref<1x2x80xi32, #tpu.memory_space<vmem>>
    %dma_start3A_24 = tpu.memref_squeeze %dma_start3A_23 : memref<1x2x80xi32, #tpu.memory_space<vmem>> -> memref<2x80xi32, #tpu.memory_space<vmem>>
    %dma_start3A_25 = arith.constant 0 : i32
    %dma_start3A_26 = tpu.memref_slice %arg3[%dma_start3A_25, %add3A_14] : memref<2x320000xi32, #tpu.memory_space<hbm>> -> memref<2x80xi32, #tpu.memory_space<hbm>>
    tpu.enqueue_dma source(%dma_start3A_26 : memref<2x80xi32, #tpu.memory_space<hbm>>) target(%dma_start3A_24 : memref<2x80xi32, #tpu.memory_space<vmem>>) target_semaphore(%arg10 : memref<!tpu.dma_semaphore, #tpu.memory_space<semaphore_mem>>)
    %add3A_27 = arith.constant 80 : i32
    %add3A_28 = arith.addi %add3A_12, %add3A_27 : i32
    %dma_start3A_29 = arith.constant 1 : i32
    %dma_start3A_30 = arith.constant 0 : i32
    %dma_start3A_31 = arith.constant 0 : i32
    %dma_start3A_32 = tpu.memref_slice %arg6[%dma_start3A_29, %dma_start3A_30, %dma_start3A_31] : memref<5x2x80xi32, #tpu.memory_space<vmem>> -> memref<1x2x80xi32, #tpu.memory_space<vmem>>
    %dma_start3A_33 = tpu.memref_squeeze %dma_start3A_32 : memref<1x2x80xi32, #tpu.memory_space<vmem>> -> memref<2x80xi32, #tpu.memory_space<vmem>>
    %dma_start3A_34 = arith.constant 0 : i32
    %dma_start3A_35 = tpu.memref_slice %arg3[%dma_start3A_34, %add3A_28] : memref<2x320000xi32, #tpu.memory_space<hbm>> -> memref<2x80xi32, #tpu.memory_space<hbm>>
    %dma_start3A_36 = arith.constant 0 : i32
    %dma_start3A_37 = arith.constant 0 : i32
    %dma_start3A_38 = tpu.memref_slice %arg6[%dma_start3A_29, %dma_start3A_36, %dma_start3A_37] : memref<5x2x80xi32, #tpu.memory_space<vmem>> -> memref<1x2x80xi32, #tpu.memory_space<vmem>>
    %dma_start3A_39 = tpu.memref_squeeze %dma_start3A_38 : memref<1x2x80xi32, #tpu.memory_space<vmem>> -> memref<2x80xi32, #tpu.memory_space<vmem>>
    %dma_start3A_40 = arith.constant 0 : i32
    %dma_start3A_41 = tpu.memref_slice %arg3[%dma_start3A_40, %add3A_28] : memref<2x320000xi32, #tpu.memory_space<hbm>> -> memref<2x80xi32, #tpu.memory_space<hbm>>
    tpu.enqueue_dma source(%dma_start3A_41 : memref<2x80xi32, #tpu.memory_space<hbm>>) target(%dma_start3A_39 : memref<2x80xi32, #tpu.memory_space<vmem>>) target_semaphore(%arg10 : memref<!tpu.dma_semaphore, #tpu.memory_space<semaphore_mem>>)
    %add3A_42 = arith.constant 160 : i32
    %add3A_43 = arith.addi %add3A_12, %add3A_42 : i32
    %dma_start3A_44 = arith.constant 2 : i32
    %dma_start3A_45 = arith.constant 0 : i32
    %dma_start3A_46 = arith.constant 0 : i32
    %dma_start3A_47 = tpu.memref_slice %arg6[%dma_start3A_44, %dma_start3A_45, %dma_start3A_46] : memref<5x2x80xi32, #tpu.memory_space<vmem>> -> memref<1x2x80xi32, #tpu.memory_space<vmem>>
    %dma_start3A_48 = tpu.memref_squeeze %dma_start3A_47 : memref<1x2x80xi32, #tpu.memory_space<vmem>> -> memref<2x80xi32, #tpu.memory_space<vmem>>
    %dma_start3A_49 = arith.constant 0 : i32
    %dma_start3A_50 = tpu.memref_slice %arg3[%dma_start3A_49, %add3A_43] : memref<2x320000xi32, #tpu.memory_space<hbm>> -> memref<2x80xi32, #tpu.memory_space<hbm>>
    %dma_start3A_51 = arith.constant 0 : i32
    %dma_start3A_52 = arith.constant 0 : i32
    %dma_start3A_53 = tpu.memref_slice %arg6[%dma_start3A_44, %dma_start3A_51, %dma_start3A_52] : memref<5x2x80xi32, #tpu.memory_space<vmem>> -> memref<1x2x80xi32, #tpu.memory_space<vmem>>
    %dma_start3A_54 = tpu.memref_squeeze %dma_start3A_53 : memref<1x2x80xi32, #tpu.memory_space<vmem>> -> memref<2x80xi32, #tpu.memory_space<vmem>>
    %dma_start3A_55 = arith.constant 0 : i32
    %dma_start3A_56 = tpu.memref_slice %arg3[%dma_start3A_55, %add3A_43] : memref<2x320000xi32, #tpu.memory_space<hbm>> -> memref<2x80xi32, #tpu.memory_space<hbm>>
    tpu.enqueue_dma source(%dma_start3A_56 : memref<2x80xi32, #tpu.memory_space<hbm>>) target(%dma_start3A_54 : memref<2x80xi32, #tpu.memory_space<vmem>>) target_semaphore(%arg10 : memref<!tpu.dma_semaphore, #tpu.memory_space<semaphore_mem>>)
    %add3A_57 = arith.constant 240 : i32
    %add3A_58 = arith.addi %add3A_12, %add3A_57 : i32
    %dma_start3A_59 = arith.constant 3 : i32
    %dma_start3A_60 = arith.constant 0 : i32
    %dma_start3A_61 = arith.constant 0 : i32
    %dma_start3A_62 = tpu.memref_slice %arg6[%dma_start3A_59, %dma_start3A_60, %dma_start3A_61] : memref<5x2x80xi32, #tpu.memory_space<vmem>> -> memref<1x2x80xi32, #tpu.memory_space<vmem>>
    %dma_start3A_63 = tpu.memref_squeeze %dma_start3A_62 : memref<1x2x80xi32, #tpu.memory_space<vmem>> -> memref<2x80xi32, #tpu.memory_space<vmem>>
    %dma_start3A_64 = arith.constant 0 : i32
    %dma_start3A_65 = tpu.memref_slice %arg3[%dma_start3A_64, %add3A_58] : memref<2x320000xi32, #tpu.memory_space<hbm>> -> memref<2x80xi32, #tpu.memory_space<hbm>>
    %dma_start3A_66 = arith.constant 0 : i32
    %dma_start3A_67 = arith.constant 0 : i32
    %dma_start3A_68 = tpu.memref_slice %arg6[%dma_start3A_59, %dma_start3A_66, %dma_start3A_67] : memref<5x2x80xi32, #tpu.memory_space<vmem>> -> memref<1x2x80xi32, #tpu.memory_space<vmem>>
    %dma_start3A_69 = tpu.memref_squeeze %dma_start3A_68 : memref<1x2x80xi32, #tpu.memory_space<vmem>> -> memref<2x80xi32, #tpu.memory_space<vmem>>
    %dma_start3A_70 = arith.constant 0 : i32
    %dma_start3A_71 = tpu.memref_slice %arg3[%dma_start3A_70, %add3A_58] : memref<2x320000xi32, #tpu.memory_space<hbm>> -> memref<2x80xi32, #tpu.memory_space<hbm>>
    tpu.enqueue_dma source(%dma_start3A_71 : memref<2x80xi32, #tpu.memory_space<hbm>>) target(%dma_start3A_69 : memref<2x80xi32, #tpu.memory_space<vmem>>) target_semaphore(%arg10 : memref<!tpu.dma_semaphore, #tpu.memory_space<semaphore_mem>>)
    %add3A_72 = arith.constant 320 : i32
    %add3A_73 = arith.addi %add3A_12, %add3A_72 : i32
    %dma_start3A_74 = arith.constant 4 : i32
    %dma_start3A_75 = arith.constant 0 : i32
    %dma_start3A_76 = arith.constant 0 : i32
    %dma_start3A_77 = tpu.memref_slice %arg6[%dma_start3A_74, %dma_start3A_75, %dma_start3A_76] : memref<5x2x80xi32, #tpu.memory_space<vmem>> -> memref<1x2x80xi32, #tpu.memory_space<vmem>>
    %dma_start3A_78 = tpu.memref_squeeze %dma_start3A_77 : memref<1x2x80xi32, #tpu.memory_space<vmem>> -> memref<2x80xi32, #tpu.memory_space<vmem>>
    %dma_start3A_79 = arith.constant 0 : i32
    %dma_start3A_80 = tpu.memref_slice %arg3[%dma_start3A_79, %add3A_73] : memref<2x320000xi32, #tpu.memory_space<hbm>> -> memref<2x80xi32, #tpu.memory_space<hbm>>
    %dma_start3A_81 = arith.constant 0 : i32
    %dma_start3A_82 = arith.constant 0 : i32
    %dma_start3A_83 = tpu.memref_slice %arg6[%dma_start3A_74, %dma_start3A_81, %dma_start3A_82] : memref<5x2x80xi32, #tpu.memory_space<vmem>> -> memref<1x2x80xi32, #tpu.memory_space<vmem>>
    %dma_start3A_84 = tpu.memref_squeeze %dma_start3A_83 : memref<1x2x80xi32, #tpu.memory_space<vmem>> -> memref<2x80xi32, #tpu.memory_space<vmem>>
    %dma_start3A_85 = arith.constant 0 : i32
    %dma_start3A_86 = tpu.memref_slice %arg3[%dma_start3A_85, %add3A_73] : memref<2x320000xi32, #tpu.memory_space<hbm>> -> memref<2x80xi32, #tpu.memory_space<hbm>>
    tpu.enqueue_dma source(%dma_start3A_86 : memref<2x80xi32, #tpu.memory_space<hbm>>) target(%dma_start3A_84 : memref<2x80xi32, #tpu.memory_space<vmem>>) target_semaphore(%arg10 : memref<!tpu.dma_semaphore, #tpu.memory_space<semaphore_mem>>)
    %add3A_87 = arith.constant 0 : i32
    %add3A_88 = arith.addi %mul3A_2, %add3A_87 : i32
    %add3A_89 = arith.constant 0 : i32
    %add3A_90 = arith.addi %add3A_88, %add3A_89 : i32
    %dma_wait3A = arith.constant 0 : i32
    %dma_wait3A_91 = arith.constant 0 : i32
    %dma_wait3A_92 = arith.constant 0 : i32
    %dma_wait3A_93 = tpu.memref_slice %arg6[%dma_wait3A, %dma_wait3A_91, %dma_wait3A_92] : memref<5x2x80xi32, #tpu.memory_space<vmem>> -> memref<1x2x80xi32, #tpu.memory_space<vmem>>
    %dma_wait3A_94 = tpu.memref_squeeze %dma_wait3A_93 : memref<1x2x80xi32, #tpu.memory_space<vmem>> -> memref<2x80xi32, #tpu.memory_space<vmem>>
    %dma_wait3A_95 = arith.constant 0 : i32
    %dma_wait3A_96 = tpu.memref_slice %arg3[%dma_wait3A_95, %add3A_90] : memref<2x320000xi32, #tpu.memory_space<hbm>> -> memref<2x80xi32, #tpu.memory_space<hbm>>
    %dma_wait3A_97 = arith.constant 0 : i32
    %dma_wait3A_98 = arith.constant 0 : i32
    %dma_wait3A_99 = tpu.memref_slice %arg6[%dma_wait3A, %dma_wait3A_97, %dma_wait3A_98] : memref<5x2x80xi32, #tpu.memory_space<vmem>> -> memref<1x2x80xi32, #tpu.memory_space<vmem>>
    %dma_wait3A_100 = tpu.memref_squeeze %dma_wait3A_99 : memref<1x2x80xi32, #tpu.memory_space<vmem>> -> memref<2x80xi32, #tpu.memory_space<vmem>>
    %dma_wait3A_101 = arith.constant 0 : i32
    %dma_wait3A_102 = tpu.memref_slice %arg3[%dma_wait3A_101, %add3A_90] : memref<2x320000xi32, #tpu.memory_space<hbm>> -> memref<2x80xi32, #tpu.memory_space<hbm>>
    tpu.wait_dma2 semaphore(%arg10 : memref<!tpu.dma_semaphore, #tpu.memory_space<semaphore_mem>>) src(%dma_wait3A_102 : memref<2x80xi32, #tpu.memory_space<hbm>>) dst(%dma_wait3A_100 : memref<2x80xi32, #tpu.memory_space<vmem>>)
    %add3A_103 = arith.constant 80 : i32
    %add3A_104 = arith.addi %add3A_88, %add3A_103 : i32
    %dma_wait3A_105 = arith.constant 1 : i32
    %dma_wait3A_106 = arith.constant 0 : i32
    %dma_wait3A_107 = arith.constant 0 : i32
    %dma_wait3A_108 = tpu.memref_slice %arg6[%dma_wait3A_105, %dma_wait3A_106, %dma_wait3A_107] : memref<5x2x80xi32, #tpu.memory_space<vmem>> -> memref<1x2x80xi32, #tpu.memory_space<vmem>>
    %dma_wait3A_109 = tpu.memref_squeeze %dma_wait3A_108 : memref<1x2x80xi32, #tpu.memory_space<vmem>> -> memref<2x80xi32, #tpu.memory_space<vmem>>
    %dma_wait3A_110 = arith.constant 0 : i32
    %dma_wait3A_111 = tpu.memref_slice %arg3[%dma_wait3A_110, %add3A_104] : memref<2x320000xi32, #tpu.memory_space<hbm>> -> memref<2x80xi32, #tpu.memory_space<hbm>>
    %dma_wait3A_112 = arith.constant 0 : i32
    %dma_wait3A_113 = arith.constant 0 : i32
    %dma_wait3A_114 = tpu.memref_slice %arg6[%dma_wait3A_105, %dma_wait3A_112, %dma_wait3A_113] : memref<5x2x80xi32, #tpu.memory_space<vmem>> -> memref<1x2x80xi32, #tpu.memory_space<vmem>>
    %dma_wait3A_115 = tpu.memref_squeeze %dma_wait3A_114 : memref<1x2x80xi32, #tpu.memory_space<vmem>> -> memref<2x80xi32, #tpu.memory_space<vmem>>
    %dma_wait3A_116 = arith.constant 0 : i32
    %dma_wait3A_117 = tpu.memref_slice %arg3[%dma_wait3A_116, %add3A_104] : memref<2x320000xi32, #tpu.memory_space<hbm>> -> memref<2x80xi32, #tpu.memory_space<hbm>>
    tpu.wait_dma2 semaphore(%arg10 : memref<!tpu.dma_semaphore, #tpu.memory_space<semaphore_mem>>) src(%dma_wait3A_117 : memref<2x80xi32, #tpu.memory_space<hbm>>) dst(%dma_wait3A_115 : memref<2x80xi32, #tpu.memory_space<vmem>>)
    %add3A_118 = arith.constant 160 : i32
    %add3A_119 = arith.addi %add3A_88, %add3A_118 : i32
    %dma_wait3A_120 = arith.constant 2 : i32
    %dma_wait3A_121 = arith.constant 0 : i32
    %dma_wait3A_122 = arith.constant 0 : i32
    %dma_wait3A_123 = tpu.memref_slice %arg6[%dma_wait3A_120, %dma_wait3A_121, %dma_wait3A_122] : memref<5x2x80xi32, #tpu.memory_space<vmem>> -> memref<1x2x80xi32, #tpu.memory_space<vmem>>
    %dma_wait3A_124 = tpu.memref_squeeze %dma_wait3A_123 : memref<1x2x80xi32, #tpu.memory_space<vmem>> -> memref<2x80xi32, #tpu.memory_space<vmem>>
    %dma_wait3A_125 = arith.constant 0 : i32
    %dma_wait3A_126 = tpu.memref_slice %arg3[%dma_wait3A_125, %add3A_119] : memref<2x320000xi32, #tpu.memory_space<hbm>> -> memref<2x80xi32, #tpu.memory_space<hbm>>
    %dma_wait3A_127 = arith.constant 0 : i32
    %dma_wait3A_128 = arith.constant 0 : i32
    %dma_wait3A_129 = tpu.memref_slice %arg6[%dma_wait3A_120, %dma_wait3A_127, %dma_wait3A_128] : memref<5x2x80xi32, #tpu.memory_space<vmem>> -> memref<1x2x80xi32, #tpu.memory_space<vmem>>
    %dma_wait3A_130 = tpu.memref_squeeze %dma_wait3A_129 : memref<1x2x80xi32, #tpu.memory_space<vmem>> -> memref<2x80xi32, #tpu.memory_space<vmem>>
    %dma_wait3A_131 = arith.constant 0 : i32
    %dma_wait3A_132 = tpu.memref_slice %arg3[%dma_wait3A_131, %add3A_119] : memref<2x320000xi32, #tpu.memory_space<hbm>> -> memref<2x80xi32, #tpu.memory_space<hbm>>
    tpu.wait_dma2 semaphore(%arg10 : memref<!tpu.dma_semaphore, #tpu.memory_space<semaphore_mem>>) src(%dma_wait3A_132 : memref<2x80xi32, #tpu.memory_space<hbm>>) dst(%dma_wait3A_130 : memref<2x80xi32, #tpu.memory_space<vmem>>)
    %add3A_133 = arith.constant 240 : i32
    %add3A_134 = arith.addi %add3A_88, %add3A_133 : i32
    %dma_wait3A_135 = arith.constant 3 : i32
    %dma_wait3A_136 = arith.constant 0 : i32
    %dma_wait3A_137 = arith.constant 0 : i32
    %dma_wait3A_138 = tpu.memref_slice %arg6[%dma_wait3A_135, %dma_wait3A_136, %dma_wait3A_137] : memref<5x2x80xi32, #tpu.memory_space<vmem>> -> memref<1x2x80xi32, #tpu.memory_space<vmem>>
    %dma_wait3A_139 = tpu.memref_squeeze %dma_wait3A_138 : memref<1x2x80xi32, #tpu.memory_space<vmem>> -> memref<2x80xi32, #tpu.memory_space<vmem>>
    %dma_wait3A_140 = arith.constant 0 : i32
    %dma_wait3A_141 = tpu.memref_slice %arg3[%dma_wait3A_140, %add3A_134] : memref<2x320000xi32, #tpu.memory_space<hbm>> -> memref<2x80xi32, #tpu.memory_space<hbm>>
    %dma_wait3A_142 = arith.constant 0 : i32
    %dma_wait3A_143 = arith.constant 0 : i32
    %dma_wait3A_144 = tpu.memref_slice %arg6[%dma_wait3A_135, %dma_wait3A_142, %dma_wait3A_143] : memref<5x2x80xi32, #tpu.memory_space<vmem>> -> memref<1x2x80xi32, #tpu.memory_space<vmem>>
    %dma_wait3A_145 = tpu.memref_squeeze %dma_wait3A_144 : memref<1x2x80xi32, #tpu.memory_space<vmem>> -> memref<2x80xi32, #tpu.memory_space<vmem>>
    %dma_wait3A_146 = arith.constant 0 : i32
    %dma_wait3A_147 = tpu.memref_slice %arg3[%dma_wait3A_146, %add3A_134] : memref<2x320000xi32, #tpu.memory_space<hbm>> -> memref<2x80xi32, #tpu.memory_space<hbm>>
    tpu.wait_dma2 semaphore(%arg10 : memref<!tpu.dma_semaphore, #tpu.memory_space<semaphore_mem>>) src(%dma_wait3A_147 : memref<2x80xi32, #tpu.memory_space<hbm>>) dst(%dma_wait3A_145 : memref<2x80xi32, #tpu.memory_space<vmem>>)
    %add3A_148 = arith.constant 320 : i32
    %add3A_149 = arith.addi %add3A_88, %add3A_148 : i32
    %dma_wait3A_150 = arith.constant 4 : i32
    %dma_wait3A_151 = arith.constant 0 : i32
    %dma_wait3A_152 = arith.constant 0 : i32
    %dma_wait3A_153 = tpu.memref_slice %arg6[%dma_wait3A_150, %dma_wait3A_151, %dma_wait3A_152] : memref<5x2x80xi32, #tpu.memory_space<vmem>> -> memref<1x2x80xi32, #tpu.memory_space<vmem>>
    %dma_wait3A_154 = tpu.memref_squeeze %dma_wait3A_153 : memref<1x2x80xi32, #tpu.memory_space<vmem>> -> memref<2x80xi32, #tpu.memory_space<vmem>>
    %dma_wait3A_155 = arith.constant 0 : i32
    %dma_wait3A_156 = tpu.memref_slice %arg3[%dma_wait3A_155, %add3A_149] : memref<2x320000xi32, #tpu.memory_space<hbm>> -> memref<2x80xi32, #tpu.memory_space<hbm>>
    %dma_wait3A_157 = arith.constant 0 : i32
    %dma_wait3A_158 = arith.constant 0 : i32
    %dma_wait3A_159 = tpu.memref_slice %arg6[%dma_wait3A_150, %dma_wait3A_157, %dma_wait3A_158] : memref<5x2x80xi32, #tpu.memory_space<vmem>> -> memref<1x2x80xi32, #tpu.memory_space<vmem>>
    %dma_wait3A_160 = tpu.memref_squeeze %dma_wait3A_159 : memref<1x2x80xi32, #tpu.memory_space<vmem>> -> memref<2x80xi32, #tpu.memory_space<vmem>>
    %dma_wait3A_161 = arith.constant 0 : i32
    %dma_wait3A_162 = tpu.memref_slice %arg3[%dma_wait3A_161, %add3A_149] : memref<2x320000xi32, #tpu.memory_space<hbm>> -> memref<2x80xi32, #tpu.memory_space<hbm>>
    tpu.wait_dma2 semaphore(%arg10 : memref<!tpu.dma_semaphore, #tpu.memory_space<semaphore_mem>>) src(%dma_wait3A_162 : memref<2x80xi32, #tpu.memory_space<hbm>>) dst(%dma_wait3A_160 : memref<2x80xi32, #tpu.memory_space<vmem>>)
    %dma_start3A_163 = arith.constant 0 : i32
    %dma_start3A_164 = arith.constant 0 : i32
    %dma_start3A_165 = arith.constant 0 : i32
    %dma_start3A_166 = arith.constant 0 : i32
    %dma_start3A_167 = tpu.memref_slice %arg8[%dma_start3A_165, %dma_start3A_166] : memref<400x16xf32, #tpu.memory_space<vmem>> -> memref<80x16xf32, #tpu.memory_space<vmem>>
    %dma_start3A_168 = arith.constant 0 : i32
    %dma_start3A_169 = tpu.memref_slice %arg6[%dma_start3A_163, %dma_start3A_164, %dma_start3A_168] : memref<5x2x80xi32, #tpu.memory_space<vmem>> -> memref<1x1x80xi32, #tpu.memory_space<vmem>>
    %dma_start3A_170 = tpu.memref_squeeze %dma_start3A_169 : memref<1x1x80xi32, #tpu.memory_space<vmem>> -> memref<80xi32, #tpu.memory_space<vmem>>
    %dma_start3A_171 = arith.constant 0 : i32
    %dma_start3A_172 = arith.constant 0 : i32
    %dma_start3A_173 = tpu.memref_slice %arg2[%dma_start3A_171, %dma_start3A_172] : memref<10000x16xf32, #tpu.memory_space<hbm>> -> memref<10000x16xf32, #tpu.memory_space<hbm>>
    tpu.enqueue_indirect_dma source(%dma_start3A_173 : memref<10000x16xf32, #tpu.memory_space<hbm>>) target(%dma_start3A_167 : memref<80x16xf32, #tpu.memory_space<vmem>>) offsets(%dma_start3A_170 : memref<80xi32, #tpu.memory_space<vmem>>) semaphore(%arg12 : memref<!tpu.dma_semaphore, #tpu.memory_space<semaphore_mem>>)
    %dma_start3A_174 = arith.constant 1 : i32
    %dma_start3A_175 = arith.constant 0 : i32
    %dma_start3A_176 = arith.constant 80 : i32
    %dma_start3A_177 = arith.constant 0 : i32
    %dma_start3A_178 = tpu.memref_slice %arg8[%dma_start3A_176, %dma_start3A_177] : memref<400x16xf32, #tpu.memory_space<vmem>> -> memref<80x16xf32, #tpu.memory_space<vmem>>
    %dma_start3A_179 = arith.constant 0 : i32
    %dma_start3A_180 = tpu.memref_slice %arg6[%dma_start3A_174, %dma_start3A_175, %dma_start3A_179] : memref<5x2x80xi32, #tpu.memory_space<vmem>> -> memref<1x1x80xi32, #tpu.memory_space<vmem>>
    %dma_start3A_181 = tpu.memref_squeeze %dma_start3A_180 : memref<1x1x80xi32, #tpu.memory_space<vmem>> -> memref<80xi32, #tpu.memory_space<vmem>>
    %dma_start3A_182 = arith.constant 0 : i32
    %dma_start3A_183 = arith.constant 0 : i32
    %dma_start3A_184 = tpu.memref_slice %arg2[%dma_start3A_182, %dma_start3A_183] : memref<10000x16xf32, #tpu.memory_space<hbm>> -> memref<10000x16xf32, #tpu.memory_space<hbm>>
    tpu.enqueue_indirect_dma source(%dma_start3A_184 : memref<10000x16xf32, #tpu.memory_space<hbm>>) target(%dma_start3A_178 : memref<80x16xf32, #tpu.memory_space<vmem>>) offsets(%dma_start3A_181 : memref<80xi32, #tpu.memory_space<vmem>>) semaphore(%arg12 : memref<!tpu.dma_semaphore, #tpu.memory_space<semaphore_mem>>)
    %dma_start3A_185 = arith.constant 2 : i32
    %dma_start3A_186 = arith.constant 0 : i32
    %dma_start3A_187 = arith.constant 160 : i32
    %dma_start3A_188 = arith.constant 0 : i32
    %dma_start3A_189 = tpu.memref_slice %arg8[%dma_start3A_187, %dma_start3A_188] : memref<400x16xf32, #tpu.memory_space<vmem>> -> memref<80x16xf32, #tpu.memory_space<vmem>>
    %dma_start3A_190 = arith.constant 0 : i32
    %dma_start3A_191 = tpu.memref_slice %arg6[%dma_start3A_185, %dma_start3A_186, %dma_start3A_190] : memref<5x2x80xi32, #tpu.memory_space<vmem>> -> memref<1x1x80xi32, #tpu.memory_space<vmem>>
    %dma_start3A_192 = tpu.memref_squeeze %dma_start3A_191 : memref<1x1x80xi32, #tpu.memory_space<vmem>> -> memref<80xi32, #tpu.memory_space<vmem>>
    %dma_start3A_193 = arith.constant 0 : i32
    %dma_start3A_194 = arith.constant 0 : i32
    %dma_start3A_195 = tpu.memref_slice %arg2[%dma_start3A_193, %dma_start3A_194] : memref<10000x16xf32, #tpu.memory_space<hbm>> -> memref<10000x16xf32, #tpu.memory_space<hbm>>
    tpu.enqueue_indirect_dma source(%dma_start3A_195 : memref<10000x16xf32, #tpu.memory_space<hbm>>) target(%dma_start3A_189 : memref<80x16xf32, #tpu.memory_space<vmem>>) offsets(%dma_start3A_192 : memref<80xi32, #tpu.memory_space<vmem>>) semaphore(%arg12 : memref<!tpu.dma_semaphore, #tpu.memory_space<semaphore_mem>>)
    %dma_start3A_196 = arith.constant 3 : i32
    %dma_start3A_197 = arith.constant 0 : i32
    %dma_start3A_198 = arith.constant 240 : i32
    %dma_start3A_199 = arith.constant 0 : i32
    %dma_start3A_200 = tpu.memref_slice %arg8[%dma_start3A_198, %dma_start3A_199] : memref<400x16xf32, #tpu.memory_space<vmem>> -> memref<80x16xf32, #tpu.memory_space<vmem>>
    %dma_start3A_201 = arith.constant 0 : i32
    %dma_start3A_202 = tpu.memref_slice %arg6[%dma_start3A_196, %dma_start3A_197, %dma_start3A_201] : memref<5x2x80xi32, #tpu.memory_space<vmem>> -> memref<1x1x80xi32, #tpu.memory_space<vmem>>
    %dma_start3A_203 = tpu.memref_squeeze %dma_start3A_202 : memref<1x1x80xi32, #tpu.memory_space<vmem>> -> memref<80xi32, #tpu.memory_space<vmem>>
    %dma_start3A_204 = arith.constant 0 : i32
    %dma_start3A_205 = arith.constant 0 : i32
    %dma_start3A_206 = tpu.memref_slice %arg2[%dma_start3A_204, %dma_start3A_205] : memref<10000x16xf32, #tpu.memory_space<hbm>> -> memref<10000x16xf32, #tpu.memory_space<hbm>>
    tpu.enqueue_indirect_dma source(%dma_start3A_206 : memref<10000x16xf32, #tpu.memory_space<hbm>>) target(%dma_start3A_200 : memref<80x16xf32, #tpu.memory_space<vmem>>) offsets(%dma_start3A_203 : memref<80xi32, #tpu.memory_space<vmem>>) semaphore(%arg12 : memref<!tpu.dma_semaphore, #tpu.memory_space<semaphore_mem>>)
    %dma_start3A_207 = arith.constant 4 : i32
    %dma_start3A_208 = arith.constant 0 : i32
    %dma_start3A_209 = arith.constant 320 : i32
    %dma_start3A_210 = arith.constant 0 : i32
    %dma_start3A_211 = tpu.memref_slice %arg8[%dma_start3A_209, %dma_start3A_210] : memref<400x16xf32, #tpu.memory_space<vmem>> -> memref<80x16xf32, #tpu.memory_space<vmem>>
    %dma_start3A_212 = arith.constant 0 : i32
    %dma_start3A_213 = tpu.memref_slice %arg6[%dma_start3A_207, %dma_start3A_208, %dma_start3A_212] : memref<5x2x80xi32, #tpu.memory_space<vmem>> -> memref<1x1x80xi32, #tpu.memory_space<vmem>>
    %dma_start3A_214 = tpu.memref_squeeze %dma_start3A_213 : memref<1x1x80xi32, #tpu.memory_space<vmem>> -> memref<80xi32, #tpu.memory_space<vmem>>
    %dma_start3A_215 = arith.constant 0 : i32
    %dma_start3A_216 = arith.constant 0 : i32
    %dma_start3A_217 = tpu.memref_slice %arg2[%dma_start3A_215, %dma_start3A_216] : memref<10000x16xf32, #tpu.memory_space<hbm>> -> memref<10000x16xf32, #tpu.memory_space<hbm>>
    tpu.enqueue_indirect_dma source(%dma_start3A_217 : memref<10000x16xf32, #tpu.memory_space<hbm>>) target(%dma_start3A_211 : memref<80x16xf32, #tpu.memory_space<vmem>>) offsets(%dma_start3A_214 : memref<80xi32, #tpu.memory_space<vmem>>) semaphore(%arg12 : memref<!tpu.dma_semaphore, #tpu.memory_space<semaphore_mem>>)
    %add3A_218 = arith.constant 400 : i32
    %add3A_219 = arith.addi %mul3A_2, %add3A_218 : i32
    %add3A_220 = arith.constant 0 : i32
    %add3A_221 = arith.addi %add3A_219, %add3A_220 : i32
    %dma_start3A_222 = arith.constant 0 : i32
    %dma_start3A_223 = arith.constant 0 : i32
    %dma_start3A_224 = arith.constant 0 : i32
    %dma_start3A_225 = tpu.memref_slice %arg7[%dma_start3A_222, %dma_start3A_223, %dma_start3A_224] : memref<5x2x80xi32, #tpu.memory_space<vmem>> -> memref<1x2x80xi32, #tpu.memory_space<vmem>>
    %dma_start3A_226 = tpu.memref_squeeze %dma_start3A_225 : memref<1x2x80xi32, #tpu.memory_space<vmem>> -> memref<2x80xi32, #tpu.memory_space<vmem>>
    %dma_start3A_227 = arith.constant 0 : i32
    %dma_start3A_228 = tpu.memref_slice %arg3[%dma_start3A_227, %add3A_221] : memref<2x320000xi32, #tpu.memory_space<hbm>> -> memref<2x80xi32, #tpu.memory_space<hbm>>
    %dma_start3A_229 = arith.constant 0 : i32
    %dma_start3A_230 = arith.constant 0 : i32
    %dma_start3A_231 = tpu.memref_slice %arg7[%dma_start3A_222, %dma_start3A_229, %dma_start3A_230] : memref<5x2x80xi32, #tpu.memory_space<vmem>> -> memref<1x2x80xi32, #tpu.memory_space<vmem>>
    %dma_start3A_232 = tpu.memref_squeeze %dma_start3A_231 : memref<1x2x80xi32, #tpu.memory_space<vmem>> -> memref<2x80xi32, #tpu.memory_space<vmem>>
    %dma_start3A_233 = arith.constant 0 : i32
    %dma_start3A_234 = tpu.memref_slice %arg3[%dma_start3A_233, %add3A_221] : memref<2x320000xi32, #tpu.memory_space<hbm>> -> memref<2x80xi32, #tpu.memory_space<hbm>>
    tpu.enqueue_dma source(%dma_start3A_234 : memref<2x80xi32, #tpu.memory_space<hbm>>) target(%dma_start3A_232 : memref<2x80xi32, #tpu.memory_space<vmem>>) target_semaphore(%arg11 : memref<!tpu.dma_semaphore, #tpu.memory_space<semaphore_mem>>)
    %add3A_235 = arith.constant 80 : i32
    %add3A_236 = arith.addi %add3A_219, %add3A_235 : i32
    %dma_start3A_237 = arith.constant 1 : i32
    %dma_start3A_238 = arith.constant 0 : i32
    %dma_start3A_239 = arith.constant 0 : i32
    %dma_start3A_240 = tpu.memref_slice %arg7[%dma_start3A_237, %dma_start3A_238, %dma_start3A_239] : memref<5x2x80xi32, #tpu.memory_space<vmem>> -> memref<1x2x80xi32, #tpu.memory_space<vmem>>
    %dma_start3A_241 = tpu.memref_squeeze %dma_start3A_240 : memref<1x2x80xi32, #tpu.memory_space<vmem>> -> memref<2x80xi32, #tpu.memory_space<vmem>>
    %dma_start3A_242 = arith.constant 0 : i32
    %dma_start3A_243 = tpu.memref_slice %arg3[%dma_start3A_242, %add3A_236] : memref<2x320000xi32, #tpu.memory_space<hbm>> -> memref<2x80xi32, #tpu.memory_space<hbm>>
    %dma_start3A_244 = arith.constant 0 : i32
    %dma_start3A_245 = arith.constant 0 : i32
    %dma_start3A_246 = tpu.memref_slice %arg7[%dma_start3A_237, %dma_start3A_244, %dma_start3A_245] : memref<5x2x80xi32, #tpu.memory_space<vmem>> -> memref<1x2x80xi32, #tpu.memory_space<vmem>>
    %dma_start3A_247 = tpu.memref_squeeze %dma_start3A_246 : memref<1x2x80xi32, #tpu.memory_space<vmem>> -> memref<2x80xi32, #tpu.memory_space<vmem>>
    %dma_start3A_248 = arith.constant 0 : i32
    %dma_start3A_249 = tpu.memref_slice %arg3[%dma_start3A_248, %add3A_236] : memref<2x320000xi32, #tpu.memory_space<hbm>> -> memref<2x80xi32, #tpu.memory_space<hbm>>
    tpu.enqueue_dma source(%dma_start3A_249 : memref<2x80xi32, #tpu.memory_space<hbm>>) target(%dma_start3A_247 : memref<2x80xi32, #tpu.memory_space<vmem>>) target_semaphore(%arg11 : memref<!tpu.dma_semaphore, #tpu.memory_space<semaphore_mem>>)
    %add3A_250 = arith.constant 160 : i32
    %add3A_251 = arith.addi %add3A_219, %add3A_250 : i32
    %dma_start3A_252 = arith.constant 2 : i32
    %dma_start3A_253 = arith.constant 0 : i32
    %dma_start3A_254 = arith.constant 0 : i32
    %dma_start3A_255 = tpu.memref_slice %arg7[%dma_start3A_252, %dma_start3A_253, %dma_start3A_254] : memref<5x2x80xi32, #tpu.memory_space<vmem>> -> memref<1x2x80xi32, #tpu.memory_space<vmem>>
    %dma_start3A_256 = tpu.memref_squeeze %dma_start3A_255 : memref<1x2x80xi32, #tpu.memory_space<vmem>> -> memref<2x80xi32, #tpu.memory_space<vmem>>
    %dma_start3A_257 = arith.constant 0 : i32
    %dma_start3A_258 = tpu.memref_slice %arg3[%dma_start3A_257, %add3A_251] : memref<2x320000xi32, #tpu.memory_space<hbm>> -> memref<2x80xi32, #tpu.memory_space<hbm>>
    %dma_start3A_259 = arith.constant 0 : i32
    %dma_start3A_260 = arith.constant 0 : i32
    %dma_start3A_261 = tpu.memref_slice %arg7[%dma_start3A_252, %dma_start3A_259, %dma_start3A_260] : memref<5x2x80xi32, #tpu.memory_space<vmem>> -> memref<1x2x80xi32, #tpu.memory_space<vmem>>
    %dma_start3A_262 = tpu.memref_squeeze %dma_start3A_261 : memref<1x2x80xi32, #tpu.memory_space<vmem>> -> memref<2x80xi32, #tpu.memory_space<vmem>>
    %dma_start3A_263 = arith.constant 0 : i32
    %dma_start3A_264 = tpu.memref_slice %arg3[%dma_start3A_263, %add3A_251] : memref<2x320000xi32, #tpu.memory_space<hbm>> -> memref<2x80xi32, #tpu.memory_space<hbm>>
    tpu.enqueue_dma source(%dma_start3A_264 : memref<2x80xi32, #tpu.memory_space<hbm>>) target(%dma_start3A_262 : memref<2x80xi32, #tpu.memory_space<vmem>>) target_semaphore(%arg11 : memref<!tpu.dma_semaphore, #tpu.memory_space<semaphore_mem>>)
    %add3A_265 = arith.constant 240 : i32
    %add3A_266 = arith.addi %add3A_219, %add3A_265 : i32
    %dma_start3A_267 = arith.constant 3 : i32
    %dma_start3A_268 = arith.constant 0 : i32
    %dma_start3A_269 = arith.constant 0 : i32
    %dma_start3A_270 = tpu.memref_slice %arg7[%dma_start3A_267, %dma_start3A_268, %dma_start3A_269] : memref<5x2x80xi32, #tpu.memory_space<vmem>> -> memref<1x2x80xi32, #tpu.memory_space<vmem>>
    %dma_start3A_271 = tpu.memref_squeeze %dma_start3A_270 : memref<1x2x80xi32, #tpu.memory_space<vmem>> -> memref<2x80xi32, #tpu.memory_space<vmem>>
    %dma_start3A_272 = arith.constant 0 : i32
    %dma_start3A_273 = tpu.memref_slice %arg3[%dma_start3A_272, %add3A_266] : memref<2x320000xi32, #tpu.memory_space<hbm>> -> memref<2x80xi32, #tpu.memory_space<hbm>>
    %dma_start3A_274 = arith.constant 0 : i32
    %dma_start3A_275 = arith.constant 0 : i32
    %dma_start3A_276 = tpu.memref_slice %arg7[%dma_start3A_267, %dma_start3A_274, %dma_start3A_275] : memref<5x2x80xi32, #tpu.memory_space<vmem>> -> memref<1x2x80xi32, #tpu.memory_space<vmem>>
    %dma_start3A_277 = tpu.memref_squeeze %dma_start3A_276 : memref<1x2x80xi32, #tpu.memory_space<vmem>> -> memref<2x80xi32, #tpu.memory_space<vmem>>
    %dma_start3A_278 = arith.constant 0 : i32
    %dma_start3A_279 = tpu.memref_slice %arg3[%dma_start3A_278, %add3A_266] : memref<2x320000xi32, #tpu.memory_space<hbm>> -> memref<2x80xi32, #tpu.memory_space<hbm>>
    tpu.enqueue_dma source(%dma_start3A_279 : memref<2x80xi32, #tpu.memory_space<hbm>>) target(%dma_start3A_277 : memref<2x80xi32, #tpu.memory_space<vmem>>) target_semaphore(%arg11 : memref<!tpu.dma_semaphore, #tpu.memory_space<semaphore_mem>>)
    %add3A_280 = arith.constant 320 : i32
    %add3A_281 = arith.addi %add3A_219, %add3A_280 : i32
    %dma_start3A_282 = arith.constant 4 : i32
    %dma_start3A_283 = arith.constant 0 : i32
    %dma_start3A_284 = arith.constant 0 : i32
    %dma_start3A_285 = tpu.memref_slice %arg7[%dma_start3A_282, %dma_start3A_283, %dma_start3A_284] : memref<5x2x80xi32, #tpu.memory_space<vmem>> -> memref<1x2x80xi32, #tpu.memory_space<vmem>>
    %dma_start3A_286 = tpu.memref_squeeze %dma_start3A_285 : memref<1x2x80xi32, #tpu.memory_space<vmem>> -> memref<2x80xi32, #tpu.memory_space<vmem>>
    %dma_start3A_287 = arith.constant 0 : i32
    %dma_start3A_288 = tpu.memref_slice %arg3[%dma_start3A_287, %add3A_281] : memref<2x320000xi32, #tpu.memory_space<hbm>> -> memref<2x80xi32, #tpu.memory_space<hbm>>
    %dma_start3A_289 = arith.constant 0 : i32
    %dma_start3A_290 = arith.constant 0 : i32
    %dma_start3A_291 = tpu.memref_slice %arg7[%dma_start3A_282, %dma_start3A_289, %dma_start3A_290] : memref<5x2x80xi32, #tpu.memory_space<vmem>> -> memref<1x2x80xi32, #tpu.memory_space<vmem>>
    %dma_start3A_292 = tpu.memref_squeeze %dma_start3A_291 : memref<1x2x80xi32, #tpu.memory_space<vmem>> -> memref<2x80xi32, #tpu.memory_space<vmem>>
    %dma_start3A_293 = arith.constant 0 : i32
    %dma_start3A_294 = tpu.memref_slice %arg3[%dma_start3A_293, %add3A_281] : memref<2x320000xi32, #tpu.memory_space<hbm>> -> memref<2x80xi32, #tpu.memory_space<hbm>>
    tpu.enqueue_dma source(%dma_start3A_294 : memref<2x80xi32, #tpu.memory_space<hbm>>) target(%dma_start3A_292 : memref<2x80xi32, #tpu.memory_space<vmem>>) target_semaphore(%arg11 : memref<!tpu.dma_semaphore, #tpu.memory_space<semaphore_mem>>)
    %scan3A = arith.constant 0 : i32
    %scan3A_295 = arith.constant 0 : i32
    %scan3A_296 = arith.constant 12 : i32
    %scan3A_297 = arith.addi %scan3A_295, %scan3A_296 : i32
    %scan3A_298 = arith.constant 1 : i32
    scf.for %scan3A_476 = %scan3A_295 to %scan3A_297 step %scan3A_298  : i32 {
      %mul3A_477 = arith.constant 2 : i32
      %mul3A_478 = arith.muli %mul3A_477, %scan3A_476 : i32
      %dma_wait3A_479 = arith.constant 0 : i32
      %dma_wait3A_480 = arith.constant 0 : i32
      %dma_wait3A_481 = arith.constant 0 : i32
      %dma_wait3A_482 = arith.constant 0 : i32
      %dma_wait3A_483 = tpu.memref_slice %arg8[%dma_wait3A_481, %dma_wait3A_482] : memref<400x16xf32, #tpu.memory_space<vmem>> -> memref<80x16xf32, #tpu.memory_space<vmem>>
      %dma_wait3A_484 = arith.constant 0 : i32
      %dma_wait3A_485 = tpu.memref_slice %arg6[%dma_wait3A_479, %dma_wait3A_480, %dma_wait3A_484] : memref<5x2x80xi32, #tpu.memory_space<vmem>> -> memref<1x1x80xi32, #tpu.memory_space<vmem>>
      %dma_wait3A_486 = tpu.memref_squeeze %dma_wait3A_485 : memref<1x1x80xi32, #tpu.memory_space<vmem>> -> memref<80xi32, #tpu.memory_space<vmem>>
      %dma_wait3A_487 = arith.constant 0 : i32
      %dma_wait3A_488 = arith.constant 0 : i32
      %dma_wait3A_489 = tpu.memref_slice %arg2[%dma_wait3A_487, %dma_wait3A_488] : memref<10000x16xf32, #tpu.memory_space<hbm>> -> memref<10000x16xf32, #tpu.memory_space<hbm>>
      tpu.wait_indirect_dma semaphore(%arg12 : memref<!tpu.dma_semaphore, #tpu.memory_space<semaphore_mem>>) src(%dma_wait3A_489 : memref<10000x16xf32, #tpu.memory_space<hbm>>) dst(%dma_wait3A_483 : memref<80x16xf32, #tpu.memory_space<vmem>>)
      %dma_wait3A_490 = arith.constant 1 : i32
      %dma_wait3A_491 = arith.constant 0 : i32
      %dma_wait3A_492 = arith.constant 80 : i32
      %dma_wait3A_493 = arith.constant 0 : i32
      %dma_wait3A_494 = tpu.memref_slice %arg8[%dma_wait3A_492, %dma_wait3A_493] : memref<400x16xf32, #tpu.memory_space<vmem>> -> memref<80x16xf32, #tpu.memory_space<vmem>>
      %dma_wait3A_495 = arith.constant 0 : i32
      %dma_wait3A_496 = tpu.memref_slice %arg6[%dma_wait3A_490, %dma_wait3A_491, %dma_wait3A_495] : memref<5x2x80xi32, #tpu.memory_space<vmem>> -> memref<1x1x80xi32, #tpu.memory_space<vmem>>
      %dma_wait3A_497 = tpu.memref_squeeze %dma_wait3A_496 : memref<1x1x80xi32, #tpu.memory_space<vmem>> -> memref<80xi32, #tpu.memory_space<vmem>>
      %dma_wait3A_498 = arith.constant 0 : i32
      %dma_wait3A_499 = arith.constant 0 : i32
      %dma_wait3A_500 = tpu.memref_slice %arg2[%dma_wait3A_498, %dma_wait3A_499] : memref<10000x16xf32, #tpu.memory_space<hbm>> -> memref<10000x16xf32, #tpu.memory_space<hbm>>
      tpu.wait_indirect_dma semaphore(%arg12 : memref<!tpu.dma_semaphore, #tpu.memory_space<semaphore_mem>>) src(%dma_wait3A_500 : memref<10000x16xf32, #tpu.memory_space<hbm>>) dst(%dma_wait3A_494 : memref<80x16xf32, #tpu.memory_space<vmem>>)
      %dma_wait3A_501 = arith.constant 2 : i32
      %dma_wait3A_502 = arith.constant 0 : i32
      %dma_wait3A_503 = arith.constant 160 : i32
      %dma_wait3A_504 = arith.constant 0 : i32
      %dma_wait3A_505 = tpu.memref_slice %arg8[%dma_wait3A_503, %dma_wait3A_504] : memref<400x16xf32, #tpu.memory_space<vmem>> -> memref<80x16xf32, #tpu.memory_space<vmem>>
      %dma_wait3A_506 = arith.constant 0 : i32
      %dma_wait3A_507 = tpu.memref_slice %arg6[%dma_wait3A_501, %dma_wait3A_502, %dma_wait3A_506] : memref<5x2x80xi32, #tpu.memory_space<vmem>> -> memref<1x1x80xi32, #tpu.memory_space<vmem>>
      %dma_wait3A_508 = tpu.memref_squeeze %dma_wait3A_507 : memref<1x1x80xi32, #tpu.memory_space<vmem>> -> memref<80xi32, #tpu.memory_space<vmem>>
      %dma_wait3A_509 = arith.constant 0 : i32
      %dma_wait3A_510 = arith.constant 0 : i32
      %dma_wait3A_511 = tpu.memref_slice %arg2[%dma_wait3A_509, %dma_wait3A_510] : memref<10000x16xf32, #tpu.memory_space<hbm>> -> memref<10000x16xf32, #tpu.memory_space<hbm>>
      tpu.wait_indirect_dma semaphore(%arg12 : memref<!tpu.dma_semaphore, #tpu.memory_space<semaphore_mem>>) src(%dma_wait3A_511 : memref<10000x16xf32, #tpu.memory_space<hbm>>) dst(%dma_wait3A_505 : memref<80x16xf32, #tpu.memory_space<vmem>>)
      %dma_wait3A_512 = arith.constant 3 : i32
      %dma_wait3A_513 = arith.constant 0 : i32
      %dma_wait3A_514 = arith.constant 240 : i32
      %dma_wait3A_515 = arith.constant 0 : i32
      %dma_wait3A_516 = tpu.memref_slice %arg8[%dma_wait3A_514, %dma_wait3A_515] : memref<400x16xf32, #tpu.memory_space<vmem>> -> memref<80x16xf32, #tpu.memory_space<vmem>>
      %dma_wait3A_517 = arith.constant 0 : i32
      %dma_wait3A_518 = tpu.memref_slice %arg6[%dma_wait3A_512, %dma_wait3A_513, %dma_wait3A_517] : memref<5x2x80xi32, #tpu.memory_space<vmem>> -> memref<1x1x80xi32, #tpu.memory_space<vmem>>
      %dma_wait3A_519 = tpu.memref_squeeze %dma_wait3A_518 : memref<1x1x80xi32, #tpu.memory_space<vmem>> -> memref<80xi32, #tpu.memory_space<vmem>>
      %dma_wait3A_520 = arith.constant 0 : i32
      %dma_wait3A_521 = arith.constant 0 : i32
      %dma_wait3A_522 = tpu.memref_slice %arg2[%dma_wait3A_520, %dma_wait3A_521] : memref<10000x16xf32, #tpu.memory_space<hbm>> -> memref<10000x16xf32, #tpu.memory_space<hbm>>
      tpu.wait_indirect_dma semaphore(%arg12 : memref<!tpu.dma_semaphore, #tpu.memory_space<semaphore_mem>>) src(%dma_wait3A_522 : memref<10000x16xf32, #tpu.memory_space<hbm>>) dst(%dma_wait3A_516 : memref<80x16xf32, #tpu.memory_space<vmem>>)
      %dma_wait3A_523 = arith.constant 4 : i32
      %dma_wait3A_524 = arith.constant 0 : i32
      %dma_wait3A_525 = arith.constant 320 : i32
      %dma_wait3A_526 = arith.constant 0 : i32
      %dma_wait3A_527 = tpu.memref_slice %arg8[%dma_wait3A_525, %dma_wait3A_526] : memref<400x16xf32, #tpu.memory_space<vmem>> -> memref<80x16xf32, #tpu.memory_space<vmem>>
      %dma_wait3A_528 = arith.constant 0 : i32
      %dma_wait3A_529 = tpu.memref_slice %arg6[%dma_wait3A_523, %dma_wait3A_524, %dma_wait3A_528] : memref<5x2x80xi32, #tpu.memory_space<vmem>> -> memref<1x1x80xi32, #tpu.memory_space<vmem>>
      %dma_wait3A_530 = tpu.memref_squeeze %dma_wait3A_529 : memref<1x1x80xi32, #tpu.memory_space<vmem>> -> memref<80xi32, #tpu.memory_space<vmem>>
      %dma_wait3A_531 = arith.constant 0 : i32
      %dma_wait3A_532 = arith.constant 0 : i32
      %dma_wait3A_533 = tpu.memref_slice %arg2[%dma_wait3A_531, %dma_wait3A_532] : memref<10000x16xf32, #tpu.memory_space<hbm>> -> memref<10000x16xf32, #tpu.memory_space<hbm>>
      tpu.wait_indirect_dma semaphore(%arg12 : memref<!tpu.dma_semaphore, #tpu.memory_space<semaphore_mem>>) src(%dma_wait3A_533 : memref<10000x16xf32, #tpu.memory_space<hbm>>) dst(%dma_wait3A_527 : memref<80x16xf32, #tpu.memory_space<vmem>>)
      %dma_start3A_534 = arith.constant 0 : i32
      %dma_start3A_535 = arith.constant 1 : i32
      %dma_start3A_536 = arith.constant 0 : i32
      %dma_start3A_537 = arith.constant 0 : i32
      %dma_start3A_538 = tpu.memref_slice %arg8[%dma_start3A_536, %dma_start3A_537] : memref<400x16xf32, #tpu.memory_space<vmem>> -> memref<80x16xf32, #tpu.memory_space<vmem>>
      %dma_start3A_539 = arith.constant 0 : i32
      %dma_start3A_540 = tpu.memref_slice %arg6[%dma_start3A_534, %dma_start3A_535, %dma_start3A_539] : memref<5x2x80xi32, #tpu.memory_space<vmem>> -> memref<1x1x80xi32, #tpu.memory_space<vmem>>
      %dma_start3A_541 = tpu.memref_squeeze %dma_start3A_540 : memref<1x1x80xi32, #tpu.memory_space<vmem>> -> memref<80xi32, #tpu.memory_space<vmem>>
      %dma_start3A_542 = arith.constant 0 : i32
      %dma_start3A_543 = arith.constant 0 : i32
      %dma_start3A_544 = tpu.memref_slice %arg16[%dma_start3A_542, %dma_start3A_543] : memref<10000x16xf32, #tpu.memory_space<vmem_shared>> -> memref<10000x16xf32, #tpu.memory_space<vmem_shared>>
      tpu.enqueue_indirect_dma source(%dma_start3A_538 : memref<80x16xf32, #tpu.memory_space<vmem>>) target(%dma_start3A_544 : memref<10000x16xf32, #tpu.memory_space<vmem_shared>>) offsets(%dma_start3A_541 : memref<80xi32, #tpu.memory_space<vmem>>) semaphore(%arg14 : memref<!tpu.dma_semaphore, #tpu.memory_space<semaphore_mem>>) {add = true}
      %dma_start3A_545 = arith.constant 1 : i32
      %dma_start3A_546 = arith.constant 1 : i32
      %dma_start3A_547 = arith.constant 80 : i32
      %dma_start3A_548 = arith.constant 0 : i32
      %dma_start3A_549 = tpu.memref_slice %arg8[%dma_start3A_547, %dma_start3A_548] : memref<400x16xf32, #tpu.memory_space<vmem>> -> memref<80x16xf32, #tpu.memory_space<vmem>>
      %dma_start3A_550 = arith.constant 0 : i32
      %dma_start3A_551 = tpu.memref_slice %arg6[%dma_start3A_545, %dma_start3A_546, %dma_start3A_550] : memref<5x2x80xi32, #tpu.memory_space<vmem>> -> memref<1x1x80xi32, #tpu.memory_space<vmem>>
      %dma_start3A_552 = tpu.memref_squeeze %dma_start3A_551 : memref<1x1x80xi32, #tpu.memory_space<vmem>> -> memref<80xi32, #tpu.memory_space<vmem>>
      %dma_start3A_553 = arith.constant 0 : i32
      %dma_start3A_554 = arith.constant 0 : i32
      %dma_start3A_555 = tpu.memref_slice %arg16[%dma_start3A_553, %dma_start3A_554] : memref<10000x16xf32, #tpu.memory_space<vmem_shared>> -> memref<10000x16xf32, #tpu.memory_space<vmem_shared>>
      tpu.enqueue_indirect_dma source(%dma_start3A_549 : memref<80x16xf32, #tpu.memory_space<vmem>>) target(%dma_start3A_555 : memref<10000x16xf32, #tpu.memory_space<vmem_shared>>) offsets(%dma_start3A_552 : memref<80xi32, #tpu.memory_space<vmem>>) semaphore(%arg14 : memref<!tpu.dma_semaphore, #tpu.memory_space<semaphore_mem>>) {add = true}
      %dma_start3A_556 = arith.constant 2 : i32
      %dma_start3A_557 = arith.constant 1 : i32
      %dma_start3A_558 = arith.constant 160 : i32
      %dma_start3A_559 = arith.constant 0 : i32
      %dma_start3A_560 = tpu.memref_slice %arg8[%dma_start3A_558, %dma_start3A_559] : memref<400x16xf32, #tpu.memory_space<vmem>> -> memref<80x16xf32, #tpu.memory_space<vmem>>
      %dma_start3A_561 = arith.constant 0 : i32
      %dma_start3A_562 = tpu.memref_slice %arg6[%dma_start3A_556, %dma_start3A_557, %dma_start3A_561] : memref<5x2x80xi32, #tpu.memory_space<vmem>> -> memref<1x1x80xi32, #tpu.memory_space<vmem>>
      %dma_start3A_563 = tpu.memref_squeeze %dma_start3A_562 : memref<1x1x80xi32, #tpu.memory_space<vmem>> -> memref<80xi32, #tpu.memory_space<vmem>>
      %dma_start3A_564 = arith.constant 0 : i32
      %dma_start3A_565 = arith.constant 0 : i32
      %dma_start3A_566 = tpu.memref_slice %arg16[%dma_start3A_564, %dma_start3A_565] : memref<10000x16xf32, #tpu.memory_space<vmem_shared>> -> memref<10000x16xf32, #tpu.memory_space<vmem_shared>>
      tpu.enqueue_indirect_dma source(%dma_start3A_560 : memref<80x16xf32, #tpu.memory_space<vmem>>) target(%dma_start3A_566 : memref<10000x16xf32, #tpu.memory_space<vmem_shared>>) offsets(%dma_start3A_563 : memref<80xi32, #tpu.memory_space<vmem>>) semaphore(%arg14 : memref<!tpu.dma_semaphore, #tpu.memory_space<semaphore_mem>>) {add = true}
      %dma_start3A_567 = arith.constant 3 : i32
      %dma_start3A_568 = arith.constant 1 : i32
      %dma_start3A_569 = arith.constant 240 : i32
      %dma_start3A_570 = arith.constant 0 : i32
      %dma_start3A_571 = tpu.memref_slice %arg8[%dma_start3A_569, %dma_start3A_570] : memref<400x16xf32, #tpu.memory_space<vmem>> -> memref<80x16xf32, #tpu.memory_space<vmem>>
      %dma_start3A_572 = arith.constant 0 : i32
      %dma_start3A_573 = tpu.memref_slice %arg6[%dma_start3A_567, %dma_start3A_568, %dma_start3A_572] : memref<5x2x80xi32, #tpu.memory_space<vmem>> -> memref<1x1x80xi32, #tpu.memory_space<vmem>>
      %dma_start3A_574 = tpu.memref_squeeze %dma_start3A_573 : memref<1x1x80xi32, #tpu.memory_space<vmem>> -> memref<80xi32, #tpu.memory_space<vmem>>
      %dma_start3A_575 = arith.constant 0 : i32
      %dma_start3A_576 = arith.constant 0 : i32
      %dma_start3A_577 = tpu.memref_slice %arg16[%dma_start3A_575, %dma_start3A_576] : memref<10000x16xf32, #tpu.memory_space<vmem_shared>> -> memref<10000x16xf32, #tpu.memory_space<vmem_shared>>
      tpu.enqueue_indirect_dma source(%dma_start3A_571 : memref<80x16xf32, #tpu.memory_space<vmem>>) target(%dma_start3A_577 : memref<10000x16xf32, #tpu.memory_space<vmem_shared>>) offsets(%dma_start3A_574 : memref<80xi32, #tpu.memory_space<vmem>>) semaphore(%arg14 : memref<!tpu.dma_semaphore, #tpu.memory_space<semaphore_mem>>) {add = true}
      %dma_start3A_578 = arith.constant 4 : i32
      %dma_start3A_579 = arith.constant 1 : i32
      %dma_start3A_580 = arith.constant 320 : i32
      %dma_start3A_581 = arith.constant 0 : i32
      %dma_start3A_582 = tpu.memref_slice %arg8[%dma_start3A_580, %dma_start3A_581] : memref<400x16xf32, #tpu.memory_space<vmem>> -> memref<80x16xf32, #tpu.memory_space<vmem>>
      %dma_start3A_583 = arith.constant 0 : i32
      %dma_start3A_584 = tpu.memref_slice %arg6[%dma_start3A_578, %dma_start3A_579, %dma_start3A_583] : memref<5x2x80xi32, #tpu.memory_space<vmem>> -> memref<1x1x80xi32, #tpu.memory_space<vmem>>
      %dma_start3A_585 = tpu.memref_squeeze %dma_start3A_584 : memref<1x1x80xi32, #tpu.memory_space<vmem>> -> memref<80xi32, #tpu.memory_space<vmem>>
      %dma_start3A_586 = arith.constant 0 : i32
      %dma_start3A_587 = arith.constant 0 : i32
      %dma_start3A_588 = tpu.memref_slice %arg16[%dma_start3A_586, %dma_start3A_587] : memref<10000x16xf32, #tpu.memory_space<vmem_shared>> -> memref<10000x16xf32, #tpu.memory_space<vmem_shared>>
      tpu.enqueue_indirect_dma source(%dma_start3A_582 : memref<80x16xf32, #tpu.memory_space<vmem>>) target(%dma_start3A_588 : memref<10000x16xf32, #tpu.memory_space<vmem_shared>>) offsets(%dma_start3A_585 : memref<80xi32, #tpu.memory_space<vmem>>) semaphore(%arg14 : memref<!tpu.dma_semaphore, #tpu.memory_space<semaphore_mem>>) {add = true}
      %dma_wait3A_589 = arith.constant 0 : i32
      %dma_wait3A_590 = arith.constant 1 : i32
      %dma_wait3A_591 = arith.constant 0 : i32
      %dma_wait3A_592 = arith.constant 0 : i32
      %dma_wait3A_593 = tpu.memref_slice %arg8[%dma_wait3A_591, %dma_wait3A_592] : memref<400x16xf32, #tpu.memory_space<vmem>> -> memref<80x16xf32, #tpu.memory_space<vmem>>
      %dma_wait3A_594 = arith.constant 0 : i32
      %dma_wait3A_595 = tpu.memref_slice %arg6[%dma_wait3A_589, %dma_wait3A_590, %dma_wait3A_594] : memref<5x2x80xi32, #tpu.memory_space<vmem>> -> memref<1x1x80xi32, #tpu.memory_space<vmem>>
      %dma_wait3A_596 = tpu.memref_squeeze %dma_wait3A_595 : memref<1x1x80xi32, #tpu.memory_space<vmem>> -> memref<80xi32, #tpu.memory_space<vmem>>
      %dma_wait3A_597 = arith.constant 0 : i32
      %dma_wait3A_598 = arith.constant 0 : i32
      %dma_wait3A_599 = tpu.memref_slice %arg16[%dma_wait3A_597, %dma_wait3A_598] : memref<10000x16xf32, #tpu.memory_space<vmem_shared>> -> memref<10000x16xf32, #tpu.memory_space<vmem_shared>>
      tpu.wait_indirect_dma semaphore(%arg14 : memref<!tpu.dma_semaphore, #tpu.memory_space<semaphore_mem>>) src(%dma_wait3A_593 : memref<80x16xf32, #tpu.memory_space<vmem>>) dst(%dma_wait3A_599 : memref<10000x16xf32, #tpu.memory_space<vmem_shared>>)
      %dma_wait3A_600 = arith.constant 1 : i32
      %dma_wait3A_601 = arith.constant 1 : i32
      %dma_wait3A_602 = arith.constant 80 : i32
      %dma_wait3A_603 = arith.constant 0 : i32
      %dma_wait3A_604 = tpu.memref_slice %arg8[%dma_wait3A_602, %dma_wait3A_603] : memref<400x16xf32, #tpu.memory_space<vmem>> -> memref<80x16xf32, #tpu.memory_space<vmem>>
      %dma_wait3A_605 = arith.constant 0 : i32
      %dma_wait3A_606 = tpu.memref_slice %arg6[%dma_wait3A_600, %dma_wait3A_601, %dma_wait3A_605] : memref<5x2x80xi32, #tpu.memory_space<vmem>> -> memref<1x1x80xi32, #tpu.memory_space<vmem>>
      %dma_wait3A_607 = tpu.memref_squeeze %dma_wait3A_606 : memref<1x1x80xi32, #tpu.memory_space<vmem>> -> memref<80xi32, #tpu.memory_space<vmem>>
      %dma_wait3A_608 = arith.constant 0 : i32
      %dma_wait3A_609 = arith.constant 0 : i32
      %dma_wait3A_610 = tpu.memref_slice %arg16[%dma_wait3A_608, %dma_wait3A_609] : memref<10000x16xf32, #tpu.memory_space<vmem_shared>> -> memref<10000x16xf32, #tpu.memory_space<vmem_shared>>
      tpu.wait_indirect_dma semaphore(%arg14 : memref<!tpu.dma_semaphore, #tpu.memory_space<semaphore_mem>>) src(%dma_wait3A_604 : memref<80x16xf32, #tpu.memory_space<vmem>>) dst(%dma_wait3A_610 : memref<10000x16xf32, #tpu.memory_space<vmem_shared>>)
      %dma_wait3A_611 = arith.constant 2 : i32
      %dma_wait3A_612 = arith.constant 1 : i32
      %dma_wait3A_613 = arith.constant 160 : i32
      %dma_wait3A_614 = arith.constant 0 : i32
      %dma_wait3A_615 = tpu.memref_slice %arg8[%dma_wait3A_613, %dma_wait3A_614] : memref<400x16xf32, #tpu.memory_space<vmem>> -> memref<80x16xf32, #tpu.memory_space<vmem>>
      %dma_wait3A_616 = arith.constant 0 : i32
      %dma_wait3A_617 = tpu.memref_slice %arg6[%dma_wait3A_611, %dma_wait3A_612, %dma_wait3A_616] : memref<5x2x80xi32, #tpu.memory_space<vmem>> -> memref<1x1x80xi32, #tpu.memory_space<vmem>>
      %dma_wait3A_618 = tpu.memref_squeeze %dma_wait3A_617 : memref<1x1x80xi32, #tpu.memory_space<vmem>> -> memref<80xi32, #tpu.memory_space<vmem>>
      %dma_wait3A_619 = arith.constant 0 : i32
      %dma_wait3A_620 = arith.constant 0 : i32
      %dma_wait3A_621 = tpu.memref_slice %arg16[%dma_wait3A_619, %dma_wait3A_620] : memref<10000x16xf32, #tpu.memory_space<vmem_shared>> -> memref<10000x16xf32, #tpu.memory_space<vmem_shared>>
      tpu.wait_indirect_dma semaphore(%arg14 : memref<!tpu.dma_semaphore, #tpu.memory_space<semaphore_mem>>) src(%dma_wait3A_615 : memref<80x16xf32, #tpu.memory_space<vmem>>) dst(%dma_wait3A_621 : memref<10000x16xf32, #tpu.memory_space<vmem_shared>>)
      %dma_wait3A_622 = arith.constant 3 : i32
      %dma_wait3A_623 = arith.constant 1 : i32
      %dma_wait3A_624 = arith.constant 240 : i32
      %dma_wait3A_625 = arith.constant 0 : i32
      %dma_wait3A_626 = tpu.memref_slice %arg8[%dma_wait3A_624, %dma_wait3A_625] : memref<400x16xf32, #tpu.memory_space<vmem>> -> memref<80x16xf32, #tpu.memory_space<vmem>>
      %dma_wait3A_627 = arith.constant 0 : i32
      %dma_wait3A_628 = tpu.memref_slice %arg6[%dma_wait3A_622, %dma_wait3A_623, %dma_wait3A_627] : memref<5x2x80xi32, #tpu.memory_space<vmem>> -> memref<1x1x80xi32, #tpu.memory_space<vmem>>
      %dma_wait3A_629 = tpu.memref_squeeze %dma_wait3A_628 : memref<1x1x80xi32, #tpu.memory_space<vmem>> -> memref<80xi32, #tpu.memory_space<vmem>>
      %dma_wait3A_630 = arith.constant 0 : i32
      %dma_wait3A_631 = arith.constant 0 : i32
      %dma_wait3A_632 = tpu.memref_slice %arg16[%dma_wait3A_630, %dma_wait3A_631] : memref<10000x16xf32, #tpu.memory_space<vmem_shared>> -> memref<10000x16xf32, #tpu.memory_space<vmem_shared>>
      tpu.wait_indirect_dma semaphore(%arg14 : memref<!tpu.dma_semaphore, #tpu.memory_space<semaphore_mem>>) src(%dma_wait3A_626 : memref<80x16xf32, #tpu.memory_space<vmem>>) dst(%dma_wait3A_632 : memref<10000x16xf32, #tpu.memory_space<vmem_shared>>)
      %dma_wait3A_633 = arith.constant 4 : i32
      %dma_wait3A_634 = arith.constant 1 : i32
      %dma_wait3A_635 = arith.constant 320 : i32
      %dma_wait3A_636 = arith.constant 0 : i32
      %dma_wait3A_637 = tpu.memref_slice %arg8[%dma_wait3A_635, %dma_wait3A_636] : memref<400x16xf32, #tpu.memory_space<vmem>> -> memref<80x16xf32, #tpu.memory_space<vmem>>
      %dma_wait3A_638 = arith.constant 0 : i32
      %dma_wait3A_639 = tpu.memref_slice %arg6[%dma_wait3A_633, %dma_wait3A_634, %dma_wait3A_638] : memref<5x2x80xi32, #tpu.memory_space<vmem>> -> memref<1x1x80xi32, #tpu.memory_space<vmem>>
      %dma_wait3A_640 = tpu.memref_squeeze %dma_wait3A_639 : memref<1x1x80xi32, #tpu.memory_space<vmem>> -> memref<80xi32, #tpu.memory_space<vmem>>
      %dma_wait3A_641 = arith.constant 0 : i32
      %dma_wait3A_642 = arith.constant 0 : i32
      %dma_wait3A_643 = tpu.memref_slice %arg16[%dma_wait3A_641, %dma_wait3A_642] : memref<10000x16xf32, #tpu.memory_space<vmem_shared>> -> memref<10000x16xf32, #tpu.memory_space<vmem_shared>>
      tpu.wait_indirect_dma semaphore(%arg14 : memref<!tpu.dma_semaphore, #tpu.memory_space<semaphore_mem>>) src(%dma_wait3A_637 : memref<80x16xf32, #tpu.memory_space<vmem>>) dst(%dma_wait3A_643 : memref<10000x16xf32, #tpu.memory_space<vmem_shared>>)
      %add3A_644 = arith.constant 1 : i32
      %add3A_645 = arith.addi %mul3A_478, %add3A_644 : i32
      %mul3A_646 = arith.constant 400 : i32
      %mul3A_647 = arith.muli %add3A_645, %mul3A_646 : i32
      %add3A_648 = arith.addi %mul3A_2, %mul3A_647 : i32
      %add3A_649 = arith.constant 0 : i32
      %add3A_650 = arith.addi %add3A_648, %add3A_649 : i32
      %dma_wait3A_651 = arith.constant 0 : i32
      %dma_wait3A_652 = arith.constant 0 : i32
      %dma_wait3A_653 = arith.constant 0 : i32
      %dma_wait3A_654 = tpu.memref_slice %arg7[%dma_wait3A_651, %dma_wait3A_652, %dma_wait3A_653] : memref<5x2x80xi32, #tpu.memory_space<vmem>> -> memref<1x2x80xi32, #tpu.memory_space<vmem>>
      %dma_wait3A_655 = tpu.memref_squeeze %dma_wait3A_654 : memref<1x2x80xi32, #tpu.memory_space<vmem>> -> memref<2x80xi32, #tpu.memory_space<vmem>>
      %dma_wait3A_656 = arith.constant 0 : i32
      %dma_wait3A_657 = tpu.memref_slice %arg3[%dma_wait3A_656, %add3A_650] : memref<2x320000xi32, #tpu.memory_space<hbm>> -> memref<2x80xi32, #tpu.memory_space<hbm>>
      %dma_wait3A_658 = arith.constant 0 : i32
      %dma_wait3A_659 = arith.constant 0 : i32
      %dma_wait3A_660 = tpu.memref_slice %arg7[%dma_wait3A_651, %dma_wait3A_658, %dma_wait3A_659] : memref<5x2x80xi32, #tpu.memory_space<vmem>> -> memref<1x2x80xi32, #tpu.memory_space<vmem>>
      %dma_wait3A_661 = tpu.memref_squeeze %dma_wait3A_660 : memref<1x2x80xi32, #tpu.memory_space<vmem>> -> memref<2x80xi32, #tpu.memory_space<vmem>>
      %dma_wait3A_662 = arith.constant 0 : i32
      %dma_wait3A_663 = tpu.memref_slice %arg3[%dma_wait3A_662, %add3A_650] : memref<2x320000xi32, #tpu.memory_space<hbm>> -> memref<2x80xi32, #tpu.memory_space<hbm>>
      tpu.wait_dma2 semaphore(%arg11 : memref<!tpu.dma_semaphore, #tpu.memory_space<semaphore_mem>>) src(%dma_wait3A_663 : memref<2x80xi32, #tpu.memory_space<hbm>>) dst(%dma_wait3A_661 : memref<2x80xi32, #tpu.memory_space<vmem>>)
      %add3A_664 = arith.constant 80 : i32
      %add3A_665 = arith.addi %add3A_648, %add3A_664 : i32
      %dma_wait3A_666 = arith.constant 1 : i32
      %dma_wait3A_667 = arith.constant 0 : i32
      %dma_wait3A_668 = arith.constant 0 : i32
      %dma_wait3A_669 = tpu.memref_slice %arg7[%dma_wait3A_666, %dma_wait3A_667, %dma_wait3A_668] : memref<5x2x80xi32, #tpu.memory_space<vmem>> -> memref<1x2x80xi32, #tpu.memory_space<vmem>>
      %dma_wait3A_670 = tpu.memref_squeeze %dma_wait3A_669 : memref<1x2x80xi32, #tpu.memory_space<vmem>> -> memref<2x80xi32, #tpu.memory_space<vmem>>
      %dma_wait3A_671 = arith.constant 0 : i32
      %dma_wait3A_672 = tpu.memref_slice %arg3[%dma_wait3A_671, %add3A_665] : memref<2x320000xi32, #tpu.memory_space<hbm>> -> memref<2x80xi32, #tpu.memory_space<hbm>>
      %dma_wait3A_673 = arith.constant 0 : i32
      %dma_wait3A_674 = arith.constant 0 : i32
      %dma_wait3A_675 = tpu.memref_slice %arg7[%dma_wait3A_666, %dma_wait3A_673, %dma_wait3A_674] : memref<5x2x80xi32, #tpu.memory_space<vmem>> -> memref<1x2x80xi32, #tpu.memory_space<vmem>>
      %dma_wait3A_676 = tpu.memref_squeeze %dma_wait3A_675 : memref<1x2x80xi32, #tpu.memory_space<vmem>> -> memref<2x80xi32, #tpu.memory_space<vmem>>
      %dma_wait3A_677 = arith.constant 0 : i32
      %dma_wait3A_678 = tpu.memref_slice %arg3[%dma_wait3A_677, %add3A_665] : memref<2x320000xi32, #tpu.memory_space<hbm>> -> memref<2x80xi32, #tpu.memory_space<hbm>>
      tpu.wait_dma2 semaphore(%arg11 : memref<!tpu.dma_semaphore, #tpu.memory_space<semaphore_mem>>) src(%dma_wait3A_678 : memref<2x80xi32, #tpu.memory_space<hbm>>) dst(%dma_wait3A_676 : memref<2x80xi32, #tpu.memory_space<vmem>>)
      %add3A_679 = arith.constant 160 : i32
      %add3A_680 = arith.addi %add3A_648, %add3A_679 : i32
      %dma_wait3A_681 = arith.constant 2 : i32
      %dma_wait3A_682 = arith.constant 0 : i32
      %dma_wait3A_683 = arith.constant 0 : i32
      %dma_wait3A_684 = tpu.memref_slice %arg7[%dma_wait3A_681, %dma_wait3A_682, %dma_wait3A_683] : memref<5x2x80xi32, #tpu.memory_space<vmem>> -> memref<1x2x80xi32, #tpu.memory_space<vmem>>
      %dma_wait3A_685 = tpu.memref_squeeze %dma_wait3A_684 : memref<1x2x80xi32, #tpu.memory_space<vmem>> -> memref<2x80xi32, #tpu.memory_space<vmem>>
      %dma_wait3A_686 = arith.constant 0 : i32
      %dma_wait3A_687 = tpu.memref_slice %arg3[%dma_wait3A_686, %add3A_680] : memref<2x320000xi32, #tpu.memory_space<hbm>> -> memref<2x80xi32, #tpu.memory_space<hbm>>
      %dma_wait3A_688 = arith.constant 0 : i32
      %dma_wait3A_689 = arith.constant 0 : i32
      %dma_wait3A_690 = tpu.memref_slice %arg7[%dma_wait3A_681, %dma_wait3A_688, %dma_wait3A_689] : memref<5x2x80xi32, #tpu.memory_space<vmem>> -> memref<1x2x80xi32, #tpu.memory_space<vmem>>
      %dma_wait3A_691 = tpu.memref_squeeze %dma_wait3A_690 : memref<1x2x80xi32, #tpu.memory_space<vmem>> -> memref<2x80xi32, #tpu.memory_space<vmem>>
      %dma_wait3A_692 = arith.constant 0 : i32
      %dma_wait3A_693 = tpu.memref_slice %arg3[%dma_wait3A_692, %add3A_680] : memref<2x320000xi32, #tpu.memory_space<hbm>> -> memref<2x80xi32, #tpu.memory_space<hbm>>
      tpu.wait_dma2 semaphore(%arg11 : memref<!tpu.dma_semaphore, #tpu.memory_space<semaphore_mem>>) src(%dma_wait3A_693 : memref<2x80xi32, #tpu.memory_space<hbm>>) dst(%dma_wait3A_691 : memref<2x80xi32, #tpu.memory_space<vmem>>)
      %add3A_694 = arith.constant 240 : i32
      %add3A_695 = arith.addi %add3A_648, %add3A_694 : i32
      %dma_wait3A_696 = arith.constant 3 : i32
      %dma_wait3A_697 = arith.constant 0 : i32
      %dma_wait3A_698 = arith.constant 0 : i32
      %dma_wait3A_699 = tpu.memref_slice %arg7[%dma_wait3A_696, %dma_wait3A_697, %dma_wait3A_698] : memref<5x2x80xi32, #tpu.memory_space<vmem>> -> memref<1x2x80xi32, #tpu.memory_space<vmem>>
      %dma_wait3A_700 = tpu.memref_squeeze %dma_wait3A_699 : memref<1x2x80xi32, #tpu.memory_space<vmem>> -> memref<2x80xi32, #tpu.memory_space<vmem>>
      %dma_wait3A_701 = arith.constant 0 : i32
      %dma_wait3A_702 = tpu.memref_slice %arg3[%dma_wait3A_701, %add3A_695] : memref<2x320000xi32, #tpu.memory_space<hbm>> -> memref<2x80xi32, #tpu.memory_space<hbm>>
      %dma_wait3A_703 = arith.constant 0 : i32
      %dma_wait3A_704 = arith.constant 0 : i32
      %dma_wait3A_705 = tpu.memref_slice %arg7[%dma_wait3A_696, %dma_wait3A_703, %dma_wait3A_704] : memref<5x2x80xi32, #tpu.memory_space<vmem>> -> memref<1x2x80xi32, #tpu.memory_space<vmem>>
      %dma_wait3A_706 = tpu.memref_squeeze %dma_wait3A_705 : memref<1x2x80xi32, #tpu.memory_space<vmem>> -> memref<2x80xi32, #tpu.memory_space<vmem>>
      %dma_wait3A_707 = arith.constant 0 : i32
      %dma_wait3A_708 = tpu.memref_slice %arg3[%dma_wait3A_707, %add3A_695] : memref<2x320000xi32, #tpu.memory_space<hbm>> -> memref<2x80xi32, #tpu.memory_space<hbm>>
      tpu.wait_dma2 semaphore(%arg11 : memref<!tpu.dma_semaphore, #tpu.memory_space<semaphore_mem>>) src(%dma_wait3A_708 : memref<2x80xi32, #tpu.memory_space<hbm>>) dst(%dma_wait3A_706 : memref<2x80xi32, #tpu.memory_space<vmem>>)
      %add3A_709 = arith.constant 320 : i32
      %add3A_710 = arith.addi %add3A_648, %add3A_709 : i32
      %dma_wait3A_711 = arith.constant 4 : i32
      %dma_wait3A_712 = arith.constant 0 : i32
      %dma_wait3A_713 = arith.constant 0 : i32
      %dma_wait3A_714 = tpu.memref_slice %arg7[%dma_wait3A_711, %dma_wait3A_712, %dma_wait3A_713] : memref<5x2x80xi32, #tpu.memory_space<vmem>> -> memref<1x2x80xi32, #tpu.memory_space<vmem>>
      %dma_wait3A_715 = tpu.memref_squeeze %dma_wait3A_714 : memref<1x2x80xi32, #tpu.memory_space<vmem>> -> memref<2x80xi32, #tpu.memory_space<vmem>>
      %dma_wait3A_716 = arith.constant 0 : i32
      %dma_wait3A_717 = tpu.memref_slice %arg3[%dma_wait3A_716, %add3A_710] : memref<2x320000xi32, #tpu.memory_space<hbm>> -> memref<2x80xi32, #tpu.memory_space<hbm>>
      %dma_wait3A_718 = arith.constant 0 : i32
      %dma_wait3A_719 = arith.constant 0 : i32
      %dma_wait3A_720 = tpu.memref_slice %arg7[%dma_wait3A_711, %dma_wait3A_718, %dma_wait3A_719] : memref<5x2x80xi32, #tpu.memory_space<vmem>> -> memref<1x2x80xi32, #tpu.memory_space<vmem>>
      %dma_wait3A_721 = tpu.memref_squeeze %dma_wait3A_720 : memref<1x2x80xi32, #tpu.memory_space<vmem>> -> memref<2x80xi32, #tpu.memory_space<vmem>>
      %dma_wait3A_722 = arith.constant 0 : i32
      %dma_wait3A_723 = tpu.memref_slice %arg3[%dma_wait3A_722, %add3A_710] : memref<2x320000xi32, #tpu.memory_space<hbm>> -> memref<2x80xi32, #tpu.memory_space<hbm>>
      tpu.wait_dma2 semaphore(%arg11 : memref<!tpu.dma_semaphore, #tpu.memory_space<semaphore_mem>>) src(%dma_wait3A_723 : memref<2x80xi32, #tpu.memory_space<hbm>>) dst(%dma_wait3A_721 : memref<2x80xi32, #tpu.memory_space<vmem>>)
      %dma_start3A_724 = arith.constant 0 : i32
      %dma_start3A_725 = arith.constant 0 : i32
      %dma_start3A_726 = arith.constant 0 : i32
      %dma_start3A_727 = arith.constant 0 : i32
      %dma_start3A_728 = tpu.memref_slice %arg9[%dma_start3A_726, %dma_start3A_727] : memref<400x16xf32, #tpu.memory_space<vmem>> -> memref<80x16xf32, #tpu.memory_space<vmem>>
      %dma_start3A_729 = arith.constant 0 : i32
      %dma_start3A_730 = tpu.memref_slice %arg7[%dma_start3A_724, %dma_start3A_725, %dma_start3A_729] : memref<5x2x80xi32, #tpu.memory_space<vmem>> -> memref<1x1x80xi32, #tpu.memory_space<vmem>>
      %dma_start3A_731 = tpu.memref_squeeze %dma_start3A_730 : memref<1x1x80xi32, #tpu.memory_space<vmem>> -> memref<80xi32, #tpu.memory_space<vmem>>
      %dma_start3A_732 = arith.constant 0 : i32
      %dma_start3A_733 = arith.constant 0 : i32
      %dma_start3A_734 = tpu.memref_slice %arg2[%dma_start3A_732, %dma_start3A_733] : memref<10000x16xf32, #tpu.memory_space<hbm>> -> memref<10000x16xf32, #tpu.memory_space<hbm>>
      tpu.enqueue_indirect_dma source(%dma_start3A_734 : memref<10000x16xf32, #tpu.memory_space<hbm>>) target(%dma_start3A_728 : memref<80x16xf32, #tpu.memory_space<vmem>>) offsets(%dma_start3A_731 : memref<80xi32, #tpu.memory_space<vmem>>) semaphore(%arg13 : memref<!tpu.dma_semaphore, #tpu.memory_space<semaphore_mem>>)
      %dma_start3A_735 = arith.constant 1 : i32
      %dma_start3A_736 = arith.constant 0 : i32
      %dma_start3A_737 = arith.constant 80 : i32
      %dma_start3A_738 = arith.constant 0 : i32
      %dma_start3A_739 = tpu.memref_slice %arg9[%dma_start3A_737, %dma_start3A_738] : memref<400x16xf32, #tpu.memory_space<vmem>> -> memref<80x16xf32, #tpu.memory_space<vmem>>
      %dma_start3A_740 = arith.constant 0 : i32
      %dma_start3A_741 = tpu.memref_slice %arg7[%dma_start3A_735, %dma_start3A_736, %dma_start3A_740] : memref<5x2x80xi32, #tpu.memory_space<vmem>> -> memref<1x1x80xi32, #tpu.memory_space<vmem>>
      %dma_start3A_742 = tpu.memref_squeeze %dma_start3A_741 : memref<1x1x80xi32, #tpu.memory_space<vmem>> -> memref<80xi32, #tpu.memory_space<vmem>>
      %dma_start3A_743 = arith.constant 0 : i32
      %dma_start3A_744 = arith.constant 0 : i32
      %dma_start3A_745 = tpu.memref_slice %arg2[%dma_start3A_743, %dma_start3A_744] : memref<10000x16xf32, #tpu.memory_space<hbm>> -> memref<10000x16xf32, #tpu.memory_space<hbm>>
      tpu.enqueue_indirect_dma source(%dma_start3A_745 : memref<10000x16xf32, #tpu.memory_space<hbm>>) target(%dma_start3A_739 : memref<80x16xf32, #tpu.memory_space<vmem>>) offsets(%dma_start3A_742 : memref<80xi32, #tpu.memory_space<vmem>>) semaphore(%arg13 : memref<!tpu.dma_semaphore, #tpu.memory_space<semaphore_mem>>)
      %dma_start3A_746 = arith.constant 2 : i32
      %dma_start3A_747 = arith.constant 0 : i32
      %dma_start3A_748 = arith.constant 160 : i32
      %dma_start3A_749 = arith.constant 0 : i32
      %dma_start3A_750 = tpu.memref_slice %arg9[%dma_start3A_748, %dma_start3A_749] : memref<400x16xf32, #tpu.memory_space<vmem>> -> memref<80x16xf32, #tpu.memory_space<vmem>>
      %dma_start3A_751 = arith.constant 0 : i32
      %dma_start3A_752 = tpu.memref_slice %arg7[%dma_start3A_746, %dma_start3A_747, %dma_start3A_751] : memref<5x2x80xi32, #tpu.memory_space<vmem>> -> memref<1x1x80xi32, #tpu.memory_space<vmem>>
      %dma_start3A_753 = tpu.memref_squeeze %dma_start3A_752 : memref<1x1x80xi32, #tpu.memory_space<vmem>> -> memref<80xi32, #tpu.memory_space<vmem>>
      %dma_start3A_754 = arith.constant 0 : i32
      %dma_start3A_755 = arith.constant 0 : i32
      %dma_start3A_756 = tpu.memref_slice %arg2[%dma_start3A_754, %dma_start3A_755] : memref<10000x16xf32, #tpu.memory_space<hbm>> -> memref<10000x16xf32, #tpu.memory_space<hbm>>
      tpu.enqueue_indirect_dma source(%dma_start3A_756 : memref<10000x16xf32, #tpu.memory_space<hbm>>) target(%dma_start3A_750 : memref<80x16xf32, #tpu.memory_space<vmem>>) offsets(%dma_start3A_753 : memref<80xi32, #tpu.memory_space<vmem>>) semaphore(%arg13 : memref<!tpu.dma_semaphore, #tpu.memory_space<semaphore_mem>>)
      %dma_start3A_757 = arith.constant 3 : i32
      %dma_start3A_758 = arith.constant 0 : i32
      %dma_start3A_759 = arith.constant 240 : i32
      %dma_start3A_760 = arith.constant 0 : i32
      %dma_start3A_761 = tpu.memref_slice %arg9[%dma_start3A_759, %dma_start3A_760] : memref<400x16xf32, #tpu.memory_space<vmem>> -> memref<80x16xf32, #tpu.memory_space<vmem>>
      %dma_start3A_762 = arith.constant 0 : i32
      %dma_start3A_763 = tpu.memref_slice %arg7[%dma_start3A_757, %dma_start3A_758, %dma_start3A_762] : memref<5x2x80xi32, #tpu.memory_space<vmem>> -> memref<1x1x80xi32, #tpu.memory_space<vmem>>
      %dma_start3A_764 = tpu.memref_squeeze %dma_start3A_763 : memref<1x1x80xi32, #tpu.memory_space<vmem>> -> memref<80xi32, #tpu.memory_space<vmem>>
      %dma_start3A_765 = arith.constant 0 : i32
      %dma_start3A_766 = arith.constant 0 : i32
      %dma_start3A_767 = tpu.memref_slice %arg2[%dma_start3A_765, %dma_start3A_766] : memref<10000x16xf32, #tpu.memory_space<hbm>> -> memref<10000x16xf32, #tpu.memory_space<hbm>>
      tpu.enqueue_indirect_dma source(%dma_start3A_767 : memref<10000x16xf32, #tpu.memory_space<hbm>>) target(%dma_start3A_761 : memref<80x16xf32, #tpu.memory_space<vmem>>) offsets(%dma_start3A_764 : memref<80xi32, #tpu.memory_space<vmem>>) semaphore(%arg13 : memref<!tpu.dma_semaphore, #tpu.memory_space<semaphore_mem>>)
      %dma_start3A_768 = arith.constant 4 : i32
      %dma_start3A_769 = arith.constant 0 : i32
      %dma_start3A_770 = arith.constant 320 : i32
      %dma_start3A_771 = arith.constant 0 : i32
      %dma_start3A_772 = tpu.memref_slice %arg9[%dma_start3A_770, %dma_start3A_771] : memref<400x16xf32, #tpu.memory_space<vmem>> -> memref<80x16xf32, #tpu.memory_space<vmem>>
      %dma_start3A_773 = arith.constant 0 : i32
      %dma_start3A_774 = tpu.memref_slice %arg7[%dma_start3A_768, %dma_start3A_769, %dma_start3A_773] : memref<5x2x80xi32, #tpu.memory_space<vmem>> -> memref<1x1x80xi32, #tpu.memory_space<vmem>>
      %dma_start3A_775 = tpu.memref_squeeze %dma_start3A_774 : memref<1x1x80xi32, #tpu.memory_space<vmem>> -> memref<80xi32, #tpu.memory_space<vmem>>
      %dma_start3A_776 = arith.constant 0 : i32
      %dma_start3A_777 = arith.constant 0 : i32
      %dma_start3A_778 = tpu.memref_slice %arg2[%dma_start3A_776, %dma_start3A_777] : memref<10000x16xf32, #tpu.memory_space<hbm>> -> memref<10000x16xf32, #tpu.memory_space<hbm>>
      tpu.enqueue_indirect_dma source(%dma_start3A_778 : memref<10000x16xf32, #tpu.memory_space<hbm>>) target(%dma_start3A_772 : memref<80x16xf32, #tpu.memory_space<vmem>>) offsets(%dma_start3A_775 : memref<80xi32, #tpu.memory_space<vmem>>) semaphore(%arg13 : memref<!tpu.dma_semaphore, #tpu.memory_space<semaphore_mem>>)
      %add3A_779 = arith.constant 2 : i32
      %add3A_780 = arith.addi %mul3A_478, %add3A_779 : i32
      %lt3A_781 = arith.constant 25 : i32
      %lt3A_782 = arith.cmpi slt, %add3A_780, %lt3A_781 : i32
      %convert_element_type3A_783 = arith.extui %lt3A_782 : i1 to i32
      %cond3A_784 = arith.constant 0 : i32
      %cond3A_785 = arith.cmpi ne, %convert_element_type3A_783, %cond3A_784 : i32
      scf.if %cond3A_785 {
        %add3A_1097 = arith.constant 2 : i32
        %add3A_1098 = arith.addi %mul3A_478, %add3A_1097 : i32
        %mul3A_1099 = arith.constant 400 : i32
        %mul3A_1100 = arith.muli %add3A_1098, %mul3A_1099 : i32
        %add3A_1101 = arith.addi %mul3A_2, %mul3A_1100 : i32
        %add3A_1102 = arith.constant 0 : i32
        %add3A_1103 = arith.addi %add3A_1101, %add3A_1102 : i32
        %dma_start3A_1104 = arith.constant 0 : i32
        %dma_start3A_1105 = arith.constant 0 : i32
        %dma_start3A_1106 = arith.constant 0 : i32
        %dma_start3A_1107 = tpu.memref_slice %arg6[%dma_start3A_1104, %dma_start3A_1105, %dma_start3A_1106] : memref<5x2x80xi32, #tpu.memory_space<vmem>> -> memref<1x2x80xi32, #tpu.memory_space<vmem>>
        %dma_start3A_1108 = tpu.memref_squeeze %dma_start3A_1107 : memref<1x2x80xi32, #tpu.memory_space<vmem>> -> memref<2x80xi32, #tpu.memory_space<vmem>>
        %dma_start3A_1109 = arith.constant 0 : i32
        %dma_start3A_1110 = tpu.memref_slice %arg3[%dma_start3A_1109, %add3A_1103] : memref<2x320000xi32, #tpu.memory_space<hbm>> -> memref<2x80xi32, #tpu.memory_space<hbm>>
        %dma_start3A_1111 = arith.constant 0 : i32
        %dma_start3A_1112 = arith.constant 0 : i32
        %dma_start3A_1113 = tpu.memref_slice %arg6[%dma_start3A_1104, %dma_start3A_1111, %dma_start3A_1112] : memref<5x2x80xi32, #tpu.memory_space<vmem>> -> memref<1x2x80xi32, #tpu.memory_space<vmem>>
        %dma_start3A_1114 = tpu.memref_squeeze %dma_start3A_1113 : memref<1x2x80xi32, #tpu.memory_space<vmem>> -> memref<2x80xi32, #tpu.memory_space<vmem>>
        %dma_start3A_1115 = arith.constant 0 : i32
        %dma_start3A_1116 = tpu.memref_slice %arg3[%dma_start3A_1115, %add3A_1103] : memref<2x320000xi32, #tpu.memory_space<hbm>> -> memref<2x80xi32, #tpu.memory_space<hbm>>
        tpu.enqueue_dma source(%dma_start3A_1116 : memref<2x80xi32, #tpu.memory_space<hbm>>) target(%dma_start3A_1114 : memref<2x80xi32, #tpu.memory_space<vmem>>) target_semaphore(%arg10 : memref<!tpu.dma_semaphore, #tpu.memory_space<semaphore_mem>>)
        %add3A_1117 = arith.constant 80 : i32
        %add3A_1118 = arith.addi %add3A_1101, %add3A_1117 : i32
        %dma_start3A_1119 = arith.constant 1 : i32
        %dma_start3A_1120 = arith.constant 0 : i32
        %dma_start3A_1121 = arith.constant 0 : i32
        %dma_start3A_1122 = tpu.memref_slice %arg6[%dma_start3A_1119, %dma_start3A_1120, %dma_start3A_1121] : memref<5x2x80xi32, #tpu.memory_space<vmem>> -> memref<1x2x80xi32, #tpu.memory_space<vmem>>
        %dma_start3A_1123 = tpu.memref_squeeze %dma_start3A_1122 : memref<1x2x80xi32, #tpu.memory_space<vmem>> -> memref<2x80xi32, #tpu.memory_space<vmem>>
        %dma_start3A_1124 = arith.constant 0 : i32
        %dma_start3A_1125 = tpu.memref_slice %arg3[%dma_start3A_1124, %add3A_1118] : memref<2x320000xi32, #tpu.memory_space<hbm>> -> memref<2x80xi32, #tpu.memory_space<hbm>>
        %dma_start3A_1126 = arith.constant 0 : i32
        %dma_start3A_1127 = arith.constant 0 : i32
        %dma_start3A_1128 = tpu.memref_slice %arg6[%dma_start3A_1119, %dma_start3A_1126, %dma_start3A_1127] : memref<5x2x80xi32, #tpu.memory_space<vmem>> -> memref<1x2x80xi32, #tpu.memory_space<vmem>>
        %dma_start3A_1129 = tpu.memref_squeeze %dma_start3A_1128 : memref<1x2x80xi32, #tpu.memory_space<vmem>> -> memref<2x80xi32, #tpu.memory_space<vmem>>
        %dma_start3A_1130 = arith.constant 0 : i32
        %dma_start3A_1131 = tpu.memref_slice %arg3[%dma_start3A_1130, %add3A_1118] : memref<2x320000xi32, #tpu.memory_space<hbm>> -> memref<2x80xi32, #tpu.memory_space<hbm>>
        tpu.enqueue_dma source(%dma_start3A_1131 : memref<2x80xi32, #tpu.memory_space<hbm>>) target(%dma_start3A_1129 : memref<2x80xi32, #tpu.memory_space<vmem>>) target_semaphore(%arg10 : memref<!tpu.dma_semaphore, #tpu.memory_space<semaphore_mem>>)
        %add3A_1132 = arith.constant 160 : i32
        %add3A_1133 = arith.addi %add3A_1101, %add3A_1132 : i32
        %dma_start3A_1134 = arith.constant 2 : i32
        %dma_start3A_1135 = arith.constant 0 : i32
        %dma_start3A_1136 = arith.constant 0 : i32
        %dma_start3A_1137 = tpu.memref_slice %arg6[%dma_start3A_1134, %dma_start3A_1135, %dma_start3A_1136] : memref<5x2x80xi32, #tpu.memory_space<vmem>> -> memref<1x2x80xi32, #tpu.memory_space<vmem>>
        %dma_start3A_1138 = tpu.memref_squeeze %dma_start3A_1137 : memref<1x2x80xi32, #tpu.memory_space<vmem>> -> memref<2x80xi32, #tpu.memory_space<vmem>>
        %dma_start3A_1139 = arith.constant 0 : i32
        %dma_start3A_1140 = tpu.memref_slice %arg3[%dma_start3A_1139, %add3A_1133] : memref<2x320000xi32, #tpu.memory_space<hbm>> -> memref<2x80xi32, #tpu.memory_space<hbm>>
        %dma_start3A_1141 = arith.constant 0 : i32
        %dma_start3A_1142 = arith.constant 0 : i32
        %dma_start3A_1143 = tpu.memref_slice %arg6[%dma_start3A_1134, %dma_start3A_1141, %dma_start3A_1142] : memref<5x2x80xi32, #tpu.memory_space<vmem>> -> memref<1x2x80xi32, #tpu.memory_space<vmem>>
        %dma_start3A_1144 = tpu.memref_squeeze %dma_start3A_1143 : memref<1x2x80xi32, #tpu.memory_space<vmem>> -> memref<2x80xi32, #tpu.memory_space<vmem>>
        %dma_start3A_1145 = arith.constant 0 : i32
        %dma_start3A_1146 = tpu.memref_slice %arg3[%dma_start3A_1145, %add3A_1133] : memref<2x320000xi32, #tpu.memory_space<hbm>> -> memref<2x80xi32, #tpu.memory_space<hbm>>
        tpu.enqueue_dma source(%dma_start3A_1146 : memref<2x80xi32, #tpu.memory_space<hbm>>) target(%dma_start3A_1144 : memref<2x80xi32, #tpu.memory_space<vmem>>) target_semaphore(%arg10 : memref<!tpu.dma_semaphore, #tpu.memory_space<semaphore_mem>>)
        %add3A_1147 = arith.constant 240 : i32
        %add3A_1148 = arith.addi %add3A_1101, %add3A_1147 : i32
        %dma_start3A_1149 = arith.constant 3 : i32
        %dma_start3A_1150 = arith.constant 0 : i32
        %dma_start3A_1151 = arith.constant 0 : i32
        %dma_start3A_1152 = tpu.memref_slice %arg6[%dma_start3A_1149, %dma_start3A_1150, %dma_start3A_1151] : memref<5x2x80xi32, #tpu.memory_space<vmem>> -> memref<1x2x80xi32, #tpu.memory_space<vmem>>
        %dma_start3A_1153 = tpu.memref_squeeze %dma_start3A_1152 : memref<1x2x80xi32, #tpu.memory_space<vmem>> -> memref<2x80xi32, #tpu.memory_space<vmem>>
        %dma_start3A_1154 = arith.constant 0 : i32
        %dma_start3A_1155 = tpu.memref_slice %arg3[%dma_start3A_1154, %add3A_1148] : memref<2x320000xi32, #tpu.memory_space<hbm>> -> memref<2x80xi32, #tpu.memory_space<hbm>>
        %dma_start3A_1156 = arith.constant 0 : i32
        %dma_start3A_1157 = arith.constant 0 : i32
        %dma_start3A_1158 = tpu.memref_slice %arg6[%dma_start3A_1149, %dma_start3A_1156, %dma_start3A_1157] : memref<5x2x80xi32, #tpu.memory_space<vmem>> -> memref<1x2x80xi32, #tpu.memory_space<vmem>>
        %dma_start3A_1159 = tpu.memref_squeeze %dma_start3A_1158 : memref<1x2x80xi32, #tpu.memory_space<vmem>> -> memref<2x80xi32, #tpu.memory_space<vmem>>
        %dma_start3A_1160 = arith.constant 0 : i32
        %dma_start3A_1161 = tpu.memref_slice %arg3[%dma_start3A_1160, %add3A_1148] : memref<2x320000xi32, #tpu.memory_space<hbm>> -> memref<2x80xi32, #tpu.memory_space<hbm>>
        tpu.enqueue_dma source(%dma_start3A_1161 : memref<2x80xi32, #tpu.memory_space<hbm>>) target(%dma_start3A_1159 : memref<2x80xi32, #tpu.memory_space<vmem>>) target_semaphore(%arg10 : memref<!tpu.dma_semaphore, #tpu.memory_space<semaphore_mem>>)
        %add3A_1162 = arith.constant 320 : i32
        %add3A_1163 = arith.addi %add3A_1101, %add3A_1162 : i32
        %dma_start3A_1164 = arith.constant 4 : i32
        %dma_start3A_1165 = arith.constant 0 : i32
        %dma_start3A_1166 = arith.constant 0 : i32
        %dma_start3A_1167 = tpu.memref_slice %arg6[%dma_start3A_1164, %dma_start3A_1165, %dma_start3A_1166] : memref<5x2x80xi32, #tpu.memory_space<vmem>> -> memref<1x2x80xi32, #tpu.memory_space<vmem>>
        %dma_start3A_1168 = tpu.memref_squeeze %dma_start3A_1167 : memref<1x2x80xi32, #tpu.memory_space<vmem>> -> memref<2x80xi32, #tpu.memory_space<vmem>>
        %dma_start3A_1169 = arith.constant 0 : i32
        %dma_start3A_1170 = tpu.memref_slice %arg3[%dma_start3A_1169, %add3A_1163] : memref<2x320000xi32, #tpu.memory_space<hbm>> -> memref<2x80xi32, #tpu.memory_space<hbm>>
        %dma_start3A_1171 = arith.constant 0 : i32
        %dma_start3A_1172 = arith.constant 0 : i32
        %dma_start3A_1173 = tpu.memref_slice %arg6[%dma_start3A_1164, %dma_start3A_1171, %dma_start3A_1172] : memref<5x2x80xi32, #tpu.memory_space<vmem>> -> memref<1x2x80xi32, #tpu.memory_space<vmem>>
        %dma_start3A_1174 = tpu.memref_squeeze %dma_start3A_1173 : memref<1x2x80xi32, #tpu.memory_space<vmem>> -> memref<2x80xi32, #tpu.memory_space<vmem>>
        %dma_start3A_1175 = arith.constant 0 : i32
        %dma_start3A_1176 = tpu.memref_slice %arg3[%dma_start3A_1175, %add3A_1163] : memref<2x320000xi32, #tpu.memory_space<hbm>> -> memref<2x80xi32, #tpu.memory_space<hbm>>
        tpu.enqueue_dma source(%dma_start3A_1176 : memref<2x80xi32, #tpu.memory_space<hbm>>) target(%dma_start3A_1174 : memref<2x80xi32, #tpu.memory_space<vmem>>) target_semaphore(%arg10 : memref<!tpu.dma_semaphore, #tpu.memory_space<semaphore_mem>>)
      } else {
      }
      %mul3A_786 = arith.constant 2 : i32
      %mul3A_787 = arith.muli %mul3A_786, %scan3A_476 : i32
      %add3A_788 = arith.constant 1 : i32
      %add3A_789 = arith.addi %mul3A_787, %add3A_788 : i32
      %dma_wait3A_790 = arith.constant 0 : i32
      %dma_wait3A_791 = arith.constant 0 : i32
      %dma_wait3A_792 = arith.constant 0 : i32
      %dma_wait3A_793 = arith.constant 0 : i32
      %dma_wait3A_794 = tpu.memref_slice %arg9[%dma_wait3A_792, %dma_wait3A_793] : memref<400x16xf32, #tpu.memory_space<vmem>> -> memref<80x16xf32, #tpu.memory_space<vmem>>
      %dma_wait3A_795 = arith.constant 0 : i32
      %dma_wait3A_796 = tpu.memref_slice %arg7[%dma_wait3A_790, %dma_wait3A_791, %dma_wait3A_795] : memref<5x2x80xi32, #tpu.memory_space<vmem>> -> memref<1x1x80xi32, #tpu.memory_space<vmem>>
      %dma_wait3A_797 = tpu.memref_squeeze %dma_wait3A_796 : memref<1x1x80xi32, #tpu.memory_space<vmem>> -> memref<80xi32, #tpu.memory_space<vmem>>
      %dma_wait3A_798 = arith.constant 0 : i32
      %dma_wait3A_799 = arith.constant 0 : i32
      %dma_wait3A_800 = tpu.memref_slice %arg2[%dma_wait3A_798, %dma_wait3A_799] : memref<10000x16xf32, #tpu.memory_space<hbm>> -> memref<10000x16xf32, #tpu.memory_space<hbm>>
      tpu.wait_indirect_dma semaphore(%arg13 : memref<!tpu.dma_semaphore, #tpu.memory_space<semaphore_mem>>) src(%dma_wait3A_800 : memref<10000x16xf32, #tpu.memory_space<hbm>>) dst(%dma_wait3A_794 : memref<80x16xf32, #tpu.memory_space<vmem>>)
      %dma_wait3A_801 = arith.constant 1 : i32
      %dma_wait3A_802 = arith.constant 0 : i32
      %dma_wait3A_803 = arith.constant 80 : i32
      %dma_wait3A_804 = arith.constant 0 : i32
      %dma_wait3A_805 = tpu.memref_slice %arg9[%dma_wait3A_803, %dma_wait3A_804] : memref<400x16xf32, #tpu.memory_space<vmem>> -> memref<80x16xf32, #tpu.memory_space<vmem>>
      %dma_wait3A_806 = arith.constant 0 : i32
      %dma_wait3A_807 = tpu.memref_slice %arg7[%dma_wait3A_801, %dma_wait3A_802, %dma_wait3A_806] : memref<5x2x80xi32, #tpu.memory_space<vmem>> -> memref<1x1x80xi32, #tpu.memory_space<vmem>>
      %dma_wait3A_808 = tpu.memref_squeeze %dma_wait3A_807 : memref<1x1x80xi32, #tpu.memory_space<vmem>> -> memref<80xi32, #tpu.memory_space<vmem>>
      %dma_wait3A_809 = arith.constant 0 : i32
      %dma_wait3A_810 = arith.constant 0 : i32
      %dma_wait3A_811 = tpu.memref_slice %arg2[%dma_wait3A_809, %dma_wait3A_810] : memref<10000x16xf32, #tpu.memory_space<hbm>> -> memref<10000x16xf32, #tpu.memory_space<hbm>>
      tpu.wait_indirect_dma semaphore(%arg13 : memref<!tpu.dma_semaphore, #tpu.memory_space<semaphore_mem>>) src(%dma_wait3A_811 : memref<10000x16xf32, #tpu.memory_space<hbm>>) dst(%dma_wait3A_805 : memref<80x16xf32, #tpu.memory_space<vmem>>)
      %dma_wait3A_812 = arith.constant 2 : i32
      %dma_wait3A_813 = arith.constant 0 : i32
      %dma_wait3A_814 = arith.constant 160 : i32
      %dma_wait3A_815 = arith.constant 0 : i32
      %dma_wait3A_816 = tpu.memref_slice %arg9[%dma_wait3A_814, %dma_wait3A_815] : memref<400x16xf32, #tpu.memory_space<vmem>> -> memref<80x16xf32, #tpu.memory_space<vmem>>
      %dma_wait3A_817 = arith.constant 0 : i32
      %dma_wait3A_818 = tpu.memref_slice %arg7[%dma_wait3A_812, %dma_wait3A_813, %dma_wait3A_817] : memref<5x2x80xi32, #tpu.memory_space<vmem>> -> memref<1x1x80xi32, #tpu.memory_space<vmem>>
      %dma_wait3A_819 = tpu.memref_squeeze %dma_wait3A_818 : memref<1x1x80xi32, #tpu.memory_space<vmem>> -> memref<80xi32, #tpu.memory_space<vmem>>
      %dma_wait3A_820 = arith.constant 0 : i32
      %dma_wait3A_821 = arith.constant 0 : i32
      %dma_wait3A_822 = tpu.memref_slice %arg2[%dma_wait3A_820, %dma_wait3A_821] : memref<10000x16xf32, #tpu.memory_space<hbm>> -> memref<10000x16xf32, #tpu.memory_space<hbm>>
      tpu.wait_indirect_dma semaphore(%arg13 : memref<!tpu.dma_semaphore, #tpu.memory_space<semaphore_mem>>) src(%dma_wait3A_822 : memref<10000x16xf32, #tpu.memory_space<hbm>>) dst(%dma_wait3A_816 : memref<80x16xf32, #tpu.memory_space<vmem>>)
      %dma_wait3A_823 = arith.constant 3 : i32
      %dma_wait3A_824 = arith.constant 0 : i32
      %dma_wait3A_825 = arith.constant 240 : i32
      %dma_wait3A_826 = arith.constant 0 : i32
      %dma_wait3A_827 = tpu.memref_slice %arg9[%dma_wait3A_825, %dma_wait3A_826] : memref<400x16xf32, #tpu.memory_space<vmem>> -> memref<80x16xf32, #tpu.memory_space<vmem>>
      %dma_wait3A_828 = arith.constant 0 : i32
      %dma_wait3A_829 = tpu.memref_slice %arg7[%dma_wait3A_823, %dma_wait3A_824, %dma_wait3A_828] : memref<5x2x80xi32, #tpu.memory_space<vmem>> -> memref<1x1x80xi32, #tpu.memory_space<vmem>>
      %dma_wait3A_830 = tpu.memref_squeeze %dma_wait3A_829 : memref<1x1x80xi32, #tpu.memory_space<vmem>> -> memref<80xi32, #tpu.memory_space<vmem>>
      %dma_wait3A_831 = arith.constant 0 : i32
      %dma_wait3A_832 = arith.constant 0 : i32
      %dma_wait3A_833 = tpu.memref_slice %arg2[%dma_wait3A_831, %dma_wait3A_832] : memref<10000x16xf32, #tpu.memory_space<hbm>> -> memref<10000x16xf32, #tpu.memory_space<hbm>>
      tpu.wait_indirect_dma semaphore(%arg13 : memref<!tpu.dma_semaphore, #tpu.memory_space<semaphore_mem>>) src(%dma_wait3A_833 : memref<10000x16xf32, #tpu.memory_space<hbm>>) dst(%dma_wait3A_827 : memref<80x16xf32, #tpu.memory_space<vmem>>)
      %dma_wait3A_834 = arith.constant 4 : i32
      %dma_wait3A_835 = arith.constant 0 : i32
      %dma_wait3A_836 = arith.constant 320 : i32
      %dma_wait3A_837 = arith.constant 0 : i32
      %dma_wait3A_838 = tpu.memref_slice %arg9[%dma_wait3A_836, %dma_wait3A_837] : memref<400x16xf32, #tpu.memory_space<vmem>> -> memref<80x16xf32, #tpu.memory_space<vmem>>
      %dma_wait3A_839 = arith.constant 0 : i32
      %dma_wait3A_840 = tpu.memref_slice %arg7[%dma_wait3A_834, %dma_wait3A_835, %dma_wait3A_839] : memref<5x2x80xi32, #tpu.memory_space<vmem>> -> memref<1x1x80xi32, #tpu.memory_space<vmem>>
      %dma_wait3A_841 = tpu.memref_squeeze %dma_wait3A_840 : memref<1x1x80xi32, #tpu.memory_space<vmem>> -> memref<80xi32, #tpu.memory_space<vmem>>
      %dma_wait3A_842 = arith.constant 0 : i32
      %dma_wait3A_843 = arith.constant 0 : i32
      %dma_wait3A_844 = tpu.memref_slice %arg2[%dma_wait3A_842, %dma_wait3A_843] : memref<10000x16xf32, #tpu.memory_space<hbm>> -> memref<10000x16xf32, #tpu.memory_space<hbm>>
      tpu.wait_indirect_dma semaphore(%arg13 : memref<!tpu.dma_semaphore, #tpu.memory_space<semaphore_mem>>) src(%dma_wait3A_844 : memref<10000x16xf32, #tpu.memory_space<hbm>>) dst(%dma_wait3A_838 : memref<80x16xf32, #tpu.memory_space<vmem>>)
      %dma_start3A_845 = arith.constant 0 : i32
      %dma_start3A_846 = arith.constant 1 : i32
      %dma_start3A_847 = arith.constant 0 : i32
      %dma_start3A_848 = arith.constant 0 : i32
      %dma_start3A_849 = tpu.memref_slice %arg9[%dma_start3A_847, %dma_start3A_848] : memref<400x16xf32, #tpu.memory_space<vmem>> -> memref<80x16xf32, #tpu.memory_space<vmem>>
      %dma_start3A_850 = arith.constant 0 : i32
      %dma_start3A_851 = tpu.memref_slice %arg7[%dma_start3A_845, %dma_start3A_846, %dma_start3A_850] : memref<5x2x80xi32, #tpu.memory_space<vmem>> -> memref<1x1x80xi32, #tpu.memory_space<vmem>>
      %dma_start3A_852 = tpu.memref_squeeze %dma_start3A_851 : memref<1x1x80xi32, #tpu.memory_space<vmem>> -> memref<80xi32, #tpu.memory_space<vmem>>
      %dma_start3A_853 = arith.constant 0 : i32
      %dma_start3A_854 = arith.constant 0 : i32
      %dma_start3A_855 = tpu.memref_slice %arg16[%dma_start3A_853, %dma_start3A_854] : memref<10000x16xf32, #tpu.memory_space<vmem_shared>> -> memref<10000x16xf32, #tpu.memory_space<vmem_shared>>
      tpu.enqueue_indirect_dma source(%dma_start3A_849 : memref<80x16xf32, #tpu.memory_space<vmem>>) target(%dma_start3A_855 : memref<10000x16xf32, #tpu.memory_space<vmem_shared>>) offsets(%dma_start3A_852 : memref<80xi32, #tpu.memory_space<vmem>>) semaphore(%arg15 : memref<!tpu.dma_semaphore, #tpu.memory_space<semaphore_mem>>) {add = true}
      %dma_start3A_856 = arith.constant 1 : i32
      %dma_start3A_857 = arith.constant 1 : i32
      %dma_start3A_858 = arith.constant 80 : i32
      %dma_start3A_859 = arith.constant 0 : i32
      %dma_start3A_860 = tpu.memref_slice %arg9[%dma_start3A_858, %dma_start3A_859] : memref<400x16xf32, #tpu.memory_space<vmem>> -> memref<80x16xf32, #tpu.memory_space<vmem>>
      %dma_start3A_861 = arith.constant 0 : i32
      %dma_start3A_862 = tpu.memref_slice %arg7[%dma_start3A_856, %dma_start3A_857, %dma_start3A_861] : memref<5x2x80xi32, #tpu.memory_space<vmem>> -> memref<1x1x80xi32, #tpu.memory_space<vmem>>
      %dma_start3A_863 = tpu.memref_squeeze %dma_start3A_862 : memref<1x1x80xi32, #tpu.memory_space<vmem>> -> memref<80xi32, #tpu.memory_space<vmem>>
      %dma_start3A_864 = arith.constant 0 : i32
      %dma_start3A_865 = arith.constant 0 : i32
      %dma_start3A_866 = tpu.memref_slice %arg16[%dma_start3A_864, %dma_start3A_865] : memref<10000x16xf32, #tpu.memory_space<vmem_shared>> -> memref<10000x16xf32, #tpu.memory_space<vmem_shared>>
      tpu.enqueue_indirect_dma source(%dma_start3A_860 : memref<80x16xf32, #tpu.memory_space<vmem>>) target(%dma_start3A_866 : memref<10000x16xf32, #tpu.memory_space<vmem_shared>>) offsets(%dma_start3A_863 : memref<80xi32, #tpu.memory_space<vmem>>) semaphore(%arg15 : memref<!tpu.dma_semaphore, #tpu.memory_space<semaphore_mem>>) {add = true}
      %dma_start3A_867 = arith.constant 2 : i32
      %dma_start3A_868 = arith.constant 1 : i32
      %dma_start3A_869 = arith.constant 160 : i32
      %dma_start3A_870 = arith.constant 0 : i32
      %dma_start3A_871 = tpu.memref_slice %arg9[%dma_start3A_869, %dma_start3A_870] : memref<400x16xf32, #tpu.memory_space<vmem>> -> memref<80x16xf32, #tpu.memory_space<vmem>>
      %dma_start3A_872 = arith.constant 0 : i32
      %dma_start3A_873 = tpu.memref_slice %arg7[%dma_start3A_867, %dma_start3A_868, %dma_start3A_872] : memref<5x2x80xi32, #tpu.memory_space<vmem>> -> memref<1x1x80xi32, #tpu.memory_space<vmem>>
      %dma_start3A_874 = tpu.memref_squeeze %dma_start3A_873 : memref<1x1x80xi32, #tpu.memory_space<vmem>> -> memref<80xi32, #tpu.memory_space<vmem>>
      %dma_start3A_875 = arith.constant 0 : i32
      %dma_start3A_876 = arith.constant 0 : i32
      %dma_start3A_877 = tpu.memref_slice %arg16[%dma_start3A_875, %dma_start3A_876] : memref<10000x16xf32, #tpu.memory_space<vmem_shared>> -> memref<10000x16xf32, #tpu.memory_space<vmem_shared>>
      tpu.enqueue_indirect_dma source(%dma_start3A_871 : memref<80x16xf32, #tpu.memory_space<vmem>>) target(%dma_start3A_877 : memref<10000x16xf32, #tpu.memory_space<vmem_shared>>) offsets(%dma_start3A_874 : memref<80xi32, #tpu.memory_space<vmem>>) semaphore(%arg15 : memref<!tpu.dma_semaphore, #tpu.memory_space<semaphore_mem>>) {add = true}
      %dma_start3A_878 = arith.constant 3 : i32
      %dma_start3A_879 = arith.constant 1 : i32
      %dma_start3A_880 = arith.constant 240 : i32
      %dma_start3A_881 = arith.constant 0 : i32
      %dma_start3A_882 = tpu.memref_slice %arg9[%dma_start3A_880, %dma_start3A_881] : memref<400x16xf32, #tpu.memory_space<vmem>> -> memref<80x16xf32, #tpu.memory_space<vmem>>
      %dma_start3A_883 = arith.constant 0 : i32
      %dma_start3A_884 = tpu.memref_slice %arg7[%dma_start3A_878, %dma_start3A_879, %dma_start3A_883] : memref<5x2x80xi32, #tpu.memory_space<vmem>> -> memref<1x1x80xi32, #tpu.memory_space<vmem>>
      %dma_start3A_885 = tpu.memref_squeeze %dma_start3A_884 : memref<1x1x80xi32, #tpu.memory_space<vmem>> -> memref<80xi32, #tpu.memory_space<vmem>>
      %dma_start3A_886 = arith.constant 0 : i32
      %dma_start3A_887 = arith.constant 0 : i32
      %dma_start3A_888 = tpu.memref_slice %arg16[%dma_start3A_886, %dma_start3A_887] : memref<10000x16xf32, #tpu.memory_space<vmem_shared>> -> memref<10000x16xf32, #tpu.memory_space<vmem_shared>>
      tpu.enqueue_indirect_dma source(%dma_start3A_882 : memref<80x16xf32, #tpu.memory_space<vmem>>) target(%dma_start3A_888 : memref<10000x16xf32, #tpu.memory_space<vmem_shared>>) offsets(%dma_start3A_885 : memref<80xi32, #tpu.memory_space<vmem>>) semaphore(%arg15 : memref<!tpu.dma_semaphore, #tpu.memory_space<semaphore_mem>>) {add = true}
      %dma_start3A_889 = arith.constant 4 : i32
      %dma_start3A_890 = arith.constant 1 : i32
      %dma_start3A_891 = arith.constant 320 : i32
      %dma_start3A_892 = arith.constant 0 : i32
      %dma_start3A_893 = tpu.memref_slice %arg9[%dma_start3A_891, %dma_start3A_892] : memref<400x16xf32, #tpu.memory_space<vmem>> -> memref<80x16xf32, #tpu.memory_space<vmem>>
      %dma_start3A_894 = arith.constant 0 : i32
      %dma_start3A_895 = tpu.memref_slice %arg7[%dma_start3A_889, %dma_start3A_890, %dma_start3A_894] : memref<5x2x80xi32, #tpu.memory_space<vmem>> -> memref<1x1x80xi32, #tpu.memory_space<vmem>>
      %dma_start3A_896 = tpu.memref_squeeze %dma_start3A_895 : memref<1x1x80xi32, #tpu.memory_space<vmem>> -> memref<80xi32, #tpu.memory_space<vmem>>
      %dma_start3A_897 = arith.constant 0 : i32
      %dma_start3A_898 = arith.constant 0 : i32
      %dma_start3A_899 = tpu.memref_slice %arg16[%dma_start3A_897, %dma_start3A_898] : memref<10000x16xf32, #tpu.memory_space<vmem_shared>> -> memref<10000x16xf32, #tpu.memory_space<vmem_shared>>
      tpu.enqueue_indirect_dma source(%dma_start3A_893 : memref<80x16xf32, #tpu.memory_space<vmem>>) target(%dma_start3A_899 : memref<10000x16xf32, #tpu.memory_space<vmem_shared>>) offsets(%dma_start3A_896 : memref<80xi32, #tpu.memory_space<vmem>>) semaphore(%arg15 : memref<!tpu.dma_semaphore, #tpu.memory_space<semaphore_mem>>) {add = true}
      %dma_wait3A_900 = arith.constant 0 : i32
      %dma_wait3A_901 = arith.constant 1 : i32
      %dma_wait3A_902 = arith.constant 0 : i32
      %dma_wait3A_903 = arith.constant 0 : i32
      %dma_wait3A_904 = tpu.memref_slice %arg9[%dma_wait3A_902, %dma_wait3A_903] : memref<400x16xf32, #tpu.memory_space<vmem>> -> memref<80x16xf32, #tpu.memory_space<vmem>>
      %dma_wait3A_905 = arith.constant 0 : i32
      %dma_wait3A_906 = tpu.memref_slice %arg7[%dma_wait3A_900, %dma_wait3A_901, %dma_wait3A_905] : memref<5x2x80xi32, #tpu.memory_space<vmem>> -> memref<1x1x80xi32, #tpu.memory_space<vmem>>
      %dma_wait3A_907 = tpu.memref_squeeze %dma_wait3A_906 : memref<1x1x80xi32, #tpu.memory_space<vmem>> -> memref<80xi32, #tpu.memory_space<vmem>>
      %dma_wait3A_908 = arith.constant 0 : i32
      %dma_wait3A_909 = arith.constant 0 : i32
      %dma_wait3A_910 = tpu.memref_slice %arg16[%dma_wait3A_908, %dma_wait3A_909] : memref<10000x16xf32, #tpu.memory_space<vmem_shared>> -> memref<10000x16xf32, #tpu.memory_space<vmem_shared>>
      tpu.wait_indirect_dma semaphore(%arg15 : memref<!tpu.dma_semaphore, #tpu.memory_space<semaphore_mem>>) src(%dma_wait3A_904 : memref<80x16xf32, #tpu.memory_space<vmem>>) dst(%dma_wait3A_910 : memref<10000x16xf32, #tpu.memory_space<vmem_shared>>)
      %dma_wait3A_911 = arith.constant 1 : i32
      %dma_wait3A_912 = arith.constant 1 : i32
      %dma_wait3A_913 = arith.constant 80 : i32
      %dma_wait3A_914 = arith.constant 0 : i32
      %dma_wait3A_915 = tpu.memref_slice %arg9[%dma_wait3A_913, %dma_wait3A_914] : memref<400x16xf32, #tpu.memory_space<vmem>> -> memref<80x16xf32, #tpu.memory_space<vmem>>
      %dma_wait3A_916 = arith.constant 0 : i32
      %dma_wait3A_917 = tpu.memref_slice %arg7[%dma_wait3A_911, %dma_wait3A_912, %dma_wait3A_916] : memref<5x2x80xi32, #tpu.memory_space<vmem>> -> memref<1x1x80xi32, #tpu.memory_space<vmem>>
      %dma_wait3A_918 = tpu.memref_squeeze %dma_wait3A_917 : memref<1x1x80xi32, #tpu.memory_space<vmem>> -> memref<80xi32, #tpu.memory_space<vmem>>
      %dma_wait3A_919 = arith.constant 0 : i32
      %dma_wait3A_920 = arith.constant 0 : i32
      %dma_wait3A_921 = tpu.memref_slice %arg16[%dma_wait3A_919, %dma_wait3A_920] : memref<10000x16xf32, #tpu.memory_space<vmem_shared>> -> memref<10000x16xf32, #tpu.memory_space<vmem_shared>>
      tpu.wait_indirect_dma semaphore(%arg15 : memref<!tpu.dma_semaphore, #tpu.memory_space<semaphore_mem>>) src(%dma_wait3A_915 : memref<80x16xf32, #tpu.memory_space<vmem>>) dst(%dma_wait3A_921 : memref<10000x16xf32, #tpu.memory_space<vmem_shared>>)
      %dma_wait3A_922 = arith.constant 2 : i32
      %dma_wait3A_923 = arith.constant 1 : i32
      %dma_wait3A_924 = arith.constant 160 : i32
      %dma_wait3A_925 = arith.constant 0 : i32
      %dma_wait3A_926 = tpu.memref_slice %arg9[%dma_wait3A_924, %dma_wait3A_925] : memref<400x16xf32, #tpu.memory_space<vmem>> -> memref<80x16xf32, #tpu.memory_space<vmem>>
      %dma_wait3A_927 = arith.constant 0 : i32
      %dma_wait3A_928 = tpu.memref_slice %arg7[%dma_wait3A_922, %dma_wait3A_923, %dma_wait3A_927] : memref<5x2x80xi32, #tpu.memory_space<vmem>> -> memref<1x1x80xi32, #tpu.memory_space<vmem>>
      %dma_wait3A_929 = tpu.memref_squeeze %dma_wait3A_928 : memref<1x1x80xi32, #tpu.memory_space<vmem>> -> memref<80xi32, #tpu.memory_space<vmem>>
      %dma_wait3A_930 = arith.constant 0 : i32
      %dma_wait3A_931 = arith.constant 0 : i32
      %dma_wait3A_932 = tpu.memref_slice %arg16[%dma_wait3A_930, %dma_wait3A_931] : memref<10000x16xf32, #tpu.memory_space<vmem_shared>> -> memref<10000x16xf32, #tpu.memory_space<vmem_shared>>
      tpu.wait_indirect_dma semaphore(%arg15 : memref<!tpu.dma_semaphore, #tpu.memory_space<semaphore_mem>>) src(%dma_wait3A_926 : memref<80x16xf32, #tpu.memory_space<vmem>>) dst(%dma_wait3A_932 : memref<10000x16xf32, #tpu.memory_space<vmem_shared>>)
      %dma_wait3A_933 = arith.constant 3 : i32
      %dma_wait3A_934 = arith.constant 1 : i32
      %dma_wait3A_935 = arith.constant 240 : i32
      %dma_wait3A_936 = arith.constant 0 : i32
      %dma_wait3A_937 = tpu.memref_slice %arg9[%dma_wait3A_935, %dma_wait3A_936] : memref<400x16xf32, #tpu.memory_space<vmem>> -> memref<80x16xf32, #tpu.memory_space<vmem>>
      %dma_wait3A_938 = arith.constant 0 : i32
      %dma_wait3A_939 = tpu.memref_slice %arg7[%dma_wait3A_933, %dma_wait3A_934, %dma_wait3A_938] : memref<5x2x80xi32, #tpu.memory_space<vmem>> -> memref<1x1x80xi32, #tpu.memory_space<vmem>>
      %dma_wait3A_940 = tpu.memref_squeeze %dma_wait3A_939 : memref<1x1x80xi32, #tpu.memory_space<vmem>> -> memref<80xi32, #tpu.memory_space<vmem>>
      %dma_wait3A_941 = arith.constant 0 : i32
      %dma_wait3A_942 = arith.constant 0 : i32
      %dma_wait3A_943 = tpu.memref_slice %arg16[%dma_wait3A_941, %dma_wait3A_942] : memref<10000x16xf32, #tpu.memory_space<vmem_shared>> -> memref<10000x16xf32, #tpu.memory_space<vmem_shared>>
      tpu.wait_indirect_dma semaphore(%arg15 : memref<!tpu.dma_semaphore, #tpu.memory_space<semaphore_mem>>) src(%dma_wait3A_937 : memref<80x16xf32, #tpu.memory_space<vmem>>) dst(%dma_wait3A_943 : memref<10000x16xf32, #tpu.memory_space<vmem_shared>>)
      %dma_wait3A_944 = arith.constant 4 : i32
      %dma_wait3A_945 = arith.constant 1 : i32
      %dma_wait3A_946 = arith.constant 320 : i32
      %dma_wait3A_947 = arith.constant 0 : i32
      %dma_wait3A_948 = tpu.memref_slice %arg9[%dma_wait3A_946, %dma_wait3A_947] : memref<400x16xf32, #tpu.memory_space<vmem>> -> memref<80x16xf32, #tpu.memory_space<vmem>>
      %dma_wait3A_949 = arith.constant 0 : i32
      %dma_wait3A_950 = tpu.memref_slice %arg7[%dma_wait3A_944, %dma_wait3A_945, %dma_wait3A_949] : memref<5x2x80xi32, #tpu.memory_space<vmem>> -> memref<1x1x80xi32, #tpu.memory_space<vmem>>
      %dma_wait3A_951 = tpu.memref_squeeze %dma_wait3A_950 : memref<1x1x80xi32, #tpu.memory_space<vmem>> -> memref<80xi32, #tpu.memory_space<vmem>>
      %dma_wait3A_952 = arith.constant 0 : i32
      %dma_wait3A_953 = arith.constant 0 : i32
      %dma_wait3A_954 = tpu.memref_slice %arg16[%dma_wait3A_952, %dma_wait3A_953] : memref<10000x16xf32, #tpu.memory_space<vmem_shared>> -> memref<10000x16xf32, #tpu.memory_space<vmem_shared>>
      tpu.wait_indirect_dma semaphore(%arg15 : memref<!tpu.dma_semaphore, #tpu.memory_space<semaphore_mem>>) src(%dma_wait3A_948 : memref<80x16xf32, #tpu.memory_space<vmem>>) dst(%dma_wait3A_954 : memref<10000x16xf32, #tpu.memory_space<vmem_shared>>)
      %add3A_955 = arith.constant 1 : i32
      %add3A_956 = arith.addi %add3A_789, %add3A_955 : i32
      %mul3A_957 = arith.constant 400 : i32
      %mul3A_958 = arith.muli %add3A_956, %mul3A_957 : i32
      %add3A_959 = arith.addi %mul3A_2, %mul3A_958 : i32
      %add3A_960 = arith.constant 0 : i32
      %add3A_961 = arith.addi %add3A_959, %add3A_960 : i32
      %dma_wait3A_962 = arith.constant 0 : i32
      %dma_wait3A_963 = arith.constant 0 : i32
      %dma_wait3A_964 = arith.constant 0 : i32
      %dma_wait3A_965 = tpu.memref_slice %arg6[%dma_wait3A_962, %dma_wait3A_963, %dma_wait3A_964] : memref<5x2x80xi32, #tpu.memory_space<vmem>> -> memref<1x2x80xi32, #tpu.memory_space<vmem>>
      %dma_wait3A_966 = tpu.memref_squeeze %dma_wait3A_965 : memref<1x2x80xi32, #tpu.memory_space<vmem>> -> memref<2x80xi32, #tpu.memory_space<vmem>>
      %dma_wait3A_967 = arith.constant 0 : i32
      %dma_wait3A_968 = tpu.memref_slice %arg3[%dma_wait3A_967, %add3A_961] : memref<2x320000xi32, #tpu.memory_space<hbm>> -> memref<2x80xi32, #tpu.memory_space<hbm>>
      %dma_wait3A_969 = arith.constant 0 : i32
      %dma_wait3A_970 = arith.constant 0 : i32
      %dma_wait3A_971 = tpu.memref_slice %arg6[%dma_wait3A_962, %dma_wait3A_969, %dma_wait3A_970] : memref<5x2x80xi32, #tpu.memory_space<vmem>> -> memref<1x2x80xi32, #tpu.memory_space<vmem>>
      %dma_wait3A_972 = tpu.memref_squeeze %dma_wait3A_971 : memref<1x2x80xi32, #tpu.memory_space<vmem>> -> memref<2x80xi32, #tpu.memory_space<vmem>>
      %dma_wait3A_973 = arith.constant 0 : i32
      %dma_wait3A_974 = tpu.memref_slice %arg3[%dma_wait3A_973, %add3A_961] : memref<2x320000xi32, #tpu.memory_space<hbm>> -> memref<2x80xi32, #tpu.memory_space<hbm>>
      tpu.wait_dma2 semaphore(%arg10 : memref<!tpu.dma_semaphore, #tpu.memory_space<semaphore_mem>>) src(%dma_wait3A_974 : memref<2x80xi32, #tpu.memory_space<hbm>>) dst(%dma_wait3A_972 : memref<2x80xi32, #tpu.memory_space<vmem>>)
      %add3A_975 = arith.constant 80 : i32
      %add3A_976 = arith.addi %add3A_959, %add3A_975 : i32
      %dma_wait3A_977 = arith.constant 1 : i32
      %dma_wait3A_978 = arith.constant 0 : i32
      %dma_wait3A_979 = arith.constant 0 : i32
      %dma_wait3A_980 = tpu.memref_slice %arg6[%dma_wait3A_977, %dma_wait3A_978, %dma_wait3A_979] : memref<5x2x80xi32, #tpu.memory_space<vmem>> -> memref<1x2x80xi32, #tpu.memory_space<vmem>>
      %dma_wait3A_981 = tpu.memref_squeeze %dma_wait3A_980 : memref<1x2x80xi32, #tpu.memory_space<vmem>> -> memref<2x80xi32, #tpu.memory_space<vmem>>
      %dma_wait3A_982 = arith.constant 0 : i32
      %dma_wait3A_983 = tpu.memref_slice %arg3[%dma_wait3A_982, %add3A_976] : memref<2x320000xi32, #tpu.memory_space<hbm>> -> memref<2x80xi32, #tpu.memory_space<hbm>>
      %dma_wait3A_984 = arith.constant 0 : i32
      %dma_wait3A_985 = arith.constant 0 : i32
      %dma_wait3A_986 = tpu.memref_slice %arg6[%dma_wait3A_977, %dma_wait3A_984, %dma_wait3A_985] : memref<5x2x80xi32, #tpu.memory_space<vmem>> -> memref<1x2x80xi32, #tpu.memory_space<vmem>>
      %dma_wait3A_987 = tpu.memref_squeeze %dma_wait3A_986 : memref<1x2x80xi32, #tpu.memory_space<vmem>> -> memref<2x80xi32, #tpu.memory_space<vmem>>
      %dma_wait3A_988 = arith.constant 0 : i32
      %dma_wait3A_989 = tpu.memref_slice %arg3[%dma_wait3A_988, %add3A_976] : memref<2x320000xi32, #tpu.memory_space<hbm>> -> memref<2x80xi32, #tpu.memory_space<hbm>>
      tpu.wait_dma2 semaphore(%arg10 : memref<!tpu.dma_semaphore, #tpu.memory_space<semaphore_mem>>) src(%dma_wait3A_989 : memref<2x80xi32, #tpu.memory_space<hbm>>) dst(%dma_wait3A_987 : memref<2x80xi32, #tpu.memory_space<vmem>>)
      %add3A_990 = arith.constant 160 : i32
      %add3A_991 = arith.addi %add3A_959, %add3A_990 : i32
      %dma_wait3A_992 = arith.constant 2 : i32
      %dma_wait3A_993 = arith.constant 0 : i32
      %dma_wait3A_994 = arith.constant 0 : i32
      %dma_wait3A_995 = tpu.memref_slice %arg6[%dma_wait3A_992, %dma_wait3A_993, %dma_wait3A_994] : memref<5x2x80xi32, #tpu.memory_space<vmem>> -> memref<1x2x80xi32, #tpu.memory_space<vmem>>
      %dma_wait3A_996 = tpu.memref_squeeze %dma_wait3A_995 : memref<1x2x80xi32, #tpu.memory_space<vmem>> -> memref<2x80xi32, #tpu.memory_space<vmem>>
      %dma_wait3A_997 = arith.constant 0 : i32
      %dma_wait3A_998 = tpu.memref_slice %arg3[%dma_wait3A_997, %add3A_991] : memref<2x320000xi32, #tpu.memory_space<hbm>> -> memref<2x80xi32, #tpu.memory_space<hbm>>
      %dma_wait3A_999 = arith.constant 0 : i32
      %dma_wait3A_1000 = arith.constant 0 : i32
      %dma_wait3A_1001 = tpu.memref_slice %arg6[%dma_wait3A_992, %dma_wait3A_999, %dma_wait3A_1000] : memref<5x2x80xi32, #tpu.memory_space<vmem>> -> memref<1x2x80xi32, #tpu.memory_space<vmem>>
      %dma_wait3A_1002 = tpu.memref_squeeze %dma_wait3A_1001 : memref<1x2x80xi32, #tpu.memory_space<vmem>> -> memref<2x80xi32, #tpu.memory_space<vmem>>
      %dma_wait3A_1003 = arith.constant 0 : i32
      %dma_wait3A_1004 = tpu.memref_slice %arg3[%dma_wait3A_1003, %add3A_991] : memref<2x320000xi32, #tpu.memory_space<hbm>> -> memref<2x80xi32, #tpu.memory_space<hbm>>
      tpu.wait_dma2 semaphore(%arg10 : memref<!tpu.dma_semaphore, #tpu.memory_space<semaphore_mem>>) src(%dma_wait3A_1004 : memref<2x80xi32, #tpu.memory_space<hbm>>) dst(%dma_wait3A_1002 : memref<2x80xi32, #tpu.memory_space<vmem>>)
      %add3A_1005 = arith.constant 240 : i32
      %add3A_1006 = arith.addi %add3A_959, %add3A_1005 : i32
      %dma_wait3A_1007 = arith.constant 3 : i32
      %dma_wait3A_1008 = arith.constant 0 : i32
      %dma_wait3A_1009 = arith.constant 0 : i32
      %dma_wait3A_1010 = tpu.memref_slice %arg6[%dma_wait3A_1007, %dma_wait3A_1008, %dma_wait3A_1009] : memref<5x2x80xi32, #tpu.memory_space<vmem>> -> memref<1x2x80xi32, #tpu.memory_space<vmem>>
      %dma_wait3A_1011 = tpu.memref_squeeze %dma_wait3A_1010 : memref<1x2x80xi32, #tpu.memory_space<vmem>> -> memref<2x80xi32, #tpu.memory_space<vmem>>
      %dma_wait3A_1012 = arith.constant 0 : i32
      %dma_wait3A_1013 = tpu.memref_slice %arg3[%dma_wait3A_1012, %add3A_1006] : memref<2x320000xi32, #tpu.memory_space<hbm>> -> memref<2x80xi32, #tpu.memory_space<hbm>>
      %dma_wait3A_1014 = arith.constant 0 : i32
      %dma_wait3A_1015 = arith.constant 0 : i32
      %dma_wait3A_1016 = tpu.memref_slice %arg6[%dma_wait3A_1007, %dma_wait3A_1014, %dma_wait3A_1015] : memref<5x2x80xi32, #tpu.memory_space<vmem>> -> memref<1x2x80xi32, #tpu.memory_space<vmem>>
      %dma_wait3A_1017 = tpu.memref_squeeze %dma_wait3A_1016 : memref<1x2x80xi32, #tpu.memory_space<vmem>> -> memref<2x80xi32, #tpu.memory_space<vmem>>
      %dma_wait3A_1018 = arith.constant 0 : i32
      %dma_wait3A_1019 = tpu.memref_slice %arg3[%dma_wait3A_1018, %add3A_1006] : memref<2x320000xi32, #tpu.memory_space<hbm>> -> memref<2x80xi32, #tpu.memory_space<hbm>>
      tpu.wait_dma2 semaphore(%arg10 : memref<!tpu.dma_semaphore, #tpu.memory_space<semaphore_mem>>) src(%dma_wait3A_1019 : memref<2x80xi32, #tpu.memory_space<hbm>>) dst(%dma_wait3A_1017 : memref<2x80xi32, #tpu.memory_space<vmem>>)
      %add3A_1020 = arith.constant 320 : i32
      %add3A_1021 = arith.addi %add3A_959, %add3A_1020 : i32
      %dma_wait3A_1022 = arith.constant 4 : i32
      %dma_wait3A_1023 = arith.constant 0 : i32
      %dma_wait3A_1024 = arith.constant 0 : i32
      %dma_wait3A_1025 = tpu.memref_slice %arg6[%dma_wait3A_1022, %dma_wait3A_1023, %dma_wait3A_1024] : memref<5x2x80xi32, #tpu.memory_space<vmem>> -> memref<1x2x80xi32, #tpu.memory_space<vmem>>
      %dma_wait3A_1026 = tpu.memref_squeeze %dma_wait3A_1025 : memref<1x2x80xi32, #tpu.memory_space<vmem>> -> memref<2x80xi32, #tpu.memory_space<vmem>>
      %dma_wait3A_1027 = arith.constant 0 : i32
      %dma_wait3A_1028 = tpu.memref_slice %arg3[%dma_wait3A_1027, %add3A_1021] : memref<2x320000xi32, #tpu.memory_space<hbm>> -> memref<2x80xi32, #tpu.memory_space<hbm>>
      %dma_wait3A_1029 = arith.constant 0 : i32
      %dma_wait3A_1030 = arith.constant 0 : i32
      %dma_wait3A_1031 = tpu.memref_slice %arg6[%dma_wait3A_1022, %dma_wait3A_1029, %dma_wait3A_1030] : memref<5x2x80xi32, #tpu.memory_space<vmem>> -> memref<1x2x80xi32, #tpu.memory_space<vmem>>
      %dma_wait3A_1032 = tpu.memref_squeeze %dma_wait3A_1031 : memref<1x2x80xi32, #tpu.memory_space<vmem>> -> memref<2x80xi32, #tpu.memory_space<vmem>>
      %dma_wait3A_1033 = arith.constant 0 : i32
      %dma_wait3A_1034 = tpu.memref_slice %arg3[%dma_wait3A_1033, %add3A_1021] : memref<2x320000xi32, #tpu.memory_space<hbm>> -> memref<2x80xi32, #tpu.memory_space<hbm>>
      tpu.wait_dma2 semaphore(%arg10 : memref<!tpu.dma_semaphore, #tpu.memory_space<semaphore_mem>>) src(%dma_wait3A_1034 : memref<2x80xi32, #tpu.memory_space<hbm>>) dst(%dma_wait3A_1032 : memref<2x80xi32, #tpu.memory_space<vmem>>)
      %dma_start3A_1035 = arith.constant 0 : i32
      %dma_start3A_1036 = arith.constant 0 : i32
      %dma_start3A_1037 = arith.constant 0 : i32
      %dma_start3A_1038 = arith.constant 0 : i32
      %dma_start3A_1039 = tpu.memref_slice %arg8[%dma_start3A_1037, %dma_start3A_1038] : memref<400x16xf32, #tpu.memory_space<vmem>> -> memref<80x16xf32, #tpu.memory_space<vmem>>
      %dma_start3A_1040 = arith.constant 0 : i32
      %dma_start3A_1041 = tpu.memref_slice %arg6[%dma_start3A_1035, %dma_start3A_1036, %dma_start3A_1040] : memref<5x2x80xi32, #tpu.memory_space<vmem>> -> memref<1x1x80xi32, #tpu.memory_space<vmem>>
      %dma_start3A_1042 = tpu.memref_squeeze %dma_start3A_1041 : memref<1x1x80xi32, #tpu.memory_space<vmem>> -> memref<80xi32, #tpu.memory_space<vmem>>
      %dma_start3A_1043 = arith.constant 0 : i32
      %dma_start3A_1044 = arith.constant 0 : i32
      %dma_start3A_1045 = tpu.memref_slice %arg2[%dma_start3A_1043, %dma_start3A_1044] : memref<10000x16xf32, #tpu.memory_space<hbm>> -> memref<10000x16xf32, #tpu.memory_space<hbm>>
      tpu.enqueue_indirect_dma source(%dma_start3A_1045 : memref<10000x16xf32, #tpu.memory_space<hbm>>) target(%dma_start3A_1039 : memref<80x16xf32, #tpu.memory_space<vmem>>) offsets(%dma_start3A_1042 : memref<80xi32, #tpu.memory_space<vmem>>) semaphore(%arg12 : memref<!tpu.dma_semaphore, #tpu.memory_space<semaphore_mem>>)
      %dma_start3A_1046 = arith.constant 1 : i32
      %dma_start3A_1047 = arith.constant 0 : i32
      %dma_start3A_1048 = arith.constant 80 : i32
      %dma_start3A_1049 = arith.constant 0 : i32
      %dma_start3A_1050 = tpu.memref_slice %arg8[%dma_start3A_1048, %dma_start3A_1049] : memref<400x16xf32, #tpu.memory_space<vmem>> -> memref<80x16xf32, #tpu.memory_space<vmem>>
      %dma_start3A_1051 = arith.constant 0 : i32
      %dma_start3A_1052 = tpu.memref_slice %arg6[%dma_start3A_1046, %dma_start3A_1047, %dma_start3A_1051] : memref<5x2x80xi32, #tpu.memory_space<vmem>> -> memref<1x1x80xi32, #tpu.memory_space<vmem>>
      %dma_start3A_1053 = tpu.memref_squeeze %dma_start3A_1052 : memref<1x1x80xi32, #tpu.memory_space<vmem>> -> memref<80xi32, #tpu.memory_space<vmem>>
      %dma_start3A_1054 = arith.constant 0 : i32
      %dma_start3A_1055 = arith.constant 0 : i32
      %dma_start3A_1056 = tpu.memref_slice %arg2[%dma_start3A_1054, %dma_start3A_1055] : memref<10000x16xf32, #tpu.memory_space<hbm>> -> memref<10000x16xf32, #tpu.memory_space<hbm>>
      tpu.enqueue_indirect_dma source(%dma_start3A_1056 : memref<10000x16xf32, #tpu.memory_space<hbm>>) target(%dma_start3A_1050 : memref<80x16xf32, #tpu.memory_space<vmem>>) offsets(%dma_start3A_1053 : memref<80xi32, #tpu.memory_space<vmem>>) semaphore(%arg12 : memref<!tpu.dma_semaphore, #tpu.memory_space<semaphore_mem>>)
      %dma_start3A_1057 = arith.constant 2 : i32
      %dma_start3A_1058 = arith.constant 0 : i32
      %dma_start3A_1059 = arith.constant 160 : i32
      %dma_start3A_1060 = arith.constant 0 : i32
      %dma_start3A_1061 = tpu.memref_slice %arg8[%dma_start3A_1059, %dma_start3A_1060] : memref<400x16xf32, #tpu.memory_space<vmem>> -> memref<80x16xf32, #tpu.memory_space<vmem>>
      %dma_start3A_1062 = arith.constant 0 : i32
      %dma_start3A_1063 = tpu.memref_slice %arg6[%dma_start3A_1057, %dma_start3A_1058, %dma_start3A_1062] : memref<5x2x80xi32, #tpu.memory_space<vmem>> -> memref<1x1x80xi32, #tpu.memory_space<vmem>>
      %dma_start3A_1064 = tpu.memref_squeeze %dma_start3A_1063 : memref<1x1x80xi32, #tpu.memory_space<vmem>> -> memref<80xi32, #tpu.memory_space<vmem>>
      %dma_start3A_1065 = arith.constant 0 : i32
      %dma_start3A_1066 = arith.constant 0 : i32
      %dma_start3A_1067 = tpu.memref_slice %arg2[%dma_start3A_1065, %dma_start3A_1066] : memref<10000x16xf32, #tpu.memory_space<hbm>> -> memref<10000x16xf32, #tpu.memory_space<hbm>>
      tpu.enqueue_indirect_dma source(%dma_start3A_1067 : memref<10000x16xf32, #tpu.memory_space<hbm>>) target(%dma_start3A_1061 : memref<80x16xf32, #tpu.memory_space<vmem>>) offsets(%dma_start3A_1064 : memref<80xi32, #tpu.memory_space<vmem>>) semaphore(%arg12 : memref<!tpu.dma_semaphore, #tpu.memory_space<semaphore_mem>>)
      %dma_start3A_1068 = arith.constant 3 : i32
      %dma_start3A_1069 = arith.constant 0 : i32
      %dma_start3A_1070 = arith.constant 240 : i32
      %dma_start3A_1071 = arith.constant 0 : i32
      %dma_start3A_1072 = tpu.memref_slice %arg8[%dma_start3A_1070, %dma_start3A_1071] : memref<400x16xf32, #tpu.memory_space<vmem>> -> memref<80x16xf32, #tpu.memory_space<vmem>>
      %dma_start3A_1073 = arith.constant 0 : i32
      %dma_start3A_1074 = tpu.memref_slice %arg6[%dma_start3A_1068, %dma_start3A_1069, %dma_start3A_1073] : memref<5x2x80xi32, #tpu.memory_space<vmem>> -> memref<1x1x80xi32, #tpu.memory_space<vmem>>
      %dma_start3A_1075 = tpu.memref_squeeze %dma_start3A_1074 : memref<1x1x80xi32, #tpu.memory_space<vmem>> -> memref<80xi32, #tpu.memory_space<vmem>>
      %dma_start3A_1076 = arith.constant 0 : i32
      %dma_start3A_1077 = arith.constant 0 : i32
      %dma_start3A_1078 = tpu.memref_slice %arg2[%dma_start3A_1076, %dma_start3A_1077] : memref<10000x16xf32, #tpu.memory_space<hbm>> -> memref<10000x16xf32, #tpu.memory_space<hbm>>
      tpu.enqueue_indirect_dma source(%dma_start3A_1078 : memref<10000x16xf32, #tpu.memory_space<hbm>>) target(%dma_start3A_1072 : memref<80x16xf32, #tpu.memory_space<vmem>>) offsets(%dma_start3A_1075 : memref<80xi32, #tpu.memory_space<vmem>>) semaphore(%arg12 : memref<!tpu.dma_semaphore, #tpu.memory_space<semaphore_mem>>)
      %dma_start3A_1079 = arith.constant 4 : i32
      %dma_start3A_1080 = arith.constant 0 : i32
      %dma_start3A_1081 = arith.constant 320 : i32
      %dma_start3A_1082 = arith.constant 0 : i32
      %dma_start3A_1083 = tpu.memref_slice %arg8[%dma_start3A_1081, %dma_start3A_1082] : memref<400x16xf32, #tpu.memory_space<vmem>> -> memref<80x16xf32, #tpu.memory_space<vmem>>
      %dma_start3A_1084 = arith.constant 0 : i32
      %dma_start3A_1085 = tpu.memref_slice %arg6[%dma_start3A_1079, %dma_start3A_1080, %dma_start3A_1084] : memref<5x2x80xi32, #tpu.memory_space<vmem>> -> memref<1x1x80xi32, #tpu.memory_space<vmem>>
      %dma_start3A_1086 = tpu.memref_squeeze %dma_start3A_1085 : memref<1x1x80xi32, #tpu.memory_space<vmem>> -> memref<80xi32, #tpu.memory_space<vmem>>
      %dma_start3A_1087 = arith.constant 0 : i32
      %dma_start3A_1088 = arith.constant 0 : i32
      %dma_start3A_1089 = tpu.memref_slice %arg2[%dma_start3A_1087, %dma_start3A_1088] : memref<10000x16xf32, #tpu.memory_space<hbm>> -> memref<10000x16xf32, #tpu.memory_space<hbm>>
      tpu.enqueue_indirect_dma source(%dma_start3A_1089 : memref<10000x16xf32, #tpu.memory_space<hbm>>) target(%dma_start3A_1083 : memref<80x16xf32, #tpu.memory_space<vmem>>) offsets(%dma_start3A_1086 : memref<80xi32, #tpu.memory_space<vmem>>) semaphore(%arg12 : memref<!tpu.dma_semaphore, #tpu.memory_space<semaphore_mem>>)
      %add3A_1090 = arith.constant 2 : i32
      %add3A_1091 = arith.addi %add3A_789, %add3A_1090 : i32
      %lt3A_1092 = arith.constant 25 : i32
      %lt3A_1093 = arith.cmpi slt, %add3A_1091, %lt3A_1092 : i32
      %convert_element_type3A_1094 = arith.extui %lt3A_1093 : i1 to i32
      %cond3A_1095 = arith.constant 0 : i32
      %cond3A_1096 = arith.cmpi ne, %convert_element_type3A_1094, %cond3A_1095 : i32
      scf.if %cond3A_1096 {
        %add3A_1097 = arith.constant 2 : i32
        %add3A_1098 = arith.addi %add3A_789, %add3A_1097 : i32
        %mul3A_1099 = arith.constant 400 : i32
        %mul3A_1100 = arith.muli %add3A_1098, %mul3A_1099 : i32
        %add3A_1101 = arith.addi %mul3A_2, %mul3A_1100 : i32
        %add3A_1102 = arith.constant 0 : i32
        %add3A_1103 = arith.addi %add3A_1101, %add3A_1102 : i32
        %dma_start3A_1104 = arith.constant 0 : i32
        %dma_start3A_1105 = arith.constant 0 : i32
        %dma_start3A_1106 = arith.constant 0 : i32
        %dma_start3A_1107 = tpu.memref_slice %arg7[%dma_start3A_1104, %dma_start3A_1105, %dma_start3A_1106] : memref<5x2x80xi32, #tpu.memory_space<vmem>> -> memref<1x2x80xi32, #tpu.memory_space<vmem>>
        %dma_start3A_1108 = tpu.memref_squeeze %dma_start3A_1107 : memref<1x2x80xi32, #tpu.memory_space<vmem>> -> memref<2x80xi32, #tpu.memory_space<vmem>>
        %dma_start3A_1109 = arith.constant 0 : i32
        %dma_start3A_1110 = tpu.memref_slice %arg3[%dma_start3A_1109, %add3A_1103] : memref<2x320000xi32, #tpu.memory_space<hbm>> -> memref<2x80xi32, #tpu.memory_space<hbm>>
        %dma_start3A_1111 = arith.constant 0 : i32
        %dma_start3A_1112 = arith.constant 0 : i32
        %dma_start3A_1113 = tpu.memref_slice %arg7[%dma_start3A_1104, %dma_start3A_1111, %dma_start3A_1112] : memref<5x2x80xi32, #tpu.memory_space<vmem>> -> memref<1x2x80xi32, #tpu.memory_space<vmem>>
        %dma_start3A_1114 = tpu.memref_squeeze %dma_start3A_1113 : memref<1x2x80xi32, #tpu.memory_space<vmem>> -> memref<2x80xi32, #tpu.memory_space<vmem>>
        %dma_start3A_1115 = arith.constant 0 : i32
        %dma_start3A_1116 = tpu.memref_slice %arg3[%dma_start3A_1115, %add3A_1103] : memref<2x320000xi32, #tpu.memory_space<hbm>> -> memref<2x80xi32, #tpu.memory_space<hbm>>
        tpu.enqueue_dma source(%dma_start3A_1116 : memref<2x80xi32, #tpu.memory_space<hbm>>) target(%dma_start3A_1114 : memref<2x80xi32, #tpu.memory_space<vmem>>) target_semaphore(%arg11 : memref<!tpu.dma_semaphore, #tpu.memory_space<semaphore_mem>>)
        %add3A_1117 = arith.constant 80 : i32
        %add3A_1118 = arith.addi %add3A_1101, %add3A_1117 : i32
        %dma_start3A_1119 = arith.constant 1 : i32
        %dma_start3A_1120 = arith.constant 0 : i32
        %dma_start3A_1121 = arith.constant 0 : i32
        %dma_start3A_1122 = tpu.memref_slice %arg7[%dma_start3A_1119, %dma_start3A_1120, %dma_start3A_1121] : memref<5x2x80xi32, #tpu.memory_space<vmem>> -> memref<1x2x80xi32, #tpu.memory_space<vmem>>
        %dma_start3A_1123 = tpu.memref_squeeze %dma_start3A_1122 : memref<1x2x80xi32, #tpu.memory_space<vmem>> -> memref<2x80xi32, #tpu.memory_space<vmem>>
        %dma_start3A_1124 = arith.constant 0 : i32
        %dma_start3A_1125 = tpu.memref_slice %arg3[%dma_start3A_1124, %add3A_1118] : memref<2x320000xi32, #tpu.memory_space<hbm>> -> memref<2x80xi32, #tpu.memory_space<hbm>>
        %dma_start3A_1126 = arith.constant 0 : i32
        %dma_start3A_1127 = arith.constant 0 : i32
        %dma_start3A_1128 = tpu.memref_slice %arg7[%dma_start3A_1119, %dma_start3A_1126, %dma_start3A_1127] : memref<5x2x80xi32, #tpu.memory_space<vmem>> -> memref<1x2x80xi32, #tpu.memory_space<vmem>>
        %dma_start3A_1129 = tpu.memref_squeeze %dma_start3A_1128 : memref<1x2x80xi32, #tpu.memory_space<vmem>> -> memref<2x80xi32, #tpu.memory_space<vmem>>
        %dma_start3A_1130 = arith.constant 0 : i32
        %dma_start3A_1131 = tpu.memref_slice %arg3[%dma_start3A_1130, %add3A_1118] : memref<2x320000xi32, #tpu.memory_space<hbm>> -> memref<2x80xi32, #tpu.memory_space<hbm>>
        tpu.enqueue_dma source(%dma_start3A_1131 : memref<2x80xi32, #tpu.memory_space<hbm>>) target(%dma_start3A_1129 : memref<2x80xi32, #tpu.memory_space<vmem>>) target_semaphore(%arg11 : memref<!tpu.dma_semaphore, #tpu.memory_space<semaphore_mem>>)
        %add3A_1132 = arith.constant 160 : i32
        %add3A_1133 = arith.addi %add3A_1101, %add3A_1132 : i32
        %dma_start3A_1134 = arith.constant 2 : i32
        %dma_start3A_1135 = arith.constant 0 : i32
        %dma_start3A_1136 = arith.constant 0 : i32
        %dma_start3A_1137 = tpu.memref_slice %arg7[%dma_start3A_1134, %dma_start3A_1135, %dma_start3A_1136] : memref<5x2x80xi32, #tpu.memory_space<vmem>> -> memref<1x2x80xi32, #tpu.memory_space<vmem>>
        %dma_start3A_1138 = tpu.memref_squeeze %dma_start3A_1137 : memref<1x2x80xi32, #tpu.memory_space<vmem>> -> memref<2x80xi32, #tpu.memory_space<vmem>>
        %dma_start3A_1139 = arith.constant 0 : i32
        %dma_start3A_1140 = tpu.memref_slice %arg3[%dma_start3A_1139, %add3A_1133] : memref<2x320000xi32, #tpu.memory_space<hbm>> -> memref<2x80xi32, #tpu.memory_space<hbm>>
        %dma_start3A_1141 = arith.constant 0 : i32
        %dma_start3A_1142 = arith.constant 0 : i32
        %dma_start3A_1143 = tpu.memref_slice %arg7[%dma_start3A_1134, %dma_start3A_1141, %dma_start3A_1142] : memref<5x2x80xi32, #tpu.memory_space<vmem>> -> memref<1x2x80xi32, #tpu.memory_space<vmem>>
        %dma_start3A_1144 = tpu.memref_squeeze %dma_start3A_1143 : memref<1x2x80xi32, #tpu.memory_space<vmem>> -> memref<2x80xi32, #tpu.memory_space<vmem>>
        %dma_start3A_1145 = arith.constant 0 : i32
        %dma_start3A_1146 = tpu.memref_slice %arg3[%dma_start3A_1145, %add3A_1133] : memref<2x320000xi32, #tpu.memory_space<hbm>> -> memref<2x80xi32, #tpu.memory_space<hbm>>
        tpu.enqueue_dma source(%dma_start3A_1146 : memref<2x80xi32, #tpu.memory_space<hbm>>) target(%dma_start3A_1144 : memref<2x80xi32, #tpu.memory_space<vmem>>) target_semaphore(%arg11 : memref<!tpu.dma_semaphore, #tpu.memory_space<semaphore_mem>>)
        %add3A_1147 = arith.constant 240 : i32
        %add3A_1148 = arith.addi %add3A_1101, %add3A_1147 : i32
        %dma_start3A_1149 = arith.constant 3 : i32
        %dma_start3A_1150 = arith.constant 0 : i32
        %dma_start3A_1151 = arith.constant 0 : i32
        %dma_start3A_1152 = tpu.memref_slice %arg7[%dma_start3A_1149, %dma_start3A_1150, %dma_start3A_1151] : memref<5x2x80xi32, #tpu.memory_space<vmem>> -> memref<1x2x80xi32, #tpu.memory_space<vmem>>
        %dma_start3A_1153 = tpu.memref_squeeze %dma_start3A_1152 : memref<1x2x80xi32, #tpu.memory_space<vmem>> -> memref<2x80xi32, #tpu.memory_space<vmem>>
        %dma_start3A_1154 = arith.constant 0 : i32
        %dma_start3A_1155 = tpu.memref_slice %arg3[%dma_start3A_1154, %add3A_1148] : memref<2x320000xi32, #tpu.memory_space<hbm>> -> memref<2x80xi32, #tpu.memory_space<hbm>>
        %dma_start3A_1156 = arith.constant 0 : i32
        %dma_start3A_1157 = arith.constant 0 : i32
        %dma_start3A_1158 = tpu.memref_slice %arg7[%dma_start3A_1149, %dma_start3A_1156, %dma_start3A_1157] : memref<5x2x80xi32, #tpu.memory_space<vmem>> -> memref<1x2x80xi32, #tpu.memory_space<vmem>>
        %dma_start3A_1159 = tpu.memref_squeeze %dma_start3A_1158 : memref<1x2x80xi32, #tpu.memory_space<vmem>> -> memref<2x80xi32, #tpu.memory_space<vmem>>
        %dma_start3A_1160 = arith.constant 0 : i32
        %dma_start3A_1161 = tpu.memref_slice %arg3[%dma_start3A_1160, %add3A_1148] : memref<2x320000xi32, #tpu.memory_space<hbm>> -> memref<2x80xi32, #tpu.memory_space<hbm>>
        tpu.enqueue_dma source(%dma_start3A_1161 : memref<2x80xi32, #tpu.memory_space<hbm>>) target(%dma_start3A_1159 : memref<2x80xi32, #tpu.memory_space<vmem>>) target_semaphore(%arg11 : memref<!tpu.dma_semaphore, #tpu.memory_space<semaphore_mem>>)
        %add3A_1162 = arith.constant 320 : i32
        %add3A_1163 = arith.addi %add3A_1101, %add3A_1162 : i32
        %dma_start3A_1164 = arith.constant 4 : i32
        %dma_start3A_1165 = arith.constant 0 : i32
        %dma_start3A_1166 = arith.constant 0 : i32
        %dma_start3A_1167 = tpu.memref_slice %arg7[%dma_start3A_1164, %dma_start3A_1165, %dma_start3A_1166] : memref<5x2x80xi32, #tpu.memory_space<vmem>> -> memref<1x2x80xi32, #tpu.memory_space<vmem>>
        %dma_start3A_1168 = tpu.memref_squeeze %dma_start3A_1167 : memref<1x2x80xi32, #tpu.memory_space<vmem>> -> memref<2x80xi32, #tpu.memory_space<vmem>>
        %dma_start3A_1169 = arith.constant 0 : i32
        %dma_start3A_1170 = tpu.memref_slice %arg3[%dma_start3A_1169, %add3A_1163] : memref<2x320000xi32, #tpu.memory_space<hbm>> -> memref<2x80xi32, #tpu.memory_space<hbm>>
        %dma_start3A_1171 = arith.constant 0 : i32
        %dma_start3A_1172 = arith.constant 0 : i32
        %dma_start3A_1173 = tpu.memref_slice %arg7[%dma_start3A_1164, %dma_start3A_1171, %dma_start3A_1172] : memref<5x2x80xi32, #tpu.memory_space<vmem>> -> memref<1x2x80xi32, #tpu.memory_space<vmem>>
        %dma_start3A_1174 = tpu.memref_squeeze %dma_start3A_1173 : memref<1x2x80xi32, #tpu.memory_space<vmem>> -> memref<2x80xi32, #tpu.memory_space<vmem>>
        %dma_start3A_1175 = arith.constant 0 : i32
        %dma_start3A_1176 = tpu.memref_slice %arg3[%dma_start3A_1175, %add3A_1163] : memref<2x320000xi32, #tpu.memory_space<hbm>> -> memref<2x80xi32, #tpu.memory_space<hbm>>
        tpu.enqueue_dma source(%dma_start3A_1176 : memref<2x80xi32, #tpu.memory_space<hbm>>) target(%dma_start3A_1174 : memref<2x80xi32, #tpu.memory_space<vmem>>) target_semaphore(%arg11 : memref<!tpu.dma_semaphore, #tpu.memory_space<semaphore_mem>>)
      } else {
      }
    }
    %scan3A_299 = arith.constant 12 : i32
    %dma_wait3A_300 = arith.constant 0 : i32
    %dma_wait3A_301 = arith.constant 0 : i32
    %dma_wait3A_302 = arith.constant 0 : i32
    %dma_wait3A_303 = arith.constant 0 : i32
    %dma_wait3A_304 = tpu.memref_slice %arg8[%dma_wait3A_302, %dma_wait3A_303] : memref<400x16xf32, #tpu.memory_space<vmem>> -> memref<80x16xf32, #tpu.memory_space<vmem>>
    %dma_wait3A_305 = arith.constant 0 : i32
    %dma_wait3A_306 = tpu.memref_slice %arg6[%dma_wait3A_300, %dma_wait3A_301, %dma_wait3A_305] : memref<5x2x80xi32, #tpu.memory_space<vmem>> -> memref<1x1x80xi32, #tpu.memory_space<vmem>>
    %dma_wait3A_307 = tpu.memref_squeeze %dma_wait3A_306 : memref<1x1x80xi32, #tpu.memory_space<vmem>> -> memref<80xi32, #tpu.memory_space<vmem>>
    %dma_wait3A_308 = arith.constant 0 : i32
    %dma_wait3A_309 = arith.constant 0 : i32
    %dma_wait3A_310 = tpu.memref_slice %arg2[%dma_wait3A_308, %dma_wait3A_309] : memref<10000x16xf32, #tpu.memory_space<hbm>> -> memref<10000x16xf32, #tpu.memory_space<hbm>>
    tpu.wait_indirect_dma semaphore(%arg12 : memref<!tpu.dma_semaphore, #tpu.memory_space<semaphore_mem>>) src(%dma_wait3A_310 : memref<10000x16xf32, #tpu.memory_space<hbm>>) dst(%dma_wait3A_304 : memref<80x16xf32, #tpu.memory_space<vmem>>)
    %dma_wait3A_311 = arith.constant 1 : i32
    %dma_wait3A_312 = arith.constant 0 : i32
    %dma_wait3A_313 = arith.constant 80 : i32
    %dma_wait3A_314 = arith.constant 0 : i32
    %dma_wait3A_315 = tpu.memref_slice %arg8[%dma_wait3A_313, %dma_wait3A_314] : memref<400x16xf32, #tpu.memory_space<vmem>> -> memref<80x16xf32, #tpu.memory_space<vmem>>
    %dma_wait3A_316 = arith.constant 0 : i32
    %dma_wait3A_317 = tpu.memref_slice %arg6[%dma_wait3A_311, %dma_wait3A_312, %dma_wait3A_316] : memref<5x2x80xi32, #tpu.memory_space<vmem>> -> memref<1x1x80xi32, #tpu.memory_space<vmem>>
    %dma_wait3A_318 = tpu.memref_squeeze %dma_wait3A_317 : memref<1x1x80xi32, #tpu.memory_space<vmem>> -> memref<80xi32, #tpu.memory_space<vmem>>
    %dma_wait3A_319 = arith.constant 0 : i32
    %dma_wait3A_320 = arith.constant 0 : i32
    %dma_wait3A_321 = tpu.memref_slice %arg2[%dma_wait3A_319, %dma_wait3A_320] : memref<10000x16xf32, #tpu.memory_space<hbm>> -> memref<10000x16xf32, #tpu.memory_space<hbm>>
    tpu.wait_indirect_dma semaphore(%arg12 : memref<!tpu.dma_semaphore, #tpu.memory_space<semaphore_mem>>) src(%dma_wait3A_321 : memref<10000x16xf32, #tpu.memory_space<hbm>>) dst(%dma_wait3A_315 : memref<80x16xf32, #tpu.memory_space<vmem>>)
    %dma_wait3A_322 = arith.constant 2 : i32
    %dma_wait3A_323 = arith.constant 0 : i32
    %dma_wait3A_324 = arith.constant 160 : i32
    %dma_wait3A_325 = arith.constant 0 : i32
    %dma_wait3A_326 = tpu.memref_slice %arg8[%dma_wait3A_324, %dma_wait3A_325] : memref<400x16xf32, #tpu.memory_space<vmem>> -> memref<80x16xf32, #tpu.memory_space<vmem>>
    %dma_wait3A_327 = arith.constant 0 : i32
    %dma_wait3A_328 = tpu.memref_slice %arg6[%dma_wait3A_322, %dma_wait3A_323, %dma_wait3A_327] : memref<5x2x80xi32, #tpu.memory_space<vmem>> -> memref<1x1x80xi32, #tpu.memory_space<vmem>>
    %dma_wait3A_329 = tpu.memref_squeeze %dma_wait3A_328 : memref<1x1x80xi32, #tpu.memory_space<vmem>> -> memref<80xi32, #tpu.memory_space<vmem>>
    %dma_wait3A_330 = arith.constant 0 : i32
    %dma_wait3A_331 = arith.constant 0 : i32
    %dma_wait3A_332 = tpu.memref_slice %arg2[%dma_wait3A_330, %dma_wait3A_331] : memref<10000x16xf32, #tpu.memory_space<hbm>> -> memref<10000x16xf32, #tpu.memory_space<hbm>>
    tpu.wait_indirect_dma semaphore(%arg12 : memref<!tpu.dma_semaphore, #tpu.memory_space<semaphore_mem>>) src(%dma_wait3A_332 : memref<10000x16xf32, #tpu.memory_space<hbm>>) dst(%dma_wait3A_326 : memref<80x16xf32, #tpu.memory_space<vmem>>)
    %dma_wait3A_333 = arith.constant 3 : i32
    %dma_wait3A_334 = arith.constant 0 : i32
    %dma_wait3A_335 = arith.constant 240 : i32
    %dma_wait3A_336 = arith.constant 0 : i32
    %dma_wait3A_337 = tpu.memref_slice %arg8[%dma_wait3A_335, %dma_wait3A_336] : memref<400x16xf32, #tpu.memory_space<vmem>> -> memref<80x16xf32, #tpu.memory_space<vmem>>
    %dma_wait3A_338 = arith.constant 0 : i32
    %dma_wait3A_339 = tpu.memref_slice %arg6[%dma_wait3A_333, %dma_wait3A_334, %dma_wait3A_338] : memref<5x2x80xi32, #tpu.memory_space<vmem>> -> memref<1x1x80xi32, #tpu.memory_space<vmem>>
    %dma_wait3A_340 = tpu.memref_squeeze %dma_wait3A_339 : memref<1x1x80xi32, #tpu.memory_space<vmem>> -> memref<80xi32, #tpu.memory_space<vmem>>
    %dma_wait3A_341 = arith.constant 0 : i32
    %dma_wait3A_342 = arith.constant 0 : i32
    %dma_wait3A_343 = tpu.memref_slice %arg2[%dma_wait3A_341, %dma_wait3A_342] : memref<10000x16xf32, #tpu.memory_space<hbm>> -> memref<10000x16xf32, #tpu.memory_space<hbm>>
    tpu.wait_indirect_dma semaphore(%arg12 : memref<!tpu.dma_semaphore, #tpu.memory_space<semaphore_mem>>) src(%dma_wait3A_343 : memref<10000x16xf32, #tpu.memory_space<hbm>>) dst(%dma_wait3A_337 : memref<80x16xf32, #tpu.memory_space<vmem>>)
    %dma_wait3A_344 = arith.constant 4 : i32
    %dma_wait3A_345 = arith.constant 0 : i32
    %dma_wait3A_346 = arith.constant 320 : i32
    %dma_wait3A_347 = arith.constant 0 : i32
    %dma_wait3A_348 = tpu.memref_slice %arg8[%dma_wait3A_346, %dma_wait3A_347] : memref<400x16xf32, #tpu.memory_space<vmem>> -> memref<80x16xf32, #tpu.memory_space<vmem>>
    %dma_wait3A_349 = arith.constant 0 : i32
    %dma_wait3A_350 = tpu.memref_slice %arg6[%dma_wait3A_344, %dma_wait3A_345, %dma_wait3A_349] : memref<5x2x80xi32, #tpu.memory_space<vmem>> -> memref<1x1x80xi32, #tpu.memory_space<vmem>>
    %dma_wait3A_351 = tpu.memref_squeeze %dma_wait3A_350 : memref<1x1x80xi32, #tpu.memory_space<vmem>> -> memref<80xi32, #tpu.memory_space<vmem>>
    %dma_wait3A_352 = arith.constant 0 : i32
    %dma_wait3A_353 = arith.constant 0 : i32
    %dma_wait3A_354 = tpu.memref_slice %arg2[%dma_wait3A_352, %dma_wait3A_353] : memref<10000x16xf32, #tpu.memory_space<hbm>> -> memref<10000x16xf32, #tpu.memory_space<hbm>>
    tpu.wait_indirect_dma semaphore(%arg12 : memref<!tpu.dma_semaphore, #tpu.memory_space<semaphore_mem>>) src(%dma_wait3A_354 : memref<10000x16xf32, #tpu.memory_space<hbm>>) dst(%dma_wait3A_348 : memref<80x16xf32, #tpu.memory_space<vmem>>)
    %dma_start3A_355 = arith.constant 0 : i32
    %dma_start3A_356 = arith.constant 1 : i32
    %dma_start3A_357 = arith.constant 0 : i32
    %dma_start3A_358 = arith.constant 0 : i32
    %dma_start3A_359 = tpu.memref_slice %arg8[%dma_start3A_357, %dma_start3A_358] : memref<400x16xf32, #tpu.memory_space<vmem>> -> memref<80x16xf32, #tpu.memory_space<vmem>>
    %dma_start3A_360 = arith.constant 0 : i32
    %dma_start3A_361 = tpu.memref_slice %arg6[%dma_start3A_355, %dma_start3A_356, %dma_start3A_360] : memref<5x2x80xi32, #tpu.memory_space<vmem>> -> memref<1x1x80xi32, #tpu.memory_space<vmem>>
    %dma_start3A_362 = tpu.memref_squeeze %dma_start3A_361 : memref<1x1x80xi32, #tpu.memory_space<vmem>> -> memref<80xi32, #tpu.memory_space<vmem>>
    %dma_start3A_363 = arith.constant 0 : i32
    %dma_start3A_364 = arith.constant 0 : i32
    %dma_start3A_365 = tpu.memref_slice %arg16[%dma_start3A_363, %dma_start3A_364] : memref<10000x16xf32, #tpu.memory_space<vmem_shared>> -> memref<10000x16xf32, #tpu.memory_space<vmem_shared>>
    tpu.enqueue_indirect_dma source(%dma_start3A_359 : memref<80x16xf32, #tpu.memory_space<vmem>>) target(%dma_start3A_365 : memref<10000x16xf32, #tpu.memory_space<vmem_shared>>) offsets(%dma_start3A_362 : memref<80xi32, #tpu.memory_space<vmem>>) semaphore(%arg14 : memref<!tpu.dma_semaphore, #tpu.memory_space<semaphore_mem>>) {add = true}
    %dma_start3A_366 = arith.constant 1 : i32
    %dma_start3A_367 = arith.constant 1 : i32
    %dma_start3A_368 = arith.constant 80 : i32
    %dma_start3A_369 = arith.constant 0 : i32
    %dma_start3A_370 = tpu.memref_slice %arg8[%dma_start3A_368, %dma_start3A_369] : memref<400x16xf32, #tpu.memory_space<vmem>> -> memref<80x16xf32, #tpu.memory_space<vmem>>
    %dma_start3A_371 = arith.constant 0 : i32
    %dma_start3A_372 = tpu.memref_slice %arg6[%dma_start3A_366, %dma_start3A_367, %dma_start3A_371] : memref<5x2x80xi32, #tpu.memory_space<vmem>> -> memref<1x1x80xi32, #tpu.memory_space<vmem>>
    %dma_start3A_373 = tpu.memref_squeeze %dma_start3A_372 : memref<1x1x80xi32, #tpu.memory_space<vmem>> -> memref<80xi32, #tpu.memory_space<vmem>>
    %dma_start3A_374 = arith.constant 0 : i32
    %dma_start3A_375 = arith.constant 0 : i32
    %dma_start3A_376 = tpu.memref_slice %arg16[%dma_start3A_374, %dma_start3A_375] : memref<10000x16xf32, #tpu.memory_space<vmem_shared>> -> memref<10000x16xf32, #tpu.memory_space<vmem_shared>>
    tpu.enqueue_indirect_dma source(%dma_start3A_370 : memref<80x16xf32, #tpu.memory_space<vmem>>) target(%dma_start3A_376 : memref<10000x16xf32, #tpu.memory_space<vmem_shared>>) offsets(%dma_start3A_373 : memref<80xi32, #tpu.memory_space<vmem>>) semaphore(%arg14 : memref<!tpu.dma_semaphore, #tpu.memory_space<semaphore_mem>>) {add = true}
    %dma_start3A_377 = arith.constant 2 : i32
    %dma_start3A_378 = arith.constant 1 : i32
    %dma_start3A_379 = arith.constant 160 : i32
    %dma_start3A_380 = arith.constant 0 : i32
    %dma_start3A_381 = tpu.memref_slice %arg8[%dma_start3A_379, %dma_start3A_380] : memref<400x16xf32, #tpu.memory_space<vmem>> -> memref<80x16xf32, #tpu.memory_space<vmem>>
    %dma_start3A_382 = arith.constant 0 : i32
    %dma_start3A_383 = tpu.memref_slice %arg6[%dma_start3A_377, %dma_start3A_378, %dma_start3A_382] : memref<5x2x80xi32, #tpu.memory_space<vmem>> -> memref<1x1x80xi32, #tpu.memory_space<vmem>>
    %dma_start3A_384 = tpu.memref_squeeze %dma_start3A_383 : memref<1x1x80xi32, #tpu.memory_space<vmem>> -> memref<80xi32, #tpu.memory_space<vmem>>
    %dma_start3A_385 = arith.constant 0 : i32
    %dma_start3A_386 = arith.constant 0 : i32
    %dma_start3A_387 = tpu.memref_slice %arg16[%dma_start3A_385, %dma_start3A_386] : memref<10000x16xf32, #tpu.memory_space<vmem_shared>> -> memref<10000x16xf32, #tpu.memory_space<vmem_shared>>
    tpu.enqueue_indirect_dma source(%dma_start3A_381 : memref<80x16xf32, #tpu.memory_space<vmem>>) target(%dma_start3A_387 : memref<10000x16xf32, #tpu.memory_space<vmem_shared>>) offsets(%dma_start3A_384 : memref<80xi32, #tpu.memory_space<vmem>>) semaphore(%arg14 : memref<!tpu.dma_semaphore, #tpu.memory_space<semaphore_mem>>) {add = true}
    %dma_start3A_388 = arith.constant 3 : i32
    %dma_start3A_389 = arith.constant 1 : i32
    %dma_start3A_390 = arith.constant 240 : i32
    %dma_start3A_391 = arith.constant 0 : i32
    %dma_start3A_392 = tpu.memref_slice %arg8[%dma_start3A_390, %dma_start3A_391] : memref<400x16xf32, #tpu.memory_space<vmem>> -> memref<80x16xf32, #tpu.memory_space<vmem>>
    %dma_start3A_393 = arith.constant 0 : i32
    %dma_start3A_394 = tpu.memref_slice %arg6[%dma_start3A_388, %dma_start3A_389, %dma_start3A_393] : memref<5x2x80xi32, #tpu.memory_space<vmem>> -> memref<1x1x80xi32, #tpu.memory_space<vmem>>
    %dma_start3A_395 = tpu.memref_squeeze %dma_start3A_394 : memref<1x1x80xi32, #tpu.memory_space<vmem>> -> memref<80xi32, #tpu.memory_space<vmem>>
    %dma_start3A_396 = arith.constant 0 : i32
    %dma_start3A_397 = arith.constant 0 : i32
    %dma_start3A_398 = tpu.memref_slice %arg16[%dma_start3A_396, %dma_start3A_397] : memref<10000x16xf32, #tpu.memory_space<vmem_shared>> -> memref<10000x16xf32, #tpu.memory_space<vmem_shared>>
    tpu.enqueue_indirect_dma source(%dma_start3A_392 : memref<80x16xf32, #tpu.memory_space<vmem>>) target(%dma_start3A_398 : memref<10000x16xf32, #tpu.memory_space<vmem_shared>>) offsets(%dma_start3A_395 : memref<80xi32, #tpu.memory_space<vmem>>) semaphore(%arg14 : memref<!tpu.dma_semaphore, #tpu.memory_space<semaphore_mem>>) {add = true}
    %dma_start3A_399 = arith.constant 4 : i32
    %dma_start3A_400 = arith.constant 1 : i32
    %dma_start3A_401 = arith.constant 320 : i32
    %dma_start3A_402 = arith.constant 0 : i32
    %dma_start3A_403 = tpu.memref_slice %arg8[%dma_start3A_401, %dma_start3A_402] : memref<400x16xf32, #tpu.memory_space<vmem>> -> memref<80x16xf32, #tpu.memory_space<vmem>>
    %dma_start3A_404 = arith.constant 0 : i32
    %dma_start3A_405 = tpu.memref_slice %arg6[%dma_start3A_399, %dma_start3A_400, %dma_start3A_404] : memref<5x2x80xi32, #tpu.memory_space<vmem>> -> memref<1x1x80xi32, #tpu.memory_space<vmem>>
    %dma_start3A_406 = tpu.memref_squeeze %dma_start3A_405 : memref<1x1x80xi32, #tpu.memory_space<vmem>> -> memref<80xi32, #tpu.memory_space<vmem>>
    %dma_start3A_407 = arith.constant 0 : i32
    %dma_start3A_408 = arith.constant 0 : i32
    %dma_start3A_409 = tpu.memref_slice %arg16[%dma_start3A_407, %dma_start3A_408] : memref<10000x16xf32, #tpu.memory_space<vmem_shared>> -> memref<10000x16xf32, #tpu.memory_space<vmem_shared>>
    tpu.enqueue_indirect_dma source(%dma_start3A_403 : memref<80x16xf32, #tpu.memory_space<vmem>>) target(%dma_start3A_409 : memref<10000x16xf32, #tpu.memory_space<vmem_shared>>) offsets(%dma_start3A_406 : memref<80xi32, #tpu.memory_space<vmem>>) semaphore(%arg14 : memref<!tpu.dma_semaphore, #tpu.memory_space<semaphore_mem>>) {add = true}
    %dma_wait3A_410 = arith.constant 0 : i32
    %dma_wait3A_411 = arith.constant 1 : i32
    %dma_wait3A_412 = arith.constant 0 : i32
    %dma_wait3A_413 = arith.constant 0 : i32
    %dma_wait3A_414 = tpu.memref_slice %arg8[%dma_wait3A_412, %dma_wait3A_413] : memref<400x16xf32, #tpu.memory_space<vmem>> -> memref<80x16xf32, #tpu.memory_space<vmem>>
    %dma_wait3A_415 = arith.constant 0 : i32
    %dma_wait3A_416 = tpu.memref_slice %arg6[%dma_wait3A_410, %dma_wait3A_411, %dma_wait3A_415] : memref<5x2x80xi32, #tpu.memory_space<vmem>> -> memref<1x1x80xi32, #tpu.memory_space<vmem>>
    %dma_wait3A_417 = tpu.memref_squeeze %dma_wait3A_416 : memref<1x1x80xi32, #tpu.memory_space<vmem>> -> memref<80xi32, #tpu.memory_space<vmem>>
    %dma_wait3A_418 = arith.constant 0 : i32
    %dma_wait3A_419 = arith.constant 0 : i32
    %dma_wait3A_420 = tpu.memref_slice %arg16[%dma_wait3A_418, %dma_wait3A_419] : memref<10000x16xf32, #tpu.memory_space<vmem_shared>> -> memref<10000x16xf32, #tpu.memory_space<vmem_shared>>
    tpu.wait_indirect_dma semaphore(%arg14 : memref<!tpu.dma_semaphore, #tpu.memory_space<semaphore_mem>>) src(%dma_wait3A_414 : memref<80x16xf32, #tpu.memory_space<vmem>>) dst(%dma_wait3A_420 : memref<10000x16xf32, #tpu.memory_space<vmem_shared>>)
    %dma_wait3A_421 = arith.constant 1 : i32
    %dma_wait3A_422 = arith.constant 1 : i32
    %dma_wait3A_423 = arith.constant 80 : i32
    %dma_wait3A_424 = arith.constant 0 : i32
    %dma_wait3A_425 = tpu.memref_slice %arg8[%dma_wait3A_423, %dma_wait3A_424] : memref<400x16xf32, #tpu.memory_space<vmem>> -> memref<80x16xf32, #tpu.memory_space<vmem>>
    %dma_wait3A_426 = arith.constant 0 : i32
    %dma_wait3A_427 = tpu.memref_slice %arg6[%dma_wait3A_421, %dma_wait3A_422, %dma_wait3A_426] : memref<5x2x80xi32, #tpu.memory_space<vmem>> -> memref<1x1x80xi32, #tpu.memory_space<vmem>>
    %dma_wait3A_428 = tpu.memref_squeeze %dma_wait3A_427 : memref<1x1x80xi32, #tpu.memory_space<vmem>> -> memref<80xi32, #tpu.memory_space<vmem>>
    %dma_wait3A_429 = arith.constant 0 : i32
    %dma_wait3A_430 = arith.constant 0 : i32
    %dma_wait3A_431 = tpu.memref_slice %arg16[%dma_wait3A_429, %dma_wait3A_430] : memref<10000x16xf32, #tpu.memory_space<vmem_shared>> -> memref<10000x16xf32, #tpu.memory_space<vmem_shared>>
    tpu.wait_indirect_dma semaphore(%arg14 : memref<!tpu.dma_semaphore, #tpu.memory_space<semaphore_mem>>) src(%dma_wait3A_425 : memref<80x16xf32, #tpu.memory_space<vmem>>) dst(%dma_wait3A_431 : memref<10000x16xf32, #tpu.memory_space<vmem_shared>>)
    %dma_wait3A_432 = arith.constant 2 : i32
    %dma_wait3A_433 = arith.constant 1 : i32
    %dma_wait3A_434 = arith.constant 160 : i32
    %dma_wait3A_435 = arith.constant 0 : i32
    %dma_wait3A_436 = tpu.memref_slice %arg8[%dma_wait3A_434, %dma_wait3A_435] : memref<400x16xf32, #tpu.memory_space<vmem>> -> memref<80x16xf32, #tpu.memory_space<vmem>>
    %dma_wait3A_437 = arith.constant 0 : i32
    %dma_wait3A_438 = tpu.memref_slice %arg6[%dma_wait3A_432, %dma_wait3A_433, %dma_wait3A_437] : memref<5x2x80xi32, #tpu.memory_space<vmem>> -> memref<1x1x80xi32, #tpu.memory_space<vmem>>
    %dma_wait3A_439 = tpu.memref_squeeze %dma_wait3A_438 : memref<1x1x80xi32, #tpu.memory_space<vmem>> -> memref<80xi32, #tpu.memory_space<vmem>>
    %dma_wait3A_440 = arith.constant 0 : i32
    %dma_wait3A_441 = arith.constant 0 : i32
    %dma_wait3A_442 = tpu.memref_slice %arg16[%dma_wait3A_440, %dma_wait3A_441] : memref<10000x16xf32, #tpu.memory_space<vmem_shared>> -> memref<10000x16xf32, #tpu.memory_space<vmem_shared>>
    tpu.wait_indirect_dma semaphore(%arg14 : memref<!tpu.dma_semaphore, #tpu.memory_space<semaphore_mem>>) src(%dma_wait3A_436 : memref<80x16xf32, #tpu.memory_space<vmem>>) dst(%dma_wait3A_442 : memref<10000x16xf32, #tpu.memory_space<vmem_shared>>)
    %dma_wait3A_443 = arith.constant 3 : i32
    %dma_wait3A_444 = arith.constant 1 : i32
    %dma_wait3A_445 = arith.constant 240 : i32
    %dma_wait3A_446 = arith.constant 0 : i32
    %dma_wait3A_447 = tpu.memref_slice %arg8[%dma_wait3A_445, %dma_wait3A_446] : memref<400x16xf32, #tpu.memory_space<vmem>> -> memref<80x16xf32, #tpu.memory_space<vmem>>
    %dma_wait3A_448 = arith.constant 0 : i32
    %dma_wait3A_449 = tpu.memref_slice %arg6[%dma_wait3A_443, %dma_wait3A_444, %dma_wait3A_448] : memref<5x2x80xi32, #tpu.memory_space<vmem>> -> memref<1x1x80xi32, #tpu.memory_space<vmem>>
    %dma_wait3A_450 = tpu.memref_squeeze %dma_wait3A_449 : memref<1x1x80xi32, #tpu.memory_space<vmem>> -> memref<80xi32, #tpu.memory_space<vmem>>
    %dma_wait3A_451 = arith.constant 0 : i32
    %dma_wait3A_452 = arith.constant 0 : i32
    %dma_wait3A_453 = tpu.memref_slice %arg16[%dma_wait3A_451, %dma_wait3A_452] : memref<10000x16xf32, #tpu.memory_space<vmem_shared>> -> memref<10000x16xf32, #tpu.memory_space<vmem_shared>>
    tpu.wait_indirect_dma semaphore(%arg14 : memref<!tpu.dma_semaphore, #tpu.memory_space<semaphore_mem>>) src(%dma_wait3A_447 : memref<80x16xf32, #tpu.memory_space<vmem>>) dst(%dma_wait3A_453 : memref<10000x16xf32, #tpu.memory_space<vmem_shared>>)
    %dma_wait3A_454 = arith.constant 4 : i32
    %dma_wait3A_455 = arith.constant 1 : i32
    %dma_wait3A_456 = arith.constant 320 : i32
    %dma_wait3A_457 = arith.constant 0 : i32
    %dma_wait3A_458 = tpu.memref_slice %arg8[%dma_wait3A_456, %dma_wait3A_457] : memref<400x16xf32, #tpu.memory_space<vmem>> -> memref<80x16xf32, #tpu.memory_space<vmem>>
    %dma_wait3A_459 = arith.constant 0 : i32
    %dma_wait3A_460 = tpu.memref_slice %arg6[%dma_wait3A_454, %dma_wait3A_455, %dma_wait3A_459] : memref<5x2x80xi32, #tpu.memory_space<vmem>> -> memref<1x1x80xi32, #tpu.memory_space<vmem>>
    %dma_wait3A_461 = tpu.memref_squeeze %dma_wait3A_460 : memref<1x1x80xi32, #tpu.memory_space<vmem>> -> memref<80xi32, #tpu.memory_space<vmem>>
    %dma_wait3A_462 = arith.constant 0 : i32
    %dma_wait3A_463 = arith.constant 0 : i32
    %dma_wait3A_464 = tpu.memref_slice %arg16[%dma_wait3A_462, %dma_wait3A_463] : memref<10000x16xf32, #tpu.memory_space<vmem_shared>> -> memref<10000x16xf32, #tpu.memory_space<vmem_shared>>
    tpu.wait_indirect_dma semaphore(%arg14 : memref<!tpu.dma_semaphore, #tpu.memory_space<semaphore_mem>>) src(%dma_wait3A_458 : memref<80x16xf32, #tpu.memory_space<vmem>>) dst(%dma_wait3A_464 : memref<10000x16xf32, #tpu.memory_space<vmem_shared>>)
    %barrier3A_465 = arith.constant 0 : index
    tpu.barrier barrier_id(%barrier3A_465)
    %lt3A_466 = arith.constant 15 : i32
    %lt3A_467 = arith.cmpi slt, %arg1, %lt3A_466 : i32
    %convert_element_type3A_468 = arith.extui %lt3A_467 : i1 to i32
    %cond3A_469 = arith.constant 0 : i32
    %cond3A_470 = arith.cmpi ne, %convert_element_type3A_468, %cond3A_469 : i32
    scf.if %cond3A_470 {
      "tpu.region"() ({
        %run_scoped3A = tpu.sem_alloc : memref<!tpu.dma_semaphore, #tpu.memory_space<semaphore_mem>>
        %dma_start3A_476 = arith.constant 0 : i32
        %dma_start3A_477 = tpu.memref_slice %arg5[%arg0, %mul3A_4, %dma_start3A_476] : memref<2x10000x16xf32, #tpu.memory_space<hbm>> -> memref<1x624x16xf32, #tpu.memory_space<hbm>>
        %dma_start3A_478 = tpu.memref_squeeze %dma_start3A_477 : memref<1x624x16xf32, #tpu.memory_space<hbm>> -> memref<624x16xf32, #tpu.memory_space<hbm>>
        %dma_start3A_479 = arith.constant 0 : i32
        %dma_start3A_480 = tpu.memref_slice %arg16[%mul3A_4, %dma_start3A_479] : memref<10000x16xf32, #tpu.memory_space<vmem_shared>> -> memref<624x16xf32, #tpu.memory_space<vmem_shared>>
        tpu.enqueue_dma source(%dma_start3A_480 : memref<624x16xf32, #tpu.memory_space<vmem_shared>>) target(%dma_start3A_478 : memref<624x16xf32, #tpu.memory_space<hbm>>) target_semaphore(%run_scoped3A : memref<!tpu.dma_semaphore, #tpu.memory_space<semaphore_mem>>)
        %dma_wait3A_481 = arith.constant 0 : i32
        %dma_wait3A_482 = tpu.memref_slice %arg5[%arg0, %mul3A_4, %dma_wait3A_481] : memref<2x10000x16xf32, #tpu.memory_space<hbm>> -> memref<1x624x16xf32, #tpu.memory_space<hbm>>
        %dma_wait3A_483 = tpu.memref_squeeze %dma_wait3A_482 : memref<1x624x16xf32, #tpu.memory_space<hbm>> -> memref<624x16xf32, #tpu.memory_space<hbm>>
        %dma_wait3A_484 = arith.constant 0 : i32
        %dma_wait3A_485 = tpu.memref_slice %arg16[%mul3A_4, %dma_wait3A_484] : memref<10000x16xf32, #tpu.memory_space<vmem_shared>> -> memref<624x16xf32, #tpu.memory_space<vmem_shared>>
        tpu.wait_dma2 semaphore(%run_scoped3A : memref<!tpu.dma_semaphore, #tpu.memory_space<semaphore_mem>>) src(%dma_wait3A_485 : memref<624x16xf32, #tpu.memory_space<vmem_shared>>) dst(%dma_wait3A_483 : memref<624x16xf32, #tpu.memory_space<hbm>>)
        tpu.yield
      }) : () -> ()
    } else {
    }
    %eq3A_471 = arith.constant 15 : i32
    %eq3A_472 = arith.cmpi eq, %arg1, %eq3A_471 : i32
    %convert_element_type3A_473 = arith.extui %eq3A_472 : i1 to i32
    %cond3A_474 = arith.constant 0 : i32
    %cond3A_475 = arith.cmpi ne, %convert_element_type3A_473, %cond3A_474 : i32
    scf.if %cond3A_475 {
      "tpu.region"() ({
        %run_scoped3A = tpu.sem_alloc : memref<!tpu.dma_semaphore, #tpu.memory_space<semaphore_mem>>
        %dma_start3A_476 = arith.constant 9360 : i32
        %dma_start3A_477 = arith.constant 0 : i32
        %dma_start3A_478 = tpu.memref_slice %arg5[%arg0, %dma_start3A_476, %dma_start3A_477] : memref<2x10000x16xf32, #tpu.memory_space<hbm>> -> memref<1x640x16xf32, #tpu.memory_space<hbm>>
        %dma_start3A_479 = tpu.memref_squeeze %dma_start3A_478 : memref<1x640x16xf32, #tpu.memory_space<hbm>> -> memref<640x16xf32, #tpu.memory_space<hbm>>
        %dma_start3A_480 = arith.constant 9360 : i32
        %dma_start3A_481 = arith.constant 0 : i32
        %dma_start3A_482 = tpu.memref_slice %arg16[%dma_start3A_480, %dma_start3A_481] : memref<10000x16xf32, #tpu.memory_space<vmem_shared>> -> memref<640x16xf32, #tpu.memory_space<vmem_shared>>
        tpu.enqueue_dma source(%dma_start3A_482 : memref<640x16xf32, #tpu.memory_space<vmem_shared>>) target(%dma_start3A_479 : memref<640x16xf32, #tpu.memory_space<hbm>>) target_semaphore(%run_scoped3A : memref<!tpu.dma_semaphore, #tpu.memory_space<semaphore_mem>>)
        %dma_wait3A_483 = arith.constant 9360 : i32
        %dma_wait3A_484 = arith.constant 0 : i32
        %dma_wait3A_485 = tpu.memref_slice %arg5[%arg0, %dma_wait3A_483, %dma_wait3A_484] : memref<2x10000x16xf32, #tpu.memory_space<hbm>> -> memref<1x640x16xf32, #tpu.memory_space<hbm>>
        %dma_wait3A_486 = tpu.memref_squeeze %dma_wait3A_485 : memref<1x640x16xf32, #tpu.memory_space<hbm>> -> memref<640x16xf32, #tpu.memory_space<hbm>>
        %dma_wait3A_487 = arith.constant 9360 : i32
        %dma_wait3A_488 = arith.constant 0 : i32
        %dma_wait3A_489 = tpu.memref_slice %arg16[%dma_wait3A_487, %dma_wait3A_488] : memref<10000x16xf32, #tpu.memory_space<vmem_shared>> -> memref<640x16xf32, #tpu.memory_space<vmem_shared>>
        tpu.wait_dma2 semaphore(%run_scoped3A : memref<!tpu.dma_semaphore, #tpu.memory_space<semaphore_mem>>) src(%dma_wait3A_489 : memref<640x16xf32, #tpu.memory_space<vmem_shared>>) dst(%dma_wait3A_486 : memref<640x16xf32, #tpu.memory_space<hbm>>)
        tpu.yield
      }) : () -> ()
    } else {
    }
    return
  }
}

module attributes {stable_mosaic.version = 14 : i64} {
  func.func @body(%arg0: memref<10000x128xf32, #tpu.memory_space<vmem>>, %arg1: memref<128x64xf32, #tpu.memory_space<vmem>>, %arg2: memref<64xf32, #tpu.memory_space<vmem>>, %arg3: memref<128x64xf32, #tpu.memory_space<vmem>>, %arg4: memref<10000x64xf32, #tpu.memory_space<vmem>>, %arg5: memref<10000x64xf32, #tpu.memory_space<vmem>>) attributes {dimension_semantics = [], scalar_prefetch = 0 : i64, scratch_operands = 0 : i64, tpu.core_type = #tpu.core_type<tc>} {
    %get3A = arith.constant 0 : index
    %get3A_0 = arith.constant 0 : index
    %get3A_1 = vector.load %arg0[%get3A, %get3A_0] : memref<10000x128xf32, #tpu.memory_space<vmem>>, vector<10000x128xf32>
    %get3A_2 = arith.constant 0 : index
    %get3A_3 = arith.constant 0 : index
    %get3A_4 = vector.load %arg1[%get3A_2, %get3A_3] : memref<128x64xf32, #tpu.memory_space<vmem>>, vector<128x64xf32>
    %dot_general3A = arith.constant dense<0.000000e+00> : vector<10000x64xf32>
    %dot_general3A_5 = tpu.matmul %get3A_1, %get3A_4, %dot_general3A {dimension_numbers = #tpu.dot_dimension_numbers<[1], [0], [0], [1], [0, 0, 1, 1], [], []>, transpose_lhs_hint = false} : vector<10000x128xf32>, vector<128x64xf32>, vector<10000x64xf32> -> vector<10000x64xf32>
    %swap3A = arith.constant 0 : index
    %swap3A_6 = arith.constant 0 : index
    %swap3A_7 = vector.load %arg4[%swap3A, %swap3A_6] : memref<10000x64xf32, #tpu.memory_space<vmem>>, vector<10000x64xf32>
    tpu.vector_store %arg4[%swap3A, %swap3A_6], %dot_general3A_5 {strides = array<i32>} : memref<10000x64xf32, #tpu.memory_space<vmem>>, vector<10000x64xf32>,
    %get3A_8 = arith.constant 0 : index
    %get3A_9 = arith.constant 0 : index
    %get3A_10 = vector.load %arg3[%get3A_8, %get3A_9] : memref<128x64xf32, #tpu.memory_space<vmem>>, vector<128x64xf32>
    %dot_general3A_11 = arith.constant dense<0.000000e+00> : vector<10000x64xf32>
    %dot_general3A_12 = tpu.matmul %get3A_1, %get3A_10, %dot_general3A_11 {dimension_numbers = #tpu.dot_dimension_numbers<[1], [0], [0], [1], [0, 0, 1, 1], [], []>, transpose_lhs_hint = false} : vector<10000x128xf32>, vector<128x64xf32>, vector<10000x64xf32> -> vector<10000x64xf32>
    %get3A_13 = arith.constant 0 : index
    %get3A_14 = vector.load %arg2[%get3A_13] : memref<64xf32, #tpu.memory_space<vmem>>, vector<64xf32>
    %broadcast_in_dim3A = vector.shape_cast %get3A_14 : vector<64xf32> to vector<1x64xf32>
    %add3A = vector.broadcast %broadcast_in_dim3A : vector<1x64xf32> to vector<10000x64xf32>
    %add3A_15 = arith.addf %dot_general3A_12, %add3A : vector<10000x64xf32>
    %swap3A_16 = arith.constant 0 : index
    %swap3A_17 = arith.constant 0 : index
    %swap3A_18 = vector.load %arg5[%swap3A_16, %swap3A_17] : memref<10000x64xf32, #tpu.memory_space<vmem>>, vector<10000x64xf32>
    tpu.vector_store %arg5[%swap3A_16, %swap3A_17], %add3A_15 {strides = array<i32>} : memref<10000x64xf32, #tpu.memory_space<vmem>>, vector<10000x64xf32>,
    return
  }
}

module attributes {stable_mosaic.version = 14 : i64} {
  func.func @body(%arg0: memref<2x10000x64xf32, #tpu.memory_space<vmem>>, %arg1: memref<10000x1xf32, #tpu.memory_space<vmem>>, %arg2: memref<10000x1xf32, #tpu.memory_space<vmem>>, %arg3: memref<10000x64xf32, #tpu.memory_space<vmem>>, %arg4: memref<64xf32, #tpu.memory_space<vmem>>, %arg5: memref<64xf32, #tpu.memory_space<vmem>>, %arg6: memref<64x16xf32, #tpu.memory_space<vmem>>, %arg7: memref<16xf32, #tpu.memory_space<vmem>>, %arg8: memref<64x16xf32, #tpu.memory_space<vmem>>, %arg9: memref<10000x16xf32, #tpu.memory_space<vmem>>, %arg10: memref<10000x16xf32, #tpu.memory_space<vmem>>) attributes {dimension_semantics = [], scalar_prefetch = 0 : i64, scratch_operands = 0 : i64, tpu.core_type = #tpu.core_type<tc>} {
    %get3A = arith.constant 0 : index
    %get3A_0 = arith.constant 0 : index
    %get3A_1 = arith.constant 0 : index
    %get3A_2 = vector.load %arg0[%get3A, %get3A_0, %get3A_1] : memref<2x10000x64xf32, #tpu.memory_space<vmem>>, vector<1x10000x64xf32>
    %get3A_3 = vector.shape_cast %get3A_2 : vector<1x10000x64xf32> to vector<10000x64xf32>
    %get3A_4 = arith.constant 1 : index
    %get3A_5 = arith.constant 0 : index
    %get3A_6 = arith.constant 0 : index
    %get3A_7 = vector.load %arg0[%get3A_4, %get3A_5, %get3A_6] : memref<2x10000x64xf32, #tpu.memory_space<vmem>>, vector<1x10000x64xf32>
    %get3A_8 = vector.shape_cast %get3A_7 : vector<1x10000x64xf32> to vector<10000x64xf32>
    %add3A = arith.addf %get3A_3, %get3A_8 : vector<10000x64xf32>
    %get3A_9 = arith.constant 0 : index
    %get3A_10 = arith.constant 0 : index
    %get3A_11 = vector.load %arg1[%get3A_9, %get3A_10] : memref<10000x1xf32, #tpu.memory_space<vmem>>, vector<10000x1xf32>
    %get3A_12 = arith.constant 0 : index
    %get3A_13 = arith.constant 0 : index
    %get3A_14 = vector.load %arg2[%get3A_12, %get3A_13] : memref<10000x1xf32, #tpu.memory_space<vmem>>, vector<10000x1xf32>
    %add3A_15 = arith.addf %get3A_11, %get3A_14 : vector<10000x1xf32>
    %max3A = arith.constant 1.000000e+00 : f32
    %max3A_16 = vector.broadcast %max3A : f32 to vector<10000x1xf32>
    %max3A_17 = arith.maximumf %add3A_15, %max3A_16 : vector<10000x1xf32>
    %div3A = vector.broadcast %max3A_17 : vector<10000x1xf32> to vector<10000x64xf32>
    %div3A_18 = arith.divf %add3A, %div3A : vector<10000x64xf32>
    %get3A_19 = arith.constant 0 : index
    %get3A_20 = arith.constant 0 : index
    %get3A_21 = vector.load %arg3[%get3A_19, %get3A_20] : memref<10000x64xf32, #tpu.memory_space<vmem>>, vector<10000x64xf32>
    %add3A_22 = arith.addf %div3A_18, %get3A_21 : vector<10000x64xf32>
    %reduce_sum3A = arith.constant dense<0.000000e+00> : vector<64xf32>
    %reduce_sum3A_23 = vector.multi_reduction <add>, %add3A_22, %reduce_sum3A [0] : vector<10000x64xf32> to vector<64xf32>
    %div3A_24 = arith.constant 1.000000e+04 : f32
    %div3A_25 = vector.broadcast %div3A_24 : f32 to vector<64xf32>
    %div3A_26 = arith.divf %reduce_sum3A_23, %div3A_25 : vector<64xf32>
    %broadcast_in_dim3A = vector.shape_cast %div3A_26 : vector<64xf32> to vector<1x64xf32>
    %sub3A = vector.broadcast %broadcast_in_dim3A : vector<1x64xf32> to vector<10000x64xf32>
    %sub3A_27 = arith.subf %add3A_22, %sub3A : vector<10000x64xf32>
    %integer_pow3A = arith.mulf %sub3A_27, %sub3A_27 : vector<10000x64xf32>
    %reduce_sum3A_28 = arith.constant dense<0.000000e+00> : vector<64xf32>
    %reduce_sum3A_29 = vector.multi_reduction <add>, %integer_pow3A, %reduce_sum3A_28 [0] : vector<10000x64xf32> to vector<64xf32>
    %div3A_30 = arith.constant 1.000000e+04 : f32
    %div3A_31 = vector.broadcast %div3A_30 : f32 to vector<64xf32>
    %div3A_32 = arith.divf %reduce_sum3A_29, %div3A_31 : vector<64xf32>
    %broadcast_in_dim3A_33 = vector.shape_cast %div3A_26 : vector<64xf32> to vector<1x64xf32>
    %sub3A_34 = vector.broadcast %broadcast_in_dim3A_33 : vector<1x64xf32> to vector<10000x64xf32>
    %sub3A_35 = arith.subf %add3A_22, %sub3A_34 : vector<10000x64xf32>
    %add3A_36 = arith.constant 9.99999974E-6 : f32
    %add3A_37 = vector.broadcast %add3A_36 : f32 to vector<64xf32>
    %add3A_38 = arith.addf %div3A_32, %add3A_37 : vector<64xf32>
    %rsqrt3A = math.rsqrt %add3A_38 : vector<64xf32>
    %broadcast_in_dim3A_39 = vector.shape_cast %rsqrt3A : vector<64xf32> to vector<1x64xf32>
    %mul3A = vector.broadcast %broadcast_in_dim3A_39 : vector<1x64xf32> to vector<10000x64xf32>
    %mul3A_40 = arith.mulf %sub3A_35, %mul3A : vector<10000x64xf32>
    %get3A_41 = arith.constant 0 : index
    %get3A_42 = vector.load %arg4[%get3A_41] : memref<64xf32, #tpu.memory_space<vmem>>, vector<64xf32>
    %broadcast_in_dim3A_43 = vector.shape_cast %get3A_42 : vector<64xf32> to vector<1x64xf32>
    %mul3A_44 = vector.broadcast %broadcast_in_dim3A_43 : vector<1x64xf32> to vector<10000x64xf32>
    %mul3A_45 = arith.mulf %mul3A_40, %mul3A_44 : vector<10000x64xf32>
    %get3A_46 = arith.constant 0 : index
    %get3A_47 = vector.load %arg5[%get3A_46] : memref<64xf32, #tpu.memory_space<vmem>>, vector<64xf32>
    %broadcast_in_dim3A_48 = vector.shape_cast %get3A_47 : vector<64xf32> to vector<1x64xf32>
    %add3A_49 = vector.broadcast %broadcast_in_dim3A_48 : vector<1x64xf32> to vector<10000x64xf32>
    %add3A_50 = arith.addf %mul3A_45, %add3A_49 : vector<10000x64xf32>
    %max3A_51 = arith.constant 0.000000e+00 : f32
    %max3A_52 = vector.broadcast %max3A_51 : f32 to vector<10000x64xf32>
    %max3A_53 = arith.maximumf %add3A_50, %max3A_52 : vector<10000x64xf32>
    %get3A_54 = arith.constant 0 : index
    %get3A_55 = arith.constant 0 : index
    %get3A_56 = vector.load %arg6[%get3A_54, %get3A_55] : memref<64x16xf32, #tpu.memory_space<vmem>>, vector<64x16xf32>
    %dot_general3A = arith.constant dense<0.000000e+00> : vector<10000x16xf32>
    %dot_general3A_57 = tpu.matmul %max3A_53, %get3A_56, %dot_general3A {dimension_numbers = #tpu.dot_dimension_numbers<[1], [0], [0], [1], [0, 0, 1, 1], [], []>, transpose_lhs_hint = false} : vector<10000x64xf32>, vector<64x16xf32>, vector<10000x16xf32> -> vector<10000x16xf32>
    %swap3A = arith.constant 0 : index
    %swap3A_58 = arith.constant 0 : index
    %swap3A_59 = vector.load %arg9[%swap3A, %swap3A_58] : memref<10000x16xf32, #tpu.memory_space<vmem>>, vector<10000x16xf32>
    tpu.vector_store %arg9[%swap3A, %swap3A_58], %dot_general3A_57 {strides = array<i32>} : memref<10000x16xf32, #tpu.memory_space<vmem>>, vector<10000x16xf32>,
    %get3A_60 = arith.constant 0 : index
    %get3A_61 = arith.constant 0 : index
    %get3A_62 = vector.load %arg8[%get3A_60, %get3A_61] : memref<64x16xf32, #tpu.memory_space<vmem>>, vector<64x16xf32>
    %dot_general3A_63 = arith.constant dense<0.000000e+00> : vector<10000x16xf32>
    %dot_general3A_64 = tpu.matmul %max3A_53, %get3A_62, %dot_general3A_63 {dimension_numbers = #tpu.dot_dimension_numbers<[1], [0], [0], [1], [0, 0, 1, 1], [], []>, transpose_lhs_hint = false} : vector<10000x64xf32>, vector<64x16xf32>, vector<10000x16xf32> -> vector<10000x16xf32>
    %get3A_65 = arith.constant 0 : index
    %get3A_66 = vector.load %arg7[%get3A_65] : memref<16xf32, #tpu.memory_space<vmem>>, vector<16xf32>
    %broadcast_in_dim3A_67 = vector.shape_cast %get3A_66 : vector<16xf32> to vector<1x16xf32>
    %add3A_68 = vector.broadcast %broadcast_in_dim3A_67 : vector<1x16xf32> to vector<10000x16xf32>
    %add3A_69 = arith.addf %dot_general3A_64, %add3A_68 : vector<10000x16xf32>
    %swap3A_70 = arith.constant 0 : index
    %swap3A_71 = arith.constant 0 : index
    %swap3A_72 = vector.load %arg10[%swap3A_70, %swap3A_71] : memref<10000x16xf32, #tpu.memory_space<vmem>>, vector<10000x16xf32>
    tpu.vector_store %arg10[%swap3A_70, %swap3A_71], %add3A_69 {strides = array<i32>} : memref<10000x16xf32, #tpu.memory_space<vmem>>, vector<10000x16xf32>,
    return
  }
}

module attributes {stable_mosaic.version = 14 : i64} {
  func.func @body(%arg0: memref<2x10000x16xf32, #tpu.memory_space<vmem>>, %arg1: memref<10000x1xf32, #tpu.memory_space<vmem>>, %arg2: memref<10000x1xf32, #tpu.memory_space<vmem>>, %arg3: memref<10000x16xf32, #tpu.memory_space<vmem>>, %arg4: memref<10000x16xf32, #tpu.memory_space<vmem>>) attributes {dimension_semantics = [], scalar_prefetch = 0 : i64, scratch_operands = 0 : i64, tpu.core_type = #tpu.core_type<tc>} {
    %get3A = arith.constant 0 : index
    %get3A_0 = arith.constant 0 : index
    %get3A_1 = arith.constant 0 : index
    %get3A_2 = vector.load %arg0[%get3A, %get3A_0, %get3A_1] : memref<2x10000x16xf32, #tpu.memory_space<vmem>>, vector<1x10000x16xf32>
    %get3A_3 = vector.shape_cast %get3A_2 : vector<1x10000x16xf32> to vector<10000x16xf32>
    %get3A_4 = arith.constant 1 : index
    %get3A_5 = arith.constant 0 : index
    %get3A_6 = arith.constant 0 : index
    %get3A_7 = vector.load %arg0[%get3A_4, %get3A_5, %get3A_6] : memref<2x10000x16xf32, #tpu.memory_space<vmem>>, vector<1x10000x16xf32>
    %get3A_8 = vector.shape_cast %get3A_7 : vector<1x10000x16xf32> to vector<10000x16xf32>
    %add3A = arith.addf %get3A_3, %get3A_8 : vector<10000x16xf32>
    %get3A_9 = arith.constant 0 : index
    %get3A_10 = arith.constant 0 : index
    %get3A_11 = vector.load %arg1[%get3A_9, %get3A_10] : memref<10000x1xf32, #tpu.memory_space<vmem>>, vector<10000x1xf32>
    %get3A_12 = arith.constant 0 : index
    %get3A_13 = arith.constant 0 : index
    %get3A_14 = vector.load %arg2[%get3A_12, %get3A_13] : memref<10000x1xf32, #tpu.memory_space<vmem>>, vector<10000x1xf32>
    %add3A_15 = arith.addf %get3A_11, %get3A_14 : vector<10000x1xf32>
    %max3A = arith.constant 1.000000e+00 : f32
    %max3A_16 = vector.broadcast %max3A : f32 to vector<10000x1xf32>
    %max3A_17 = arith.maximumf %add3A_15, %max3A_16 : vector<10000x1xf32>
    %div3A = vector.broadcast %max3A_17 : vector<10000x1xf32> to vector<10000x16xf32>
    %div3A_18 = arith.divf %add3A, %div3A : vector<10000x16xf32>
    %get3A_19 = arith.constant 0 : index
    %get3A_20 = arith.constant 0 : index
    %get3A_21 = vector.load %arg3[%get3A_19, %get3A_20] : memref<10000x16xf32, #tpu.memory_space<vmem>>, vector<10000x16xf32>
    %add3A_22 = arith.addf %div3A_18, %get3A_21 : vector<10000x16xf32>
    %swap3A = arith.constant 0 : index
    %swap3A_23 = arith.constant 0 : index
    %swap3A_24 = vector.load %arg4[%swap3A, %swap3A_23] : memref<10000x16xf32, #tpu.memory_space<vmem>>, vector<10000x16xf32>
    tpu.vector_store %arg4[%swap3A, %swap3A_23], %add3A_22 {strides = array<i32>} : memref<10000x16xf32, #tpu.memory_space<vmem>>, vector<10000x16xf32>,
    return
  }
}

</mosaic_0001>

<sc_bundles>
// kernel: kernel.10.cloned.1.call-start
scs
__scs_entry_jumppad:
0x0: {  	(pc) =	sbr.rel $0x88, $3  }
0x1: {  	(tag) =	ssettag $0x0;
	lr =	simm.s32 $0x1  }
0x2: {  	[smem:$0x3F97] =	sst lr;
	_ =	strace $0xD0000000  }
0x3: {  	_ = 	snop  }
0x4: {  	_ = 	snop  }
0x5: {  	_ = 	snop  }
0x6: {  	_ = 	snop  }
0x7: {  	_ = 	snop  }
__scs_overlays_trampoline_lowered:
0x8: {  	[smem:$0x3FA6] =	sst s0  }
0x9: {  	[smem:$0x3FA7] =	sst s1  }
0xa: {  	[smem:$0x3FA8] =	sst s2  }
0xb: {  	[smem:$0x3FA9] =	sst s3  }
0xc: {  	[smem:$0x3FAA] =	sst s4  }
0xd: {  	[smem:$0x3FAB] =	sst s5  }
0xe: {  	[smem:$0x3FAC] =	sst s6  }
0xf: {  	[smem:$0x3FAD] =	sst s7  }
0x10: {  	[smem:$0x3FAE] =	sst s8  }
0x11: {  	[smem:$0x3FAF] =	sst s9;
	s0 =	simm.s32 @!p0 $0x0  }
0x12: {  	s1 =	sld [smem:$0x3F95];
	s0 =	simm.s32 @p0 $0x1  }
0x13: {  	[smem:$0x3FB0] =	sst s0;
	s0 =	simm.s32 @!p1 $0x0  }
0x14: {  	s2 =	sld [smem:$0x3F94];
	s0 =	simm.s32 @p1 $0x1  }
0x15: {  	[smem:$0x3FB1] =	sst s0;
	s0 =	simm.s32 @!p2 $0x0  }
0x16: {  	s3 =	sld [smem:$0x3FDB];
	s0 =	simm.s32 @p2 $0x1  }
0x17: {  	s4 =	simm.s32 $0x1BF5;
	[smem:$0x3FB3] =	sst s0  }
0x18: {  	s0 =	sld [smem:$0x3F96];
	_ =	swait.ge [sflag:s4], $0x0  }
0x19: {  	s7 =	sld [smem:$0x3F97]  }
0x1a: {  	s8 =	sadd.s32 $0xFFFFE003, lr  }
0x1b: {  	s9 =	sadd.s32 $0xFFFFFEF7, lr;
	s5 =	simm.s32 $0xFFFFFFFF;
	p2 =	slt.u32 s8, $0xFFFFF086  }
0x1c: {  	p1 =	slt.u32 s9, $0xF7A;
	s5 =	simm.s32 @!p2 $0x0  }
0x1d: {  	s5 =	simm.s32 @p1 $0x1;
	p0 =	seq.s32 s7, s2  }
0x1e: {  	s7 =	smul.u32 @!p0 $0xF7A, s2;
	p2 =	seq.s32 @!p0 s5, $0x0  }
0x1f: {  	s9 =	smul.u32 $0xF7A, s1;
	s8 =	simm.s32 @!p0 $0x1BF5;
	p2 =	por !p2, p0  }
0x20: {  	[sflag:s8] =	ssyncset.s32 @!p0 $0xFFFFF086;
	s6 =	sadd.s32 @!p0 s3, s7;
	s7 =	simm.s32 @!p0 $0x108  }
0x21: {  	s3 =	sadd.s32 s3, s9;
	s6 =	sadd.s32 @!p0 $0x88, s6;
	s7 =	simm.s32 @p2 $0x1082  }
0x22: {  	[simem:s7], [sflag:s8] =	dma.local @!p0 [hbm:s6], $0xF7A  }
0x23: {  	s9 =	sor.u32 $0xD0000000, s2;
	s6 =	simm.s32 $0x108;
	_ =	swait.ge @!p0 [sflag:s8], $0x0  }
0x24: {  	s3 =	sadd.s32 $0x88, s3;
	s6 =	simm.s32 @!p1 $0x1082;
	[sflag:s4] =	ssyncset.s32 $0xFFFFF086  }
0x25: {  	[simem:s6], [sflag:s4] =	dma.local [hbm:s3], $0xF7A  }
0x26: {  	[smem:$0x3F97] =	sst s1;
	(tag) =	ssettag s2;
	_ =	strace s9  }
0x27: {  	s1 =	sld [smem:$0x3FA7]  }
0x28: {  	s2 =	sld [smem:$0x3FA8]  }
0x29: {  	s4 =	sld [smem:$0x3FAA]  }
0x2a: {  	p0 =	seq.s32 s5, $0x0;
	s5 =	sld [smem:$0x3FAB]  }
0x2b: {  	s6 =	sld [smem:$0x3FAC]  }
0x2c: {  	s7 =	sld [smem:$0x3FAD]  }
0x2d: {  	s3 =	simm.s32 $0x108;
	s8 =	sld [smem:$0x3FAE]  }
0x2e: {  	s3 =	simm.s32 @!p0 $0x1082;
	s9 =	sld [smem:$0x3FAF]  }
0x2f: {  	lr =	sadd.s32 s0, s3;
	s0 =	sld [smem:$0x3FA6]  }
0x30: {  	s3 =	sld [smem:$0x3FA9]  }
0x31: {  	[smem:$0x3FB2] =	sst s10  }
0x32: {  	s10 =	sld [smem:$0x3FB0];
	_ =	sdelay $0x3  }
0x33: {  	p0 =	seq.s32 s10, $0x1;
	s10 =	sld [smem:$0x3FB2];
	_ =	sdelay $0x3  }
0x34: {  	[smem:$0x3FB2] =	sst s10  }
0x35: {  	s10 =	sld [smem:$0x3FB1];
	_ =	sdelay $0x3  }
0x36: {  	p1 =	seq.s32 s10, $0x1;
	s10 =	sld [smem:$0x3FB2];
	_ =	sdelay $0x3  }
0x37: {  	[smem:$0x3FB2] =	sst s10  }
0x38: {  	s10 =	sld [smem:$0x3FB3]  }
0x39: {  	_ = 	snop;
	(pc) =	sbr.ind lr, $3  }
0x3a: {  	_ = 	snop  }
0x3b: {  	_ = 	snop  }
0x3c: {  	p2 =	seq.s32 s10, $0x1;
	s10 =	sld [smem:$0x3FB2]  }
0x3d: {  	_ =	shalt  }
0x3e: {  	_ =	shalt  }
0x3f: {  	_ =	shalt  }
0x40: {  	_ =	shalt  }
0x41: {  	_ =	shalt  }
0x42: {  	_ =	shalt  }
0x43: {  	_ =	shalt  }
0x44: {  	_ =	shalt  }
0x45: {  	_ =	shalt  }
0x46: {  	_ =	shalt  }
0x47: {  	_ =	shalt  }
0x48: {  	_ =	shalt  }
0x49: {  	_ =	shalt  }
0x4a: {  	_ =	shalt  }
0x4b: {  	_ =	shalt  }
0x4c: {  	_ =	shalt  }
0x4d: {  	_ =	shalt  }
0x4e: {  	_ =	shalt  }
0x4f: {  	_ =	shalt  }
0x50: {  	_ =	shalt  }
0x51: {  	_ =	shalt  }
0x52: {  	_ =	shalt  }
0x53: {  	_ =	shalt  }
0x54: {  	_ =	shalt  }
0x55: {  	_ =	shalt  }
0x56: {  	_ =	shalt  }
0x57: {  	_ =	shalt  }
0x58: {  	_ =	shalt  }
0x59: {  	_ =	shalt  }
0x5a: {  	_ =	shalt  }
0x5b: {  	_ =	shalt  }
0x5c: {  	_ =	shalt  }
0x5d: {  	_ =	shalt  }
0x5e: {  	_ =	shalt  }
0x5f: {  	_ =	shalt  }
0x60: {  	_ =	shalt  }
0x61: {  	_ =	shalt  }
0x62: {  	_ =	shalt  }
0x63: {  	_ =	shalt  }
0x64: {  	_ =	shalt  }
0x65: {  	_ =	shalt  }
0x66: {  	_ =	shalt  }
0x67: {  	_ =	shalt  }
0x68: {  	_ =	shalt  }
0x69: {  	_ =	shalt  }
0x6a: {  	_ =	shalt  }
0x6b: {  	_ =	shalt  }
0x6c: {  	_ =	shalt  }
0x6d: {  	_ =	shalt  }
0x6e: {  	_ =	shalt  }
0x6f: {  	_ =	shalt  }
0x70: {  	_ =	shalt  }
0x71: {  	_ =	shalt  }
0x72: {  	_ =	shalt  }
0x73: {  	_ =	shalt  }
0x74: {  	_ =	shalt  }
0x75: {  	_ =	shalt  }
0x76: {  	_ =	shalt  }
0x77: {  	_ =	shalt  }
0x78: {  	_ =	shalt  }
0x79: {  	_ =	shalt  }
0x7a: {  	_ =	shalt  }
0x7b: {  	_ =	shalt  }
0x7c: {  	_ =	shalt  }
0x7d: {  	_ =	shalt  }
0x7e: {  	_ =	shalt  }
0x7f: {  	_ =	shalt  }
0x80: {  	_ =	shalt  }
0x81: {  	_ =	shalt  }
0x82: {  	_ =	shalt  }
0x83: {  	_ =	shalt  }
0x84: {  	_ =	shalt  }
0x85: {  	_ =	shalt  }
0x86: {  	_ =	shalt  }
0x87: {  	_ =	shalt  }
.Lfunc_end0:
.L_simem_size_0:
called_computation.1_lowered:
.L_overlay_start_0:
0x88: {  	s2 =	sld [smem:$0x3FD9]  }
0x89: {  	s3 =	sld [smem:$0x3FFE];
	_ =	sdelay $0x1  }
0x8a: {  	s1 =	srdreg.scid  }
0x8b: {  	s0 =	sand.u32 $0x1, s1  }
0x8c: {  	s17 =	sshll.u32 s0, $0xA;
	s2 =	sadd.s32 s3, s2  }
0x8d: {  	s2 =	sadd.s32 s2, s17  }
0x8e: {  	[smem:$0x3FBE] =	sst s2  }
0x8f: {  	_ = 	snop  }
0x90: {  	s2 =	sld [smem:$0x3FD0];
	(tm) =	ssettm $0x1  }
0x91: {  	s18 =	sld [smem:$0x3FFB];
	_ =	sdelay $0x3  }
0x92: {  	_ =	strace s18  }
0x93: {  	s3 =	sld [smem:$0x3FFC];
	_ =	sdelay $0x3  }
0x94: {  	_ =	strace s3  }
0x95: {  	s3 =	sld [smem:$0x3FFD];
	_ =	sdelay $0x3  }
0x96: {  	_ =	strace s3  }
0x97: {  	_ =	strace $0x8FFFFFFF  }
0x98: {  	s19 =	sld [smem:$0x3FDB];
	_ =	sdelay $0x1  }
0x99: {  	s4 =	simm.s32 $_scs_section_size  }
0x9a: {  	s5 =	simm.s32 $_size__tile_overlayer_lowered;
	s6 =	simm.s32 $_tile_overlayer_lowered  }
0x9b: {  	s22 =	simm.s32 $0x1BFF;
	s21 =	sshll.u32 s6, $0x1;
	s3 =	sadd.s32 s4, s19  }
0x9c: {  	s7 =	simm.s32 $0x0;
	s20 =	sshll.u32 s5, $0x1;
	s5 =	sadd.s32 s21, s3  }
0x9d: {  	[timem:s7], [sflag:s22] =	dma.local [hbm:s5], s20  }
0x9e: {  	_ =	swait.ge [sflag:s22], s20  }
0x9f: {  	s4 =	ssub.s32 $0x0, s20;
	[sflag:s22] =	ssyncset.done $0x0  }
0xa0: {  	[sflag:s22] =	ssyncadd.s32 s4;
	_ =	sdelay $0x1  }
0xa1: {  	s23 =	simm.s32 $0x1B8B  }
0xa2: {  	_ =	swait.ge [sflag:s23], $0x1  }
0xa3: {  	[sflag:s23] =	ssyncset.done $0x0  }
0xa4: {  	s25 =	simm.s32 $0x1B8E;
	s24 =	sld [smem:$0x3FFE];
	[sflag:s23] =	ssyncadd.s32 $0xFFFFFFFF  }
0xa5: {  	s26 =	simm.s32 $execute0_lowered;
	[smem:$0x3FD2] =	sst s25  }
0xa6: {  	s5 =	sshll.u32 s26, $0x1;
	_ =	strace $0x80000049;
	[dreg:$0x1] =	wrdreg $0xFFFFFFFF  }
0xa7: {  	s28 =	simm.s32 $_size_execute0_lowered;
	s3 =	sadd.s32 s3, s5;
	[dreg:$0x0] =	wrdreg $0x0  }
0xa8: {  	s5 =	sshll.u32 s28, $0x1;
	[dreg:$0x2] =	wrdreg s3  }
0xa9: {  	[dreg:$0x3] =	wrdreg s5  }
0xaa: {  	[dreg:$0x4] =	wrdreg $0xC0  }
0xab: {  	_ =	task [dreg:s7], $0x5FFFF  }
0xac: {  	[dreg:$0x1] =	wrdreg $0xFFFFFFFF  }
0xad: {  	[dreg:$0x0] =	wrdreg $0x60  }
0xae: {  	[dreg:$0x2] =	wrdreg s2  }
0xaf: {  	[dreg:$0x3] =	wrdreg s24  }
0xb0: {  	[dreg:$0x4] =	wrdreg $0x38400  }
0xb1: {  	[dreg:$0x5] =	wrdreg $0x9  }
0xb2: {  	_ =	task.clear_ibuf [dreg:s7], $0x6FFFF;
	_ =	strace $0x90000049  }
0xb3: {  	s29 =	simm.s32 $0x9;
	_ =	strace $0x8000004B  }
0xb4: {  	_ =	swait.ge [sflag:s29], $0x1  }
0xb5: {  	[sflag:s29] =	ssyncadd.s32 $0xFFFFFFFF  }
0xb6: {  	_ =	strace $0x9000004B  }
0xb7: {  	_ =	sfence  }
0xb8: {  	s30 =	sld [smem:$0x0];
	_ =	sdelay $0x2  }
0xb9: {  	s31 =	sshll.u32 s1, $0xD;
	s1 =	sshrl.u32 s1, $0x2  }
0xba: {  	s3 =	sand.u32 $0x4000, s31;
	s1 =	sadd.s32 s1, s30  }
0xbb: {  	s0 =	sor.u32 s3, s0;
	s1 =	sshll.u32 s1, $0x11  }
0xbc: {  	s0 =	sor.u32 s1, s0  }
0xbd: {  	s0 =	sadd.s32 $0x8F2B, s0  }
0xbe: {  	[sflag:s0] =	ssyncadd.remote.s32 $0x1  }
0xbf: {  	_ =	sfence.sel $0xFFFF  }
0xc0: {  	[dreg:$0x0] =	wrdreg $0xFFFFFFFF;
	(pc) =	sbr.abs _section_cstart, $3  }
0xc1: {  	[dreg:$0x1] =	wrdreg $0xFFFFFFFF  }
0xc2: {  	_ =	task.clear_ibuf [dreg:s7], $0x2FFFF;
	_ =	strace $0x9FFFFFFF  }
0xc3: {  	(tm) =	ssettm $0x7FFFFFFF  }
tec
execute0_lowered:
.L_overlay_start_1:
0x0: {  	(tag) =	ssettag $0x1  }
0x1: {  	s1 =	rddreg [dreg:$0x0]  }
0x2: {  	s0 =	rddreg [dreg:$0x1]  }
0x3: {  	s3 =	rddreg [dreg:$0x2];
	s2 =	simm.s32 $0x0  }
0x4: {  	s10 =	stileid.u32;
	s4 =	srdreg.scid;
	s29 =	simm.s32 $0x320  }
0x5: {  	s30 =	simm.s32 $0x3C0;
	s31 =	simm.s32 $0x5A0;
	[smem:$0x7FF] =	sst s2  }
0x6: {  	s16 =	smul.u32 $0x2700, s10;
	s11 =	sadd.s32 $0x3D200, s0;
	s4 =	sand.u32 $0x1, s4  }
0x7: {  	s6 =	sshll.u32 s10, $0x1;
	s8 =	sadd.s32 $0x7600, s0;
	s18 =	sadd.s32 $0x24900, s3  }
0x8: {  	s21 =	smul.u32 $0x4E20, s10;
	p0 =	seq.s32 s10, $0xF;
	s10 =	simm.s32 $0x3  }
0x9: {  	_ =	strace $0x8000004A;
	s7 =	ssub.s32 $0x2, s4;
	s20 =	smul.u32 $0x27100, s4  }
0xa: {  	s6 =	sor.u32 s4, s6;
	[dreg:$0x7] =	wrdreg s18;
	s4 =	smul.u32 $0x2710, s4  }
0xb: {  	[dreg:$0x4] =	wrdreg s11;
	s5 =	sshrl.u32 s16, $0x3;
	s9 =	sshrl.u32 s7, $0x1  }
0xc: {  	s6 =	smul.u32 $0x2710, s6;
	s17 =	sadd.s32 s16, s3;
	s5 =	sadd.s32 s5, s0  }
0xd: {  	s7 =	ssub.s32 s7, s9;
	[dreg:$0x5] =	wrdreg s17;
	s0 =	sadd.s32 $0x6F20, s0  }
0xe: {  	s2 =	sadd.s32 s16, s20;
	s23 =	sshrl.u32 s20, $0x3;
	s5 =	sadd.s32 $0x2600, s5  }
0xf: {  	s19 =	sshrl.u32 s6, $0x3;
	[dreg:$0x8] =	wrdreg s0;
	s2 =	sshrl.u32 s2, $0x3  }
0x10: {  	s24 =	sadd.s32 s8, s23;
	s0 =	sadd.s32 s4, s21;
	s25 =	smax.u32 s7, $0x1  }
0x11: {  	[dreg:$0x6] =	wrdreg s5;
	s9 =	sadd.s32 s11, s19;
	s2 =	sadd.s32 s8, s2  }
0x12: {  	[dreg:$0xe] =	wrdreg s25;
	s26 =	sadd.s32 $0x4B0, s0;
	s4 =	sadd.s32 $0x5F0, s0  }
0x13: {  	s28 =	sadd.s32 $0x5A0, s0;
	s8 =	sadd.s32 $0x550, s0;
	s12 =	sadd.s32 $0x500, s0  }
0x14: {  	s13 =	sadd.s32 $0x460, s0;
	s16 =	sadd.s32 $0x320, s0;
	[dreg:$0xc] =	wrdreg s2  }
0x15: {  	s18 =	sadd.s32 $0x410, s0;
	s19 =	sadd.s32 $0x3C0, s0;
	[dreg:$0x14] =	wrdreg s16  }
0x16: {  	s0 =	sadd.s32 $0x370, s0;
	s5 =	sadd.s32 $0xA, s9;
	[dreg:$0x9] =	wrdreg s9  }
0x17: {  	s22 =	sadd.s32 $0x14, s9;
	s2 =	sadd.s32 $0x4920, s24;
	[dreg:$0xa] =	wrdreg s5  }
0x18: {  	s4 =	sshrl.u32 s4, $0x3;
	s6 =	sshrl.u32 s28, $0x3;
	[dreg:$0xb] =	wrdreg s22  }
0x19: {  	s14 =	sshrl.u32 s12, $0x3;
	s21 =	sadd.s32 $0x1E, s9;
	[dreg:$0xd] =	wrdreg s2  }
0x1a: {  	s15 =	sshrl.u32 s13, $0x3;
	s23 =	sadd.s32 $0x32, s9;
	[dreg:$0x19] =	wrdreg s21  }
0x1b: {  	s0 =	sshrl.u32 s0, $0x3;
	s24 =	sadd.s32 $0x3C, s9;
	[dreg:$0x1b] =	wrdreg s23  }
0x1c: {  	s25 =	sadd.s32 $0x46, s9;
	s28 =	sadd.s32 $0x5A, s9;
	[dreg:$0x1c] =	wrdreg s24  }
0x1d: {  	s13 =	simm.s32 $0x1;
	s16 =	simm.s32 $0x1F40;
	[dreg:$0x1d] =	wrdreg s25  }
0x1e: {  	s2 =	sshrl.u32 s26, $0x3;
	s7 =	sadd.s32 s6, s11;
	[dreg:$0x1f] =	wrdreg s28  }
0x1f: {  	s17 =	sadd.s32 s15, s11;
	s0 =	sadd.s32 s0, s11;
	[dreg:$0x11] =	wrdreg s7  }
0x20: {  	s22 =	sadd.s32 $0x28, s9;
	s26 =	sadd.s32 $0x50, s9;
	[dreg:$0x15] =	wrdreg s17  }
0x21: {  	s6 =	simm.s32 $0x50;
	s21 =	simm.s32 $0x1040;
	[dreg:$0x18] =	wrdreg s0  }
0x22: {  	s5 =	simm.s32 $0x5;
	s23 =	simm.s32 $0x6;
	[dreg:$0x1a] =	wrdreg s22  }
0x23: {  	s2 =	sadd.s32 s2, s11;
	[dreg:$0x1e] =	wrdreg s26;
	s7 =	simm.s32 $0x4E200  }
0x24: {  	s0 =	simm.s32 $0x460;
	s17 =	simm.s32 $0x2440;
	s22 =	simm.s32 $0x4  }
0x25: {  	[dreg:$0xf] =	wrdreg s2;
	s2 =	sadd.s32 s4, s11;
	s4 =	sshrl.u32 s19, $0x3  }
0x26: {  	[dreg:$0x10] =	wrdreg s2;
	s2 =	sshrl.u32 s8, $0x3;
	s20 =	sadd.s32 s4, s11  }
.Ltmp0:
0x27: {  	s2 =	sadd.s32 s2, s11;
	[dreg:$0x17] =	wrdreg s20;
	(pc) =	sbr.rel .LBB2_1-.Ltmp0, $4  }
0x28: {  	s19 =	simm.s32 $0x2E40;
	[dreg:$0x12] =	wrdreg s2;
	s2 =	sadd.s32 s14, s11  }
0x29: {  	s4 =	simm.s32 $0x2;
	[dreg:$0x13] =	wrdreg s2;
	s2 =	sshrl.u32 s18, $0x3  }
0x2a: {  	s20 =	simm.s32 $0x3340;
	s14 =	simm.s32 $0x500;
	s2 =	sadd.s32 s2, s11  }
0x2b: {  	s18 =	simm.s32 $0x2940;
	[dreg:$0x16] =	wrdreg s2;
	s2 =	simm.s32 $0x0  }
.LBB2_4:
0x2c: {  	_ =	swait.ge [sflag:s10], $0x500  }
0x2d: {  	[sflag:s10] =	ssyncset.done $0x0  }
0x2e: {  	[sflag:s10] =	ssyncadd.s32 $0xFFFFFB00  }
0x2f: {  	_ =	swait.ge [sflag:s10], $0x500  }
0x30: {  	[sflag:s10] =	ssyncset.done $0x0  }
0x31: {  	[sflag:s10] =	ssyncadd.s32 $0xFFFFFB00  }
0x32: {  	_ =	swait.ge [sflag:s10], $0x500  }
0x33: {  	[sflag:s10] =	ssyncset.done $0x0  }
0x34: {  	[sflag:s10] =	ssyncadd.s32 $0xFFFFFB00  }
0x35: {  	_ =	swait.ge [sflag:s10], $0x500  }
0x36: {  	[sflag:s10] =	ssyncset.done $0x0  }
0x37: {  	[sflag:s10] =	ssyncadd.s32 $0xFFFFFB00  }
0x38: {  	_ =	swait.ge [sflag:s10], $0x500  }
0x39: {  	[sflag:s10] =	ssyncset.done $0x0  }
0x3a: {  	s0 =	simm.s32 $0x640;
	[sflag:s10] =	ssyncadd.s32 $0xFFFFFB00  }
0x3b: {  	[spmem:s3] =	stream.indirect.scatter.add.f32 [tilespmem:s0], [sflag:$0x5], $0x10, s6, s6, $0xb8;
	[tilespmem:$0x5F50] =	vst v63  }
0x3c: {  	s14 =	simm.s32 $0xF0  }
0x3d: {  	[spmem:s3] =	stream.indirect.scatter.add.f32 [tilespmem:s9], [sflag:$0x5], $0x10, s14, s6, $0xb8;
	[tilespmem:$0x5F50] =	vst v63  }
0x3e: {  	s15 =	simm.s32 $0x190  }
0x3f: {  	[spmem:s3] =	stream.indirect.scatter.add.f32 [tilespmem:s21], [sflag:$0x5], $0x10, s15, s6, $0xb8;
	[tilespmem:$0x5F50] =	vst v63  }
0x40: {  	s24 =	simm.s32 $0x1540;
	s2 =	simm.s32 $0x230  }
0x41: {  	[spmem:s3] =	stream.indirect.scatter.add.f32 [tilespmem:s24], [sflag:$0x5], $0x10, s2, s6, $0xb8;
	[tilespmem:$0x5F50] =	vst v63  }
0x42: {  	s25 =	simm.s32 $0x2D0  }
0x43: {  	[spmem:s3] =	stream.indirect.scatter.add.f32 [tilespmem:s12], [sflag:$0x5], $0x10, s25, s6, $0xb8;
	[tilespmem:$0x5F50] =	vst v63  }
0x44: {  	_ =	swait.ge [sflag:s5], $0x500  }
0x45: {  	[sflag:s5] =	ssyncset.done $0x0  }
0x46: {  	[sflag:s5] =	ssyncadd.s32 $0xFFFFFB00  }
0x47: {  	_ =	swait.ge [sflag:s5], $0x500  }
0x48: {  	[sflag:s5] =	ssyncset.done $0x0  }
0x49: {  	[sflag:s5] =	ssyncadd.s32 $0xFFFFFB00  }
0x4a: {  	_ =	swait.ge [sflag:s5], $0x500  }
0x4b: {  	[sflag:s5] =	ssyncset.done $0x0  }
0x4c: {  	[sflag:s5] =	ssyncadd.s32 $0xFFFFFB00  }
0x4d: {  	_ =	swait.ge [sflag:s5], $0x500  }
0x4e: {  	[sflag:s5] =	ssyncset.done $0x0  }
0x4f: {  	[sflag:s5] =	ssyncadd.s32 $0xFFFFFB00  }
0x50: {  	_ =	swait.ge [sflag:s5], $0x500  }
0x51: {  	[sflag:s5] =	ssyncset.done $0x0  }
0x52: {  	[sflag:s5] =	ssyncadd.s32 $0xFFFFFB00  }
0x53: {  	[bflag:$0x0] =	sbarrier.arrive $0xFFFF  }
0x54: {  	s0 =	sld [smem:$0x7FB];
	_ =	sdelay $0x1  }
0x55: {  	s8 =	simm.s32 @p0 $0x1FC7;
	s24 =	rddreg [dreg:$0xd]  }
0x56: {  	[hbm:s24], [sflag:s8] =	dma.local @p0 [spmem:s0], $0x500  }
0x57: {  	s8 =	simm.s32 @p0 $0x7  }
0x58: {  	_ =	swait.ge @p0 [sflag:s8], $0x500  }
0x59: {  	s0 =	sld [smem:$0x7FC]  }
0x5a: {  	s2 =	sld [smem:$0x7FD]  }
0x5b: {  	[sflag:s8] =	ssyncset.done @p0 $0x0  }
0x5c: {  	[sflag:s8] =	ssyncadd.s32 @p0 $0xFFFFFB00;
	s8 =	rddreg [dreg:$0xc]  }
0x5d: {  	[hbm:s8], [sflag:s0] =	dma.local @!p0 [spmem:s2], $0x4E0  }
0x5e: {  	s8 =	simm.s32 @!p0 $0x7  }
0x5f: {  	_ =	swait.ge @!p0 [sflag:s8], $0x4E0  }
0x60: {  	s26 =	sld [smem:$0x7FA];
	_ =	sdelay $0x2  }
0x61: {  	s28 =	rddreg [dreg:$0xe];
	s2 =	sadd.s32 $0x1, s26  }
0x62: {  	p1 =	sne.s32 s2, s28  }
.Ltmp1:
0x63: {  	_ = 	snop;
	(pc) =	sbr.rel @!p1 .LBB2_5-.Ltmp1, $4  }
0x64: {  	_ = 	snop  }
0x65: {  	s29 =	simm.s32 $0x320  }
0x66: {  	s30 =	simm.s32 $0x3C0;
	s31 =	simm.s32 $0x5A0;
	[sflag:s8] =	ssyncset.done @!p0 $0x0  }
0x67: {  	s14 =	simm.s32 $0x500;
	s0 =	simm.s32 $0x460;
	[sflag:s8] =	ssyncadd.s32 @!p0 $0xFFFFFB20  }
.LBB2_1:
0x68: {  	[smem:$0x7FA] =	sst s2  }
0x69: {  	s8 =	rddreg [dreg:$0x7]  }
0x6a: {  	s2 =	sshrl.u32 @p0 s8, $0x3;
	s8 =	rddreg [dreg:$0x8]  }
0x6b: {  	s24 =	simm.s32 @p0 $0x1FC7;
	[smem:$0x7FB] =	sst s2  }
0x6c: {  	[spmem:s2], [sflag:s24] =	dma.local @p0 [hbm:s8], $0x500  }
0x6d: {  	s24 =	simm.s32 @p0 $0x7  }
0x6e: {  	s8 =	stileid.u32;
	_ =	swait.ge @p0 [sflag:s24], $0x500  }
0x6f: {  	s25 =	sshll.u32 @!p0 s8, $0x6;
	s8 =	rddreg [dreg:$0x5]  }
0x70: {  	s9 =	sor.u32 @!p0 $0x1C07, s25;
	s11 =	sshrl.u32 @!p0 s8, $0x3;
	s8 =	rddreg [dreg:$0x6]  }
0x71: {  	[sflag:s24] =	ssyncset.done @p0 $0x0;
	[smem:$0x7FC] =	sst s9  }
0x72: {  	[sflag:s24] =	ssyncadd.s32 @p0 $0xFFFFFB00;
	s24 =	simm.s32 @!p0 $0x7;
	[smem:$0x7FD] =	sst s11  }
0x73: {  	[spmem:s11], [sflag:s9] =	dma.local @!p0 [hbm:s8], $0x4E0  }
0x74: {  	_ =	swait.ge @!p0 [sflag:s24], $0x4E0  }
0x75: {  	[sflag:s24] =	ssyncset.done @!p0 $0x0  }
0x76: {  	[sflag:s24] =	ssyncadd.s32 @!p0 $0xFFFFFB20  }
0x77: {  	[bflag:$0x0] =	sbarrier.arrive $0xFFFF  }
0x78: {  	s8 =	simm.s32 $0x0;
	s28 =	rddreg [dreg:$0x9]  }
0x79: {  	[tilespmem:s8], [sflag:$0x1] =	stream.strided.gather [hbm4b:s28+s6], $0xA0, s7, s6, $0x38;
	[tilespmem:$0x5F50] =	vst v63  }
0x7a: {  	s25 =	simm.s32 $0xA0;
	s9 =	rddreg [dreg:$0xa]  }
0x7b: {  	[tilespmem:s25], [sflag:$0x1] =	stream.strided.gather [hbm4b:s9+s6], $0xA0, s7, s6, $0x38;
	[tilespmem:$0x5F50] =	vst v63  }
0x7c: {  	s11 =	rddreg [dreg:$0xb];
	s9 =	simm.s32 $0x140  }
0x7d: {  	[tilespmem:s9], [sflag:$0x1] =	stream.strided.gather [hbm4b:s11+s6], $0xA0, s7, s6, $0x38;
	[tilespmem:$0x5F50] =	vst v63  }
0x7e: {  	s12 =	rddreg [dreg:$0x19];
	s11 =	simm.s32 $0x1E0  }
0x7f: {  	[tilespmem:s11], [sflag:$0x1] =	stream.strided.gather [hbm4b:s12+s6], $0xA0, s7, s6, $0x38;
	[tilespmem:$0x5F50] =	vst v63  }
0x80: {  	s24 =	rddreg [dreg:$0x1a];
	s12 =	simm.s32 $0x280  }
0x81: {  	[tilespmem:s12], [sflag:$0x1] =	stream.strided.gather [hbm4b:s24+s6], $0xA0, s7, s6, $0x38;
	[tilespmem:$0x5F50] =	vst v63  }
0x82: {  	_ =	swait.ge [sflag:s13], $0xA0  }
0x83: {  	[sflag:s13] =	ssyncset.done $0x0  }
0x84: {  	[sflag:s13] =	ssyncadd.s32 $0xFFFFFF60  }
0x85: {  	_ =	swait.ge [sflag:s13], $0xA0  }
0x86: {  	[sflag:s13] =	ssyncset.done $0x0  }
0x87: {  	[sflag:s13] =	ssyncadd.s32 $0xFFFFFF60  }
0x88: {  	_ =	swait.ge [sflag:s13], $0xA0  }
0x89: {  	[sflag:s13] =	ssyncset.done $0x0  }
0x8a: {  	[sflag:s13] =	ssyncadd.s32 $0xFFFFFF60  }
0x8b: {  	_ =	swait.ge [sflag:s13], $0xA0  }
0x8c: {  	[sflag:s13] =	ssyncset.done $0x0  }
0x8d: {  	[sflag:s13] =	ssyncadd.s32 $0xFFFFFF60  }
0x8e: {  	_ =	swait.ge [sflag:s13], $0xA0  }
0x8f: {  	[sflag:s13] =	ssyncset.done $0x0  }
0x90: {  	s2 =	simm.s32 $0x640;
	[sflag:s13] =	ssyncadd.s32 $0xFFFFFF60  }
0x91: {  	[tilespmem:s2], [sflag:$0x3] =	stream.indirect.gather [hbm4b:s1+s6], $0x10, s8, s6, $0xb8;
	[tilespmem:$0x5F50] =	vst v63  }
0x92: {  	s15 =	simm.s32 $0xB40  }
0x93: {  	[tilespmem:s15], [sflag:$0x3] =	stream.indirect.gather [hbm4b:s1+s6], $0x10, s25, s6, $0xb8;
	[tilespmem:$0x5F50] =	vst v63  }
0x94: {  	_ = 	snop  }
0x95: {  	[tilespmem:s21], [sflag:$0x3] =	stream.indirect.gather [hbm4b:s1+s6], $0x10, s9, s6, $0xb8;
	[tilespmem:$0x5F50] =	vst v63  }
0x96: {  	s26 =	simm.s32 $0x1540  }
0x97: {  	[tilespmem:s26], [sflag:$0x3] =	stream.indirect.gather [hbm4b:s1+s6], $0x10, s11, s6, $0xb8;
	[tilespmem:$0x5F50] =	vst v63  }
0x98: {  	s28 =	simm.s32 $0x1A40;
	s24 =	rddreg [dreg:$0x1c]  }
0x99: {  	[tilespmem:s28], [sflag:$0x3] =	stream.indirect.gather [hbm4b:s1+s6], $0x10, s12, s6, $0xb8;
	[tilespmem:$0x5F50] =	vst v63  }
0x9a: {  	s15 =	rddreg [dreg:$0x1b]  }
0x9b: {  	[tilespmem:s29], [sflag:$0x2] =	stream.strided.gather [hbm4b:s15+s6], $0xA0, s7, s6, $0x38;
	[tilespmem:$0x5F50] =	vst v63  }
0x9c: {  	s25 =	rddreg [dreg:$0x1d]  }
0x9d: {  	[tilespmem:s30], [sflag:$0x2] =	stream.strided.gather [hbm4b:s24+s6], $0xA0, s7, s6, $0x38;
	[tilespmem:$0x5F50] =	vst v63  }
0x9e: {  	s26 =	rddreg [dreg:$0x1e]  }
0x9f: {  	[tilespmem:s0], [sflag:$0x2] =	stream.strided.gather [hbm4b:s25+s6], $0xA0, s7, s6, $0x38;
	[tilespmem:$0x5F50] =	vst v63  }
0xa0: {  	s9 =	simm.s32 $0xB40;
	s28 =	rddreg [dreg:$0x1f]  }
0xa1: {  	[tilespmem:s14], [sflag:$0x2] =	stream.strided.gather [hbm4b:s26+s6], $0xA0, s7, s6, $0x38;
	[tilespmem:$0x5F50] =	vst v63  }
0xa2: {  	s12 =	simm.s32 $0x1A40;
	s24 =	rddreg [dreg:$0x14];
	s25 =	simm.s32 $0x0  }
0xa3: {  	[tilespmem:s31], [sflag:$0x2] =	stream.strided.gather [hbm4b:s28+s6], $0xA0, s7, s6, $0x38;
	[tilespmem:$0x5F50] =	vst v63  }
.LBB2_2:
0xa4: {  	_ =	swait.ge [sflag:s10], $0x500  }
0xa5: {  	[sflag:s10] =	ssyncset.done $0x0  }
0xa6: {  	[sflag:s10] =	ssyncadd.s32 $0xFFFFFB00  }
0xa7: {  	_ =	swait.ge [sflag:s10], $0x500  }
0xa8: {  	[sflag:s10] =	ssyncset.done $0x0  }
0xa9: {  	[sflag:s10] =	ssyncadd.s32 $0xFFFFFB00  }
0xaa: {  	_ =	swait.ge [sflag:s10], $0x500  }
0xab: {  	[sflag:s10] =	ssyncset.done $0x0  }
0xac: {  	[sflag:s10] =	ssyncadd.s32 $0xFFFFFB00  }
0xad: {  	_ =	swait.ge [sflag:s10], $0x500  }
0xae: {  	[sflag:s10] =	ssyncset.done $0x0  }
0xaf: {  	[sflag:s10] =	ssyncadd.s32 $0xFFFFFB00  }
0xb0: {  	_ =	swait.ge [sflag:s10], $0x500  }
0xb1: {  	[sflag:s10] =	ssyncset.done $0x0  }
0xb2: {  	s2 =	simm.s32 $0x640;
	[sflag:s10] =	ssyncadd.s32 $0xFFFFFB00  }
0xb3: {  	[spmem:s3] =	stream.indirect.scatter.add.f32 [tilespmem:s2], [sflag:$0x5], $0x10, s6, s6, $0xb8;
	[tilespmem:$0x5F50] =	vst v63  }
0xb4: {  	s8 =	simm.s32 $0xF0  }
0xb5: {  	[spmem:s3] =	stream.indirect.scatter.add.f32 [tilespmem:s9], [sflag:$0x5], $0x10, s8, s6, $0xb8;
	[tilespmem:$0x5F50] =	vst v63  }
0xb6: {  	s15 =	simm.s32 $0x190  }
0xb7: {  	[spmem:s3] =	stream.indirect.scatter.add.f32 [tilespmem:s21], [sflag:$0x5], $0x10, s15, s6, $0xb8;
	[tilespmem:$0x5F50] =	vst v63  }
0xb8: {  	s28 =	simm.s32 $0x1540;
	s21 =	simm.s32 $0x230  }
0xb9: {  	[spmem:s3] =	stream.indirect.scatter.add.f32 [tilespmem:s28], [sflag:$0x5], $0x10, s21, s6, $0xb8;
	[tilespmem:$0x5F50] =	vst v63  }
0xba: {  	s26 =	simm.s32 $0x2D0  }
0xbb: {  	[spmem:s3] =	stream.indirect.scatter.add.f32 [tilespmem:s12], [sflag:$0x5], $0x10, s26, s6, $0xb8;
	[tilespmem:$0x5F50] =	vst v63  }
0xbc: {  	_ =	swait.ge [sflag:s5], $0x500  }
0xbd: {  	[sflag:s5] =	ssyncset.done $0x0  }
0xbe: {  	[sflag:s5] =	ssyncadd.s32 $0xFFFFFB00  }
0xbf: {  	_ =	swait.ge [sflag:s5], $0x500  }
0xc0: {  	[sflag:s5] =	ssyncset.done $0x0  }
0xc1: {  	[sflag:s5] =	ssyncadd.s32 $0xFFFFFB00  }
0xc2: {  	_ =	swait.ge [sflag:s5], $0x500  }
0xc3: {  	[sflag:s5] =	ssyncset.done $0x0  }
0xc4: {  	[sflag:s5] =	ssyncadd.s32 $0xFFFFFB00  }
0xc5: {  	_ =	swait.ge [sflag:s5], $0x500  }
0xc6: {  	[sflag:s5] =	ssyncset.done $0x0  }
0xc7: {  	[sflag:s5] =	ssyncadd.s32 $0xFFFFFB00  }
0xc8: {  	_ =	swait.ge [sflag:s5], $0x500  }
0xc9: {  	[sflag:s5] =	ssyncset.done $0x0  }
0xca: {  	[sflag:s5] =	ssyncadd.s32 $0xFFFFFB00  }
0xcb: {  	_ =	swait.ge [sflag:s4], $0xA0  }
0xcc: {  	[sflag:s4] =	ssyncset.done $0x0  }
0xcd: {  	[sflag:s4] =	ssyncadd.s32 $0xFFFFFF60  }
0xce: {  	_ =	swait.ge [sflag:s4], $0xA0  }
0xcf: {  	[sflag:s4] =	ssyncset.done $0x0  }
0xd0: {  	[sflag:s4] =	ssyncadd.s32 $0xFFFFFF60  }
0xd1: {  	_ =	swait.ge [sflag:s4], $0xA0  }
0xd2: {  	[sflag:s4] =	ssyncset.done $0x0  }
0xd3: {  	[sflag:s4] =	ssyncadd.s32 $0xFFFFFF60  }
0xd4: {  	_ =	swait.ge [sflag:s4], $0xA0  }
0xd5: {  	[sflag:s4] =	ssyncset.done $0x0  }
0xd6: {  	[sflag:s4] =	ssyncadd.s32 $0xFFFFFF60  }
0xd7: {  	_ =	swait.ge [sflag:s4], $0xA0  }
0xd8: {  	[sflag:s4] =	ssyncset.done $0x0  }
0xd9: {  	[sflag:s4] =	ssyncadd.s32 $0xFFFFFF60  }
0xda: {  	[tilespmem:s16], [sflag:$0x4] =	stream.indirect.gather [hbm4b:s1+s6], $0x10, s29, s6, $0xb8;
	[tilespmem:$0x5F50] =	vst v63  }
0xdb: {  	_ = 	snop  }
0xdc: {  	[tilespmem:s17], [sflag:$0x4] =	stream.indirect.gather [hbm4b:s1+s6], $0x10, s30, s6, $0xb8;
	[tilespmem:$0x5F50] =	vst v63  }
0xdd: {  	_ = 	snop  }
0xde: {  	[tilespmem:s18], [sflag:$0x4] =	stream.indirect.gather [hbm4b:s1+s6], $0x10, s0, s6, $0xb8;
	[tilespmem:$0x5F50] =	vst v63  }
0xdf: {  	_ = 	snop  }
0xe0: {  	[tilespmem:s19], [sflag:$0x4] =	stream.indirect.gather [hbm4b:s1+s6], $0x10, s14, s6, $0xb8;
	[tilespmem:$0x5F50] =	vst v63  }
0xe1: {  	s9 =	sshrl.u32 s24, $0x3;
	s12 =	rddreg [dreg:$0x4]  }
0xe2: {  	[tilespmem:s20], [sflag:$0x4] =	stream.indirect.gather [hbm4b:s1+s6], $0x10, s31, s6, $0xb8;
	[tilespmem:$0x5F50] =	vst v63  }
0xe3: {  	s8 =	sadd.s32 s12, s9;
	s29 =	simm.s32 $0x0;
	s14 =	rddreg [dreg:$0x18]  }
0xe4: {  	[tilespmem:s29], [sflag:$0x1] =	stream.strided.gather [hbm4b:s8+s6], $0xA0, s7, s6, $0x38;
	[tilespmem:$0x5F50] =	vst v63  }
0xe5: {  	s15 =	rddreg [dreg:$0x17];
	s9 =	simm.s32 $0xA0;
	s8 =	sadd.s32 s25, s14  }
0xe6: {  	[tilespmem:s9], [sflag:$0x1] =	stream.strided.gather [hbm4b:s8+s6], $0xA0, s7, s6, $0x38;
	[tilespmem:$0x5F50] =	vst v63  }
0xe7: {  	s26 =	rddreg [dreg:$0x16];
	s30 =	simm.s32 $0x140;
	s8 =	sadd.s32 s25, s15  }
0xe8: {  	[tilespmem:s30], [sflag:$0x1] =	stream.strided.gather [hbm4b:s8+s6], $0xA0, s7, s6, $0x38;
	[tilespmem:$0x5F50] =	vst v63  }
0xe9: {  	s12 =	simm.s32 $0x1E0;
	s31 =	rddreg [dreg:$0x15];
	s8 =	sadd.s32 s25, s26  }
0xea: {  	[tilespmem:s12], [sflag:$0x1] =	stream.strided.gather [hbm4b:s8+s6], $0xA0, s7, s6, $0x38;
	[tilespmem:$0x5F50] =	vst v63  }
0xeb: {  	s8 =	sadd.s32 s25, s31;
	s31 =	simm.s32 $0x280  }
0xec: {  	[tilespmem:s31], [sflag:$0x1] =	stream.strided.gather [hbm4b:s8+s6], $0xA0, s7, s6, $0x38;
	[tilespmem:$0x5F50] =	vst v63  }
0xed: {  	_ =	swait.ge [sflag:s22], $0x500  }
0xee: {  	[sflag:s22] =	ssyncset.done $0x0  }
0xef: {  	[sflag:s22] =	ssyncadd.s32 $0xFFFFFB00  }
0xf0: {  	_ =	swait.ge [sflag:s22], $0x500  }
0xf1: {  	[sflag:s22] =	ssyncset.done $0x0  }
0xf2: {  	[sflag:s22] =	ssyncadd.s32 $0xFFFFFB00  }
0xf3: {  	_ =	swait.ge [sflag:s22], $0x500  }
0xf4: {  	[sflag:s22] =	ssyncset.done $0x0  }
0xf5: {  	[sflag:s22] =	ssyncadd.s32 $0xFFFFFB00  }
0xf6: {  	_ =	swait.ge [sflag:s22], $0x500  }
0xf7: {  	[sflag:s22] =	ssyncset.done $0x0  }
0xf8: {  	[sflag:s22] =	ssyncadd.s32 $0xFFFFFB00  }
0xf9: {  	_ =	swait.ge [sflag:s22], $0x500  }
0xfa: {  	[sflag:s22] =	ssyncset.done $0x0  }
0xfb: {  	s8 =	simm.s32 $0x370;
	[sflag:s22] =	ssyncadd.s32 $0xFFFFFB00  }
0xfc: {  	[spmem:s3] =	stream.indirect.scatter.add.f32 [tilespmem:s16], [sflag:$0x6], $0x10, s8, s6, $0xb8;
	[tilespmem:$0x5F50] =	vst v63  }
0xfd: {  	s8 =	simm.s32 $0x410  }
0xfe: {  	[spmem:s3] =	stream.indirect.scatter.add.f32 [tilespmem:s17], [sflag:$0x6], $0x10, s8, s6, $0xb8;
	[tilespmem:$0x5F50] =	vst v63  }
0xff: {  	s8 =	simm.s32 $0x4B0  }
0x100: {  	[spmem:s3] =	stream.indirect.scatter.add.f32 [tilespmem:s18], [sflag:$0x6], $0x10, s8, s6, $0xb8;
	[tilespmem:$0x5F50] =	vst v63  }
0x101: {  	s8 =	simm.s32 $0x550  }
0x102: {  	[spmem:s3] =	stream.indirect.scatter.add.f32 [tilespmem:s19], [sflag:$0x6], $0x10, s8, s6, $0xb8;
	[tilespmem:$0x5F50] =	vst v63  }
0x103: {  	s8 =	simm.s32 $0x5F0  }
0x104: {  	[spmem:s3] =	stream.indirect.scatter.add.f32 [tilespmem:s20], [sflag:$0x6], $0x10, s8, s6, $0xb8;
	[tilespmem:$0x5F50] =	vst v63  }
0x105: {  	_ =	swait.ge [sflag:s23], $0x500  }
0x106: {  	[sflag:s23] =	ssyncset.done $0x0  }
0x107: {  	[sflag:s23] =	ssyncadd.s32 $0xFFFFFB00  }
0x108: {  	_ =	swait.ge [sflag:s23], $0x500  }
0x109: {  	[sflag:s23] =	ssyncset.done $0x0  }
0x10a: {  	[sflag:s23] =	ssyncadd.s32 $0xFFFFFB00  }
0x10b: {  	_ =	swait.ge [sflag:s23], $0x500  }
0x10c: {  	[sflag:s23] =	ssyncset.done $0x0  }
0x10d: {  	[sflag:s23] =	ssyncadd.s32 $0xFFFFFB00  }
0x10e: {  	_ =	swait.ge [sflag:s23], $0x500  }
0x10f: {  	[sflag:s23] =	ssyncset.done $0x0  }
0x110: {  	[sflag:s23] =	ssyncadd.s32 $0xFFFFFB00  }
0x111: {  	_ =	swait.ge [sflag:s23], $0x500  }
0x112: {  	[sflag:s23] =	ssyncset.done $0x0  }
0x113: {  	[sflag:s23] =	ssyncadd.s32 $0xFFFFFB00  }
0x114: {  	_ =	swait.ge [sflag:s13], $0xA0  }
0x115: {  	[sflag:s13] =	ssyncset.done $0x0  }
0x116: {  	[sflag:s13] =	ssyncadd.s32 $0xFFFFFF60  }
0x117: {  	_ =	swait.ge [sflag:s13], $0xA0  }
0x118: {  	[sflag:s13] =	ssyncset.done $0x0  }
0x119: {  	[sflag:s13] =	ssyncadd.s32 $0xFFFFFF60  }
0x11a: {  	_ =	swait.ge [sflag:s13], $0xA0  }
0x11b: {  	[sflag:s13] =	ssyncset.done $0x0  }
0x11c: {  	[sflag:s13] =	ssyncadd.s32 $0xFFFFFF60  }
0x11d: {  	_ =	swait.ge [sflag:s13], $0xA0  }
0x11e: {  	[sflag:s13] =	ssyncset.done $0x0  }
0x11f: {  	[sflag:s13] =	ssyncadd.s32 $0xFFFFFF60  }
0x120: {  	_ =	swait.ge [sflag:s13], $0xA0  }
0x121: {  	[sflag:s13] =	ssyncset.done $0x0  }
0x122: {  	[sflag:s13] =	ssyncadd.s32 $0xFFFFFF60  }
0x123: {  	[tilespmem:s2], [sflag:$0x3] =	stream.indirect.gather [hbm4b:s1+s6], $0x10, s29, s6, $0xb8;
	[tilespmem:$0x5F50] =	vst v63  }
0x124: {  	s21 =	simm.s32 $0xB40  }
0x125: {  	[tilespmem:s21], [sflag:$0x3] =	stream.indirect.gather [hbm4b:s1+s6], $0x10, s9, s6, $0xb8;
	[tilespmem:$0x5F50] =	vst v63  }
0x126: {  	p1 =	seq.s32 s25, $0x44C;
	s21 =	simm.s32 $0x1040  }
0x127: {  	[tilespmem:s21], [sflag:$0x3] =	stream.indirect.gather [hbm4b:s1+s6], $0x10, s30, s6, $0xb8;
	[tilespmem:$0x5F50] =	vst v63  }
.Ltmp2:
0x128: {  	s11 =	simm.s32 $0x320;
	(pc) =	sbr.rel @p1 .LBB2_4-.Ltmp2, $4  }
0x129: {  	s0 =	simm.s32 $0x3C0;
	s14 =	simm.s32 $0x460;
	s15 =	simm.s32 $0x500  }
0x12a: {  	[tilespmem:s28], [sflag:$0x3] =	stream.indirect.gather [hbm4b:s1+s6], $0x10, s12, s6, $0xb8;
	[tilespmem:$0x5F50] =	vst v63  }
0x12b: {  	s26 =	simm.s32 $0x5A0;
	s9 =	simm.s32 $0xB40;
	s12 =	simm.s32 $0x1A40  }
0x12c: {  	[tilespmem:s12], [sflag:$0x3] =	stream.indirect.gather [hbm4b:s1+s6], $0x10, s31, s6, $0xb8;
	[tilespmem:$0x5F50] =	vst v63  }
0x12d: {  	s8 =	rddreg [dreg:$0xf]  }
0x12e: {  	s2 =	rddreg [dreg:$0x13]  }
0x12f: {  	s28 =	rddreg [dreg:$0x10];
	s8 =	sadd.s32 s25, s8  }
0x130: {  	[tilespmem:s11], [sflag:$0x2] =	stream.strided.gather [hbm4b:s8+s6], $0xA0, s7, s6, $0x38;
	[tilespmem:$0x5F50] =	vst v63  }
0x131: {  	s8 =	sadd.s32 s25, s2;
	s11 =	rddreg [dreg:$0x12]  }
0x132: {  	[tilespmem:s0], [sflag:$0x2] =	stream.strided.gather [hbm4b:s8+s6], $0xA0, s7, s6, $0x38;
	[tilespmem:$0x5F50] =	vst v63  }
0x133: {  	s24 =	sadd.s32 $0x320, s24;
	s29 =	simm.s32 $0x320;
	s8 =	sadd.s32 s25, s11  }
0x134: {  	[tilespmem:s14], [sflag:$0x2] =	stream.strided.gather [hbm4b:s8+s6], $0xA0, s7, s6, $0x38;
	[tilespmem:$0x5F50] =	vst v63  }
.Ltmp3:
0x135: {  	s30 =	simm.s32 $0x3C0;
	s14 =	rddreg [dreg:$0x11];
	(pc) =	sbr.rel .LBB2_2-.Ltmp3, $4  }
0x136: {  	s31 =	simm.s32 $0x5A0;
	s0 =	simm.s32 $0x460;
	s8 =	sadd.s32 s25, s14  }
0x137: {  	[tilespmem:s15], [sflag:$0x2] =	stream.strided.gather [hbm4b:s8+s6], $0xA0, s7, s6, $0x38;
	[tilespmem:$0x5F50] =	vst v63  }
0x138: {  	s14 =	simm.s32 $0x500;
	s8 =	sadd.s32 s25, s28;
	s25 =	sadd.s32 $0x64, s25  }
0x139: {  	[tilespmem:s26], [sflag:$0x2] =	stream.strided.gather [hbm4b:s8+s6], $0xA0, s7, s6, $0x38;
	[tilespmem:$0x5F50] =	vst v63  }
.LBB2_5:
0x13a: {  	_ =	sfence.sel $0x180000  }
0x13b: {  	[bflag:$0x0] =	sbarrier.arrive $0xFFFF  }
0x13c: {  	_ =	strace $0x9000004A  }
0x13d: {  	s0 =	stileid.u32;
	[bflag:$0x2] =	sbarrier.arrive $0xFFFF  }
0x13e: {  	p0 =	sne.s32 s0, $0x0;
	s0 =	rddreg [dreg:$0x3]  }
0x13f: {  	s0 =	sadd.s32 @!p0 $0x100000, s0  }
0x140: {  	[sflag:s0] =	ssyncadd.tile.s32 @!p0 $0x1;
	_ =	shalt  }
.Lfunc_end2:
_tile_overlayer_lowered:
.L_overlay_start_2:
0x141: {  	(tag) =	ssettag $0x2  }
0x142: {  	s0 =	rddreg [dreg:$0x0];
	s2 =	stileid.u32  }
0x143: {  	s1 =	rddreg [dreg:$0x1];
	p0 =	sne.s32 s2, $0x0  }
0x144: {  	s3 =	rddreg [dreg:$0x2];
	[bflag:$0x3] =	sbarrier.arrive $0xFFFF;
	s2 =	simm.s32 @!p0 $0x1C07  }
0x145: {  	[timem:s3], [sflag:s2] =	dma.local @!p0 [hbm:s0], s1  }
0x146: {  	s0 =	simm.s32 @!p0 $0x7  }
0x147: {  	_ =	swait.ge @!p0 [sflag:s0], s1  }
0x148: {  	s1 =	ssub.s32 @!p0 $0x0, s1;
	[sflag:s0] =	ssyncset.done @!p0 $0x0  }
0x149: {  	[sflag:s0] =	ssyncadd.s32 @!p0 s1  }
0x14a: {  	[bflag:$0x3] =	sbarrier.arrive $0xFFFF  }
0x14b: {  	_ =	shalt  }

// kernel: kernel.7.cloned.1.call-start
scs
__scs_entry_jumppad:
0x0: {  	(pc) =	sbr.rel $0x88, $3  }
0x1: {  	(tag) =	ssettag $0x0;
	lr =	simm.s32 $0x1  }
0x2: {  	[smem:$0x3F97] =	sst lr;
	_ =	strace $0xD0000000  }
0x3: {  	_ = 	snop  }
0x4: {  	_ = 	snop  }
0x5: {  	_ = 	snop  }
0x6: {  	_ = 	snop  }
0x7: {  	_ = 	snop  }
__scs_overlays_trampoline_lowered:
0x8: {  	[smem:$0x3FA6] =	sst s0  }
0x9: {  	[smem:$0x3FA7] =	sst s1  }
0xa: {  	[smem:$0x3FA8] =	sst s2  }
0xb: {  	[smem:$0x3FA9] =	sst s3  }
0xc: {  	[smem:$0x3FAA] =	sst s4  }
0xd: {  	[smem:$0x3FAB] =	sst s5  }
0xe: {  	[smem:$0x3FAC] =	sst s6  }
0xf: {  	[smem:$0x3FAD] =	sst s7  }
0x10: {  	[smem:$0x3FAE] =	sst s8  }
0x11: {  	[smem:$0x3FAF] =	sst s9;
	s0 =	simm.s32 @!p0 $0x0  }
0x12: {  	s1 =	sld [smem:$0x3F95];
	s0 =	simm.s32 @p0 $0x1  }
0x13: {  	[smem:$0x3FB0] =	sst s0;
	s0 =	simm.s32 @!p1 $0x0  }
0x14: {  	s2 =	sld [smem:$0x3F94];
	s0 =	simm.s32 @p1 $0x1  }
0x15: {  	[smem:$0x3FB1] =	sst s0;
	s0 =	simm.s32 @!p2 $0x0  }
0x16: {  	s3 =	sld [smem:$0x3FDB];
	s0 =	simm.s32 @p2 $0x1  }
0x17: {  	s4 =	simm.s32 $0x1BF5;
	[smem:$0x3FB3] =	sst s0  }
0x18: {  	s0 =	sld [smem:$0x3F96];
	_ =	swait.ge [sflag:s4], $0x0  }
0x19: {  	s7 =	sld [smem:$0x3F97]  }
0x1a: {  	s8 =	sadd.s32 $0xFFFFE003, lr  }
0x1b: {  	s9 =	sadd.s32 $0xFFFFFEF7, lr;
	s5 =	simm.s32 $0xFFFFFFFF;
	p2 =	slt.u32 s8, $0xFFFFF086  }
0x1c: {  	p1 =	slt.u32 s9, $0xF7A;
	s5 =	simm.s32 @!p2 $0x0  }
0x1d: {  	s5 =	simm.s32 @p1 $0x1;
	p0 =	seq.s32 s7, s2  }
0x1e: {  	s7 =	smul.u32 @!p0 $0xF7A, s2;
	p2 =	seq.s32 @!p0 s5, $0x0  }
0x1f: {  	s9 =	smul.u32 $0xF7A, s1;
	s8 =	simm.s32 @!p0 $0x1BF5;
	p2 =	por !p2, p0  }
0x20: {  	[sflag:s8] =	ssyncset.s32 @!p0 $0xFFFFF086;
	s6 =	sadd.s32 @!p0 s3, s7;
	s7 =	simm.s32 @!p0 $0x108  }
0x21: {  	s3 =	sadd.s32 s3, s9;
	s6 =	sadd.s32 @!p0 $0x88, s6;
	s7 =	simm.s32 @p2 $0x1082  }
0x22: {  	[simem:s7], [sflag:s8] =	dma.local @!p0 [hbm:s6], $0xF7A  }
0x23: {  	s9 =	sor.u32 $0xD0000000, s2;
	s6 =	simm.s32 $0x108;
	_ =	swait.ge @!p0 [sflag:s8], $0x0  }
0x24: {  	s3 =	sadd.s32 $0x88, s3;
	s6 =	simm.s32 @!p1 $0x1082;
	[sflag:s4] =	ssyncset.s32 $0xFFFFF086  }
0x25: {  	[simem:s6], [sflag:s4] =	dma.local [hbm:s3], $0xF7A  }
0x26: {  	[smem:$0x3F97] =	sst s1;
	(tag) =	ssettag s2;
	_ =	strace s9  }
0x27: {  	s1 =	sld [smem:$0x3FA7]  }
0x28: {  	s2 =	sld [smem:$0x3FA8]  }
0x29: {  	s4 =	sld [smem:$0x3FAA]  }
0x2a: {  	p0 =	seq.s32 s5, $0x0;
	s5 =	sld [smem:$0x3FAB]  }
0x2b: {  	s6 =	sld [smem:$0x3FAC]  }
0x2c: {  	s7 =	sld [smem:$0x3FAD]  }
0x2d: {  	s3 =	simm.s32 $0x108;
	s8 =	sld [smem:$0x3FAE]  }
0x2e: {  	s3 =	simm.s32 @!p0 $0x1082;
	s9 =	sld [smem:$0x3FAF]  }
0x2f: {  	lr =	sadd.s32 s0, s3;
	s0 =	sld [smem:$0x3FA6]  }
0x30: {  	s3 =	sld [smem:$0x3FA9]  }
0x31: {  	[smem:$0x3FB2] =	sst s10  }
0x32: {  	s10 =	sld [smem:$0x3FB0];
	_ =	sdelay $0x3  }
0x33: {  	p0 =	seq.s32 s10, $0x1;
	s10 =	sld [smem:$0x3FB2];
	_ =	sdelay $0x3  }
0x34: {  	[smem:$0x3FB2] =	sst s10  }
0x35: {  	s10 =	sld [smem:$0x3FB1];
	_ =	sdelay $0x3  }
0x36: {  	p1 =	seq.s32 s10, $0x1;
	s10 =	sld [smem:$0x3FB2];
	_ =	sdelay $0x3  }
0x37: {  	[smem:$0x3FB2] =	sst s10  }
0x38: {  	s10 =	sld [smem:$0x3FB3]  }
0x39: {  	_ = 	snop;
	(pc) =	sbr.ind lr, $3  }
0x3a: {  	_ = 	snop  }
0x3b: {  	_ = 	snop  }
0x3c: {  	p2 =	seq.s32 s10, $0x1;
	s10 =	sld [smem:$0x3FB2]  }
0x3d: {  	_ =	shalt  }
0x3e: {  	_ =	shalt  }
0x3f: {  	_ =	shalt  }
0x40: {  	_ =	shalt  }
0x41: {  	_ =	shalt  }
0x42: {  	_ =	shalt  }
0x43: {  	_ =	shalt  }
0x44: {  	_ =	shalt  }
0x45: {  	_ =	shalt  }
0x46: {  	_ =	shalt  }
0x47: {  	_ =	shalt  }
0x48: {  	_ =	shalt  }
0x49: {  	_ =	shalt  }
0x4a: {  	_ =	shalt  }
0x4b: {  	_ =	shalt  }
0x4c: {  	_ =	shalt  }
0x4d: {  	_ =	shalt  }
0x4e: {  	_ =	shalt  }
0x4f: {  	_ =	shalt  }
0x50: {  	_ =	shalt  }
0x51: {  	_ =	shalt  }
0x52: {  	_ =	shalt  }
0x53: {  	_ =	shalt  }
0x54: {  	_ =	shalt  }
0x55: {  	_ =	shalt  }
0x56: {  	_ =	shalt  }
0x57: {  	_ =	shalt  }
0x58: {  	_ =	shalt  }
0x59: {  	_ =	shalt  }
0x5a: {  	_ =	shalt  }
0x5b: {  	_ =	shalt  }
0x5c: {  	_ =	shalt  }
0x5d: {  	_ =	shalt  }
0x5e: {  	_ =	shalt  }
0x5f: {  	_ =	shalt  }
0x60: {  	_ =	shalt  }
0x61: {  	_ =	shalt  }
0x62: {  	_ =	shalt  }
0x63: {  	_ =	shalt  }
0x64: {  	_ =	shalt  }
0x65: {  	_ =	shalt  }
0x66: {  	_ =	shalt  }
0x67: {  	_ =	shalt  }
0x68: {  	_ =	shalt  }
0x69: {  	_ =	shalt  }
0x6a: {  	_ =	shalt  }
0x6b: {  	_ =	shalt  }
0x6c: {  	_ =	shalt  }
0x6d: {  	_ =	shalt  }
0x6e: {  	_ =	shalt  }
0x6f: {  	_ =	shalt  }
0x70: {  	_ =	shalt  }
0x71: {  	_ =	shalt  }
0x72: {  	_ =	shalt  }
0x73: {  	_ =	shalt  }
0x74: {  	_ =	shalt  }
0x75: {  	_ =	shalt  }
0x76: {  	_ =	shalt  }
0x77: {  	_ =	shalt  }
0x78: {  	_ =	shalt  }
0x79: {  	_ =	shalt  }
0x7a: {  	_ =	shalt  }
0x7b: {  	_ =	shalt  }
0x7c: {  	_ =	shalt  }
0x7d: {  	_ =	shalt  }
0x7e: {  	_ =	shalt  }
0x7f: {  	_ =	shalt  }
0x80: {  	_ =	shalt  }
0x81: {  	_ =	shalt  }
0x82: {  	_ =	shalt  }
0x83: {  	_ =	shalt  }
0x84: {  	_ =	shalt  }
0x85: {  	_ =	shalt  }
0x86: {  	_ =	shalt  }
0x87: {  	_ =	shalt  }
.Lfunc_end0:
.L_simem_size_0:
called_computation_lowered:
.L_overlay_start_0:
0x88: {  	s2 =	sld [smem:$0x3FD9]  }
0x89: {  	s3 =	sld [smem:$0x3FFE];
	_ =	sdelay $0x1  }
0x8a: {  	s1 =	srdreg.scid  }
0x8b: {  	s0 =	sand.u32 $0x1, s1  }
0x8c: {  	s17 =	sshll.u32 s0, $0xA;
	s2 =	sadd.s32 s3, s2  }
0x8d: {  	s2 =	sadd.s32 s2, s17  }
0x8e: {  	[smem:$0x3FBE] =	sst s2  }
0x8f: {  	_ = 	snop  }
0x90: {  	s2 =	sld [smem:$0x3FD0];
	(tm) =	ssettm $0x1  }
0x91: {  	s18 =	sld [smem:$0x3FFB];
	_ =	sdelay $0x3  }
0x92: {  	_ =	strace s18  }
0x93: {  	s3 =	sld [smem:$0x3FFC];
	_ =	sdelay $0x3  }
0x94: {  	_ =	strace s3  }
0x95: {  	s3 =	sld [smem:$0x3FFD];
	_ =	sdelay $0x3  }
0x96: {  	_ =	strace s3  }
0x97: {  	_ =	strace $0x8FFFFFFF  }
0x98: {  	s19 =	sld [smem:$0x3FDB];
	_ =	sdelay $0x1  }
0x99: {  	s4 =	simm.s32 $_scs_section_size  }
0x9a: {  	s5 =	simm.s32 $_size__tile_overlayer_lowered;
	s6 =	simm.s32 $_tile_overlayer_lowered  }
0x9b: {  	s22 =	simm.s32 $0x1BFF;
	s21 =	sshll.u32 s6, $0x1;
	s3 =	sadd.s32 s4, s19  }
0x9c: {  	s7 =	simm.s32 $0x0;
	s20 =	sshll.u32 s5, $0x1;
	s5 =	sadd.s32 s21, s3  }
0x9d: {  	[timem:s7], [sflag:s22] =	dma.local [hbm:s5], s20  }
0x9e: {  	_ =	swait.ge [sflag:s22], s20  }
0x9f: {  	s4 =	ssub.s32 $0x0, s20;
	[sflag:s22] =	ssyncset.done $0x0  }
0xa0: {  	[sflag:s22] =	ssyncadd.s32 s4;
	_ =	sdelay $0x1  }
0xa1: {  	s23 =	simm.s32 $0x1B8B  }
0xa2: {  	_ =	swait.ge [sflag:s23], $0x1  }
0xa3: {  	[sflag:s23] =	ssyncset.done $0x0  }
0xa4: {  	s25 =	simm.s32 $0x1B8E;
	s24 =	sld [smem:$0x3FFE];
	[sflag:s23] =	ssyncadd.s32 $0xFFFFFFFF  }
0xa5: {  	s26 =	simm.s32 $execute0_lowered;
	[smem:$0x3FD2] =	sst s25  }
0xa6: {  	s5 =	sshll.u32 s26, $0x1;
	_ =	strace $0x80000046;
	[dreg:$0x1] =	wrdreg $0xFFFFFFFF  }
0xa7: {  	s28 =	simm.s32 $_size_execute0_lowered;
	s3 =	sadd.s32 s3, s5;
	[dreg:$0x0] =	wrdreg $0x0  }
0xa8: {  	s5 =	sshll.u32 s28, $0x1;
	[dreg:$0x2] =	wrdreg s3  }
0xa9: {  	[dreg:$0x3] =	wrdreg s5  }
0xaa: {  	[dreg:$0x4] =	wrdreg $0xC0  }
0xab: {  	_ =	task [dreg:s7], $0x5FFFF  }
0xac: {  	[dreg:$0x1] =	wrdreg $0xFFFFFFFF  }
0xad: {  	[dreg:$0x0] =	wrdreg $0x60  }
0xae: {  	[dreg:$0x2] =	wrdreg s24  }
0xaf: {  	[dreg:$0x3] =	wrdreg s2  }
0xb0: {  	[dreg:$0x4] =	wrdreg $0xCE400  }
0xb1: {  	[dreg:$0x5] =	wrdreg $0x16A800  }
0xb2: {  	[dreg:$0x6] =	wrdreg $0x9  }
0xb3: {  	_ =	task.clear_ibuf [dreg:s7], $0x7FFFF;
	_ =	strace $0x90000046  }
0xb4: {  	s29 =	simm.s32 $0x9;
	_ =	strace $0x80000048  }
0xb5: {  	_ =	swait.ge [sflag:s29], $0x1  }
0xb6: {  	[sflag:s29] =	ssyncadd.s32 $0xFFFFFFFF  }
0xb7: {  	_ =	strace $0x90000048  }
0xb8: {  	_ =	sfence  }
0xb9: {  	s30 =	sld [smem:$0x0];
	_ =	sdelay $0x2  }
0xba: {  	s31 =	sshll.u32 s1, $0xD;
	s1 =	sshrl.u32 s1, $0x2  }
0xbb: {  	s3 =	sand.u32 $0x4000, s31;
	s1 =	sadd.s32 s1, s30  }
0xbc: {  	s0 =	sor.u32 s3, s0;
	s1 =	sshll.u32 s1, $0x11  }
0xbd: {  	s0 =	sor.u32 s1, s0  }
0xbe: {  	s0 =	sadd.s32 $0x8F2B, s0  }
0xbf: {  	[sflag:s0] =	ssyncadd.remote.s32 $0x1  }
0xc0: {  	_ =	sfence.sel $0xFFFF  }
0xc1: {  	[dreg:$0x0] =	wrdreg $0xFFFFFFFF;
	(pc) =	sbr.abs _section_cstart, $3  }
0xc2: {  	[dreg:$0x1] =	wrdreg $0xFFFFFFFF  }
0xc3: {  	_ =	task.clear_ibuf [dreg:s7], $0x2FFFF;
	_ =	strace $0x9FFFFFFF  }
0xc4: {  	(tm) =	ssettm $0x7FFFFFFF  }
0xc5: {  	_ =	shalt  }
tec
execute0_lowered:
.L_overlay_start_1:
0x0: {  	(tag) =	ssettag $0x1  }
0x1: {  	s0 =	rddreg [dreg:$0x0]  }
0x2: {  	s2 =	rddreg [dreg:$0x2]  }
0x3: {  	s19 =	rddreg [dreg:$0x3]  }
0x4: {  	s1 =	simm.s32 $0x0;
	s11 =	stileid.u32;
	s5 =	srdreg.scid  }
0x5: {  	s31 =	simm.s32 $0x1;
	s30 =	simm.s32 $0x6;
	[smem:$0x7FF] =	sst s1  }
0x6: {  	s26 =	smul.u32 $0x9C00, s11;
	s6 =	sadd.s32 $0x29800, s0;
	s12 =	sadd.s32 $0x3D200, s0  }
0x7: {  	s5 =	sand.u32 $0x1, s5;
	s7 =	sshll.u32 s11, $0x1;
	s8 =	sadd.s32 $0x65200, s0  }
0x8: {  	s10 =	sadd.s32 $0x64600, s0;
	s13 =	sadd.s32 $0x64C00, s0;
	s14 =	smul.u32 $0x4E20, s11  }
0x9: {  	_ =	strace $0x80000047;
	s9 =	ssub.s32 $0x2, s5;
	[dreg:$0x6] =	wrdreg s10  }
0xa: {  	s7 =	sor.u32 s5, s7;
	[dreg:$0x7] =	wrdreg s13;
	s29 =	smul.u32 $0x9C400, s5  }
0xb: {  	s16 =	smul.u32 $0x2710, s5;
	p0 =	seq.s32 s5, $0x1;
	[dreg:$0x5] =	wrdreg s12  }
0xc: {  	s3 =	sshrl.u32 s26, $0x3;
	s28 =	sshrl.u32 s9, $0x1;
	s7 =	smul.u32 $0x2710, s7  }
0xd: {  	s4 =	sadd.s32 s26, s2;
	s3 =	sadd.s32 s3, s0;
	s9 =	ssub.s32 s9, s28  }
0xe: {  	s0 =	sadd.s32 $0x63080, s0;
	s1 =	sadd.s32 s26, s29;
	s15 =	sshrl.u32 s29, $0x3  }
0xf: {  	s21 =	sadd.s32 s16, s14;
	[dreg:$0x8] =	wrdreg s4;
	s3 =	sadd.s32 $0x50C00, s3  }
0x10: {  	[dreg:$0xa] =	wrdreg s0;
	s13 =	sshrl.u32 s7, $0x3;
	s1 =	sshrl.u32 s1, $0x3  }
0x11: {  	s18 =	sadd.s32 s8, s15;
	s22 =	sadd.s32 $0x4B0, s21;
	s23 =	sadd.s32 $0x5F0, s21  }
0x12: {  	s24 =	smax.u32 s9, $0x1;
	s26 =	sadd.s32 $0x5A0, s21;
	s28 =	sadd.s32 $0x550, s21  }
0x13: {  	s29 =	sadd.s32 $0x500, s21;
	s10 =	sadd.s32 $0x460, s21;
	s14 =	sadd.s32 $0x320, s21  }
0x14: {  	[dreg:$0x9] =	wrdreg s3;
	s11 =	sadd.s32 s12, s13;
	s17 =	sadd.s32 s8, s1  }
0x15: {  	s8 =	stileid.u32;
	s0 =	sadd.s32 $0x12480, s18;
	[dreg:$0xe] =	wrdreg s24  }
0x16: {  	s3 =	simm.s32 @!p0 $0x0;
	s7 =	sshrl.u32 s29, $0x3;
	[dreg:$0x14] =	wrdreg s14  }
0x17: {  	s13 =	sadd.s32 $0x410, s21;
	s1 =	sadd.s32 $0x370, s21;
	[dreg:$0xc] =	wrdreg s17  }
0x18: {  	s14 =	simm.s32 $0x50;
	[dreg:$0xd] =	wrdreg s0;
	s20 =	sor.u32 s5, s8  }
0x19: {  	s3 =	simm.s32 @p0 $0x1;
	s5 =	sshrl.u32 s23, $0x3;
	s9 =	sadd.s32 s7, s12  }
0x1a: {  	s16 =	sshrl.u32 s13, $0x3;
	s17 =	sadd.s32 $0x3C0, s21;
	[dreg:$0xb] =	wrdreg s11  }
0x1b: {  	s1 =	sshrl.u32 s1, $0x3;
	p2 =	sne.s32 s8, $0xF;
	[smem:$0x7FA] =	sst s3  }
0x1c: {  	p5 =	seq.s32 s8, $0xF;
	s21 =	sadd.s32 $0x14, s11;
	[dreg:$0x13] =	wrdreg s9  }
0x1d: {  	s23 =	sadd.s32 $0x28, s11;
	s24 =	sadd.s32 $0x32, s11;
	[dreg:$0x1b] =	wrdreg s21  }
0x1e: {  	s29 =	sadd.s32 $0x5A, s11;
	s7 =	simm.s32 $0x3;
	[dreg:$0x1d] =	wrdreg s23  }
0x1f: {  	s3 =	sshrl.u32 s22, $0x3;
	s25 =	sadd.s32 s5, s12;
	[dreg:$0x1e] =	wrdreg s24  }
0x20: {  	s5 =	sshrl.u32 s28, $0x3;
	p1 =	sne.s32 s20, $0x0;
	[smem:$0x7FD] =	sst s29  }
0x21: {  	s0 =	sadd.s32 s16, s12;
	s18 =	sadd.s32 s1, s12;
	[dreg:$0x10] =	wrdreg s25  }
0x22: {  	p4 =	sne.s32 @p2 s8, $0x0;
	s9 =	sadd.s32 $0x92400, s2;
	[dreg:$0x16] =	wrdreg s0  }
0x23: {  	s20 =	sadd.s32 $0xA, s11;
	s22 =	sadd.s32 $0x1E, s11;
	[dreg:$0x18] =	wrdreg s18  }
0x24: {  	s28 =	sadd.s32 $0x50, s11;
	s16 =	simm.s32 $0x500;
	[dreg:$0x1a] =	wrdreg s20  }
0x25: {  	s21 =	simm.s32 $0x5;
	s23 =	simm.s32 $0x2;
	[dreg:$0x1c] =	wrdreg s22  }
0x26: {  	s2 =	simm.s32 $0x0;
	s3 =	sadd.s32 s3, s12;
	[smem:$0x7FC] =	sst s28  }
0x27: {  	s0 =	sshrl.u32 s17, $0x3;
	p3 =	por p4, !p2;
	[dreg:$0x19] =	wrdreg s9  }
0x28: {  	p4 =	por !p4, !p2;
	s25 =	sadd.s32 $0x3C, s11;
	[dreg:$0xf] =	wrdreg s3  }
0x29: {  	s17 =	simm.s32 $0x460;
	s0 =	sadd.s32 s0, s12;
	[dreg:$0x1f] =	wrdreg s25  }
0x2a: {  	s3 =	sshrl.u32 s26, $0x3;
	s26 =	sadd.s32 $0x46, s11;
	[dreg:$0x17] =	wrdreg s0  }
.Ltmp0:
0x2b: {  	s3 =	sadd.s32 s3, s12;
	[smem:$0x7FB] =	sst s26;
	(pc) =	sbr.rel .LBB2_1-.Ltmp0, $4  }
0x2c: {  	s18 =	simm.s32 $0x5A0;
	[dreg:$0x11] =	wrdreg s3;
	s3 =	sadd.s32 s5, s12  }
0x2d: {  	s25 =	simm.s32 $0x640;
	[dreg:$0x12] =	wrdreg s3;
	s3 =	sshrl.u32 s10, $0x3  }
0x2e: {  	s26 =	simm.s32 $0x4240;
	s5 =	simm.s32 $0x3C0;
	s15 =	sadd.s32 s3, s12  }
0x2f: {  	v0 =	vimm.f32 $1.000000000e+00;
	s10 =	simm.s32 $0x4;
	s12 =	simm.s32 $0x1A40;
	[dreg:$0x15] =	wrdreg s15  }
.LBB2_4:
0x30: {  	_ =	swait.ge [sflag:s7], $0x1400  }
0x31: {  	[sflag:s7] =	ssyncset.done $0x0  }
0x32: {  	[sflag:s7] =	ssyncadd.s32 $0xFFFFEC00  }
0x33: {  	_ =	swait.ge [sflag:s7], $0x1400  }
0x34: {  	[sflag:s7] =	ssyncset.done $0x0  }
0x35: {  	[sflag:s7] =	ssyncadd.s32 $0xFFFFEC00  }
0x36: {  	_ =	swait.ge [sflag:s7], $0x1400  }
0x37: {  	[sflag:s7] =	ssyncset.done $0x0  }
0x38: {  	[sflag:s7] =	ssyncadd.s32 $0xFFFFEC00  }
0x39: {  	_ =	swait.ge [sflag:s7], $0x1400  }
0x3a: {  	[sflag:s7] =	ssyncset.done $0x0  }
0x3b: {  	[sflag:s7] =	ssyncadd.s32 $0xFFFFEC00  }
0x3c: {  	_ =	swait.ge [sflag:s7], $0x1400  }
0x3d: {  	[sflag:s7] =	ssyncset.done $0x0  }
0x3e: {  	[sflag:s7] =	ssyncadd.s32 $0xFFFFEC00  }
0x3f: {  	s2 =	rddreg [dreg:$0x2]  }
0x40: {  	[spmem:s2] =	stream.indirect.scatter.add.f32 [tilespmem:s9], [sflag:$0x5], $0x40, s14, s14, $0xb8;
	[tilespmem:$0x16D48] =	vst v63  }
0x41: {  	s0 =	simm.s32 $0xF0  }
0x42: {  	[spmem:s2] =	stream.indirect.scatter.add.f32 [tilespmem:s12], [sflag:$0x5], $0x40, s0, s14, $0xb8;
	[tilespmem:$0x16D48] =	vst v63  }
0x43: {  	s1 =	simm.s32 $0x190  }
0x44: {  	[spmem:s2] =	stream.indirect.scatter.add.f32 [tilespmem:s11], [sflag:$0x5], $0x40, s1, s14, $0xb8;
	[tilespmem:$0x16D48] =	vst v63  }
0x45: {  	s3 =	simm.s32 $0x230  }
0x46: {  	[spmem:s2] =	stream.indirect.scatter.add.f32 [tilespmem:s13], [sflag:$0x5], $0x40, s3, s14, $0xb8;
	[tilespmem:$0x16D48] =	vst v63  }
0x47: {  	s5 =	simm.s32 $0x2D0  }
0x48: {  	[spmem:s2] =	stream.indirect.scatter.add.f32 [tilespmem:s24], [sflag:$0x5], $0x40, s5, s14, $0xb8;
	[tilespmem:$0x16D48] =	vst v63  }
0x49: {  	s26 =	simm.s32 $0x16CF8  }
0x4a: {  	[spmem:s19] =	stream.indirect.scatter.add.f32 [tilespmem:s26], [sflag:$0x5], $0x1, s14, s14, $0xb8;
	[tilespmem:$0x16D48] =	vst v63  }
0x4b: {  	_ = 	snop  }
0x4c: {  	[spmem:s19] =	stream.indirect.scatter.add.f32 [tilespmem:s26], [sflag:$0x5], $0x1, s0, s14, $0xb8;
	[tilespmem:$0x16D48] =	vst v63  }
0x4d: {  	_ = 	snop  }
0x4e: {  	[spmem:s19] =	stream.indirect.scatter.add.f32 [tilespmem:s26], [sflag:$0x5], $0x1, s1, s14, $0xb8;
	[tilespmem:$0x16D48] =	vst v63  }
0x4f: {  	_ = 	snop  }
0x50: {  	[spmem:s19] =	stream.indirect.scatter.add.f32 [tilespmem:s26], [sflag:$0x5], $0x1, s3, s14, $0xb8;
	[tilespmem:$0x16D48] =	vst v63  }
0x51: {  	_ = 	snop  }
0x52: {  	[spmem:s19] =	stream.indirect.scatter.add.f32 [tilespmem:s26], [sflag:$0x5], $0x1, s5, s14, $0xb8;
	[tilespmem:$0x16D48] =	vst v63  }
0x53: {  	_ =	swait.ge [sflag:s21], $0x1400  }
0x54: {  	[sflag:s21] =	ssyncset.done $0x0  }
0x55: {  	[sflag:s21] =	ssyncadd.s32 $0xFFFFEC00  }
0x56: {  	_ =	swait.ge [sflag:s21], $0x1400  }
0x57: {  	[sflag:s21] =	ssyncset.done $0x0  }
0x58: {  	[sflag:s21] =	ssyncadd.s32 $0xFFFFEC00  }
0x59: {  	_ =	swait.ge [sflag:s21], $0x1400  }
0x5a: {  	[sflag:s21] =	ssyncset.done $0x0  }
0x5b: {  	[sflag:s21] =	ssyncadd.s32 $0xFFFFEC00  }
0x5c: {  	_ =	swait.ge [sflag:s21], $0x1400  }
0x5d: {  	[sflag:s21] =	ssyncset.done $0x0  }
0x5e: {  	[sflag:s21] =	ssyncadd.s32 $0xFFFFEC00  }
0x5f: {  	_ =	swait.ge [sflag:s21], $0x1400  }
0x60: {  	[sflag:s21] =	ssyncset.done $0x0  }
0x61: {  	[sflag:s21] =	ssyncadd.s32 $0xFFFFEC00  }
0x62: {  	_ =	swait.ge [sflag:s21], $0x50  }
0x63: {  	[sflag:s21] =	ssyncset.done $0x0  }
0x64: {  	[sflag:s21] =	ssyncadd.s32 $0xFFFFFFB0  }
0x65: {  	_ =	swait.ge [sflag:s21], $0x50  }
0x66: {  	[sflag:s21] =	ssyncset.done $0x0  }
0x67: {  	[sflag:s21] =	ssyncadd.s32 $0xFFFFFFB0  }
0x68: {  	_ =	swait.ge [sflag:s21], $0x50  }
0x69: {  	[sflag:s21] =	ssyncset.done $0x0  }
0x6a: {  	[sflag:s21] =	ssyncadd.s32 $0xFFFFFFB0  }
0x6b: {  	_ =	swait.ge [sflag:s21], $0x50  }
0x6c: {  	[sflag:s21] =	ssyncset.done $0x0  }
0x6d: {  	[sflag:s21] =	ssyncadd.s32 $0xFFFFFFB0  }
0x6e: {  	_ =	swait.ge [sflag:s21], $0x50  }
0x6f: {  	[sflag:s21] =	ssyncset.done $0x0  }
0x70: {  	[sflag:s21] =	ssyncadd.s32 $0xFFFFFFB0  }
0x71: {  	[bflag:$0x0] =	sbarrier.arrive $0xFFFF  }
0x72: {  	s2 =	rddreg [dreg:$0x19]  }
0x73: {  	s1 =	simm.s32 @p5 $0x1FC7;
	s8 =	rddreg [dreg:$0xd];
	s0 =	sshrl.u32 @p5 s2, $0x3  }
0x74: {  	[hbm:s8], [sflag:s1] =	dma.local @p5 [spmem:s0], $0x1400  }
0x75: {  	s0 =	simm.s32 @p5 $0x7  }
0x76: {  	_ =	swait.ge @p5 [sflag:s0], $0x1400  }
0x77: {  	s8 =	stileid.u32;
	s4 =	rddreg [dreg:$0x8]  }
0x78: {  	s1 =	sshll.u32 @!p5 s8, $0x6;
	[sflag:s0] =	ssyncset.done @p5 $0x0;
	s9 =	rddreg [dreg:$0xc]  }
0x79: {  	[sflag:s0] =	ssyncadd.s32 @p5 $0xFFFFEC00;
	s0 =	sor.u32 @!p5 $0x1C07, s1;
	s1 =	sshrl.u32 @!p5 s4, $0x3  }
0x7a: {  	[hbm:s9], [sflag:s0] =	dma.local @!p5 [spmem:s1], $0x1380  }
0x7b: {  	s0 =	simm.s32 @!p5 $0x7  }
0x7c: {  	_ =	swait.ge @!p5 [sflag:s0], $0x1380  }
0x7d: {  	s1 =	sshll.u32 @!p1 s8, $0x6;
	[sflag:s0] =	ssyncset.done @!p5 $0x0;
	s9 =	rddreg [dreg:$0x6]  }
0x7e: {  	[sflag:s0] =	ssyncadd.s32 @!p5 $0xFFFFEC80;
	s0 =	sor.u32 @!p1 $0x1C07, s1;
	s1 =	sshrl.u32 @!p1 s19, $0x3  }
0x7f: {  	[hbm:s9], [sflag:s0] =	dma.local @!p1 [spmem:s1], $0x4E2  }
0x80: {  	s0 =	simm.s32 @!p1 $0x7  }
0x81: {  	_ =	swait.ge @!p1 [sflag:s0], $0x4E2  }
0x82: {  	s1 =	sshll.u32 @p6 s8, $0x6;
	[sflag:s0] =	ssyncset.done @!p1 $0x0;
	s9 =	rddreg [dreg:$0x7]  }
0x83: {  	[sflag:s0] =	ssyncadd.s32 @!p1 $0xFFFFFB1E;
	s0 =	sor.u32 @p6 $0x1C07, s1;
	s1 =	sshrl.u32 @p6 s19, $0x3  }
0x84: {  	[hbm:s9], [sflag:s0] =	dma.local @p6 [spmem:s1], $0x4E2  }
0x85: {  	s0 =	simm.s32 @p6 $0x7  }
0x86: {  	_ =	swait.ge @p6 [sflag:s0], $0x4E2  }
0x87: {  	s28 =	sld [smem:$0x7F9];
	_ =	sdelay $0x2  }
0x88: {  	s9 =	smov.u32 s2;
	s29 =	rddreg [dreg:$0xe];
	s2 =	sadd.s32 $0x1, s28  }
0x89: {  	p0 =	sne.s32 s2, s29  }
.Ltmp1:
0x8a: {  	_ = 	snop;
	(pc) =	sbr.rel @!p0 .LBB2_5-.Ltmp1, $4  }
0x8b: {  	_ = 	snop  }
0x8c: {  	s25 =	simm.s32 $0x640;
	s17 =	simm.s32 $0x460  }
0x8d: {  	s16 =	simm.s32 $0x500;
	s18 =	simm.s32 $0x5A0;
	[sflag:s0] =	ssyncset.done @p6 $0x0  }
0x8e: {  	s26 =	simm.s32 $0x4240;
	s5 =	simm.s32 $0x3C0;
	[sflag:s0] =	ssyncadd.s32 @p6 $0xFFFFFB1E  }
.LBB2_1:
0x8f: {  	[smem:$0x7F9] =	sst s2;
	s0 =	sshll.u32 @p2 s8, $0x6  }
0x90: {  	s1 =	sshrl.u32 @p2 s4, $0x3;
	s8 =	rddreg [dreg:$0x9];
	s0 =	sor.u32 @p2 $0x1C07, s0  }
0x91: {  	[spmem:s1], [sflag:s0] =	dma.local @p2 [hbm:s8], $0x1380  }
0x92: {  	s0 =	simm.s32 @p2 $0x7  }
0x93: {  	_ =	swait.ge @p2 [sflag:s0], $0x1380  }
0x94: {  	[sflag:s0] =	ssyncset.done @p2 $0x0  }
0x95: {  	[sflag:s0] =	ssyncadd.s32 @p2 $0xFFFFEC80  }
0x96: {  	s1 =	simm.s32 @!p3 $0x1C07;
	s0 =	sshrl.u32 @!p3 s19, $0x3;
	s8 =	rddreg [dreg:$0x1]  }
0x97: {  	[spmem:s0], [sflag:s1] =	dma.local @!p3 [hbm:s8], $0x4E2  }
0x98: {  	s0 =	simm.s32 @!p3 $0x7  }
0x99: {  	_ =	swait.ge @!p3 [sflag:s0], $0x4E2  }
0x9a: {  	s1 =	simm.s32 @!p2 $0x1FC7;
	[sflag:s0] =	ssyncset.done @!p3 $0x0  }
0x9b: {  	s8 =	rddreg [dreg:$0xa];
	[sflag:s0] =	ssyncadd.s32 @!p3 $0xFFFFFB1E;
	s0 =	sshrl.u32 @!p2 s9, $0x3  }
0x9c: {  	[spmem:s0], [sflag:s1] =	dma.local @!p2 [hbm:s8], $0x1400  }
0x9d: {  	s0 =	simm.s32 @!p2 $0x7  }
0x9e: {  	_ =	swait.ge @!p2 [sflag:s0], $0x1400  }
0x9f: {  	[sflag:s0] =	ssyncset.done @!p2 $0x0  }
0xa0: {  	[sflag:s0] =	ssyncadd.s32 @!p2 $0xFFFFEC00  }
0xa1: {  	[tilespmem:$0x16CF8] =	vst v0  }
0xa2: {  	[tilespmem:$0x16D08] =	vst v0  }
0xa3: {  	[tilespmem:$0x16D18] =	vst v0  }
0xa4: {  	[tilespmem:$0x16D28] =	vst v0  }
0xa5: {  	[tilespmem:$0x16D38] =	vst v0  }
0xa6: {  	[bflag:$0x0] =	sbarrier.arrive $0xFFFF  }
0xa7: {  	s15 =	simm.s32 $0x4E200;
	s9 =	simm.s32 $0x0;
	s13 =	rddreg [dreg:$0xb]  }
0xa8: {  	[tilespmem:s9], [sflag:$0x1] =	stream.strided.gather [hbm4b:s13+s14], $0xA0, s15, s14, $0x38;
	[tilespmem:$0x16D48] =	vst v63  }
0xa9: {  	s22 =	simm.s32 $0xA0;
	s20 =	rddreg [dreg:$0x1a]  }
0xaa: {  	[tilespmem:s22], [sflag:$0x1] =	stream.strided.gather [hbm4b:s20+s14], $0xA0, s15, s14, $0x38;
	[tilespmem:$0x16D48] =	vst v63  }
0xab: {  	s29 =	simm.s32 $0x140;
	s28 =	rddreg [dreg:$0x1b]  }
0xac: {  	[tilespmem:s29], [sflag:$0x1] =	stream.strided.gather [hbm4b:s28+s14], $0xA0, s15, s14, $0x38;
	[tilespmem:$0x16D48] =	vst v63  }
0xad: {  	s11 =	simm.s32 $0x1E0;
	s3 =	rddreg [dreg:$0x1c]  }
0xae: {  	[tilespmem:s11], [sflag:$0x1] =	stream.strided.gather [hbm4b:s3+s14], $0xA0, s15, s14, $0x38;
	[tilespmem:$0x16D48] =	vst v63  }
0xaf: {  	s24 =	simm.s32 $0x280;
	s4 =	rddreg [dreg:$0x1d]  }
0xb0: {  	[tilespmem:s24], [sflag:$0x1] =	stream.strided.gather [hbm4b:s4+s14], $0xA0, s15, s14, $0x38;
	[tilespmem:$0x16D48] =	vst v63  }
0xb1: {  	_ =	swait.ge [sflag:s31], $0xA0  }
0xb2: {  	[sflag:s31] =	ssyncset.done $0x0  }
0xb3: {  	[sflag:s31] =	ssyncadd.s32 $0xFFFFFF60  }
0xb4: {  	_ =	swait.ge [sflag:s31], $0xA0  }
0xb5: {  	[sflag:s31] =	ssyncset.done $0x0  }
0xb6: {  	[sflag:s31] =	ssyncadd.s32 $0xFFFFFF60  }
0xb7: {  	_ =	swait.ge [sflag:s31], $0xA0  }
0xb8: {  	[sflag:s31] =	ssyncset.done $0x0  }
0xb9: {  	[sflag:s31] =	ssyncadd.s32 $0xFFFFFF60  }
0xba: {  	_ =	swait.ge [sflag:s31], $0xA0  }
0xbb: {  	[sflag:s31] =	ssyncset.done $0x0  }
0xbc: {  	[sflag:s31] =	ssyncadd.s32 $0xFFFFFF60  }
0xbd: {  	_ =	swait.ge [sflag:s31], $0xA0  }
0xbe: {  	[sflag:s31] =	ssyncset.done $0x0  }
0xbf: {  	[sflag:s31] =	ssyncadd.s32 $0xFFFFFF60  }
0xc0: {  	[tilespmem:s25], [sflag:$0x3] =	stream.indirect.gather [hbm4b:s6+s14], $0x40, s9, s14, $0xb8;
	[tilespmem:$0x16D48] =	vst v63  }
0xc1: {  	_ = 	snop  }
0xc2: {  	[tilespmem:s12], [sflag:$0x3] =	stream.indirect.gather [hbm4b:s6+s14], $0x40, s22, s14, $0xb8;
	[tilespmem:$0x16D48] =	vst v63  }
0xc3: {  	s13 =	simm.s32 $0x2E40  }
0xc4: {  	[tilespmem:s13], [sflag:$0x3] =	stream.indirect.gather [hbm4b:s6+s14], $0x40, s29, s14, $0xb8;
	[tilespmem:$0x16D48] =	vst v63  }
0xc5: {  	p0 =	por @p2 $0x0, $0x0;
	s15 =	rddreg [dreg:$0x1e]  }
0xc6: {  	[tilespmem:s26], [sflag:$0x3] =	stream.indirect.gather [hbm4b:s6+s14], $0x40, s11, s14, $0xb8;
	[tilespmem:$0x16D48] =	vst v63  }
0xc7: {  	s8 =	simm.s32 $0x320;
	s28 =	sld [smem:$0x7FA];
	s13 =	simm.s32 $0x5640  }
0xc8: {  	[tilespmem:s13], [sflag:$0x3] =	stream.indirect.gather [hbm4b:s6+s14], $0x40, s24, s14, $0xb8;
	[tilespmem:$0x16D48] =	vst v63  }
0xc9: {  	s1 =	simm.s32 $0x0;
	s20 =	rddreg [dreg:$0x1f];
	s25 =	simm.s32 $0x4E200  }
0xca: {  	[tilespmem:s8], [sflag:$0x2] =	stream.strided.gather [hbm4b:s15+s14], $0xA0, s25, s14, $0x38;
	[tilespmem:$0x16D48] =	vst v63  }
0xcb: {  	s9 =	simm.s32 $0x640;
	p6 =	seq.s32 s28, $0x1;
	s22 =	sld [smem:$0x7FB]  }
0xcc: {  	[tilespmem:s5], [sflag:$0x2] =	stream.strided.gather [hbm4b:s20+s14], $0xA0, s25, s14, $0x38;
	[tilespmem:$0x16D48] =	vst v63  }
0xcd: {  	p6 =	por @!p4 p0, p0;
	p0 =	por @!p2 $0x0, $0x0;
	s26 =	sld [smem:$0x7FC]  }
0xce: {  	[tilespmem:s17], [sflag:$0x2] =	stream.strided.gather [hbm4b:s22+s14], $0xA0, s25, s14, $0x38;
	[tilespmem:$0x16D48] =	vst v63  }
0xcf: {  	p6 =	por @!p2 p0, p0;
	s29 =	sld [smem:$0x7FD];
	s11 =	simm.s32 $0x2E40  }
0xd0: {  	[tilespmem:s16], [sflag:$0x2] =	stream.strided.gather [hbm4b:s26+s14], $0xA0, s25, s14, $0x38;
	[tilespmem:$0x16D48] =	vst v63  }
0xd1: {  	s24 =	simm.s32 $0x5640;
	s13 =	simm.s32 $0x4240;
	s20 =	rddreg [dreg:$0x14]  }
0xd2: {  	[tilespmem:s18], [sflag:$0x2] =	stream.strided.gather [hbm4b:s29+s14], $0xA0, s25, s14, $0x38;
	[tilespmem:$0x16D48] =	vst v63  }
.LBB2_2:
0xd3: {  	_ =	swait.ge [sflag:s7], $0x1400  }
0xd4: {  	[sflag:s7] =	ssyncset.done $0x0  }
0xd5: {  	[sflag:s7] =	ssyncadd.s32 $0xFFFFEC00  }
0xd6: {  	_ =	swait.ge [sflag:s7], $0x1400  }
0xd7: {  	[sflag:s7] =	ssyncset.done $0x0  }
0xd8: {  	[sflag:s7] =	ssyncadd.s32 $0xFFFFEC00  }
0xd9: {  	_ =	swait.ge [sflag:s7], $0x1400  }
0xda: {  	[sflag:s7] =	ssyncset.done $0x0  }
0xdb: {  	[sflag:s7] =	ssyncadd.s32 $0xFFFFEC00  }
0xdc: {  	_ =	swait.ge [sflag:s7], $0x1400  }
0xdd: {  	[sflag:s7] =	ssyncset.done $0x0  }
0xde: {  	[sflag:s7] =	ssyncadd.s32 $0xFFFFEC00  }
0xdf: {  	_ =	swait.ge [sflag:s7], $0x1400  }
0xe0: {  	[sflag:s7] =	ssyncset.done $0x0  }
0xe1: {  	[sflag:s7] =	ssyncadd.s32 $0xFFFFEC00  }
0xe2: {  	s4 =	rddreg [dreg:$0x2]  }
0xe3: {  	[spmem:s4] =	stream.indirect.scatter.add.f32 [tilespmem:s9], [sflag:$0x5], $0x40, s14, s14, $0xb8;
	[tilespmem:$0x16D48] =	vst v63  }
0xe4: {  	s3 =	simm.s32 $0xF0  }
0xe5: {  	[spmem:s4] =	stream.indirect.scatter.add.f32 [tilespmem:s12], [sflag:$0x5], $0x40, s3, s14, $0xb8;
	[tilespmem:$0x16D48] =	vst v63  }
0xe6: {  	s28 =	simm.s32 $0x190  }
0xe7: {  	[spmem:s4] =	stream.indirect.scatter.add.f32 [tilespmem:s11], [sflag:$0x5], $0x40, s28, s14, $0xb8;
	[tilespmem:$0x16D48] =	vst v63  }
0xe8: {  	s29 =	simm.s32 $0x230  }
0xe9: {  	[spmem:s4] =	stream.indirect.scatter.add.f32 [tilespmem:s13], [sflag:$0x5], $0x40, s29, s14, $0xb8;
	[tilespmem:$0x16D48] =	vst v63  }
0xea: {  	s2 =	simm.s32 $0x2D0  }
0xeb: {  	[spmem:s4] =	stream.indirect.scatter.add.f32 [tilespmem:s24], [sflag:$0x5], $0x40, s2, s14, $0xb8;
	[tilespmem:$0x16D48] =	vst v63  }
0xec: {  	s0 =	simm.s32 $0x16CF8  }
0xed: {  	[spmem:s19] =	stream.indirect.scatter.add.f32 [tilespmem:s0], [sflag:$0x5], $0x1, s14, s14, $0xb8;
	[tilespmem:$0x16D48] =	vst v63  }
0xee: {  	_ = 	snop  }
0xef: {  	[spmem:s19] =	stream.indirect.scatter.add.f32 [tilespmem:s0], [sflag:$0x5], $0x1, s3, s14, $0xb8;
	[tilespmem:$0x16D48] =	vst v63  }
0xf0: {  	_ = 	snop  }
0xf1: {  	[spmem:s19] =	stream.indirect.scatter.add.f32 [tilespmem:s0], [sflag:$0x5], $0x1, s28, s14, $0xb8;
	[tilespmem:$0x16D48] =	vst v63  }
0xf2: {  	_ = 	snop  }
0xf3: {  	[spmem:s19] =	stream.indirect.scatter.add.f32 [tilespmem:s0], [sflag:$0x5], $0x1, s29, s14, $0xb8;
	[tilespmem:$0x16D48] =	vst v63  }
0xf4: {  	_ = 	snop  }
0xf5: {  	[spmem:s19] =	stream.indirect.scatter.add.f32 [tilespmem:s0], [sflag:$0x5], $0x1, s2, s14, $0xb8;
	[tilespmem:$0x16D48] =	vst v63  }
0xf6: {  	_ =	swait.ge [sflag:s21], $0x1400  }
0xf7: {  	[sflag:s21] =	ssyncset.done $0x0  }
0xf8: {  	[sflag:s21] =	ssyncadd.s32 $0xFFFFEC00  }
0xf9: {  	_ =	swait.ge [sflag:s21], $0x1400  }
0xfa: {  	[sflag:s21] =	ssyncset.done $0x0  }
0xfb: {  	[sflag:s21] =	ssyncadd.s32 $0xFFFFEC00  }
0xfc: {  	_ =	swait.ge [sflag:s21], $0x1400  }
0xfd: {  	[sflag:s21] =	ssyncset.done $0x0  }
0xfe: {  	[sflag:s21] =	ssyncadd.s32 $0xFFFFEC00  }
0xff: {  	_ =	swait.ge [sflag:s21], $0x1400  }
0x100: {  	[sflag:s21] =	ssyncset.done $0x0  }
0x101: {  	[sflag:s21] =	ssyncadd.s32 $0xFFFFEC00  }
0x102: {  	_ =	swait.ge [sflag:s21], $0x1400  }
0x103: {  	[sflag:s21] =	ssyncset.done $0x0  }
0x104: {  	[sflag:s21] =	ssyncadd.s32 $0xFFFFEC00  }
0x105: {  	_ =	swait.ge [sflag:s21], $0x50  }
0x106: {  	[sflag:s21] =	ssyncset.done $0x0  }
0x107: {  	[sflag:s21] =	ssyncadd.s32 $0xFFFFFFB0  }
0x108: {  	_ =	swait.ge [sflag:s21], $0x50  }
0x109: {  	[sflag:s21] =	ssyncset.done $0x0  }
0x10a: {  	[sflag:s21] =	ssyncadd.s32 $0xFFFFFFB0  }
0x10b: {  	_ =	swait.ge [sflag:s21], $0x50  }
0x10c: {  	[sflag:s21] =	ssyncset.done $0x0  }
0x10d: {  	[sflag:s21] =	ssyncadd.s32 $0xFFFFFFB0  }
0x10e: {  	_ =	swait.ge [sflag:s21], $0x50  }
0x10f: {  	[sflag:s21] =	ssyncset.done $0x0  }
0x110: {  	[sflag:s21] =	ssyncadd.s32 $0xFFFFFFB0  }
0x111: {  	_ =	swait.ge [sflag:s21], $0x50  }
0x112: {  	[sflag:s21] =	ssyncset.done $0x0  }
0x113: {  	[sflag:s21] =	ssyncadd.s32 $0xFFFFFFB0  }
0x114: {  	_ =	swait.ge [sflag:s23], $0xA0  }
0x115: {  	[sflag:s23] =	ssyncset.done $0x0  }
0x116: {  	[sflag:s23] =	ssyncadd.s32 $0xFFFFFF60  }
0x117: {  	_ =	swait.ge [sflag:s23], $0xA0  }
0x118: {  	[sflag:s23] =	ssyncset.done $0x0  }
0x119: {  	[sflag:s23] =	ssyncadd.s32 $0xFFFFFF60  }
0x11a: {  	_ =	swait.ge [sflag:s23], $0xA0  }
0x11b: {  	[sflag:s23] =	ssyncset.done $0x0  }
0x11c: {  	[sflag:s23] =	ssyncadd.s32 $0xFFFFFF60  }
0x11d: {  	_ =	swait.ge [sflag:s23], $0xA0  }
0x11e: {  	[sflag:s23] =	ssyncset.done $0x0  }
0x11f: {  	[sflag:s23] =	ssyncadd.s32 $0xFFFFFF60  }
0x120: {  	_ =	swait.ge [sflag:s23], $0xA0  }
0x121: {  	[sflag:s23] =	ssyncset.done $0x0  }
0x122: {  	s15 =	simm.s32 $0x6A40;
	[sflag:s23] =	ssyncadd.s32 $0xFFFFFF60  }
0x123: {  	[tilespmem:s15], [sflag:$0x4] =	stream.indirect.gather [hbm4b:s6+s14], $0x40, s8, s14, $0xb8;
	[tilespmem:$0x16D48] =	vst v63  }
0x124: {  	s22 =	simm.s32 $0x7E40  }
0x125: {  	[tilespmem:s22], [sflag:$0x4] =	stream.indirect.gather [hbm4b:s6+s14], $0x40, s5, s14, $0xb8;
	[tilespmem:$0x16D48] =	vst v63  }
0x126: {  	s28 =	simm.s32 $0x9240  }
0x127: {  	[tilespmem:s28], [sflag:$0x4] =	stream.indirect.gather [hbm4b:s6+s14], $0x40, s17, s14, $0xb8;
	[tilespmem:$0x16D48] =	vst v63  }
0x128: {  	s26 =	smov.u32 s20;
	s9 =	simm.s32 $0x0;
	s29 =	simm.s32 $0xA640  }
0x129: {  	[tilespmem:s29], [sflag:$0x4] =	stream.indirect.gather [hbm4b:s6+s14], $0x40, s16, s14, $0xb8;
	[tilespmem:$0x16D48] =	vst v63  }
0x12a: {  	s13 =	sshrl.u32 s20, $0x3;
	s2 =	simm.s32 $0xBA40;
	s16 =	rddreg [dreg:$0x5]  }
0x12b: {  	[tilespmem:s2], [sflag:$0x4] =	stream.indirect.gather [hbm4b:s6+s14], $0x40, s18, s14, $0xb8;
	[tilespmem:$0x16D48] =	vst v63  }
0x12c: {  	s11 =	simm.s32 $0xA0;
	s17 =	rddreg [dreg:$0x18];
	s8 =	sadd.s32 s16, s13  }
0x12d: {  	[tilespmem:s9], [sflag:$0x1] =	stream.strided.gather [hbm4b:s8+s14], $0xA0, s25, s14, $0x38;
	[tilespmem:$0x16D48] =	vst v63  }
0x12e: {  	s24 =	simm.s32 $0x140;
	s18 =	rddreg [dreg:$0x17];
	s8 =	sadd.s32 s1, s17  }
0x12f: {  	[tilespmem:s11], [sflag:$0x1] =	stream.strided.gather [hbm4b:s8+s14], $0xA0, s25, s14, $0x38;
	[tilespmem:$0x16D48] =	vst v63  }
0x130: {  	s20 =	rddreg [dreg:$0x16];
	s13 =	simm.s32 $0x1E0;
	s8 =	sadd.s32 s1, s18  }
0x131: {  	[tilespmem:s24], [sflag:$0x1] =	stream.strided.gather [hbm4b:s8+s14], $0xA0, s25, s14, $0x38;
	[tilespmem:$0x16D48] =	vst v63  }
0x132: {  	s8 =	sadd.s32 s1, s20;
	s20 =	simm.s32 $0x4E200;
	s25 =	rddreg [dreg:$0x15]  }
0x133: {  	[tilespmem:s13], [sflag:$0x1] =	stream.strided.gather [hbm4b:s8+s14], $0xA0, s20, s14, $0x38;
	[tilespmem:$0x16D48] =	vst v63  }
0x134: {  	s8 =	sadd.s32 s1, s25;
	s25 =	simm.s32 $0x280  }
0x135: {  	[tilespmem:s25], [sflag:$0x1] =	stream.strided.gather [hbm4b:s8+s14], $0xA0, s20, s14, $0x38;
	[tilespmem:$0x16D48] =	vst v63  }
0x136: {  	_ =	swait.ge [sflag:s10], $0x1400  }
0x137: {  	[sflag:s10] =	ssyncset.done $0x0  }
0x138: {  	[sflag:s10] =	ssyncadd.s32 $0xFFFFEC00  }
0x139: {  	_ =	swait.ge [sflag:s10], $0x1400  }
0x13a: {  	[sflag:s10] =	ssyncset.done $0x0  }
0x13b: {  	[sflag:s10] =	ssyncadd.s32 $0xFFFFEC00  }
0x13c: {  	_ =	swait.ge [sflag:s10], $0x1400  }
0x13d: {  	[sflag:s10] =	ssyncset.done $0x0  }
0x13e: {  	[sflag:s10] =	ssyncadd.s32 $0xFFFFEC00  }
0x13f: {  	_ =	swait.ge [sflag:s10], $0x1400  }
0x140: {  	[sflag:s10] =	ssyncset.done $0x0  }
0x141: {  	[sflag:s10] =	ssyncadd.s32 $0xFFFFEC00  }
0x142: {  	_ =	swait.ge [sflag:s10], $0x1400  }
0x143: {  	[sflag:s10] =	ssyncset.done $0x0  }
0x144: {  	s8 =	simm.s32 $0x370;
	[sflag:s10] =	ssyncadd.s32 $0xFFFFEC00  }
0x145: {  	[spmem:s4] =	stream.indirect.scatter.add.f32 [tilespmem:s15], [sflag:$0x6], $0x40, s8, s14, $0xb8;
	[tilespmem:$0x16D48] =	vst v63  }
0x146: {  	s15 =	simm.s32 $0x410  }
0x147: {  	[spmem:s4] =	stream.indirect.scatter.add.f32 [tilespmem:s22], [sflag:$0x6], $0x40, s15, s14, $0xb8;
	[tilespmem:$0x16D48] =	vst v63  }
0x148: {  	s22 =	simm.s32 $0x4B0  }
0x149: {  	[spmem:s4] =	stream.indirect.scatter.add.f32 [tilespmem:s28], [sflag:$0x6], $0x40, s22, s14, $0xb8;
	[tilespmem:$0x16D48] =	vst v63  }
0x14a: {  	s28 =	simm.s32 $0x550  }
0x14b: {  	[spmem:s4] =	stream.indirect.scatter.add.f32 [tilespmem:s29], [sflag:$0x6], $0x40, s28, s14, $0xb8;
	[tilespmem:$0x16D48] =	vst v63  }
0x14c: {  	s29 =	simm.s32 $0x5F0  }
0x14d: {  	[spmem:s4] =	stream.indirect.scatter.add.f32 [tilespmem:s2], [sflag:$0x6], $0x40, s29, s14, $0xb8;
	[tilespmem:$0x16D48] =	vst v63  }
0x14e: {  	_ = 	snop  }
0x14f: {  	[spmem:s19] =	stream.indirect.scatter.add.f32 [tilespmem:s0], [sflag:$0x6], $0x1, s8, s14, $0xb8;
	[tilespmem:$0x16D48] =	vst v63  }
0x150: {  	_ = 	snop  }
0x151: {  	[spmem:s19] =	stream.indirect.scatter.add.f32 [tilespmem:s0], [sflag:$0x6], $0x1, s15, s14, $0xb8;
	[tilespmem:$0x16D48] =	vst v63  }
0x152: {  	_ = 	snop  }
0x153: {  	[spmem:s19] =	stream.indirect.scatter.add.f32 [tilespmem:s0], [sflag:$0x6], $0x1, s22, s14, $0xb8;
	[tilespmem:$0x16D48] =	vst v63  }
0x154: {  	_ = 	snop  }
0x155: {  	[spmem:s19] =	stream.indirect.scatter.add.f32 [tilespmem:s0], [sflag:$0x6], $0x1, s28, s14, $0xb8;
	[tilespmem:$0x16D48] =	vst v63  }
0x156: {  	_ = 	snop  }
0x157: {  	[spmem:s19] =	stream.indirect.scatter.add.f32 [tilespmem:s0], [sflag:$0x6], $0x1, s29, s14, $0xb8;
	[tilespmem:$0x16D48] =	vst v63  }
0x158: {  	_ =	swait.ge [sflag:s30], $0x1400  }
0x159: {  	[sflag:s30] =	ssyncset.done $0x0  }
0x15a: {  	[sflag:s30] =	ssyncadd.s32 $0xFFFFEC00  }
0x15b: {  	_ =	swait.ge [sflag:s30], $0x1400  }
0x15c: {  	[sflag:s30] =	ssyncset.done $0x0  }
0x15d: {  	[sflag:s30] =	ssyncadd.s32 $0xFFFFEC00  }
0x15e: {  	_ =	swait.ge [sflag:s30], $0x1400  }
0x15f: {  	[sflag:s30] =	ssyncset.done $0x0  }
0x160: {  	[sflag:s30] =	ssyncadd.s32 $0xFFFFEC00  }
0x161: {  	_ =	swait.ge [sflag:s30], $0x1400  }
0x162: {  	[sflag:s30] =	ssyncset.done $0x0  }
0x163: {  	[sflag:s30] =	ssyncadd.s32 $0xFFFFEC00  }
0x164: {  	_ =	swait.ge [sflag:s30], $0x1400  }
0x165: {  	[sflag:s30] =	ssyncset.done $0x0  }
0x166: {  	[sflag:s30] =	ssyncadd.s32 $0xFFFFEC00  }
0x167: {  	_ =	swait.ge [sflag:s30], $0x50  }
0x168: {  	[sflag:s30] =	ssyncset.done $0x0  }
0x169: {  	[sflag:s30] =	ssyncadd.s32 $0xFFFFFFB0  }
0x16a: {  	_ =	swait.ge [sflag:s30], $0x50  }
0x16b: {  	[sflag:s30] =	ssyncset.done $0x0  }
0x16c: {  	[sflag:s30] =	ssyncadd.s32 $0xFFFFFFB0  }
0x16d: {  	_ =	swait.ge [sflag:s30], $0x50  }
0x16e: {  	[sflag:s30] =	ssyncset.done $0x0  }
0x16f: {  	[sflag:s30] =	ssyncadd.s32 $0xFFFFFFB0  }
0x170: {  	_ =	swait.ge [sflag:s30], $0x50  }
0x171: {  	[sflag:s30] =	ssyncset.done $0x0  }
0x172: {  	[sflag:s30] =	ssyncadd.s32 $0xFFFFFFB0  }
0x173: {  	_ =	swait.ge [sflag:s30], $0x50  }
0x174: {  	[sflag:s30] =	ssyncset.done $0x0  }
0x175: {  	[sflag:s30] =	ssyncadd.s32 $0xFFFFFFB0  }
0x176: {  	_ =	swait.ge [sflag:s31], $0xA0  }
0x177: {  	[sflag:s31] =	ssyncset.done $0x0  }
0x178: {  	[sflag:s31] =	ssyncadd.s32 $0xFFFFFF60  }
0x179: {  	_ =	swait.ge [sflag:s31], $0xA0  }
0x17a: {  	[sflag:s31] =	ssyncset.done $0x0  }
0x17b: {  	[sflag:s31] =	ssyncadd.s32 $0xFFFFFF60  }
0x17c: {  	_ =	swait.ge [sflag:s31], $0xA0  }
0x17d: {  	[sflag:s31] =	ssyncset.done $0x0  }
0x17e: {  	[sflag:s31] =	ssyncadd.s32 $0xFFFFFF60  }
0x17f: {  	_ =	swait.ge [sflag:s31], $0xA0  }
0x180: {  	[sflag:s31] =	ssyncset.done $0x0  }
0x181: {  	[sflag:s31] =	ssyncadd.s32 $0xFFFFFF60  }
0x182: {  	_ =	swait.ge [sflag:s31], $0xA0  }
0x183: {  	[sflag:s31] =	ssyncset.done $0x0  }
0x184: {  	s12 =	simm.s32 $0x640;
	[sflag:s31] =	ssyncadd.s32 $0xFFFFFF60  }
0x185: {  	[tilespmem:s12], [sflag:$0x3] =	stream.indirect.gather [hbm4b:s6+s14], $0x40, s9, s14, $0xb8;
	[tilespmem:$0x16D48] =	vst v63  }
0x186: {  	s12 =	simm.s32 $0x1A40  }
0x187: {  	[tilespmem:s12], [sflag:$0x3] =	stream.indirect.gather [hbm4b:s6+s14], $0x40, s11, s14, $0xb8;
	[tilespmem:$0x16D48] =	vst v63  }
0x188: {  	p0 =	seq.s32 s1, $0x44C;
	s3 =	simm.s32 $0x5A0;
	s11 =	simm.s32 $0x2E40  }
0x189: {  	[tilespmem:s11], [sflag:$0x3] =	stream.indirect.gather [hbm4b:s6+s14], $0x40, s24, s14, $0xb8;
	[tilespmem:$0x16D48] =	vst v63  }
.Ltmp2:
0x18a: {  	s5 =	simm.s32 $0x320;
	s16 =	simm.s32 $0x460;
	(pc) =	sbr.rel @p0 .LBB2_4-.Ltmp2, $4  }
0x18b: {  	s17 =	simm.s32 $0x3C0;
	s18 =	simm.s32 $0x500;
	s29 =	simm.s32 $0x4240  }
0x18c: {  	[tilespmem:s29], [sflag:$0x3] =	stream.indirect.gather [hbm4b:s6+s14], $0x40, s13, s14, $0xb8;
	[tilespmem:$0x16D48] =	vst v63  }
0x18d: {  	s9 =	simm.s32 $0x640;
	s24 =	simm.s32 $0x5640;
	s13 =	simm.s32 $0x4240  }
0x18e: {  	[tilespmem:s24], [sflag:$0x3] =	stream.indirect.gather [hbm4b:s6+s14], $0x40, s25, s14, $0xb8;
	[tilespmem:$0x16D48] =	vst v63  }
0x18f: {  	s8 =	rddreg [dreg:$0xf]  }
0x190: {  	s22 =	rddreg [dreg:$0x13]  }
0x191: {  	s25 =	rddreg [dreg:$0x12]  }
0x192: {  	s28 =	rddreg [dreg:$0x11];
	s8 =	sadd.s32 s1, s8  }
0x193: {  	[tilespmem:s5], [sflag:$0x2] =	stream.strided.gather [hbm4b:s8+s14], $0xA0, s20, s14, $0x38;
	[tilespmem:$0x16D48] =	vst v63  }
0x194: {  	s29 =	rddreg [dreg:$0x10];
	s8 =	sadd.s32 s1, s22  }
0x195: {  	[tilespmem:s17], [sflag:$0x2] =	stream.strided.gather [hbm4b:s8+s14], $0xA0, s20, s14, $0x38;
	[tilespmem:$0x16D48] =	vst v63  }
0x196: {  	s5 =	simm.s32 $0x3C0;
	s8 =	sadd.s32 s1, s25;
	s17 =	simm.s32 $0x460  }
0x197: {  	[tilespmem:s16], [sflag:$0x2] =	stream.strided.gather [hbm4b:s8+s14], $0xA0, s20, s14, $0x38;
	[tilespmem:$0x16D48] =	vst v63  }
.Ltmp3:
0x198: {  	s25 =	simm.s32 $0x4E200;
	s8 =	sadd.s32 s1, s28;
	(pc) =	sbr.rel .LBB2_2-.Ltmp3, $4  }
0x199: {  	[tilespmem:s18], [sflag:$0x2] =	stream.strided.gather [hbm4b:s8+s14], $0xA0, s20, s14, $0x38;
	[tilespmem:$0x16D48] =	vst v63  }
0x19a: {  	s16 =	simm.s32 $0x500;
	s8 =	sadd.s32 s1, s29;
	s1 =	sadd.s32 $0x64, s1  }
0x19b: {  	[tilespmem:s3], [sflag:$0x2] =	stream.strided.gather [hbm4b:s8+s14], $0xA0, s20, s14, $0x38;
	[tilespmem:$0x16D48] =	vst v63  }
0x19c: {  	s18 =	simm.s32 $0x5A0;
	s20 =	sadd.s32 $0x320, s26;
	s8 =	simm.s32 $0x320  }
.LBB2_5:
0x19d: {  	_ =	sfence.sel $0x180000  }
0x19e: {  	[bflag:$0x0] =	sbarrier.arrive $0xFFFF  }
0x19f: {  	_ =	strace $0x90000047  }
0x1a0: {  	[bflag:$0x2] =	sbarrier.arrive $0xFFFF  }
0x1a1: {  	p0 =	sne.s32 s8, $0x0;
	s0 =	rddreg [dreg:$0x4]  }
0x1a2: {  	s0 =	sadd.s32 @!p0 $0x100000, s0  }
0x1a3: {  	[sflag:s0] =	ssyncadd.tile.s32 @!p0 $0x1;
	_ =	shalt  }
.Lfunc_end2:
_tile_overlayer_lowered:
.L_overlay_start_2:
0x1a4: {  	(tag) =	ssettag $0x2  }
0x1a5: {  	s0 =	rddreg [dreg:$0x0];
	s2 =	stileid.u32  }
0x1a6: {  	s1 =	rddreg [dreg:$0x1];
	p0 =	sne.s32 s2, $0x0  }
0x1a7: {  	s3 =	rddreg [dreg:$0x2];
	[bflag:$0x3] =	sbarrier.arrive $0xFFFF;
	s2 =	simm.s32 @!p0 $0x1C07  }
0x1a8: {  	[timem:s3], [sflag:s2] =	dma.local @!p0 [hbm:s0], s1  }
0x1a9: {  	s0 =	simm.s32 @!p0 $0x7  }
0x1aa: {  	_ =	swait.ge @!p0 [sflag:s0], s1  }
0x1ab: {  	s1 =	ssub.s32 @!p0 $0x0, s1;
	[sflag:s0] =	ssyncset.done @!p0 $0x0  }
0x1ac: {  	[sflag:s0] =	ssyncadd.s32 @!p0 s1  }
0x1ad: {  	[bflag:$0x3] =	sbarrier.arrive $0xFFFF  }
0x1ae: {  	_ =	shalt  }

</sc_bundles>
